<compile_context>
chip_gen: v7x
topology: tpu7x:2x2x1
jax: 0.10.2.dev20260603
libtpu: 0.0.44.dev20260713+nightly
codegen_flags: <defaults>
</compile_context>

<pallas_src>
import functools

import jax
import jax.numpy as jnp
import numpy as np
from jax import lax
from jax.experimental import pallas as pl
from jax.experimental.pallas import tpu as pltpu
from jax.experimental.pallas import tpu_sc as plsc

N_NODES = 10000
N_EDGES = 160000
D = 256

NC = 2
NS = 16
NW = NC * NS

_sc_mesh = lambda: plsc.VectorSubcoreMesh(core_axis_name="c", subcore_axis_name="s")

E_PER_W = N_EDGES // NW
G_CH = 128
G_NF = E_PER_W // G_CH
G_TAIL = E_PER_W - G_NF * G_CH


def _gather_body(x_hbm, src_hbm, out_hbm, idx_v, rows0, rows1, gs0, gs1,
                 ws0, ws1):
    wid = lax.axis_index("s") * NC + lax.axis_index("c")
    base = wid * E_PER_W
    pltpu.sync_copy(src_hbm.at[pl.ds(base, E_PER_W)], idx_v)
    rows = (rows0, rows1)
    gsem = (gs0, gs1)
    wsem = (ws0, ws1)

    def idx_slice(jj):
        return idx_v.at[pl.ds(pl.multiple_of(jj * G_CH, 8), G_CH)]

    def out_slice(jj):
        return out_hbm.at[pl.ds(pl.multiple_of(base + jj * G_CH, 8), G_CH)]

    def pair(j2, carry):
        for b in (0, 1):
            jj = j2 * 2 + b
            nb = 1 - b

            @pl.when(jj < G_NF)
            def _():
                @pl.when(jj >= 2)
                def _():
                    pltpu.make_async_copy(rows[b], out_slice(0), wsem[b]).wait()

                pltpu.async_copy(x_hbm.at[idx_slice(jj)], rows[b], gsem[b])

            @pl.when((jj >= 1) & (jj <= G_NF))
            def _():
                pltpu.make_async_copy(
                    x_hbm.at[pl.ds(0, G_CH)], rows[nb], gsem[nb]).wait()
                pltpu.make_async_copy(rows[nb], out_slice(jj - 1),
                                      wsem[nb]).start()

        return carry

    lax.fori_loop(0, (G_NF + 2) // 2, pair, 0)
    pltpu.make_async_copy(rows[0], out_slice(0), wsem[0]).wait()
    pltpu.make_async_copy(rows[1], out_slice(0), wsem[1]).wait()
    toff = G_NF * G_CH
    pltpu.sync_copy(x_hbm.at[idx_v.at[pl.ds(toff, G_TAIL)]],
                    rows0.at[pl.ds(0, G_TAIL)])
    pltpu.sync_copy(rows0.at[pl.ds(0, G_TAIL)],
                    out_hbm.at[pl.ds(base + toff, G_TAIL)])


def _sc_gather(x_feat, src):
    k = pl.kernel(
        _gather_body,
        out_type=jax.ShapeDtypeStruct((N_EDGES, D), jnp.float32),
        mesh=_sc_mesh(),
        scratch_types=[
            pltpu.VMEM((E_PER_W,), jnp.int32),
            pltpu.VMEM((G_CH, D), jnp.float32),
            pltpu.VMEM((G_CH, D), jnp.float32),
            pltpu.SemaphoreType.DMA,
            pltpu.SemaphoreType.DMA,
            pltpu.SemaphoreType.DMA,
            pltpu.SemaphoreType.DMA,
        ],
    )
    return k(x_feat, src)


HALF = N_NODES // NC
N_GARB = 64
E_PER_T = N_EDGES // NS
S_CH = 80
S_NCH = E_PER_T // S_CH
R_CH = 8
N_RCH = HALF // R_CH
RCH_PER_T = -(-N_RCH // NS)


def _scatter_body(h_hbm, dst_hbm, x_hbm, out_hbm, aggr_sh, db0, db1, ib0, ib1,
                  rows0, rows1, zbuf, abuf, xbuf, gs0, gs1, ss0, ss1, ds0, ds1):
    c = lax.axis_index("c")
    t = lax.axis_index("s")
    lo = c * HALF
    ebase = t * E_PER_T
    lanes = lax.iota(jnp.int32, 16)
    zero = jnp.zeros((16,), jnp.float32)

    for r in range(R_CH):
        for q in range(D // 16):
            zbuf[r, pl.ds(q * 16, 16)] = zero

    def init_chunk(i, carry):
        cid = t + i * NS

        @pl.when(cid < N_RCH)
        def _():
            off = pl.multiple_of(cid * R_CH, 8)
            pltpu.sync_copy(zbuf, aggr_sh.at[pl.ds(off, R_CH)])

        return carry

    lax.fori_loop(0, RCH_PER_T, init_chunk, 0)
    plsc.subcore_barrier()

    dbuf = (db0, db1)
    ibuf = (ib0, ib1)
    rows = (rows0, rows1)
    gsem = (gs0, gs1)
    ssem = (ss0, ss1)
    dsem = (ds0, ds1)

    def compute_idx(db, ib, jj):
        for q in range(S_CH // 16):
            d = db[pl.ds(q * 16, 16)] - lo
            m = (d >= 0) & (d < HALF)
            garb = HALF + ((lanes + jj + q) & (N_GARB - 1))
            ib[pl.ds(q * 16, 16)] = jnp.where(m, d, garb)

    def dst_slice(jj):
        return dst_hbm.at[pl.ds(pl.multiple_of(ebase + jj * S_CH, 8), S_CH)]

    pltpu.async_copy(dst_slice(0), dbuf[0], dsem[0])
    pltpu.async_copy(dst_slice(1), dbuf[1], dsem[1])

    def pair(j2, carry):
        for b in (0, 1):
            jj = j2 * 2 + b
            nb = 1 - b

            @pl.when(jj < S_NCH)
            def _():
                @pl.when(jj >= 2)
                def _():
                    pltpu.make_async_copy(
                        rows[b], aggr_sh.at[pl.ds(0, S_CH)], ssem[b]).wait()

                eoff = pl.multiple_of(ebase + jj * S_CH, 8)
                pltpu.async_copy(
                    h_hbm.at[pl.ds(eoff, S_CH)], rows[b], gsem[b])
                pltpu.make_async_copy(
                    dst_slice(0), dbuf[b], dsem[b]).wait()
                compute_idx(dbuf[b], ibuf[b], jj)

                @pl.when(jj + 2 < S_NCH)
                def _():
                    pltpu.async_copy(dst_slice(jj + 2), dbuf[b], dsem[b])

            @pl.when((jj >= 1) & (jj <= S_NCH))
            def _():
                pltpu.make_async_copy(
                    h_hbm.at[pl.ds(0, S_CH)], rows[nb], gsem[nb]).wait()
                pltpu.make_async_copy(
                    rows[nb], aggr_sh.at[ibuf[nb]], ssem[nb]).start(add=True)

        return carry

    lax.fori_loop(0, (S_NCH + 2) // 2, pair, 0)
    pltpu.make_async_copy(rows[0], aggr_sh.at[pl.ds(0, S_CH)], ssem[0]).wait()
    pltpu.make_async_copy(rows[1], aggr_sh.at[pl.ds(0, S_CH)], ssem[1]).wait()

    plsc.subcore_barrier()

    def out_chunk(i, carry):
        cid = t + i * NS

        @pl.when(cid < N_RCH)
        def _():
            off = pl.multiple_of(cid * R_CH, 8)
            goff = pl.multiple_of(lo + cid * R_CH, 8)
            pltpu.sync_copy(aggr_sh.at[pl.ds(off, R_CH)], abuf)
            pltpu.sync_copy(x_hbm.at[pl.ds(goff, R_CH)], xbuf)
            for r in range(R_CH):
                for q in range(D // 16):
                    sl = pl.ds(q * 16, 16)
                    abuf[r, sl] = abuf[r, sl] + xbuf[r, sl]
            pltpu.sync_copy(abuf, out_hbm.at[pl.ds(goff, R_CH)])

        return carry

    lax.fori_loop(0, RCH_PER_T, out_chunk, 0)


def _sc_scatter(h, dst, x_feat):
    k = pl.kernel(
        _scatter_body,
        out_type=jax.ShapeDtypeStruct((N_NODES, D), jnp.float32),
        mesh=_sc_mesh(),
        compiler_params=pltpu.CompilerParams(use_tc_tiling_on_sc=False),
        scratch_types=[
            pltpu.VMEM_SHARED((HALF + N_GARB, D), jnp.float32),
            pltpu.VMEM((S_CH,), jnp.int32),
            pltpu.VMEM((S_CH,), jnp.int32),
            pltpu.VMEM((S_CH,), jnp.int32),
            pltpu.VMEM((S_CH,), jnp.int32),
            pltpu.VMEM((S_CH, D), jnp.float32),
            pltpu.VMEM((S_CH, D), jnp.float32),
            pltpu.VMEM((R_CH, D), jnp.float32),
            pltpu.VMEM((R_CH, D), jnp.float32),
            pltpu.VMEM((R_CH, D), jnp.float32),
            pltpu.SemaphoreType.DMA,
            pltpu.SemaphoreType.DMA,
            pltpu.SemaphoreType.DMA,
            pltpu.SemaphoreType.DMA,
            pltpu.SemaphoreType.DMA,
            pltpu.SemaphoreType.DMA,
        ],
    )
    return k(h, dst, x_feat)


BE = 4000


def _edge_ffn_body(xg_ref, ea_ref, bs_ref, w_ref, b_ref, o_ref):
    xe = xg_ref[...] + ea_ref[...]
    z = jnp.dot(xe, w_ref[...], preferred_element_type=jnp.float32) + b_ref[...]
    g = 0.5 * z * (1.0 + lax.erf(z * np.float32(1.0 / np.sqrt(2.0))))
    o_ref[...] = g * bs_ref[...]


def _tc_edge_ffn(xg, edge_attr, bases, W_pre, b_pre):
    return pl.pallas_call(
        _edge_ffn_body,
        grid=(N_EDGES // BE,),
        in_specs=[
            pl.BlockSpec((BE, D), lambda i: (i, 0)),
            pl.BlockSpec((BE, D), lambda i: (i, 0)),
            pl.BlockSpec((BE, D), lambda i: (i, 0)),
            pl.BlockSpec((D, D), lambda i: (0, 0)),
            pl.BlockSpec((1, D), lambda i: (0, 0)),
        ],
        out_specs=pl.BlockSpec((BE, D), lambda i: (i, 0)),
        out_shape=jax.ShapeDtypeStruct((N_EDGES, D), jnp.float32),
    )(xg, edge_attr, bases, W_pre, b_pre.reshape(1, D))


def _node_ffn_body(x_ref, w1_ref, b1_ref, g1_ref, be1_ref, w2_ref, b2_ref,
                   g2_ref, be2_ref, o_ref):
    x = x_ref[...]
    y = jnp.dot(x, w1_ref[...], preferred_element_type=jnp.float32) + b1_ref[...]
    m = jnp.mean(y, axis=0, keepdims=True)
    v = jnp.mean((y - m) * (y - m), axis=0, keepdims=True)
    y = (y - m) * lax.rsqrt(v + 1e-5) * g1_ref[...] + be1_ref[...]
    y = jnp.maximum(y, 0.0)
    y = jnp.dot(y, w2_ref[...], preferred_element_type=jnp.float32) + b2_ref[...]
    m = jnp.mean(y, axis=0, keepdims=True)
    v = jnp.mean((y - m) * (y - m), axis=0, keepdims=True)
    y = (y - m) * lax.rsqrt(v + 1e-5) * g2_ref[...] + be2_ref[...]
    y = jnp.maximum(y, 0.0)
    o_ref[...] = x + y


def _tc_node_ffn(x, W1, b1, g1, be1, W2, b2, g2, be2):
    row = lambda a: a.reshape(1, D)
    return pl.pallas_call(
        _node_ffn_body,
        out_shape=jax.ShapeDtypeStruct((N_NODES, D), jnp.float32),
    )(x, W1, row(b1), row(g1), row(be1), W2, row(b2), row(g2), row(be2))


def kernel(x_feat, edge_index, edge_attr, bases, W_pre, b_pre, W1, b1, g1, be1,
           W2, b2, g2, be2):
    src = edge_index[0]
    dst = edge_index[1]
    xg = _sc_gather(x_feat, src)
    h = _tc_edge_ffn(xg, edge_attr, bases, W_pre, b_pre)
    x = _sc_scatter(h, dst, x_feat)
    return _tc_node_ffn(x, W1, b1, g1, be1, W2, b2, g2, be2)

# --- scband reference (transcript-rebuilt; emitter-appended) ---
"""Pipeline reference for scband-conv-59124519797408 (READ-ONLY COPY).

The authoritative reference and input builder live on the scoring server;
editing this copy changes nothing except your own understanding.
"""

import jax, jax.numpy as jnp
import numpy as np

N = 10000
E = 160000
D = 256


def _bn(x, g, b, eps=1e-5):
    m = jnp.mean(x, axis=0)
    v = jnp.var(x, axis=0)
    return (x - m) / jnp.sqrt(v + eps) * g + b


def setup_inputs(seed: int = 0) -> dict:
    key = jax.random.key(seed)
    ks = jax.random.split(key, 12)
    s = 1.0 / np.sqrt(D)
    x_feat = jax.random.normal(ks[0], (N, D), dtype=jnp.float32)
    edge_index = jax.random.randint(ks[1], (2, E), 0, N, dtype=jnp.int32)
    edge_attr = jax.random.normal(ks[2], (E, D), dtype=jnp.float32)
    bases = jax.random.normal(ks[3], (E, D), dtype=jnp.float32)
    W_pre = jax.random.normal(ks[4], (D, D), dtype=jnp.float32) * s
    b_pre = jnp.zeros((D,), dtype=jnp.float32)
    W1 = jax.random.normal(ks[5], (D, D), dtype=jnp.float32) * s
    b1 = jnp.zeros((D,), dtype=jnp.float32)
    g1 = jnp.ones((D,), dtype=jnp.float32)
    be1 = jnp.zeros((D,), dtype=jnp.float32)
    W2 = jax.random.normal(ks[6], (D, D), dtype=jnp.float32) * s
    b2 = jnp.zeros((D,), dtype=jnp.float32)
    g2 = jnp.ones((D,), dtype=jnp.float32)
    be2 = jnp.zeros((D,), dtype=jnp.float32)
    return {"x_feat": x_feat, "edge_index": edge_index, "edge_attr": edge_attr, "bases": bases,
            "W_pre": W_pre, "b_pre": b_pre, "W1": W1, "b1": b1, "g1": g1, "be1": be1,
            "W2": W2, "b2": b2, "g2": g2, "be2": be2}


def reference(x_feat, edge_index, edge_attr, bases, W_pre, b_pre, W1, b1, g1, be1, W2, b2, g2, be2):
    src = edge_index[0]
    dst = edge_index[1]
    # pre_ffn(x_src + edge_attr) * bases  (Linear + GELU); dropout is identity (eval)
    xe = jnp.take(x_feat, src, axis=0) + edge_attr
    h = jax.nn.gelu(xe @ W_pre + b_pre, approximate=False) * bases
    # sum aggregation over destination nodes
    aggr = jax.ops.segment_sum(h, dst, num_segments=N)
    x = x_feat + aggr
    # ffn: Linear -> BN -> ReLU -> Linear -> BN -> ReLU (batch stats)
    y = jax.nn.relu(_bn(x @ W1 + b1, g1, be1))
    y = jax.nn.relu(_bn(y @ W2 + b2, g2, be2))
    return x + y

if __name__ == "__main__":
    import jax
    _d = setup_inputs()
    print(jax.jit(kernel)(*tuple(_d.values())))

</pallas_src>

<mosaic_0001>
#map = affine_map<(d0, d1) -> (0, 0)>
#map1 = affine_map<(d0, d1) -> (0)>
module attributes {stable_mosaic.version = 14 : i64} {
  func.func @_scatter_body(%arg0: i32, %arg1: i32, %arg2: memref<160000x256xf32, #tpu.memory_space<hbm>>, %arg3: memref<160000xi32, #tpu.memory_space<hbm>>, %arg4: memref<10000x256xf32, #tpu.memory_space<hbm>>, %arg5: memref<10000x256xf32, #tpu.memory_space<hbm>>, %arg6: memref<5064x256xf32, #tpu.memory_space<vmem_shared>>, %arg7: memref<80xi32, #tpu.memory_space<vmem>>, %arg8: memref<80xi32, #tpu.memory_space<vmem>>, %arg9: memref<80xi32, #tpu.memory_space<vmem>>, %arg10: memref<80xi32, #tpu.memory_space<vmem>>, %arg11: memref<80x256xf32, #tpu.memory_space<vmem>>, %arg12: memref<80x256xf32, #tpu.memory_space<vmem>>, %arg13: memref<8x256xf32, #tpu.memory_space<vmem>>, %arg14: memref<8x256xf32, #tpu.memory_space<vmem>>, %arg15: memref<8x256xf32, #tpu.memory_space<vmem>>, %arg16: memref<!tpu.dma_semaphore, #tpu.memory_space<semaphore_mem>>, %arg17: memref<!tpu.dma_semaphore, #tpu.memory_space<semaphore_mem>>, %arg18: memref<!tpu.dma_semaphore, #tpu.memory_space<semaphore_mem>>, %arg19: memref<!tpu.dma_semaphore, #tpu.memory_space<semaphore_mem>>, %arg20: memref<!tpu.dma_semaphore, #tpu.memory_space<semaphore_mem>>, %arg21: memref<!tpu.dma_semaphore, #tpu.memory_space<semaphore_mem>>) attributes {dimension_semantics = [#tpu.dimension_semantics<core_parallel>, #tpu.dimension_semantics<subcore_parallel>], iteration_bounds = array<i64: 2, 16>, scalar_prefetch = 0 : i64, scratch_operands = 16 : i64, tpu.core_type = #tpu.core_type<sc_vector_subcore>, window_params = [{transform_indices = #map}, {transform_indices = #map1}, {transform_indices = #map}, {transform_indices = #map}]} {
    %mul3A = arith.constant 5000 : i32
    %mul3A_0 = arith.muli %arg0, %mul3A : i32
    %mul3A_1 = arith.constant 10000 : i32
    %mul3A_2 = arith.muli %arg1, %mul3A_1 : i32
    %iota3A = tpu.iota {dimensions = array<i32: 0>} : vector<16xi32>
    %broadcast_in_dim3A = arith.constant 0.000000e+00 : f32
    %broadcast_in_dim3A_3 = vector.broadcast %broadcast_in_dim3A : f32 to vector<16xf32>
    %swap3A = arith.constant 0 : i32
    %swap3A_4 = arith.index_cast %swap3A : i32 to index
    %swap3A_5 = arith.constant 0 : index
    %swap3A_6 = tpu.vector_load %arg13[%swap3A_4, %swap3A_5] {strides = array<i32>} : memref<8x256xf32, #tpu.memory_space<vmem>>, vector<1x16xf32>,
    %swap3A_7 = vector.shape_cast %swap3A_6 : vector<1x16xf32> to vector<16xf32>
    %swap3A_8 = vector.shape_cast %broadcast_in_dim3A_3 : vector<16xf32> to vector<1x16xf32>
    tpu.vector_store %arg13[%swap3A_4, %swap3A_5], %swap3A_8 {strides = array<i32>} : memref<8x256xf32, #tpu.memory_space<vmem>>, vector<1x16xf32>,
    %swap3A_9 = arith.constant 0 : i32
    %swap3A_10 = arith.index_cast %swap3A_9 : i32 to index
    %swap3A_11 = arith.constant 16 : index
    %swap3A_12 = tpu.vector_load %arg13[%swap3A_10, %swap3A_11] {strides = array<i32>} : memref<8x256xf32, #tpu.memory_space<vmem>>, vector<1x16xf32>,
    %swap3A_13 = vector.shape_cast %swap3A_12 : vector<1x16xf32> to vector<16xf32>
    %swap3A_14 = vector.shape_cast %broadcast_in_dim3A_3 : vector<16xf32> to vector<1x16xf32>
    tpu.vector_store %arg13[%swap3A_10, %swap3A_11], %swap3A_14 {strides = array<i32>} : memref<8x256xf32, #tpu.memory_space<vmem>>, vector<1x16xf32>,
    %swap3A_15 = arith.constant 0 : i32
    %swap3A_16 = arith.index_cast %swap3A_15 : i32 to index
    %swap3A_17 = arith.constant 32 : index
    %swap3A_18 = tpu.vector_load %arg13[%swap3A_16, %swap3A_17] {strides = array<i32>} : memref<8x256xf32, #tpu.memory_space<vmem>>, vector<1x16xf32>,
    %swap3A_19 = vector.shape_cast %swap3A_18 : vector<1x16xf32> to vector<16xf32>
    %swap3A_20 = vector.shape_cast %broadcast_in_dim3A_3 : vector<16xf32> to vector<1x16xf32>
    tpu.vector_store %arg13[%swap3A_16, %swap3A_17], %swap3A_20 {strides = array<i32>} : memref<8x256xf32, #tpu.memory_space<vmem>>, vector<1x16xf32>,
    %swap3A_21 = arith.constant 0 : i32
    %swap3A_22 = arith.index_cast %swap3A_21 : i32 to index
    %swap3A_23 = arith.constant 48 : index
    %swap3A_24 = tpu.vector_load %arg13[%swap3A_22, %swap3A_23] {strides = array<i32>} : memref<8x256xf32, #tpu.memory_space<vmem>>, vector<1x16xf32>,
    %swap3A_25 = vector.shape_cast %swap3A_24 : vector<1x16xf32> to vector<16xf32>
    %swap3A_26 = vector.shape_cast %broadcast_in_dim3A_3 : vector<16xf32> to vector<1x16xf32>
    tpu.vector_store %arg13[%swap3A_22, %swap3A_23], %swap3A_26 {strides = array<i32>} : memref<8x256xf32, #tpu.memory_space<vmem>>, vector<1x16xf32>,
    %swap3A_27 = arith.constant 0 : i32
    %swap3A_28 = arith.index_cast %swap3A_27 : i32 to index
    %swap3A_29 = arith.constant 64 : index
    %swap3A_30 = tpu.vector_load %arg13[%swap3A_28, %swap3A_29] {strides = array<i32>} : memref<8x256xf32, #tpu.memory_space<vmem>>, vector<1x16xf32>,
    %swap3A_31 = vector.shape_cast %swap3A_30 : vector<1x16xf32> to vector<16xf32>
    %swap3A_32 = vector.shape_cast %broadcast_in_dim3A_3 : vector<16xf32> to vector<1x16xf32>
    tpu.vector_store %arg13[%swap3A_28, %swap3A_29], %swap3A_32 {strides = array<i32>} : memref<8x256xf32, #tpu.memory_space<vmem>>, vector<1x16xf32>,
    %swap3A_33 = arith.constant 0 : i32
    %swap3A_34 = arith.index_cast %swap3A_33 : i32 to index
    %swap3A_35 = arith.constant 80 : index
    %swap3A_36 = tpu.vector_load %arg13[%swap3A_34, %swap3A_35] {strides = array<i32>} : memref<8x256xf32, #tpu.memory_space<vmem>>, vector<1x16xf32>,
    %swap3A_37 = vector.shape_cast %swap3A_36 : vector<1x16xf32> to vector<16xf32>
    %swap3A_38 = vector.shape_cast %broadcast_in_dim3A_3 : vector<16xf32> to vector<1x16xf32>
    tpu.vector_store %arg13[%swap3A_34, %swap3A_35], %swap3A_38 {strides = array<i32>} : memref<8x256xf32, #tpu.memory_space<vmem>>, vector<1x16xf32>,
    %swap3A_39 = arith.constant 0 : i32
    %swap3A_40 = arith.index_cast %swap3A_39 : i32 to index
    %swap3A_41 = arith.constant 96 : index
    %swap3A_42 = tpu.vector_load %arg13[%swap3A_40, %swap3A_41] {strides = array<i32>} : memref<8x256xf32, #tpu.memory_space<vmem>>, vector<1x16xf32>,
    %swap3A_43 = vector.shape_cast %swap3A_42 : vector<1x16xf32> to vector<16xf32>
    %swap3A_44 = vector.shape_cast %broadcast_in_dim3A_3 : vector<16xf32> to vector<1x16xf32>
    tpu.vector_store %arg13[%swap3A_40, %swap3A_41], %swap3A_44 {strides = array<i32>} : memref<8x256xf32, #tpu.memory_space<vmem>>, vector<1x16xf32>,
    %swap3A_45 = arith.constant 0 : i32
    %swap3A_46 = arith.index_cast %swap3A_45 : i32 to index
    %swap3A_47 = arith.constant 112 : index
    %swap3A_48 = tpu.vector_load %arg13[%swap3A_46, %swap3A_47] {strides = array<i32>} : memref<8x256xf32, #tpu.memory_space<vmem>>, vector<1x16xf32>,
    %swap3A_49 = vector.shape_cast %swap3A_48 : vector<1x16xf32> to vector<16xf32>
    %swap3A_50 = vector.shape_cast %broadcast_in_dim3A_3 : vector<16xf32> to vector<1x16xf32>
    tpu.vector_store %arg13[%swap3A_46, %swap3A_47], %swap3A_50 {strides = array<i32>} : memref<8x256xf32, #tpu.memory_space<vmem>>, vector<1x16xf32>,
    %swap3A_51 = arith.constant 0 : i32
    %swap3A_52 = arith.index_cast %swap3A_51 : i32 to index
    %swap3A_53 = arith.constant 128 : index
    %swap3A_54 = tpu.vector_load %arg13[%swap3A_52, %swap3A_53] {strides = array<i32>} : memref<8x256xf32, #tpu.memory_space<vmem>>, vector<1x16xf32>,
    %swap3A_55 = vector.shape_cast %swap3A_54 : vector<1x16xf32> to vector<16xf32>
    %swap3A_56 = vector.shape_cast %broadcast_in_dim3A_3 : vector<16xf32> to vector<1x16xf32>
    tpu.vector_store %arg13[%swap3A_52, %swap3A_53], %swap3A_56 {strides = array<i32>} : memref<8x256xf32, #tpu.memory_space<vmem>>, vector<1x16xf32>,
    %swap3A_57 = arith.constant 0 : i32
    %swap3A_58 = arith.index_cast %swap3A_57 : i32 to index
    %swap3A_59 = arith.constant 144 : index
    %swap3A_60 = tpu.vector_load %arg13[%swap3A_58, %swap3A_59] {strides = array<i32>} : memref<8x256xf32, #tpu.memory_space<vmem>>, vector<1x16xf32>,
    %swap3A_61 = vector.shape_cast %swap3A_60 : vector<1x16xf32> to vector<16xf32>
    %swap3A_62 = vector.shape_cast %broadcast_in_dim3A_3 : vector<16xf32> to vector<1x16xf32>
    tpu.vector_store %arg13[%swap3A_58, %swap3A_59], %swap3A_62 {strides = array<i32>} : memref<8x256xf32, #tpu.memory_space<vmem>>, vector<1x16xf32>,
    %swap3A_63 = arith.constant 0 : i32
    %swap3A_64 = arith.index_cast %swap3A_63 : i32 to index
    %swap3A_65 = arith.constant 160 : index
    %swap3A_66 = tpu.vector_load %arg13[%swap3A_64, %swap3A_65] {strides = array<i32>} : memref<8x256xf32, #tpu.memory_space<vmem>>, vector<1x16xf32>,
    %swap3A_67 = vector.shape_cast %swap3A_66 : vector<1x16xf32> to vector<16xf32>
    %swap3A_68 = vector.shape_cast %broadcast_in_dim3A_3 : vector<16xf32> to vector<1x16xf32>
    tpu.vector_store %arg13[%swap3A_64, %swap3A_65], %swap3A_68 {strides = array<i32>} : memref<8x256xf32, #tpu.memory_space<vmem>>, vector<1x16xf32>,
    %swap3A_69 = arith.constant 0 : i32
    %swap3A_70 = arith.index_cast %swap3A_69 : i32 to index
    %swap3A_71 = arith.constant 176 : index
    %swap3A_72 = tpu.vector_load %arg13[%swap3A_70, %swap3A_71] {strides = array<i32>} : memref<8x256xf32, #tpu.memory_space<vmem>>, vector<1x16xf32>,
    %swap3A_73 = vector.shape_cast %swap3A_72 : vector<1x16xf32> to vector<16xf32>
    %swap3A_74 = vector.shape_cast %broadcast_in_dim3A_3 : vector<16xf32> to vector<1x16xf32>
    tpu.vector_store %arg13[%swap3A_70, %swap3A_71], %swap3A_74 {strides = array<i32>} : memref<8x256xf32, #tpu.memory_space<vmem>>, vector<1x16xf32>,
    %swap3A_75 = arith.constant 0 : i32
    %swap3A_76 = arith.index_cast %swap3A_75 : i32 to index
    %swap3A_77 = arith.constant 192 : index
    %swap3A_78 = tpu.vector_load %arg13[%swap3A_76, %swap3A_77] {strides = array<i32>} : memref<8x256xf32, #tpu.memory_space<vmem>>, vector<1x16xf32>,
    %swap3A_79 = vector.shape_cast %swap3A_78 : vector<1x16xf32> to vector<16xf32>
    %swap3A_80 = vector.shape_cast %broadcast_in_dim3A_3 : vector<16xf32> to vector<1x16xf32>
    tpu.vector_store %arg13[%swap3A_76, %swap3A_77], %swap3A_80 {strides = array<i32>} : memref<8x256xf32, #tpu.memory_space<vmem>>, vector<1x16xf32>,
    %swap3A_81 = arith.constant 0 : i32
    %swap3A_82 = arith.index_cast %swap3A_81 : i32 to index
    %swap3A_83 = arith.constant 208 : index
    %swap3A_84 = tpu.vector_load %arg13[%swap3A_82, %swap3A_83] {strides = array<i32>} : memref<8x256xf32, #tpu.memory_space<vmem>>, vector<1x16xf32>,
    %swap3A_85 = vector.shape_cast %swap3A_84 : vector<1x16xf32> to vector<16xf32>
    %swap3A_86 = vector.shape_cast %broadcast_in_dim3A_3 : vector<16xf32> to vector<1x16xf32>
    tpu.vector_store %arg13[%swap3A_82, %swap3A_83], %swap3A_86 {strides = array<i32>} : memref<8x256xf32, #tpu.memory_space<vmem>>, vector<1x16xf32>,
    %swap3A_87 = arith.constant 0 : i32
    %swap3A_88 = arith.index_cast %swap3A_87 : i32 to index
    %swap3A_89 = arith.constant 224 : index
    %swap3A_90 = tpu.vector_load %arg13[%swap3A_88, %swap3A_89] {strides = array<i32>} : memref<8x256xf32, #tpu.memory_space<vmem>>, vector<1x16xf32>,
    %swap3A_91 = vector.shape_cast %swap3A_90 : vector<1x16xf32> to vector<16xf32>
    %swap3A_92 = vector.shape_cast %broadcast_in_dim3A_3 : vector<16xf32> to vector<1x16xf32>
    tpu.vector_store %arg13[%swap3A_88, %swap3A_89], %swap3A_92 {strides = array<i32>} : memref<8x256xf32, #tpu.memory_space<vmem>>, vector<1x16xf32>,
    %swap3A_93 = arith.constant 0 : i32
    %swap3A_94 = arith.index_cast %swap3A_93 : i32 to index
    %swap3A_95 = arith.constant 240 : index
    %swap3A_96 = tpu.vector_load %arg13[%swap3A_94, %swap3A_95] {strides = array<i32>} : memref<8x256xf32, #tpu.memory_space<vmem>>, vector<1x16xf32>,
    %swap3A_97 = vector.shape_cast %swap3A_96 : vector<1x16xf32> to vector<16xf32>
    %swap3A_98 = vector.shape_cast %broadcast_in_dim3A_3 : vector<16xf32> to vector<1x16xf32>
    tpu.vector_store %arg13[%swap3A_94, %swap3A_95], %swap3A_98 {strides = array<i32>} : memref<8x256xf32, #tpu.memory_space<vmem>>, vector<1x16xf32>,
    %swap3A_99 = arith.constant 1 : i32
    %swap3A_100 = arith.index_cast %swap3A_99 : i32 to index
    %swap3A_101 = arith.constant 0 : index
    %swap3A_102 = tpu.vector_load %arg13[%swap3A_100, %swap3A_101] {strides = array<i32>} : memref<8x256xf32, #tpu.memory_space<vmem>>, vector<1x16xf32>,
    %swap3A_103 = vector.shape_cast %swap3A_102 : vector<1x16xf32> to vector<16xf32>
    %swap3A_104 = vector.shape_cast %broadcast_in_dim3A_3 : vector<16xf32> to vector<1x16xf32>
    tpu.vector_store %arg13[%swap3A_100, %swap3A_101], %swap3A_104 {strides = array<i32>} : memref<8x256xf32, #tpu.memory_space<vmem>>, vector<1x16xf32>,
    %swap3A_105 = arith.constant 1 : i32
    %swap3A_106 = arith.index_cast %swap3A_105 : i32 to index
    %swap3A_107 = arith.constant 16 : index
    %swap3A_108 = tpu.vector_load %arg13[%swap3A_106, %swap3A_107] {strides = array<i32>} : memref<8x256xf32, #tpu.memory_space<vmem>>, vector<1x16xf32>,
    %swap3A_109 = vector.shape_cast %swap3A_108 : vector<1x16xf32> to vector<16xf32>
    %swap3A_110 = vector.shape_cast %broadcast_in_dim3A_3 : vector<16xf32> to vector<1x16xf32>
    tpu.vector_store %arg13[%swap3A_106, %swap3A_107], %swap3A_110 {strides = array<i32>} : memref<8x256xf32, #tpu.memory_space<vmem>>, vector<1x16xf32>,
    %swap3A_111 = arith.constant 1 : i32
    %swap3A_112 = arith.index_cast %swap3A_111 : i32 to index
    %swap3A_113 = arith.constant 32 : index
    %swap3A_114 = tpu.vector_load %arg13[%swap3A_112, %swap3A_113] {strides = array<i32>} : memref<8x256xf32, #tpu.memory_space<vmem>>, vector<1x16xf32>,
    %swap3A_115 = vector.shape_cast %swap3A_114 : vector<1x16xf32> to vector<16xf32>
    %swap3A_116 = vector.shape_cast %broadcast_in_dim3A_3 : vector<16xf32> to vector<1x16xf32>
    tpu.vector_store %arg13[%swap3A_112, %swap3A_113], %swap3A_116 {strides = array<i32>} : memref<8x256xf32, #tpu.memory_space<vmem>>, vector<1x16xf32>,
    %swap3A_117 = arith.constant 1 : i32
    %swap3A_118 = arith.index_cast %swap3A_117 : i32 to index
    %swap3A_119 = arith.constant 48 : index
    %swap3A_120 = tpu.vector_load %arg13[%swap3A_118, %swap3A_119] {strides = array<i32>} : memref<8x256xf32, #tpu.memory_space<vmem>>, vector<1x16xf32>,
    %swap3A_121 = vector.shape_cast %swap3A_120 : vector<1x16xf32> to vector<16xf32>
    %swap3A_122 = vector.shape_cast %broadcast_in_dim3A_3 : vector<16xf32> to vector<1x16xf32>
    tpu.vector_store %arg13[%swap3A_118, %swap3A_119], %swap3A_122 {strides = array<i32>} : memref<8x256xf32, #tpu.memory_space<vmem>>, vector<1x16xf32>,
    %swap3A_123 = arith.constant 1 : i32
    %swap3A_124 = arith.index_cast %swap3A_123 : i32 to index
    %swap3A_125 = arith.constant 64 : index
    %swap3A_126 = tpu.vector_load %arg13[%swap3A_124, %swap3A_125] {strides = array<i32>} : memref<8x256xf32, #tpu.memory_space<vmem>>, vector<1x16xf32>,
    %swap3A_127 = vector.shape_cast %swap3A_126 : vector<1x16xf32> to vector<16xf32>
    %swap3A_128 = vector.shape_cast %broadcast_in_dim3A_3 : vector<16xf32> to vector<1x16xf32>
    tpu.vector_store %arg13[%swap3A_124, %swap3A_125], %swap3A_128 {strides = array<i32>} : memref<8x256xf32, #tpu.memory_space<vmem>>, vector<1x16xf32>,
    %swap3A_129 = arith.constant 1 : i32
    %swap3A_130 = arith.index_cast %swap3A_129 : i32 to index
    %swap3A_131 = arith.constant 80 : index
    %swap3A_132 = tpu.vector_load %arg13[%swap3A_130, %swap3A_131] {strides = array<i32>} : memref<8x256xf32, #tpu.memory_space<vmem>>, vector<1x16xf32>,
    %swap3A_133 = vector.shape_cast %swap3A_132 : vector<1x16xf32> to vector<16xf32>
    %swap3A_134 = vector.shape_cast %broadcast_in_dim3A_3 : vector<16xf32> to vector<1x16xf32>
    tpu.vector_store %arg13[%swap3A_130, %swap3A_131], %swap3A_134 {strides = array<i32>} : memref<8x256xf32, #tpu.memory_space<vmem>>, vector<1x16xf32>,
    %swap3A_135 = arith.constant 1 : i32
    %swap3A_136 = arith.index_cast %swap3A_135 : i32 to index
    %swap3A_137 = arith.constant 96 : index
    %swap3A_138 = tpu.vector_load %arg13[%swap3A_136, %swap3A_137] {strides = array<i32>} : memref<8x256xf32, #tpu.memory_space<vmem>>, vector<1x16xf32>,
    %swap3A_139 = vector.shape_cast %swap3A_138 : vector<1x16xf32> to vector<16xf32>
    %swap3A_140 = vector.shape_cast %broadcast_in_dim3A_3 : vector<16xf32> to vector<1x16xf32>
    tpu.vector_store %arg13[%swap3A_136, %swap3A_137], %swap3A_140 {strides = array<i32>} : memref<8x256xf32, #tpu.memory_space<vmem>>, vector<1x16xf32>,
    %swap3A_141 = arith.constant 1 : i32
    %swap3A_142 = arith.index_cast %swap3A_141 : i32 to index
    %swap3A_143 = arith.constant 112 : index
    %swap3A_144 = tpu.vector_load %arg13[%swap3A_142, %swap3A_143] {strides = array<i32>} : memref<8x256xf32, #tpu.memory_space<vmem>>, vector<1x16xf32>,
    %swap3A_145 = vector.shape_cast %swap3A_144 : vector<1x16xf32> to vector<16xf32>
    %swap3A_146 = vector.shape_cast %broadcast_in_dim3A_3 : vector<16xf32> to vector<1x16xf32>
    tpu.vector_store %arg13[%swap3A_142, %swap3A_143], %swap3A_146 {strides = array<i32>} : memref<8x256xf32, #tpu.memory_space<vmem>>, vector<1x16xf32>,
    %swap3A_147 = arith.constant 1 : i32
    %swap3A_148 = arith.index_cast %swap3A_147 : i32 to index
    %swap3A_149 = arith.constant 128 : index
    %swap3A_150 = tpu.vector_load %arg13[%swap3A_148, %swap3A_149] {strides = array<i32>} : memref<8x256xf32, #tpu.memory_space<vmem>>, vector<1x16xf32>,
    %swap3A_151 = vector.shape_cast %swap3A_150 : vector<1x16xf32> to vector<16xf32>
    %swap3A_152 = vector.shape_cast %broadcast_in_dim3A_3 : vector<16xf32> to vector<1x16xf32>
    tpu.vector_store %arg13[%swap3A_148, %swap3A_149], %swap3A_152 {strides = array<i32>} : memref<8x256xf32, #tpu.memory_space<vmem>>, vector<1x16xf32>,
    %swap3A_153 = arith.constant 1 : i32
    %swap3A_154 = arith.index_cast %swap3A_153 : i32 to index
    %swap3A_155 = arith.constant 144 : index
    %swap3A_156 = tpu.vector_load %arg13[%swap3A_154, %swap3A_155] {strides = array<i32>} : memref<8x256xf32, #tpu.memory_space<vmem>>, vector<1x16xf32>,
    %swap3A_157 = vector.shape_cast %swap3A_156 : vector<1x16xf32> to vector<16xf32>
    %swap3A_158 = vector.shape_cast %broadcast_in_dim3A_3 : vector<16xf32> to vector<1x16xf32>
    tpu.vector_store %arg13[%swap3A_154, %swap3A_155], %swap3A_158 {strides = array<i32>} : memref<8x256xf32, #tpu.memory_space<vmem>>, vector<1x16xf32>,
    %swap3A_159 = arith.constant 1 : i32
    %swap3A_160 = arith.index_cast %swap3A_159 : i32 to index
    %swap3A_161 = arith.constant 160 : index
    %swap3A_162 = tpu.vector_load %arg13[%swap3A_160, %swap3A_161] {strides = array<i32>} : memref<8x256xf32, #tpu.memory_space<vmem>>, vector<1x16xf32>,
    %swap3A_163 = vector.shape_cast %swap3A_162 : vector<1x16xf32> to vector<16xf32>
    %swap3A_164 = vector.shape_cast %broadcast_in_dim3A_3 : vector<16xf32> to vector<1x16xf32>
    tpu.vector_store %arg13[%swap3A_160, %swap3A_161], %swap3A_164 {strides = array<i32>} : memref<8x256xf32, #tpu.memory_space<vmem>>, vector<1x16xf32>,
    %swap3A_165 = arith.constant 1 : i32
    %swap3A_166 = arith.index_cast %swap3A_165 : i32 to index
    %swap3A_167 = arith.constant 176 : index
    %swap3A_168 = tpu.vector_load %arg13[%swap3A_166, %swap3A_167] {strides = array<i32>} : memref<8x256xf32, #tpu.memory_space<vmem>>, vector<1x16xf32>,
    %swap3A_169 = vector.shape_cast %swap3A_168 : vector<1x16xf32> to vector<16xf32>
    %swap3A_170 = vector.shape_cast %broadcast_in_dim3A_3 : vector<16xf32> to vector<1x16xf32>
    tpu.vector_store %arg13[%swap3A_166, %swap3A_167], %swap3A_170 {strides = array<i32>} : memref<8x256xf32, #tpu.memory_space<vmem>>, vector<1x16xf32>,
    %swap3A_171 = arith.constant 1 : i32
    %swap3A_172 = arith.index_cast %swap3A_171 : i32 to index
    %swap3A_173 = arith.constant 192 : index
    %swap3A_174 = tpu.vector_load %arg13[%swap3A_172, %swap3A_173] {strides = array<i32>} : memref<8x256xf32, #tpu.memory_space<vmem>>, vector<1x16xf32>,
    %swap3A_175 = vector.shape_cast %swap3A_174 : vector<1x16xf32> to vector<16xf32>
    %swap3A_176 = vector.shape_cast %broadcast_in_dim3A_3 : vector<16xf32> to vector<1x16xf32>
    tpu.vector_store %arg13[%swap3A_172, %swap3A_173], %swap3A_176 {strides = array<i32>} : memref<8x256xf32, #tpu.memory_space<vmem>>, vector<1x16xf32>,
    %swap3A_177 = arith.constant 1 : i32
    %swap3A_178 = arith.index_cast %swap3A_177 : i32 to index
    %swap3A_179 = arith.constant 208 : index
    %swap3A_180 = tpu.vector_load %arg13[%swap3A_178, %swap3A_179] {strides = array<i32>} : memref<8x256xf32, #tpu.memory_space<vmem>>, vector<1x16xf32>,
    %swap3A_181 = vector.shape_cast %swap3A_180 : vector<1x16xf32> to vector<16xf32>
    %swap3A_182 = vector.shape_cast %broadcast_in_dim3A_3 : vector<16xf32> to vector<1x16xf32>
    tpu.vector_store %arg13[%swap3A_178, %swap3A_179], %swap3A_182 {strides = array<i32>} : memref<8x256xf32, #tpu.memory_space<vmem>>, vector<1x16xf32>,
    %swap3A_183 = arith.constant 1 : i32
    %swap3A_184 = arith.index_cast %swap3A_183 : i32 to index
    %swap3A_185 = arith.constant 224 : index
    %swap3A_186 = tpu.vector_load %arg13[%swap3A_184, %swap3A_185] {strides = array<i32>} : memref<8x256xf32, #tpu.memory_space<vmem>>, vector<1x16xf32>,
    %swap3A_187 = vector.shape_cast %swap3A_186 : vector<1x16xf32> to vector<16xf32>
    %swap3A_188 = vector.shape_cast %broadcast_in_dim3A_3 : vector<16xf32> to vector<1x16xf32>
    tpu.vector_store %arg13[%swap3A_184, %swap3A_185], %swap3A_188 {strides = array<i32>} : memref<8x256xf32, #tpu.memory_space<vmem>>, vector<1x16xf32>,
    %swap3A_189 = arith.constant 1 : i32
    %swap3A_190 = arith.index_cast %swap3A_189 : i32 to index
    %swap3A_191 = arith.constant 240 : index
    %swap3A_192 = tpu.vector_load %arg13[%swap3A_190, %swap3A_191] {strides = array<i32>} : memref<8x256xf32, #tpu.memory_space<vmem>>, vector<1x16xf32>,
    %swap3A_193 = vector.shape_cast %swap3A_192 : vector<1x16xf32> to vector<16xf32>
    %swap3A_194 = vector.shape_cast %broadcast_in_dim3A_3 : vector<16xf32> to vector<1x16xf32>
    tpu.vector_store %arg13[%swap3A_190, %swap3A_191], %swap3A_194 {strides = array<i32>} : memref<8x256xf32, #tpu.memory_space<vmem>>, vector<1x16xf32>,
    %swap3A_195 = arith.constant 2 : i32
    %swap3A_196 = arith.index_cast %swap3A_195 : i32 to index
    %swap3A_197 = arith.constant 0 : index
    %swap3A_198 = tpu.vector_load %arg13[%swap3A_196, %swap3A_197] {strides = array<i32>} : memref<8x256xf32, #tpu.memory_space<vmem>>, vector<1x16xf32>,
    %swap3A_199 = vector.shape_cast %swap3A_198 : vector<1x16xf32> to vector<16xf32>
    %swap3A_200 = vector.shape_cast %broadcast_in_dim3A_3 : vector<16xf32> to vector<1x16xf32>
    tpu.vector_store %arg13[%swap3A_196, %swap3A_197], %swap3A_200 {strides = array<i32>} : memref<8x256xf32, #tpu.memory_space<vmem>>, vector<1x16xf32>,
    %swap3A_201 = arith.constant 2 : i32
    %swap3A_202 = arith.index_cast %swap3A_201 : i32 to index
    %swap3A_203 = arith.constant 16 : index
    %swap3A_204 = tpu.vector_load %arg13[%swap3A_202, %swap3A_203] {strides = array<i32>} : memref<8x256xf32, #tpu.memory_space<vmem>>, vector<1x16xf32>,
    %swap3A_205 = vector.shape_cast %swap3A_204 : vector<1x16xf32> to vector<16xf32>
    %swap3A_206 = vector.shape_cast %broadcast_in_dim3A_3 : vector<16xf32> to vector<1x16xf32>
    tpu.vector_store %arg13[%swap3A_202, %swap3A_203], %swap3A_206 {strides = array<i32>} : memref<8x256xf32, #tpu.memory_space<vmem>>, vector<1x16xf32>,
    %swap3A_207 = arith.constant 2 : i32
    %swap3A_208 = arith.index_cast %swap3A_207 : i32 to index
    %swap3A_209 = arith.constant 32 : index
    %swap3A_210 = tpu.vector_load %arg13[%swap3A_208, %swap3A_209] {strides = array<i32>} : memref<8x256xf32, #tpu.memory_space<vmem>>, vector<1x16xf32>,
    %swap3A_211 = vector.shape_cast %swap3A_210 : vector<1x16xf32> to vector<16xf32>
    %swap3A_212 = vector.shape_cast %broadcast_in_dim3A_3 : vector<16xf32> to vector<1x16xf32>
    tpu.vector_store %arg13[%swap3A_208, %swap3A_209], %swap3A_212 {strides = array<i32>} : memref<8x256xf32, #tpu.memory_space<vmem>>, vector<1x16xf32>,
    %swap3A_213 = arith.constant 2 : i32
    %swap3A_214 = arith.index_cast %swap3A_213 : i32 to index
    %swap3A_215 = arith.constant 48 : index
    %swap3A_216 = tpu.vector_load %arg13[%swap3A_214, %swap3A_215] {strides = array<i32>} : memref<8x256xf32, #tpu.memory_space<vmem>>, vector<1x16xf32>,
    %swap3A_217 = vector.shape_cast %swap3A_216 : vector<1x16xf32> to vector<16xf32>
    %swap3A_218 = vector.shape_cast %broadcast_in_dim3A_3 : vector<16xf32> to vector<1x16xf32>
    tpu.vector_store %arg13[%swap3A_214, %swap3A_215], %swap3A_218 {strides = array<i32>} : memref<8x256xf32, #tpu.memory_space<vmem>>, vector<1x16xf32>,
    %swap3A_219 = arith.constant 2 : i32
    %swap3A_220 = arith.index_cast %swap3A_219 : i32 to index
    %swap3A_221 = arith.constant 64 : index
    %swap3A_222 = tpu.vector_load %arg13[%swap3A_220, %swap3A_221] {strides = array<i32>} : memref<8x256xf32, #tpu.memory_space<vmem>>, vector<1x16xf32>,
    %swap3A_223 = vector.shape_cast %swap3A_222 : vector<1x16xf32> to vector<16xf32>
    %swap3A_224 = vector.shape_cast %broadcast_in_dim3A_3 : vector<16xf32> to vector<1x16xf32>
    tpu.vector_store %arg13[%swap3A_220, %swap3A_221], %swap3A_224 {strides = array<i32>} : memref<8x256xf32, #tpu.memory_space<vmem>>, vector<1x16xf32>,
    %swap3A_225 = arith.constant 2 : i32
    %swap3A_226 = arith.index_cast %swap3A_225 : i32 to index
    %swap3A_227 = arith.constant 80 : index
    %swap3A_228 = tpu.vector_load %arg13[%swap3A_226, %swap3A_227] {strides = array<i32>} : memref<8x256xf32, #tpu.memory_space<vmem>>, vector<1x16xf32>,
    %swap3A_229 = vector.shape_cast %swap3A_228 : vector<1x16xf32> to vector<16xf32>
    %swap3A_230 = vector.shape_cast %broadcast_in_dim3A_3 : vector<16xf32> to vector<1x16xf32>
    tpu.vector_store %arg13[%swap3A_226, %swap3A_227], %swap3A_230 {strides = array<i32>} : memref<8x256xf32, #tpu.memory_space<vmem>>, vector<1x16xf32>,
    %swap3A_231 = arith.constant 2 : i32
    %swap3A_232 = arith.index_cast %swap3A_231 : i32 to index
    %swap3A_233 = arith.constant 96 : index
    %swap3A_234 = tpu.vector_load %arg13[%swap3A_232, %swap3A_233] {strides = array<i32>} : memref<8x256xf32, #tpu.memory_space<vmem>>, vector<1x16xf32>,
    %swap3A_235 = vector.shape_cast %swap3A_234 : vector<1x16xf32> to vector<16xf32>
    %swap3A_236 = vector.shape_cast %broadcast_in_dim3A_3 : vector<16xf32> to vector<1x16xf32>
    tpu.vector_store %arg13[%swap3A_232, %swap3A_233], %swap3A_236 {strides = array<i32>} : memref<8x256xf32, #tpu.memory_space<vmem>>, vector<1x16xf32>,
    %swap3A_237 = arith.constant 2 : i32
    %swap3A_238 = arith.index_cast %swap3A_237 : i32 to index
    %swap3A_239 = arith.constant 112 : index
    %swap3A_240 = tpu.vector_load %arg13[%swap3A_238, %swap3A_239] {strides = array<i32>} : memref<8x256xf32, #tpu.memory_space<vmem>>, vector<1x16xf32>,
    %swap3A_241 = vector.shape_cast %swap3A_240 : vector<1x16xf32> to vector<16xf32>
    %swap3A_242 = vector.shape_cast %broadcast_in_dim3A_3 : vector<16xf32> to vector<1x16xf32>
    tpu.vector_store %arg13[%swap3A_238, %swap3A_239], %swap3A_242 {strides = array<i32>} : memref<8x256xf32, #tpu.memory_space<vmem>>, vector<1x16xf32>,
    %swap3A_243 = arith.constant 2 : i32
    %swap3A_244 = arith.index_cast %swap3A_243 : i32 to index
    %swap3A_245 = arith.constant 128 : index
    %swap3A_246 = tpu.vector_load %arg13[%swap3A_244, %swap3A_245] {strides = array<i32>} : memref<8x256xf32, #tpu.memory_space<vmem>>, vector<1x16xf32>,
    %swap3A_247 = vector.shape_cast %swap3A_246 : vector<1x16xf32> to vector<16xf32>
    %swap3A_248 = vector.shape_cast %broadcast_in_dim3A_3 : vector<16xf32> to vector<1x16xf32>
    tpu.vector_store %arg13[%swap3A_244, %swap3A_245], %swap3A_248 {strides = array<i32>} : memref<8x256xf32, #tpu.memory_space<vmem>>, vector<1x16xf32>,
    %swap3A_249 = arith.constant 2 : i32
    %swap3A_250 = arith.index_cast %swap3A_249 : i32 to index
    %swap3A_251 = arith.constant 144 : index
    %swap3A_252 = tpu.vector_load %arg13[%swap3A_250, %swap3A_251] {strides = array<i32>} : memref<8x256xf32, #tpu.memory_space<vmem>>, vector<1x16xf32>,
    %swap3A_253 = vector.shape_cast %swap3A_252 : vector<1x16xf32> to vector<16xf32>
    %swap3A_254 = vector.shape_cast %broadcast_in_dim3A_3 : vector<16xf32> to vector<1x16xf32>
    tpu.vector_store %arg13[%swap3A_250, %swap3A_251], %swap3A_254 {strides = array<i32>} : memref<8x256xf32, #tpu.memory_space<vmem>>, vector<1x16xf32>,
    %swap3A_255 = arith.constant 2 : i32
    %swap3A_256 = arith.index_cast %swap3A_255 : i32 to index
    %swap3A_257 = arith.constant 160 : index
    %swap3A_258 = tpu.vector_load %arg13[%swap3A_256, %swap3A_257] {strides = array<i32>} : memref<8x256xf32, #tpu.memory_space<vmem>>, vector<1x16xf32>,
    %swap3A_259 = vector.shape_cast %swap3A_258 : vector<1x16xf32> to vector<16xf32>
    %swap3A_260 = vector.shape_cast %broadcast_in_dim3A_3 : vector<16xf32> to vector<1x16xf32>
    tpu.vector_store %arg13[%swap3A_256, %swap3A_257], %swap3A_260 {strides = array<i32>} : memref<8x256xf32, #tpu.memory_space<vmem>>, vector<1x16xf32>,
    %swap3A_261 = arith.constant 2 : i32
    %swap3A_262 = arith.index_cast %swap3A_261 : i32 to index
    %swap3A_263 = arith.constant 176 : index
    %swap3A_264 = tpu.vector_load %arg13[%swap3A_262, %swap3A_263] {strides = array<i32>} : memref<8x256xf32, #tpu.memory_space<vmem>>, vector<1x16xf32>,
    %swap3A_265 = vector.shape_cast %swap3A_264 : vector<1x16xf32> to vector<16xf32>
    %swap3A_266 = vector.shape_cast %broadcast_in_dim3A_3 : vector<16xf32> to vector<1x16xf32>
    tpu.vector_store %arg13[%swap3A_262, %swap3A_263], %swap3A_266 {strides = array<i32>} : memref<8x256xf32, #tpu.memory_space<vmem>>, vector<1x16xf32>,
    %swap3A_267 = arith.constant 2 : i32
    %swap3A_268 = arith.index_cast %swap3A_267 : i32 to index
    %swap3A_269 = arith.constant 192 : index
    %swap3A_270 = tpu.vector_load %arg13[%swap3A_268, %swap3A_269] {strides = array<i32>} : memref<8x256xf32, #tpu.memory_space<vmem>>, vector<1x16xf32>,
    %swap3A_271 = vector.shape_cast %swap3A_270 : vector<1x16xf32> to vector<16xf32>
    %swap3A_272 = vector.shape_cast %broadcast_in_dim3A_3 : vector<16xf32> to vector<1x16xf32>
    tpu.vector_store %arg13[%swap3A_268, %swap3A_269], %swap3A_272 {strides = array<i32>} : memref<8x256xf32, #tpu.memory_space<vmem>>, vector<1x16xf32>,
    %swap3A_273 = arith.constant 2 : i32
    %swap3A_274 = arith.index_cast %swap3A_273 : i32 to index
    %swap3A_275 = arith.constant 208 : index
    %swap3A_276 = tpu.vector_load %arg13[%swap3A_274, %swap3A_275] {strides = array<i32>} : memref<8x256xf32, #tpu.memory_space<vmem>>, vector<1x16xf32>,
    %swap3A_277 = vector.shape_cast %swap3A_276 : vector<1x16xf32> to vector<16xf32>
    %swap3A_278 = vector.shape_cast %broadcast_in_dim3A_3 : vector<16xf32> to vector<1x16xf32>
    tpu.vector_store %arg13[%swap3A_274, %swap3A_275], %swap3A_278 {strides = array<i32>} : memref<8x256xf32, #tpu.memory_space<vmem>>, vector<1x16xf32>,
    %swap3A_279 = arith.constant 2 : i32
    %swap3A_280 = arith.index_cast %swap3A_279 : i32 to index
    %swap3A_281 = arith.constant 224 : index
    %swap3A_282 = tpu.vector_load %arg13[%swap3A_280, %swap3A_281] {strides = array<i32>} : memref<8x256xf32, #tpu.memory_space<vmem>>, vector<1x16xf32>,
    %swap3A_283 = vector.shape_cast %swap3A_282 : vector<1x16xf32> to vector<16xf32>
    %swap3A_284 = vector.shape_cast %broadcast_in_dim3A_3 : vector<16xf32> to vector<1x16xf32>
    tpu.vector_store %arg13[%swap3A_280, %swap3A_281], %swap3A_284 {strides = array<i32>} : memref<8x256xf32, #tpu.memory_space<vmem>>, vector<1x16xf32>,
    %swap3A_285 = arith.constant 2 : i32
    %swap3A_286 = arith.index_cast %swap3A_285 : i32 to index
    %swap3A_287 = arith.constant 240 : index
    %swap3A_288 = tpu.vector_load %arg13[%swap3A_286, %swap3A_287] {strides = array<i32>} : memref<8x256xf32, #tpu.memory_space<vmem>>, vector<1x16xf32>,
    %swap3A_289 = vector.shape_cast %swap3A_288 : vector<1x16xf32> to vector<16xf32>
    %swap3A_290 = vector.shape_cast %broadcast_in_dim3A_3 : vector<16xf32> to vector<1x16xf32>
    tpu.vector_store %arg13[%swap3A_286, %swap3A_287], %swap3A_290 {strides = array<i32>} : memref<8x256xf32, #tpu.memory_space<vmem>>, vector<1x16xf32>,
    %swap3A_291 = arith.constant 3 : i32
    %swap3A_292 = arith.index_cast %swap3A_291 : i32 to index
    %swap3A_293 = arith.constant 0 : index
    %swap3A_294 = tpu.vector_load %arg13[%swap3A_292, %swap3A_293] {strides = array<i32>} : memref<8x256xf32, #tpu.memory_space<vmem>>, vector<1x16xf32>,
    %swap3A_295 = vector.shape_cast %swap3A_294 : vector<1x16xf32> to vector<16xf32>
    %swap3A_296 = vector.shape_cast %broadcast_in_dim3A_3 : vector<16xf32> to vector<1x16xf32>
    tpu.vector_store %arg13[%swap3A_292, %swap3A_293], %swap3A_296 {strides = array<i32>} : memref<8x256xf32, #tpu.memory_space<vmem>>, vector<1x16xf32>,
    %swap3A_297 = arith.constant 3 : i32
    %swap3A_298 = arith.index_cast %swap3A_297 : i32 to index
    %swap3A_299 = arith.constant 16 : index
    %swap3A_300 = tpu.vector_load %arg13[%swap3A_298, %swap3A_299] {strides = array<i32>} : memref<8x256xf32, #tpu.memory_space<vmem>>, vector<1x16xf32>,
    %swap3A_301 = vector.shape_cast %swap3A_300 : vector<1x16xf32> to vector<16xf32>
    %swap3A_302 = vector.shape_cast %broadcast_in_dim3A_3 : vector<16xf32> to vector<1x16xf32>
    tpu.vector_store %arg13[%swap3A_298, %swap3A_299], %swap3A_302 {strides = array<i32>} : memref<8x256xf32, #tpu.memory_space<vmem>>, vector<1x16xf32>,
    %swap3A_303 = arith.constant 3 : i32
    %swap3A_304 = arith.index_cast %swap3A_303 : i32 to index
    %swap3A_305 = arith.constant 32 : index
    %swap3A_306 = tpu.vector_load %arg13[%swap3A_304, %swap3A_305] {strides = array<i32>} : memref<8x256xf32, #tpu.memory_space<vmem>>, vector<1x16xf32>,
    %swap3A_307 = vector.shape_cast %swap3A_306 : vector<1x16xf32> to vector<16xf32>
    %swap3A_308 = vector.shape_cast %broadcast_in_dim3A_3 : vector<16xf32> to vector<1x16xf32>
    tpu.vector_store %arg13[%swap3A_304, %swap3A_305], %swap3A_308 {strides = array<i32>} : memref<8x256xf32, #tpu.memory_space<vmem>>, vector<1x16xf32>,
    %swap3A_309 = arith.constant 3 : i32
    %swap3A_310 = arith.index_cast %swap3A_309 : i32 to index
    %swap3A_311 = arith.constant 48 : index
    %swap3A_312 = tpu.vector_load %arg13[%swap3A_310, %swap3A_311] {strides = array<i32>} : memref<8x256xf32, #tpu.memory_space<vmem>>, vector<1x16xf32>,
    %swap3A_313 = vector.shape_cast %swap3A_312 : vector<1x16xf32> to vector<16xf32>
    %swap3A_314 = vector.shape_cast %broadcast_in_dim3A_3 : vector<16xf32> to vector<1x16xf32>
    tpu.vector_store %arg13[%swap3A_310, %swap3A_311], %swap3A_314 {strides = array<i32>} : memref<8x256xf32, #tpu.memory_space<vmem>>, vector<1x16xf32>,
    %swap3A_315 = arith.constant 3 : i32
    %swap3A_316 = arith.index_cast %swap3A_315 : i32 to index
    %swap3A_317 = arith.constant 64 : index
    %swap3A_318 = tpu.vector_load %arg13[%swap3A_316, %swap3A_317] {strides = array<i32>} : memref<8x256xf32, #tpu.memory_space<vmem>>, vector<1x16xf32>,
    %swap3A_319 = vector.shape_cast %swap3A_318 : vector<1x16xf32> to vector<16xf32>
    %swap3A_320 = vector.shape_cast %broadcast_in_dim3A_3 : vector<16xf32> to vector<1x16xf32>
    tpu.vector_store %arg13[%swap3A_316, %swap3A_317], %swap3A_320 {strides = array<i32>} : memref<8x256xf32, #tpu.memory_space<vmem>>, vector<1x16xf32>,
    %swap3A_321 = arith.constant 3 : i32
    %swap3A_322 = arith.index_cast %swap3A_321 : i32 to index
    %swap3A_323 = arith.constant 80 : index
    %swap3A_324 = tpu.vector_load %arg13[%swap3A_322, %swap3A_323] {strides = array<i32>} : memref<8x256xf32, #tpu.memory_space<vmem>>, vector<1x16xf32>,
    %swap3A_325 = vector.shape_cast %swap3A_324 : vector<1x16xf32> to vector<16xf32>
    %swap3A_326 = vector.shape_cast %broadcast_in_dim3A_3 : vector<16xf32> to vector<1x16xf32>
    tpu.vector_store %arg13[%swap3A_322, %swap3A_323], %swap3A_326 {strides = array<i32>} : memref<8x256xf32, #tpu.memory_space<vmem>>, vector<1x16xf32>,
    %swap3A_327 = arith.constant 3 : i32
    %swap3A_328 = arith.index_cast %swap3A_327 : i32 to index
    %swap3A_329 = arith.constant 96 : index
    %swap3A_330 = tpu.vector_load %arg13[%swap3A_328, %swap3A_329] {strides = array<i32>} : memref<8x256xf32, #tpu.memory_space<vmem>>, vector<1x16xf32>,
    %swap3A_331 = vector.shape_cast %swap3A_330 : vector<1x16xf32> to vector<16xf32>
    %swap3A_332 = vector.shape_cast %broadcast_in_dim3A_3 : vector<16xf32> to vector<1x16xf32>
    tpu.vector_store %arg13[%swap3A_328, %swap3A_329], %swap3A_332 {strides = array<i32>} : memref<8x256xf32, #tpu.memory_space<vmem>>, vector<1x16xf32>,
    %swap3A_333 = arith.constant 3 : i32
    %swap3A_334 = arith.index_cast %swap3A_333 : i32 to index
    %swap3A_335 = arith.constant 112 : index
    %swap3A_336 = tpu.vector_load %arg13[%swap3A_334, %swap3A_335] {strides = array<i32>} : memref<8x256xf32, #tpu.memory_space<vmem>>, vector<1x16xf32>,
    %swap3A_337 = vector.shape_cast %swap3A_336 : vector<1x16xf32> to vector<16xf32>
    %swap3A_338 = vector.shape_cast %broadcast_in_dim3A_3 : vector<16xf32> to vector<1x16xf32>
    tpu.vector_store %arg13[%swap3A_334, %swap3A_335], %swap3A_338 {strides = array<i32>} : memref<8x256xf32, #tpu.memory_space<vmem>>, vector<1x16xf32>,
    %swap3A_339 = arith.constant 3 : i32
    %swap3A_340 = arith.index_cast %swap3A_339 : i32 to index
    %swap3A_341 = arith.constant 128 : index
    %swap3A_342 = tpu.vector_load %arg13[%swap3A_340, %swap3A_341] {strides = array<i32>} : memref<8x256xf32, #tpu.memory_space<vmem>>, vector<1x16xf32>,
    %swap3A_343 = vector.shape_cast %swap3A_342 : vector<1x16xf32> to vector<16xf32>
    %swap3A_344 = vector.shape_cast %broadcast_in_dim3A_3 : vector<16xf32> to vector<1x16xf32>
    tpu.vector_store %arg13[%swap3A_340, %swap3A_341], %swap3A_344 {strides = array<i32>} : memref<8x256xf32, #tpu.memory_space<vmem>>, vector<1x16xf32>,
    %swap3A_345 = arith.constant 3 : i32
    %swap3A_346 = arith.index_cast %swap3A_345 : i32 to index
    %swap3A_347 = arith.constant 144 : index
    %swap3A_348 = tpu.vector_load %arg13[%swap3A_346, %swap3A_347] {strides = array<i32>} : memref<8x256xf32, #tpu.memory_space<vmem>>, vector<1x16xf32>,
    %swap3A_349 = vector.shape_cast %swap3A_348 : vector<1x16xf32> to vector<16xf32>
    %swap3A_350 = vector.shape_cast %broadcast_in_dim3A_3 : vector<16xf32> to vector<1x16xf32>
    tpu.vector_store %arg13[%swap3A_346, %swap3A_347], %swap3A_350 {strides = array<i32>} : memref<8x256xf32, #tpu.memory_space<vmem>>, vector<1x16xf32>,
    %swap3A_351 = arith.constant 3 : i32
    %swap3A_352 = arith.index_cast %swap3A_351 : i32 to index
    %swap3A_353 = arith.constant 160 : index
    %swap3A_354 = tpu.vector_load %arg13[%swap3A_352, %swap3A_353] {strides = array<i32>} : memref<8x256xf32, #tpu.memory_space<vmem>>, vector<1x16xf32>,
    %swap3A_355 = vector.shape_cast %swap3A_354 : vector<1x16xf32> to vector<16xf32>
    %swap3A_356 = vector.shape_cast %broadcast_in_dim3A_3 : vector<16xf32> to vector<1x16xf32>
    tpu.vector_store %arg13[%swap3A_352, %swap3A_353], %swap3A_356 {strides = array<i32>} : memref<8x256xf32, #tpu.memory_space<vmem>>, vector<1x16xf32>,
    %swap3A_357 = arith.constant 3 : i32
    %swap3A_358 = arith.index_cast %swap3A_357 : i32 to index
    %swap3A_359 = arith.constant 176 : index
    %swap3A_360 = tpu.vector_load %arg13[%swap3A_358, %swap3A_359] {strides = array<i32>} : memref<8x256xf32, #tpu.memory_space<vmem>>, vector<1x16xf32>,
    %swap3A_361 = vector.shape_cast %swap3A_360 : vector<1x16xf32> to vector<16xf32>
    %swap3A_362 = vector.shape_cast %broadcast_in_dim3A_3 : vector<16xf32> to vector<1x16xf32>
    tpu.vector_store %arg13[%swap3A_358, %swap3A_359], %swap3A_362 {strides = array<i32>} : memref<8x256xf32, #tpu.memory_space<vmem>>, vector<1x16xf32>,
    %swap3A_363 = arith.constant 3 : i32
    %swap3A_364 = arith.index_cast %swap3A_363 : i32 to index
    %swap3A_365 = arith.constant 192 : index
    %swap3A_366 = tpu.vector_load %arg13[%swap3A_364, %swap3A_365] {strides = array<i32>} : memref<8x256xf32, #tpu.memory_space<vmem>>, vector<1x16xf32>,
    %swap3A_367 = vector.shape_cast %swap3A_366 : vector<1x16xf32> to vector<16xf32>
    %swap3A_368 = vector.shape_cast %broadcast_in_dim3A_3 : vector<16xf32> to vector<1x16xf32>
    tpu.vector_store %arg13[%swap3A_364, %swap3A_365], %swap3A_368 {strides = array<i32>} : memref<8x256xf32, #tpu.memory_space<vmem>>, vector<1x16xf32>,
    %swap3A_369 = arith.constant 3 : i32
    %swap3A_370 = arith.index_cast %swap3A_369 : i32 to index
    %swap3A_371 = arith.constant 208 : index
    %swap3A_372 = tpu.vector_load %arg13[%swap3A_370, %swap3A_371] {strides = array<i32>} : memref<8x256xf32, #tpu.memory_space<vmem>>, vector<1x16xf32>,
    %swap3A_373 = vector.shape_cast %swap3A_372 : vector<1x16xf32> to vector<16xf32>
    %swap3A_374 = vector.shape_cast %broadcast_in_dim3A_3 : vector<16xf32> to vector<1x16xf32>
    tpu.vector_store %arg13[%swap3A_370, %swap3A_371], %swap3A_374 {strides = array<i32>} : memref<8x256xf32, #tpu.memory_space<vmem>>, vector<1x16xf32>,
    %swap3A_375 = arith.constant 3 : i32
    %swap3A_376 = arith.index_cast %swap3A_375 : i32 to index
    %swap3A_377 = arith.constant 224 : index
    %swap3A_378 = tpu.vector_load %arg13[%swap3A_376, %swap3A_377] {strides = array<i32>} : memref<8x256xf32, #tpu.memory_space<vmem>>, vector<1x16xf32>,
    %swap3A_379 = vector.shape_cast %swap3A_378 : vector<1x16xf32> to vector<16xf32>
    %swap3A_380 = vector.shape_cast %broadcast_in_dim3A_3 : vector<16xf32> to vector<1x16xf32>
    tpu.vector_store %arg13[%swap3A_376, %swap3A_377], %swap3A_380 {strides = array<i32>} : memref<8x256xf32, #tpu.memory_space<vmem>>, vector<1x16xf32>,
    %swap3A_381 = arith.constant 3 : i32
    %swap3A_382 = arith.index_cast %swap3A_381 : i32 to index
    %swap3A_383 = arith.constant 240 : index
    %swap3A_384 = tpu.vector_load %arg13[%swap3A_382, %swap3A_383] {strides = array<i32>} : memref<8x256xf32, #tpu.memory_space<vmem>>, vector<1x16xf32>,
    %swap3A_385 = vector.shape_cast %swap3A_384 : vector<1x16xf32> to vector<16xf32>
    %swap3A_386 = vector.shape_cast %broadcast_in_dim3A_3 : vector<16xf32> to vector<1x16xf32>
    tpu.vector_store %arg13[%swap3A_382, %swap3A_383], %swap3A_386 {strides = array<i32>} : memref<8x256xf32, #tpu.memory_space<vmem>>, vector<1x16xf32>,
    %swap3A_387 = arith.constant 4 : i32
    %swap3A_388 = arith.index_cast %swap3A_387 : i32 to index
    %swap3A_389 = arith.constant 0 : index
    %swap3A_390 = tpu.vector_load %arg13[%swap3A_388, %swap3A_389] {strides = array<i32>} : memref<8x256xf32, #tpu.memory_space<vmem>>, vector<1x16xf32>,
    %swap3A_391 = vector.shape_cast %swap3A_390 : vector<1x16xf32> to vector<16xf32>
    %swap3A_392 = vector.shape_cast %broadcast_in_dim3A_3 : vector<16xf32> to vector<1x16xf32>
    tpu.vector_store %arg13[%swap3A_388, %swap3A_389], %swap3A_392 {strides = array<i32>} : memref<8x256xf32, #tpu.memory_space<vmem>>, vector<1x16xf32>,
    %swap3A_393 = arith.constant 4 : i32
    %swap3A_394 = arith.index_cast %swap3A_393 : i32 to index
    %swap3A_395 = arith.constant 16 : index
    %swap3A_396 = tpu.vector_load %arg13[%swap3A_394, %swap3A_395] {strides = array<i32>} : memref<8x256xf32, #tpu.memory_space<vmem>>, vector<1x16xf32>,
    %swap3A_397 = vector.shape_cast %swap3A_396 : vector<1x16xf32> to vector<16xf32>
    %swap3A_398 = vector.shape_cast %broadcast_in_dim3A_3 : vector<16xf32> to vector<1x16xf32>
    tpu.vector_store %arg13[%swap3A_394, %swap3A_395], %swap3A_398 {strides = array<i32>} : memref<8x256xf32, #tpu.memory_space<vmem>>, vector<1x16xf32>,
    %swap3A_399 = arith.constant 4 : i32
    %swap3A_400 = arith.index_cast %swap3A_399 : i32 to index
    %swap3A_401 = arith.constant 32 : index
    %swap3A_402 = tpu.vector_load %arg13[%swap3A_400, %swap3A_401] {strides = array<i32>} : memref<8x256xf32, #tpu.memory_space<vmem>>, vector<1x16xf32>,
    %swap3A_403 = vector.shape_cast %swap3A_402 : vector<1x16xf32> to vector<16xf32>
    %swap3A_404 = vector.shape_cast %broadcast_in_dim3A_3 : vector<16xf32> to vector<1x16xf32>
    tpu.vector_store %arg13[%swap3A_400, %swap3A_401], %swap3A_404 {strides = array<i32>} : memref<8x256xf32, #tpu.memory_space<vmem>>, vector<1x16xf32>,
    %swap3A_405 = arith.constant 4 : i32
    %swap3A_406 = arith.index_cast %swap3A_405 : i32 to index
    %swap3A_407 = arith.constant 48 : index
    %swap3A_408 = tpu.vector_load %arg13[%swap3A_406, %swap3A_407] {strides = array<i32>} : memref<8x256xf32, #tpu.memory_space<vmem>>, vector<1x16xf32>,
    %swap3A_409 = vector.shape_cast %swap3A_408 : vector<1x16xf32> to vector<16xf32>
    %swap3A_410 = vector.shape_cast %broadcast_in_dim3A_3 : vector<16xf32> to vector<1x16xf32>
    tpu.vector_store %arg13[%swap3A_406, %swap3A_407], %swap3A_410 {strides = array<i32>} : memref<8x256xf32, #tpu.memory_space<vmem>>, vector<1x16xf32>,
    %swap3A_411 = arith.constant 4 : i32
    %swap3A_412 = arith.index_cast %swap3A_411 : i32 to index
    %swap3A_413 = arith.constant 64 : index
    %swap3A_414 = tpu.vector_load %arg13[%swap3A_412, %swap3A_413] {strides = array<i32>} : memref<8x256xf32, #tpu.memory_space<vmem>>, vector<1x16xf32>,
    %swap3A_415 = vector.shape_cast %swap3A_414 : vector<1x16xf32> to vector<16xf32>
    %swap3A_416 = vector.shape_cast %broadcast_in_dim3A_3 : vector<16xf32> to vector<1x16xf32>
    tpu.vector_store %arg13[%swap3A_412, %swap3A_413], %swap3A_416 {strides = array<i32>} : memref<8x256xf32, #tpu.memory_space<vmem>>, vector<1x16xf32>,
    %swap3A_417 = arith.constant 4 : i32
    %swap3A_418 = arith.index_cast %swap3A_417 : i32 to index
    %swap3A_419 = arith.constant 80 : index
    %swap3A_420 = tpu.vector_load %arg13[%swap3A_418, %swap3A_419] {strides = array<i32>} : memref<8x256xf32, #tpu.memory_space<vmem>>, vector<1x16xf32>,
    %swap3A_421 = vector.shape_cast %swap3A_420 : vector<1x16xf32> to vector<16xf32>
    %swap3A_422 = vector.shape_cast %broadcast_in_dim3A_3 : vector<16xf32> to vector<1x16xf32>
    tpu.vector_store %arg13[%swap3A_418, %swap3A_419], %swap3A_422 {strides = array<i32>} : memref<8x256xf32, #tpu.memory_space<vmem>>, vector<1x16xf32>,
    %swap3A_423 = arith.constant 4 : i32
    %swap3A_424 = arith.index_cast %swap3A_423 : i32 to index
    %swap3A_425 = arith.constant 96 : index
    %swap3A_426 = tpu.vector_load %arg13[%swap3A_424, %swap3A_425] {strides = array<i32>} : memref<8x256xf32, #tpu.memory_space<vmem>>, vector<1x16xf32>,
    %swap3A_427 = vector.shape_cast %swap3A_426 : vector<1x16xf32> to vector<16xf32>
    %swap3A_428 = vector.shape_cast %broadcast_in_dim3A_3 : vector<16xf32> to vector<1x16xf32>
    tpu.vector_store %arg13[%swap3A_424, %swap3A_425], %swap3A_428 {strides = array<i32>} : memref<8x256xf32, #tpu.memory_space<vmem>>, vector<1x16xf32>,
    %swap3A_429 = arith.constant 4 : i32
    %swap3A_430 = arith.index_cast %swap3A_429 : i32 to index
    %swap3A_431 = arith.constant 112 : index
    %swap3A_432 = tpu.vector_load %arg13[%swap3A_430, %swap3A_431] {strides = array<i32>} : memref<8x256xf32, #tpu.memory_space<vmem>>, vector<1x16xf32>,
    %swap3A_433 = vector.shape_cast %swap3A_432 : vector<1x16xf32> to vector<16xf32>
    %swap3A_434 = vector.shape_cast %broadcast_in_dim3A_3 : vector<16xf32> to vector<1x16xf32>
    tpu.vector_store %arg13[%swap3A_430, %swap3A_431], %swap3A_434 {strides = array<i32>} : memref<8x256xf32, #tpu.memory_space<vmem>>, vector<1x16xf32>,
    %swap3A_435 = arith.constant 4 : i32
    %swap3A_436 = arith.index_cast %swap3A_435 : i32 to index
    %swap3A_437 = arith.constant 128 : index
    %swap3A_438 = tpu.vector_load %arg13[%swap3A_436, %swap3A_437] {strides = array<i32>} : memref<8x256xf32, #tpu.memory_space<vmem>>, vector<1x16xf32>,
    %swap3A_439 = vector.shape_cast %swap3A_438 : vector<1x16xf32> to vector<16xf32>
    %swap3A_440 = vector.shape_cast %broadcast_in_dim3A_3 : vector<16xf32> to vector<1x16xf32>
    tpu.vector_store %arg13[%swap3A_436, %swap3A_437], %swap3A_440 {strides = array<i32>} : memref<8x256xf32, #tpu.memory_space<vmem>>, vector<1x16xf32>,
    %swap3A_441 = arith.constant 4 : i32
    %swap3A_442 = arith.index_cast %swap3A_441 : i32 to index
    %swap3A_443 = arith.constant 144 : index
    %swap3A_444 = tpu.vector_load %arg13[%swap3A_442, %swap3A_443] {strides = array<i32>} : memref<8x256xf32, #tpu.memory_space<vmem>>, vector<1x16xf32>,
    %swap3A_445 = vector.shape_cast %swap3A_444 : vector<1x16xf32> to vector<16xf32>
    %swap3A_446 = vector.shape_cast %broadcast_in_dim3A_3 : vector<16xf32> to vector<1x16xf32>
    tpu.vector_store %arg13[%swap3A_442, %swap3A_443], %swap3A_446 {strides = array<i32>} : memref<8x256xf32, #tpu.memory_space<vmem>>, vector<1x16xf32>,
    %swap3A_447 = arith.constant 4 : i32
    %swap3A_448 = arith.index_cast %swap3A_447 : i32 to index
    %swap3A_449 = arith.constant 160 : index
    %swap3A_450 = tpu.vector_load %arg13[%swap3A_448, %swap3A_449] {strides = array<i32>} : memref<8x256xf32, #tpu.memory_space<vmem>>, vector<1x16xf32>,
    %swap3A_451 = vector.shape_cast %swap3A_450 : vector<1x16xf32> to vector<16xf32>
    %swap3A_452 = vector.shape_cast %broadcast_in_dim3A_3 : vector<16xf32> to vector<1x16xf32>
    tpu.vector_store %arg13[%swap3A_448, %swap3A_449], %swap3A_452 {strides = array<i32>} : memref<8x256xf32, #tpu.memory_space<vmem>>, vector<1x16xf32>,
    %swap3A_453 = arith.constant 4 : i32
    %swap3A_454 = arith.index_cast %swap3A_453 : i32 to index
    %swap3A_455 = arith.constant 176 : index
    %swap3A_456 = tpu.vector_load %arg13[%swap3A_454, %swap3A_455] {strides = array<i32>} : memref<8x256xf32, #tpu.memory_space<vmem>>, vector<1x16xf32>,
    %swap3A_457 = vector.shape_cast %swap3A_456 : vector<1x16xf32> to vector<16xf32>
    %swap3A_458 = vector.shape_cast %broadcast_in_dim3A_3 : vector<16xf32> to vector<1x16xf32>
    tpu.vector_store %arg13[%swap3A_454, %swap3A_455], %swap3A_458 {strides = array<i32>} : memref<8x256xf32, #tpu.memory_space<vmem>>, vector<1x16xf32>,
    %swap3A_459 = arith.constant 4 : i32
    %swap3A_460 = arith.index_cast %swap3A_459 : i32 to index
    %swap3A_461 = arith.constant 192 : index
    %swap3A_462 = tpu.vector_load %arg13[%swap3A_460, %swap3A_461] {strides = array<i32>} : memref<8x256xf32, #tpu.memory_space<vmem>>, vector<1x16xf32>,
    %swap3A_463 = vector.shape_cast %swap3A_462 : vector<1x16xf32> to vector<16xf32>
    %swap3A_464 = vector.shape_cast %broadcast_in_dim3A_3 : vector<16xf32> to vector<1x16xf32>
    tpu.vector_store %arg13[%swap3A_460, %swap3A_461], %swap3A_464 {strides = array<i32>} : memref<8x256xf32, #tpu.memory_space<vmem>>, vector<1x16xf32>,
    %swap3A_465 = arith.constant 4 : i32
    %swap3A_466 = arith.index_cast %swap3A_465 : i32 to index
    %swap3A_467 = arith.constant 208 : index
    %swap3A_468 = tpu.vector_load %arg13[%swap3A_466, %swap3A_467] {strides = array<i32>} : memref<8x256xf32, #tpu.memory_space<vmem>>, vector<1x16xf32>,
    %swap3A_469 = vector.shape_cast %swap3A_468 : vector<1x16xf32> to vector<16xf32>
    %swap3A_470 = vector.shape_cast %broadcast_in_dim3A_3 : vector<16xf32> to vector<1x16xf32>
    tpu.vector_store %arg13[%swap3A_466, %swap3A_467], %swap3A_470 {strides = array<i32>} : memref<8x256xf32, #tpu.memory_space<vmem>>, vector<1x16xf32>,
    %swap3A_471 = arith.constant 4 : i32
    %swap3A_472 = arith.index_cast %swap3A_471 : i32 to index
    %swap3A_473 = arith.constant 224 : index
    %swap3A_474 = tpu.vector_load %arg13[%swap3A_472, %swap3A_473] {strides = array<i32>} : memref<8x256xf32, #tpu.memory_space<vmem>>, vector<1x16xf32>,
    %swap3A_475 = vector.shape_cast %swap3A_474 : vector<1x16xf32> to vector<16xf32>
    %swap3A_476 = vector.shape_cast %broadcast_in_dim3A_3 : vector<16xf32> to vector<1x16xf32>
    tpu.vector_store %arg13[%swap3A_472, %swap3A_473], %swap3A_476 {strides = array<i32>} : memref<8x256xf32, #tpu.memory_space<vmem>>, vector<1x16xf32>,
    %swap3A_477 = arith.constant 4 : i32
    %swap3A_478 = arith.index_cast %swap3A_477 : i32 to index
    %swap3A_479 = arith.constant 240 : index
    %swap3A_480 = tpu.vector_load %arg13[%swap3A_478, %swap3A_479] {strides = array<i32>} : memref<8x256xf32, #tpu.memory_space<vmem>>, vector<1x16xf32>,
    %swap3A_481 = vector.shape_cast %swap3A_480 : vector<1x16xf32> to vector<16xf32>
    %swap3A_482 = vector.shape_cast %broadcast_in_dim3A_3 : vector<16xf32> to vector<1x16xf32>
    tpu.vector_store %arg13[%swap3A_478, %swap3A_479], %swap3A_482 {strides = array<i32>} : memref<8x256xf32, #tpu.memory_space<vmem>>, vector<1x16xf32>,
    %swap3A_483 = arith.constant 5 : i32
    %swap3A_484 = arith.index_cast %swap3A_483 : i32 to index
    %swap3A_485 = arith.constant 0 : index
    %swap3A_486 = tpu.vector_load %arg13[%swap3A_484, %swap3A_485] {strides = array<i32>} : memref<8x256xf32, #tpu.memory_space<vmem>>, vector<1x16xf32>,
    %swap3A_487 = vector.shape_cast %swap3A_486 : vector<1x16xf32> to vector<16xf32>
    %swap3A_488 = vector.shape_cast %broadcast_in_dim3A_3 : vector<16xf32> to vector<1x16xf32>
    tpu.vector_store %arg13[%swap3A_484, %swap3A_485], %swap3A_488 {strides = array<i32>} : memref<8x256xf32, #tpu.memory_space<vmem>>, vector<1x16xf32>,
    %swap3A_489 = arith.constant 5 : i32
    %swap3A_490 = arith.index_cast %swap3A_489 : i32 to index
    %swap3A_491 = arith.constant 16 : index
    %swap3A_492 = tpu.vector_load %arg13[%swap3A_490, %swap3A_491] {strides = array<i32>} : memref<8x256xf32, #tpu.memory_space<vmem>>, vector<1x16xf32>,
    %swap3A_493 = vector.shape_cast %swap3A_492 : vector<1x16xf32> to vector<16xf32>
    %swap3A_494 = vector.shape_cast %broadcast_in_dim3A_3 : vector<16xf32> to vector<1x16xf32>
    tpu.vector_store %arg13[%swap3A_490, %swap3A_491], %swap3A_494 {strides = array<i32>} : memref<8x256xf32, #tpu.memory_space<vmem>>, vector<1x16xf32>,
    %swap3A_495 = arith.constant 5 : i32
    %swap3A_496 = arith.index_cast %swap3A_495 : i32 to index
    %swap3A_497 = arith.constant 32 : index
    %swap3A_498 = tpu.vector_load %arg13[%swap3A_496, %swap3A_497] {strides = array<i32>} : memref<8x256xf32, #tpu.memory_space<vmem>>, vector<1x16xf32>,
    %swap3A_499 = vector.shape_cast %swap3A_498 : vector<1x16xf32> to vector<16xf32>
    %swap3A_500 = vector.shape_cast %broadcast_in_dim3A_3 : vector<16xf32> to vector<1x16xf32>
    tpu.vector_store %arg13[%swap3A_496, %swap3A_497], %swap3A_500 {strides = array<i32>} : memref<8x256xf32, #tpu.memory_space<vmem>>, vector<1x16xf32>,
    %swap3A_501 = arith.constant 5 : i32
    %swap3A_502 = arith.index_cast %swap3A_501 : i32 to index
    %swap3A_503 = arith.constant 48 : index
    %swap3A_504 = tpu.vector_load %arg13[%swap3A_502, %swap3A_503] {strides = array<i32>} : memref<8x256xf32, #tpu.memory_space<vmem>>, vector<1x16xf32>,
    %swap3A_505 = vector.shape_cast %swap3A_504 : vector<1x16xf32> to vector<16xf32>
    %swap3A_506 = vector.shape_cast %broadcast_in_dim3A_3 : vector<16xf32> to vector<1x16xf32>
    tpu.vector_store %arg13[%swap3A_502, %swap3A_503], %swap3A_506 {strides = array<i32>} : memref<8x256xf32, #tpu.memory_space<vmem>>, vector<1x16xf32>,
    %swap3A_507 = arith.constant 5 : i32
    %swap3A_508 = arith.index_cast %swap3A_507 : i32 to index
    %swap3A_509 = arith.constant 64 : index
    %swap3A_510 = tpu.vector_load %arg13[%swap3A_508, %swap3A_509] {strides = array<i32>} : memref<8x256xf32, #tpu.memory_space<vmem>>, vector<1x16xf32>,
    %swap3A_511 = vector.shape_cast %swap3A_510 : vector<1x16xf32> to vector<16xf32>
    %swap3A_512 = vector.shape_cast %broadcast_in_dim3A_3 : vector<16xf32> to vector<1x16xf32>
    tpu.vector_store %arg13[%swap3A_508, %swap3A_509], %swap3A_512 {strides = array<i32>} : memref<8x256xf32, #tpu.memory_space<vmem>>, vector<1x16xf32>,
    %swap3A_513 = arith.constant 5 : i32
    %swap3A_514 = arith.index_cast %swap3A_513 : i32 to index
    %swap3A_515 = arith.constant 80 : index
    %swap3A_516 = tpu.vector_load %arg13[%swap3A_514, %swap3A_515] {strides = array<i32>} : memref<8x256xf32, #tpu.memory_space<vmem>>, vector<1x16xf32>,
    %swap3A_517 = vector.shape_cast %swap3A_516 : vector<1x16xf32> to vector<16xf32>
    %swap3A_518 = vector.shape_cast %broadcast_in_dim3A_3 : vector<16xf32> to vector<1x16xf32>
    tpu.vector_store %arg13[%swap3A_514, %swap3A_515], %swap3A_518 {strides = array<i32>} : memref<8x256xf32, #tpu.memory_space<vmem>>, vector<1x16xf32>,
    %swap3A_519 = arith.constant 5 : i32
    %swap3A_520 = arith.index_cast %swap3A_519 : i32 to index
    %swap3A_521 = arith.constant 96 : index
    %swap3A_522 = tpu.vector_load %arg13[%swap3A_520, %swap3A_521] {strides = array<i32>} : memref<8x256xf32, #tpu.memory_space<vmem>>, vector<1x16xf32>,
    %swap3A_523 = vector.shape_cast %swap3A_522 : vector<1x16xf32> to vector<16xf32>
    %swap3A_524 = vector.shape_cast %broadcast_in_dim3A_3 : vector<16xf32> to vector<1x16xf32>
    tpu.vector_store %arg13[%swap3A_520, %swap3A_521], %swap3A_524 {strides = array<i32>} : memref<8x256xf32, #tpu.memory_space<vmem>>, vector<1x16xf32>,
    %swap3A_525 = arith.constant 5 : i32
    %swap3A_526 = arith.index_cast %swap3A_525 : i32 to index
    %swap3A_527 = arith.constant 112 : index
    %swap3A_528 = tpu.vector_load %arg13[%swap3A_526, %swap3A_527] {strides = array<i32>} : memref<8x256xf32, #tpu.memory_space<vmem>>, vector<1x16xf32>,
    %swap3A_529 = vector.shape_cast %swap3A_528 : vector<1x16xf32> to vector<16xf32>
    %swap3A_530 = vector.shape_cast %broadcast_in_dim3A_3 : vector<16xf32> to vector<1x16xf32>
    tpu.vector_store %arg13[%swap3A_526, %swap3A_527], %swap3A_530 {strides = array<i32>} : memref<8x256xf32, #tpu.memory_space<vmem>>, vector<1x16xf32>,
    %swap3A_531 = arith.constant 5 : i32
    %swap3A_532 = arith.index_cast %swap3A_531 : i32 to index
    %swap3A_533 = arith.constant 128 : index
    %swap3A_534 = tpu.vector_load %arg13[%swap3A_532, %swap3A_533] {strides = array<i32>} : memref<8x256xf32, #tpu.memory_space<vmem>>, vector<1x16xf32>,
    %swap3A_535 = vector.shape_cast %swap3A_534 : vector<1x16xf32> to vector<16xf32>
    %swap3A_536 = vector.shape_cast %broadcast_in_dim3A_3 : vector<16xf32> to vector<1x16xf32>
    tpu.vector_store %arg13[%swap3A_532, %swap3A_533], %swap3A_536 {strides = array<i32>} : memref<8x256xf32, #tpu.memory_space<vmem>>, vector<1x16xf32>,
    %swap3A_537 = arith.constant 5 : i32
    %swap3A_538 = arith.index_cast %swap3A_537 : i32 to index
    %swap3A_539 = arith.constant 144 : index
    %swap3A_540 = tpu.vector_load %arg13[%swap3A_538, %swap3A_539] {strides = array<i32>} : memref<8x256xf32, #tpu.memory_space<vmem>>, vector<1x16xf32>,
    %swap3A_541 = vector.shape_cast %swap3A_540 : vector<1x16xf32> to vector<16xf32>
    %swap3A_542 = vector.shape_cast %broadcast_in_dim3A_3 : vector<16xf32> to vector<1x16xf32>
    tpu.vector_store %arg13[%swap3A_538, %swap3A_539], %swap3A_542 {strides = array<i32>} : memref<8x256xf32, #tpu.memory_space<vmem>>, vector<1x16xf32>,
    %swap3A_543 = arith.constant 5 : i32
    %swap3A_544 = arith.index_cast %swap3A_543 : i32 to index
    %swap3A_545 = arith.constant 160 : index
    %swap3A_546 = tpu.vector_load %arg13[%swap3A_544, %swap3A_545] {strides = array<i32>} : memref<8x256xf32, #tpu.memory_space<vmem>>, vector<1x16xf32>,
    %swap3A_547 = vector.shape_cast %swap3A_546 : vector<1x16xf32> to vector<16xf32>
    %swap3A_548 = vector.shape_cast %broadcast_in_dim3A_3 : vector<16xf32> to vector<1x16xf32>
    tpu.vector_store %arg13[%swap3A_544, %swap3A_545], %swap3A_548 {strides = array<i32>} : memref<8x256xf32, #tpu.memory_space<vmem>>, vector<1x16xf32>,
    %swap3A_549 = arith.constant 5 : i32
    %swap3A_550 = arith.index_cast %swap3A_549 : i32 to index
    %swap3A_551 = arith.constant 176 : index
    %swap3A_552 = tpu.vector_load %arg13[%swap3A_550, %swap3A_551] {strides = array<i32>} : memref<8x256xf32, #tpu.memory_space<vmem>>, vector<1x16xf32>,
    %swap3A_553 = vector.shape_cast %swap3A_552 : vector<1x16xf32> to vector<16xf32>
    %swap3A_554 = vector.shape_cast %broadcast_in_dim3A_3 : vector<16xf32> to vector<1x16xf32>
    tpu.vector_store %arg13[%swap3A_550, %swap3A_551], %swap3A_554 {strides = array<i32>} : memref<8x256xf32, #tpu.memory_space<vmem>>, vector<1x16xf32>,
    %swap3A_555 = arith.constant 5 : i32
    %swap3A_556 = arith.index_cast %swap3A_555 : i32 to index
    %swap3A_557 = arith.constant 192 : index
    %swap3A_558 = tpu.vector_load %arg13[%swap3A_556, %swap3A_557] {strides = array<i32>} : memref<8x256xf32, #tpu.memory_space<vmem>>, vector<1x16xf32>,
    %swap3A_559 = vector.shape_cast %swap3A_558 : vector<1x16xf32> to vector<16xf32>
    %swap3A_560 = vector.shape_cast %broadcast_in_dim3A_3 : vector<16xf32> to vector<1x16xf32>
    tpu.vector_store %arg13[%swap3A_556, %swap3A_557], %swap3A_560 {strides = array<i32>} : memref<8x256xf32, #tpu.memory_space<vmem>>, vector<1x16xf32>,
    %swap3A_561 = arith.constant 5 : i32
    %swap3A_562 = arith.index_cast %swap3A_561 : i32 to index
    %swap3A_563 = arith.constant 208 : index
    %swap3A_564 = tpu.vector_load %arg13[%swap3A_562, %swap3A_563] {strides = array<i32>} : memref<8x256xf32, #tpu.memory_space<vmem>>, vector<1x16xf32>,
    %swap3A_565 = vector.shape_cast %swap3A_564 : vector<1x16xf32> to vector<16xf32>
    %swap3A_566 = vector.shape_cast %broadcast_in_dim3A_3 : vector<16xf32> to vector<1x16xf32>
    tpu.vector_store %arg13[%swap3A_562, %swap3A_563], %swap3A_566 {strides = array<i32>} : memref<8x256xf32, #tpu.memory_space<vmem>>, vector<1x16xf32>,
    %swap3A_567 = arith.constant 5 : i32
    %swap3A_568 = arith.index_cast %swap3A_567 : i32 to index
    %swap3A_569 = arith.constant 224 : index
    %swap3A_570 = tpu.vector_load %arg13[%swap3A_568, %swap3A_569] {strides = array<i32>} : memref<8x256xf32, #tpu.memory_space<vmem>>, vector<1x16xf32>,
    %swap3A_571 = vector.shape_cast %swap3A_570 : vector<1x16xf32> to vector<16xf32>
    %swap3A_572 = vector.shape_cast %broadcast_in_dim3A_3 : vector<16xf32> to vector<1x16xf32>
    tpu.vector_store %arg13[%swap3A_568, %swap3A_569], %swap3A_572 {strides = array<i32>} : memref<8x256xf32, #tpu.memory_space<vmem>>, vector<1x16xf32>,
    %swap3A_573 = arith.constant 5 : i32
    %swap3A_574 = arith.index_cast %swap3A_573 : i32 to index
    %swap3A_575 = arith.constant 240 : index
    %swap3A_576 = tpu.vector_load %arg13[%swap3A_574, %swap3A_575] {strides = array<i32>} : memref<8x256xf32, #tpu.memory_space<vmem>>, vector<1x16xf32>,
    %swap3A_577 = vector.shape_cast %swap3A_576 : vector<1x16xf32> to vector<16xf32>
    %swap3A_578 = vector.shape_cast %broadcast_in_dim3A_3 : vector<16xf32> to vector<1x16xf32>
    tpu.vector_store %arg13[%swap3A_574, %swap3A_575], %swap3A_578 {strides = array<i32>} : memref<8x256xf32, #tpu.memory_space<vmem>>, vector<1x16xf32>,
    %swap3A_579 = arith.constant 6 : i32
    %swap3A_580 = arith.index_cast %swap3A_579 : i32 to index
    %swap3A_581 = arith.constant 0 : index
    %swap3A_582 = tpu.vector_load %arg13[%swap3A_580, %swap3A_581] {strides = array<i32>} : memref<8x256xf32, #tpu.memory_space<vmem>>, vector<1x16xf32>,
    %swap3A_583 = vector.shape_cast %swap3A_582 : vector<1x16xf32> to vector<16xf32>
    %swap3A_584 = vector.shape_cast %broadcast_in_dim3A_3 : vector<16xf32> to vector<1x16xf32>
    tpu.vector_store %arg13[%swap3A_580, %swap3A_581], %swap3A_584 {strides = array<i32>} : memref<8x256xf32, #tpu.memory_space<vmem>>, vector<1x16xf32>,
    %swap3A_585 = arith.constant 6 : i32
    %swap3A_586 = arith.index_cast %swap3A_585 : i32 to index
    %swap3A_587 = arith.constant 16 : index
    %swap3A_588 = tpu.vector_load %arg13[%swap3A_586, %swap3A_587] {strides = array<i32>} : memref<8x256xf32, #tpu.memory_space<vmem>>, vector<1x16xf32>,
    %swap3A_589 = vector.shape_cast %swap3A_588 : vector<1x16xf32> to vector<16xf32>
    %swap3A_590 = vector.shape_cast %broadcast_in_dim3A_3 : vector<16xf32> to vector<1x16xf32>
    tpu.vector_store %arg13[%swap3A_586, %swap3A_587], %swap3A_590 {strides = array<i32>} : memref<8x256xf32, #tpu.memory_space<vmem>>, vector<1x16xf32>,
    %swap3A_591 = arith.constant 6 : i32
    %swap3A_592 = arith.index_cast %swap3A_591 : i32 to index
    %swap3A_593 = arith.constant 32 : index
    %swap3A_594 = tpu.vector_load %arg13[%swap3A_592, %swap3A_593] {strides = array<i32>} : memref<8x256xf32, #tpu.memory_space<vmem>>, vector<1x16xf32>,
    %swap3A_595 = vector.shape_cast %swap3A_594 : vector<1x16xf32> to vector<16xf32>
    %swap3A_596 = vector.shape_cast %broadcast_in_dim3A_3 : vector<16xf32> to vector<1x16xf32>
    tpu.vector_store %arg13[%swap3A_592, %swap3A_593], %swap3A_596 {strides = array<i32>} : memref<8x256xf32, #tpu.memory_space<vmem>>, vector<1x16xf32>,
    %swap3A_597 = arith.constant 6 : i32
    %swap3A_598 = arith.index_cast %swap3A_597 : i32 to index
    %swap3A_599 = arith.constant 48 : index
    %swap3A_600 = tpu.vector_load %arg13[%swap3A_598, %swap3A_599] {strides = array<i32>} : memref<8x256xf32, #tpu.memory_space<vmem>>, vector<1x16xf32>,
    %swap3A_601 = vector.shape_cast %swap3A_600 : vector<1x16xf32> to vector<16xf32>
    %swap3A_602 = vector.shape_cast %broadcast_in_dim3A_3 : vector<16xf32> to vector<1x16xf32>
    tpu.vector_store %arg13[%swap3A_598, %swap3A_599], %swap3A_602 {strides = array<i32>} : memref<8x256xf32, #tpu.memory_space<vmem>>, vector<1x16xf32>,
    %swap3A_603 = arith.constant 6 : i32
    %swap3A_604 = arith.index_cast %swap3A_603 : i32 to index
    %swap3A_605 = arith.constant 64 : index
    %swap3A_606 = tpu.vector_load %arg13[%swap3A_604, %swap3A_605] {strides = array<i32>} : memref<8x256xf32, #tpu.memory_space<vmem>>, vector<1x16xf32>,
    %swap3A_607 = vector.shape_cast %swap3A_606 : vector<1x16xf32> to vector<16xf32>
    %swap3A_608 = vector.shape_cast %broadcast_in_dim3A_3 : vector<16xf32> to vector<1x16xf32>
    tpu.vector_store %arg13[%swap3A_604, %swap3A_605], %swap3A_608 {strides = array<i32>} : memref<8x256xf32, #tpu.memory_space<vmem>>, vector<1x16xf32>,
    %swap3A_609 = arith.constant 6 : i32
    %swap3A_610 = arith.index_cast %swap3A_609 : i32 to index
    %swap3A_611 = arith.constant 80 : index
    %swap3A_612 = tpu.vector_load %arg13[%swap3A_610, %swap3A_611] {strides = array<i32>} : memref<8x256xf32, #tpu.memory_space<vmem>>, vector<1x16xf32>,
    %swap3A_613 = vector.shape_cast %swap3A_612 : vector<1x16xf32> to vector<16xf32>
    %swap3A_614 = vector.shape_cast %broadcast_in_dim3A_3 : vector<16xf32> to vector<1x16xf32>
    tpu.vector_store %arg13[%swap3A_610, %swap3A_611], %swap3A_614 {strides = array<i32>} : memref<8x256xf32, #tpu.memory_space<vmem>>, vector<1x16xf32>,
    %swap3A_615 = arith.constant 6 : i32
    %swap3A_616 = arith.index_cast %swap3A_615 : i32 to index
    %swap3A_617 = arith.constant 96 : index
    %swap3A_618 = tpu.vector_load %arg13[%swap3A_616, %swap3A_617] {strides = array<i32>} : memref<8x256xf32, #tpu.memory_space<vmem>>, vector<1x16xf32>,
    %swap3A_619 = vector.shape_cast %swap3A_618 : vector<1x16xf32> to vector<16xf32>
    %swap3A_620 = vector.shape_cast %broadcast_in_dim3A_3 : vector<16xf32> to vector<1x16xf32>
    tpu.vector_store %arg13[%swap3A_616, %swap3A_617], %swap3A_620 {strides = array<i32>} : memref<8x256xf32, #tpu.memory_space<vmem>>, vector<1x16xf32>,
    %swap3A_621 = arith.constant 6 : i32
    %swap3A_622 = arith.index_cast %swap3A_621 : i32 to index
    %swap3A_623 = arith.constant 112 : index
    %swap3A_624 = tpu.vector_load %arg13[%swap3A_622, %swap3A_623] {strides = array<i32>} : memref<8x256xf32, #tpu.memory_space<vmem>>, vector<1x16xf32>,
    %swap3A_625 = vector.shape_cast %swap3A_624 : vector<1x16xf32> to vector<16xf32>
    %swap3A_626 = vector.shape_cast %broadcast_in_dim3A_3 : vector<16xf32> to vector<1x16xf32>
    tpu.vector_store %arg13[%swap3A_622, %swap3A_623], %swap3A_626 {strides = array<i32>} : memref<8x256xf32, #tpu.memory_space<vmem>>, vector<1x16xf32>,
    %swap3A_627 = arith.constant 6 : i32
    %swap3A_628 = arith.index_cast %swap3A_627 : i32 to index
    %swap3A_629 = arith.constant 128 : index
    %swap3A_630 = tpu.vector_load %arg13[%swap3A_628, %swap3A_629] {strides = array<i32>} : memref<8x256xf32, #tpu.memory_space<vmem>>, vector<1x16xf32>,
    %swap3A_631 = vector.shape_cast %swap3A_630 : vector<1x16xf32> to vector<16xf32>
    %swap3A_632 = vector.shape_cast %broadcast_in_dim3A_3 : vector<16xf32> to vector<1x16xf32>
    tpu.vector_store %arg13[%swap3A_628, %swap3A_629], %swap3A_632 {strides = array<i32>} : memref<8x256xf32, #tpu.memory_space<vmem>>, vector<1x16xf32>,
    %swap3A_633 = arith.constant 6 : i32
    %swap3A_634 = arith.index_cast %swap3A_633 : i32 to index
    %swap3A_635 = arith.constant 144 : index
    %swap3A_636 = tpu.vector_load %arg13[%swap3A_634, %swap3A_635] {strides = array<i32>} : memref<8x256xf32, #tpu.memory_space<vmem>>, vector<1x16xf32>,
    %swap3A_637 = vector.shape_cast %swap3A_636 : vector<1x16xf32> to vector<16xf32>
    %swap3A_638 = vector.shape_cast %broadcast_in_dim3A_3 : vector<16xf32> to vector<1x16xf32>
    tpu.vector_store %arg13[%swap3A_634, %swap3A_635], %swap3A_638 {strides = array<i32>} : memref<8x256xf32, #tpu.memory_space<vmem>>, vector<1x16xf32>,
    %swap3A_639 = arith.constant 6 : i32
    %swap3A_640 = arith.index_cast %swap3A_639 : i32 to index
    %swap3A_641 = arith.constant 160 : index
    %swap3A_642 = tpu.vector_load %arg13[%swap3A_640, %swap3A_641] {strides = array<i32>} : memref<8x256xf32, #tpu.memory_space<vmem>>, vector<1x16xf32>,
    %swap3A_643 = vector.shape_cast %swap3A_642 : vector<1x16xf32> to vector<16xf32>
    %swap3A_644 = vector.shape_cast %broadcast_in_dim3A_3 : vector<16xf32> to vector<1x16xf32>
    tpu.vector_store %arg13[%swap3A_640, %swap3A_641], %swap3A_644 {strides = array<i32>} : memref<8x256xf32, #tpu.memory_space<vmem>>, vector<1x16xf32>,
    %swap3A_645 = arith.constant 6 : i32
    %swap3A_646 = arith.index_cast %swap3A_645 : i32 to index
    %swap3A_647 = arith.constant 176 : index
    %swap3A_648 = tpu.vector_load %arg13[%swap3A_646, %swap3A_647] {strides = array<i32>} : memref<8x256xf32, #tpu.memory_space<vmem>>, vector<1x16xf32>,
    %swap3A_649 = vector.shape_cast %swap3A_648 : vector<1x16xf32> to vector<16xf32>
    %swap3A_650 = vector.shape_cast %broadcast_in_dim3A_3 : vector<16xf32> to vector<1x16xf32>
    tpu.vector_store %arg13[%swap3A_646, %swap3A_647], %swap3A_650 {strides = array<i32>} : memref<8x256xf32, #tpu.memory_space<vmem>>, vector<1x16xf32>,
    %swap3A_651 = arith.constant 6 : i32
    %swap3A_652 = arith.index_cast %swap3A_651 : i32 to index
    %swap3A_653 = arith.constant 192 : index
    %swap3A_654 = tpu.vector_load %arg13[%swap3A_652, %swap3A_653] {strides = array<i32>} : memref<8x256xf32, #tpu.memory_space<vmem>>, vector<1x16xf32>,
    %swap3A_655 = vector.shape_cast %swap3A_654 : vector<1x16xf32> to vector<16xf32>
    %swap3A_656 = vector.shape_cast %broadcast_in_dim3A_3 : vector<16xf32> to vector<1x16xf32>
    tpu.vector_store %arg13[%swap3A_652, %swap3A_653], %swap3A_656 {strides = array<i32>} : memref<8x256xf32, #tpu.memory_space<vmem>>, vector<1x16xf32>,
    %swap3A_657 = arith.constant 6 : i32
    %swap3A_658 = arith.index_cast %swap3A_657 : i32 to index
    %swap3A_659 = arith.constant 208 : index
    %swap3A_660 = tpu.vector_load %arg13[%swap3A_658, %swap3A_659] {strides = array<i32>} : memref<8x256xf32, #tpu.memory_space<vmem>>, vector<1x16xf32>,
    %swap3A_661 = vector.shape_cast %swap3A_660 : vector<1x16xf32> to vector<16xf32>
    %swap3A_662 = vector.shape_cast %broadcast_in_dim3A_3 : vector<16xf32> to vector<1x16xf32>
    tpu.vector_store %arg13[%swap3A_658, %swap3A_659], %swap3A_662 {strides = array<i32>} : memref<8x256xf32, #tpu.memory_space<vmem>>, vector<1x16xf32>,
    %swap3A_663 = arith.constant 6 : i32
    %swap3A_664 = arith.index_cast %swap3A_663 : i32 to index
    %swap3A_665 = arith.constant 224 : index
    %swap3A_666 = tpu.vector_load %arg13[%swap3A_664, %swap3A_665] {strides = array<i32>} : memref<8x256xf32, #tpu.memory_space<vmem>>, vector<1x16xf32>,
    %swap3A_667 = vector.shape_cast %swap3A_666 : vector<1x16xf32> to vector<16xf32>
    %swap3A_668 = vector.shape_cast %broadcast_in_dim3A_3 : vector<16xf32> to vector<1x16xf32>
    tpu.vector_store %arg13[%swap3A_664, %swap3A_665], %swap3A_668 {strides = array<i32>} : memref<8x256xf32, #tpu.memory_space<vmem>>, vector<1x16xf32>,
    %swap3A_669 = arith.constant 6 : i32
    %swap3A_670 = arith.index_cast %swap3A_669 : i32 to index
    %swap3A_671 = arith.constant 240 : index
    %swap3A_672 = tpu.vector_load %arg13[%swap3A_670, %swap3A_671] {strides = array<i32>} : memref<8x256xf32, #tpu.memory_space<vmem>>, vector<1x16xf32>,
    %swap3A_673 = vector.shape_cast %swap3A_672 : vector<1x16xf32> to vector<16xf32>
    %swap3A_674 = vector.shape_cast %broadcast_in_dim3A_3 : vector<16xf32> to vector<1x16xf32>
    tpu.vector_store %arg13[%swap3A_670, %swap3A_671], %swap3A_674 {strides = array<i32>} : memref<8x256xf32, #tpu.memory_space<vmem>>, vector<1x16xf32>,
    %swap3A_675 = arith.constant 7 : i32
    %swap3A_676 = arith.index_cast %swap3A_675 : i32 to index
    %swap3A_677 = arith.constant 0 : index
    %swap3A_678 = tpu.vector_load %arg13[%swap3A_676, %swap3A_677] {strides = array<i32>} : memref<8x256xf32, #tpu.memory_space<vmem>>, vector<1x16xf32>,
    %swap3A_679 = vector.shape_cast %swap3A_678 : vector<1x16xf32> to vector<16xf32>
    %swap3A_680 = vector.shape_cast %broadcast_in_dim3A_3 : vector<16xf32> to vector<1x16xf32>
    tpu.vector_store %arg13[%swap3A_676, %swap3A_677], %swap3A_680 {strides = array<i32>} : memref<8x256xf32, #tpu.memory_space<vmem>>, vector<1x16xf32>,
    %swap3A_681 = arith.constant 7 : i32
    %swap3A_682 = arith.index_cast %swap3A_681 : i32 to index
    %swap3A_683 = arith.constant 16 : index
    %swap3A_684 = tpu.vector_load %arg13[%swap3A_682, %swap3A_683] {strides = array<i32>} : memref<8x256xf32, #tpu.memory_space<vmem>>, vector<1x16xf32>,
    %swap3A_685 = vector.shape_cast %swap3A_684 : vector<1x16xf32> to vector<16xf32>
    %swap3A_686 = vector.shape_cast %broadcast_in_dim3A_3 : vector<16xf32> to vector<1x16xf32>
    tpu.vector_store %arg13[%swap3A_682, %swap3A_683], %swap3A_686 {strides = array<i32>} : memref<8x256xf32, #tpu.memory_space<vmem>>, vector<1x16xf32>,
    %swap3A_687 = arith.constant 7 : i32
    %swap3A_688 = arith.index_cast %swap3A_687 : i32 to index
    %swap3A_689 = arith.constant 32 : index
    %swap3A_690 = tpu.vector_load %arg13[%swap3A_688, %swap3A_689] {strides = array<i32>} : memref<8x256xf32, #tpu.memory_space<vmem>>, vector<1x16xf32>,
    %swap3A_691 = vector.shape_cast %swap3A_690 : vector<1x16xf32> to vector<16xf32>
    %swap3A_692 = vector.shape_cast %broadcast_in_dim3A_3 : vector<16xf32> to vector<1x16xf32>
    tpu.vector_store %arg13[%swap3A_688, %swap3A_689], %swap3A_692 {strides = array<i32>} : memref<8x256xf32, #tpu.memory_space<vmem>>, vector<1x16xf32>,
    %swap3A_693 = arith.constant 7 : i32
    %swap3A_694 = arith.index_cast %swap3A_693 : i32 to index
    %swap3A_695 = arith.constant 48 : index
    %swap3A_696 = tpu.vector_load %arg13[%swap3A_694, %swap3A_695] {strides = array<i32>} : memref<8x256xf32, #tpu.memory_space<vmem>>, vector<1x16xf32>,
    %swap3A_697 = vector.shape_cast %swap3A_696 : vector<1x16xf32> to vector<16xf32>
    %swap3A_698 = vector.shape_cast %broadcast_in_dim3A_3 : vector<16xf32> to vector<1x16xf32>
    tpu.vector_store %arg13[%swap3A_694, %swap3A_695], %swap3A_698 {strides = array<i32>} : memref<8x256xf32, #tpu.memory_space<vmem>>, vector<1x16xf32>,
    %swap3A_699 = arith.constant 7 : i32
    %swap3A_700 = arith.index_cast %swap3A_699 : i32 to index
    %swap3A_701 = arith.constant 64 : index
    %swap3A_702 = tpu.vector_load %arg13[%swap3A_700, %swap3A_701] {strides = array<i32>} : memref<8x256xf32, #tpu.memory_space<vmem>>, vector<1x16xf32>,
    %swap3A_703 = vector.shape_cast %swap3A_702 : vector<1x16xf32> to vector<16xf32>
    %swap3A_704 = vector.shape_cast %broadcast_in_dim3A_3 : vector<16xf32> to vector<1x16xf32>
    tpu.vector_store %arg13[%swap3A_700, %swap3A_701], %swap3A_704 {strides = array<i32>} : memref<8x256xf32, #tpu.memory_space<vmem>>, vector<1x16xf32>,
    %swap3A_705 = arith.constant 7 : i32
    %swap3A_706 = arith.index_cast %swap3A_705 : i32 to index
    %swap3A_707 = arith.constant 80 : index
    %swap3A_708 = tpu.vector_load %arg13[%swap3A_706, %swap3A_707] {strides = array<i32>} : memref<8x256xf32, #tpu.memory_space<vmem>>, vector<1x16xf32>,
    %swap3A_709 = vector.shape_cast %swap3A_708 : vector<1x16xf32> to vector<16xf32>
    %swap3A_710 = vector.shape_cast %broadcast_in_dim3A_3 : vector<16xf32> to vector<1x16xf32>
    tpu.vector_store %arg13[%swap3A_706, %swap3A_707], %swap3A_710 {strides = array<i32>} : memref<8x256xf32, #tpu.memory_space<vmem>>, vector<1x16xf32>,
    %swap3A_711 = arith.constant 7 : i32
    %swap3A_712 = arith.index_cast %swap3A_711 : i32 to index
    %swap3A_713 = arith.constant 96 : index
    %swap3A_714 = tpu.vector_load %arg13[%swap3A_712, %swap3A_713] {strides = array<i32>} : memref<8x256xf32, #tpu.memory_space<vmem>>, vector<1x16xf32>,
    %swap3A_715 = vector.shape_cast %swap3A_714 : vector<1x16xf32> to vector<16xf32>
    %swap3A_716 = vector.shape_cast %broadcast_in_dim3A_3 : vector<16xf32> to vector<1x16xf32>
    tpu.vector_store %arg13[%swap3A_712, %swap3A_713], %swap3A_716 {strides = array<i32>} : memref<8x256xf32, #tpu.memory_space<vmem>>, vector<1x16xf32>,
    %swap3A_717 = arith.constant 7 : i32
    %swap3A_718 = arith.index_cast %swap3A_717 : i32 to index
    %swap3A_719 = arith.constant 112 : index
    %swap3A_720 = tpu.vector_load %arg13[%swap3A_718, %swap3A_719] {strides = array<i32>} : memref<8x256xf32, #tpu.memory_space<vmem>>, vector<1x16xf32>,
    %swap3A_721 = vector.shape_cast %swap3A_720 : vector<1x16xf32> to vector<16xf32>
    %swap3A_722 = vector.shape_cast %broadcast_in_dim3A_3 : vector<16xf32> to vector<1x16xf32>
    tpu.vector_store %arg13[%swap3A_718, %swap3A_719], %swap3A_722 {strides = array<i32>} : memref<8x256xf32, #tpu.memory_space<vmem>>, vector<1x16xf32>,
    %swap3A_723 = arith.constant 7 : i32
    %swap3A_724 = arith.index_cast %swap3A_723 : i32 to index
    %swap3A_725 = arith.constant 128 : index
    %swap3A_726 = tpu.vector_load %arg13[%swap3A_724, %swap3A_725] {strides = array<i32>} : memref<8x256xf32, #tpu.memory_space<vmem>>, vector<1x16xf32>,
    %swap3A_727 = vector.shape_cast %swap3A_726 : vector<1x16xf32> to vector<16xf32>
    %swap3A_728 = vector.shape_cast %broadcast_in_dim3A_3 : vector<16xf32> to vector<1x16xf32>
    tpu.vector_store %arg13[%swap3A_724, %swap3A_725], %swap3A_728 {strides = array<i32>} : memref<8x256xf32, #tpu.memory_space<vmem>>, vector<1x16xf32>,
    %swap3A_729 = arith.constant 7 : i32
    %swap3A_730 = arith.index_cast %swap3A_729 : i32 to index
    %swap3A_731 = arith.constant 144 : index
    %swap3A_732 = tpu.vector_load %arg13[%swap3A_730, %swap3A_731] {strides = array<i32>} : memref<8x256xf32, #tpu.memory_space<vmem>>, vector<1x16xf32>,
    %swap3A_733 = vector.shape_cast %swap3A_732 : vector<1x16xf32> to vector<16xf32>
    %swap3A_734 = vector.shape_cast %broadcast_in_dim3A_3 : vector<16xf32> to vector<1x16xf32>
    tpu.vector_store %arg13[%swap3A_730, %swap3A_731], %swap3A_734 {strides = array<i32>} : memref<8x256xf32, #tpu.memory_space<vmem>>, vector<1x16xf32>,
    %swap3A_735 = arith.constant 7 : i32
    %swap3A_736 = arith.index_cast %swap3A_735 : i32 to index
    %swap3A_737 = arith.constant 160 : index
    %swap3A_738 = tpu.vector_load %arg13[%swap3A_736, %swap3A_737] {strides = array<i32>} : memref<8x256xf32, #tpu.memory_space<vmem>>, vector<1x16xf32>,
    %swap3A_739 = vector.shape_cast %swap3A_738 : vector<1x16xf32> to vector<16xf32>
    %swap3A_740 = vector.shape_cast %broadcast_in_dim3A_3 : vector<16xf32> to vector<1x16xf32>
    tpu.vector_store %arg13[%swap3A_736, %swap3A_737], %swap3A_740 {strides = array<i32>} : memref<8x256xf32, #tpu.memory_space<vmem>>, vector<1x16xf32>,
    %swap3A_741 = arith.constant 7 : i32
    %swap3A_742 = arith.index_cast %swap3A_741 : i32 to index
    %swap3A_743 = arith.constant 176 : index
    %swap3A_744 = tpu.vector_load %arg13[%swap3A_742, %swap3A_743] {strides = array<i32>} : memref<8x256xf32, #tpu.memory_space<vmem>>, vector<1x16xf32>,
    %swap3A_745 = vector.shape_cast %swap3A_744 : vector<1x16xf32> to vector<16xf32>
    %swap3A_746 = vector.shape_cast %broadcast_in_dim3A_3 : vector<16xf32> to vector<1x16xf32>
    tpu.vector_store %arg13[%swap3A_742, %swap3A_743], %swap3A_746 {strides = array<i32>} : memref<8x256xf32, #tpu.memory_space<vmem>>, vector<1x16xf32>,
    %swap3A_747 = arith.constant 7 : i32
    %swap3A_748 = arith.index_cast %swap3A_747 : i32 to index
    %swap3A_749 = arith.constant 192 : index
    %swap3A_750 = tpu.vector_load %arg13[%swap3A_748, %swap3A_749] {strides = array<i32>} : memref<8x256xf32, #tpu.memory_space<vmem>>, vector<1x16xf32>,
    %swap3A_751 = vector.shape_cast %swap3A_750 : vector<1x16xf32> to vector<16xf32>
    %swap3A_752 = vector.shape_cast %broadcast_in_dim3A_3 : vector<16xf32> to vector<1x16xf32>
    tpu.vector_store %arg13[%swap3A_748, %swap3A_749], %swap3A_752 {strides = array<i32>} : memref<8x256xf32, #tpu.memory_space<vmem>>, vector<1x16xf32>,
    %swap3A_753 = arith.constant 7 : i32
    %swap3A_754 = arith.index_cast %swap3A_753 : i32 to index
    %swap3A_755 = arith.constant 208 : index
    %swap3A_756 = tpu.vector_load %arg13[%swap3A_754, %swap3A_755] {strides = array<i32>} : memref<8x256xf32, #tpu.memory_space<vmem>>, vector<1x16xf32>,
    %swap3A_757 = vector.shape_cast %swap3A_756 : vector<1x16xf32> to vector<16xf32>
    %swap3A_758 = vector.shape_cast %broadcast_in_dim3A_3 : vector<16xf32> to vector<1x16xf32>
    tpu.vector_store %arg13[%swap3A_754, %swap3A_755], %swap3A_758 {strides = array<i32>} : memref<8x256xf32, #tpu.memory_space<vmem>>, vector<1x16xf32>,
    %swap3A_759 = arith.constant 7 : i32
    %swap3A_760 = arith.index_cast %swap3A_759 : i32 to index
    %swap3A_761 = arith.constant 224 : index
    %swap3A_762 = tpu.vector_load %arg13[%swap3A_760, %swap3A_761] {strides = array<i32>} : memref<8x256xf32, #tpu.memory_space<vmem>>, vector<1x16xf32>,
    %swap3A_763 = vector.shape_cast %swap3A_762 : vector<1x16xf32> to vector<16xf32>
    %swap3A_764 = vector.shape_cast %broadcast_in_dim3A_3 : vector<16xf32> to vector<1x16xf32>
    tpu.vector_store %arg13[%swap3A_760, %swap3A_761], %swap3A_764 {strides = array<i32>} : memref<8x256xf32, #tpu.memory_space<vmem>>, vector<1x16xf32>,
    %swap3A_765 = arith.constant 7 : i32
    %swap3A_766 = arith.index_cast %swap3A_765 : i32 to index
    %swap3A_767 = arith.constant 240 : index
    %swap3A_768 = tpu.vector_load %arg13[%swap3A_766, %swap3A_767] {strides = array<i32>} : memref<8x256xf32, #tpu.memory_space<vmem>>, vector<1x16xf32>,
    %swap3A_769 = vector.shape_cast %swap3A_768 : vector<1x16xf32> to vector<16xf32>
    %swap3A_770 = vector.shape_cast %broadcast_in_dim3A_3 : vector<16xf32> to vector<1x16xf32>
    tpu.vector_store %arg13[%swap3A_766, %swap3A_767], %swap3A_770 {strides = array<i32>} : memref<8x256xf32, #tpu.memory_space<vmem>>, vector<1x16xf32>,
    %scan3A = arith.constant 0 : i32
    %scan3A_771 = arith.constant 0 : i32
    %scan3A_772 = arith.constant 40 : i32
    %scan3A_773 = arith.addi %scan3A_771, %scan3A_772 : i32
    %scan3A_774 = arith.constant 1 : i32
    scf.for %scan3A_807 = %scan3A_771 to %scan3A_773 step %scan3A_774  : i32 {
      %mul3A_808 = arith.constant 16 : i32
      %mul3A_809 = arith.muli %scan3A_807, %mul3A_808 : i32
      %add3A_810 = arith.addi %arg1, %mul3A_809 : i32
      %lt3A = arith.constant 625 : i32
      %lt3A_811 = arith.cmpi slt, %add3A_810, %lt3A : i32
      %convert_element_type3A = arith.extui %lt3A_811 : i1 to i32
      %cond3A = arith.constant 0 : i32
      %cond3A_812 = arith.cmpi ne, %convert_element_type3A, %cond3A : i32
      scf.if %cond3A_812 {
        %mul3A_813 = arith.constant 8 : i32
        %mul3A_814 = arith.muli %add3A_810, %mul3A_813 : i32
        %multiple_of3A_815 = tpu.assume_multiple %mul3A_814, 8 : i32
        "tpu.region"() ({
          %run_scoped3A = tpu.sem_alloc : memref<!tpu.dma_semaphore, #tpu.memory_space<semaphore_mem>>
          %dma_start3A_816 = arith.constant 0 : i32
          %dma_start3A_817 = tpu.memref_slice %arg6[%multiple_of3A_815, %dma_start3A_816] : memref<5064x256xf32, #tpu.memory_space<vmem_shared>> -> memref<8x256xf32, #tpu.memory_space<vmem_shared>>
          %dma_start3A_818 = arith.constant 0 : i32
          %dma_start3A_819 = tpu.memref_slice %arg6[%multiple_of3A_815, %dma_start3A_818] : memref<5064x256xf32, #tpu.memory_space<vmem_shared>> -> memref<8x256xf32, #tpu.memory_space<vmem_shared>>
          tpu.enqueue_dma source(%arg13 : memref<8x256xf32, #tpu.memory_space<vmem>>) target(%dma_start3A_819 : memref<8x256xf32, #tpu.memory_space<vmem_shared>>) target_semaphore(%run_scoped3A : memref<!tpu.dma_semaphore, #tpu.memory_space<semaphore_mem>>)
          %dma_wait3A_820 = arith.constant 0 : i32
          %dma_wait3A_821 = tpu.memref_slice %arg6[%multiple_of3A_815, %dma_wait3A_820] : memref<5064x256xf32, #tpu.memory_space<vmem_shared>> -> memref<8x256xf32, #tpu.memory_space<vmem_shared>>
          %dma_wait3A_822 = arith.constant 0 : i32
          %dma_wait3A_823 = tpu.memref_slice %arg6[%multiple_of3A_815, %dma_wait3A_822] : memref<5064x256xf32, #tpu.memory_space<vmem_shared>> -> memref<8x256xf32, #tpu.memory_space<vmem_shared>>
          tpu.wait_dma2 semaphore(%run_scoped3A : memref<!tpu.dma_semaphore, #tpu.memory_space<semaphore_mem>>) src(%arg13 : memref<8x256xf32, #tpu.memory_space<vmem>>) dst(%dma_wait3A_823 : memref<8x256xf32, #tpu.memory_space<vmem_shared>>)
          tpu.yield
        }) : () -> ()
      } else {
      }
    }
    %scan3A_775 = arith.constant 40 : i32
    %barrier3A = arith.constant 0 : index
    tpu.barrier barrier_id(%barrier3A)
    %add3A = arith.constant 0 : i32
    %add3A_776 = arith.addi %mul3A_2, %add3A : i32
    %multiple_of3A = tpu.assume_multiple %add3A_776, 8 : i32
    %dma_start3A = tpu.memref_slice %arg3[%multiple_of3A] : memref<160000xi32, #tpu.memory_space<hbm>> -> memref<80xi32, #tpu.memory_space<hbm>>
    %dma_start3A_777 = tpu.memref_slice %arg3[%multiple_of3A] : memref<160000xi32, #tpu.memory_space<hbm>> -> memref<80xi32, #tpu.memory_space<hbm>>
    tpu.enqueue_dma source(%dma_start3A_777 : memref<80xi32, #tpu.memory_space<hbm>>) target(%arg7 : memref<80xi32, #tpu.memory_space<vmem>>) target_semaphore(%arg20 : memref<!tpu.dma_semaphore, #tpu.memory_space<semaphore_mem>>)
    %add3A_778 = arith.constant 80 : i32
    %add3A_779 = arith.addi %mul3A_2, %add3A_778 : i32
    %multiple_of3A_780 = tpu.assume_multiple %add3A_779, 8 : i32
    %dma_start3A_781 = tpu.memref_slice %arg3[%multiple_of3A_780] : memref<160000xi32, #tpu.memory_space<hbm>> -> memref<80xi32, #tpu.memory_space<hbm>>
    %dma_start3A_782 = tpu.memref_slice %arg3[%multiple_of3A_780] : memref<160000xi32, #tpu.memory_space<hbm>> -> memref<80xi32, #tpu.memory_space<hbm>>
    tpu.enqueue_dma source(%dma_start3A_782 : memref<80xi32, #tpu.memory_space<hbm>>) target(%arg8 : memref<80xi32, #tpu.memory_space<vmem>>) target_semaphore(%arg21 : memref<!tpu.dma_semaphore, #tpu.memory_space<semaphore_mem>>)
    %scan3A_783 = arith.constant 0 : i32
    %scan3A_784 = arith.constant 0 : i32
    %scan3A_785 = arith.constant 63 : i32
    %scan3A_786 = arith.addi %scan3A_784, %scan3A_785 : i32
    %scan3A_787 = arith.constant 1 : i32
    scf.for %scan3A_807 = %scan3A_784 to %scan3A_786 step %scan3A_787  : i32 {
      %mul3A_808 = arith.constant 2 : i32
      %mul3A_809 = arith.muli %scan3A_807, %mul3A_808 : i32
      %add3A_810 = arith.constant 0 : i32
      %add3A_811 = arith.addi %mul3A_809, %add3A_810 : i32
      %lt3A = arith.constant 125 : i32
      %lt3A_812 = arith.cmpi slt, %add3A_811, %lt3A : i32
      %convert_element_type3A = arith.extui %lt3A_812 : i1 to i32
      %cond3A = arith.constant 0 : i32
      %cond3A_813 = arith.cmpi ne, %convert_element_type3A, %cond3A : i32
      scf.if %cond3A_813 {
        %ge3A_836 = arith.constant 2 : i32
        %ge3A_837 = arith.cmpi sge, %add3A_811, %ge3A_836 : i32
        %convert_element_type3A_838 = arith.extui %ge3A_837 : i1 to i32
        %cond3A_839 = arith.constant 0 : i32
        %cond3A_840 = arith.cmpi ne, %convert_element_type3A_838, %cond3A_839 : i32
        scf.if %cond3A_840 {
          %dma_wait3A_998 = arith.constant 0 : i32
          %dma_wait3A_999 = arith.constant 0 : i32
          %dma_wait3A_1000 = tpu.memref_slice %arg6[%dma_wait3A_998, %dma_wait3A_999] : memref<5064x256xf32, #tpu.memory_space<vmem_shared>> -> memref<80x256xf32, #tpu.memory_space<vmem_shared>>
          %dma_wait3A_1001 = arith.constant 0 : i32
          %dma_wait3A_1002 = arith.constant 0 : i32
          %dma_wait3A_1003 = tpu.memref_slice %arg6[%dma_wait3A_1001, %dma_wait3A_1002] : memref<5064x256xf32, #tpu.memory_space<vmem_shared>> -> memref<80x256xf32, #tpu.memory_space<vmem_shared>>
          tpu.wait_dma2 semaphore(%arg18 : memref<!tpu.dma_semaphore, #tpu.memory_space<semaphore_mem>>) src(%arg11 : memref<80x256xf32, #tpu.memory_space<vmem>>) dst(%dma_wait3A_1003 : memref<80x256xf32, #tpu.memory_space<vmem_shared>>)
        } else {
        }
        %mul3A_841 = arith.constant 80 : i32
        %mul3A_842 = arith.muli %add3A_811, %mul3A_841 : i32
        %add3A_843 = arith.addi %mul3A_2, %mul3A_842 : i32
        %multiple_of3A_844 = tpu.assume_multiple %add3A_843, 8 : i32
        %dma_start3A_845 = arith.constant 0 : i32
        %dma_start3A_846 = tpu.memref_slice %arg2[%multiple_of3A_844, %dma_start3A_845] : memref<160000x256xf32, #tpu.memory_space<hbm>> -> memref<80x256xf32, #tpu.memory_space<hbm>>
        %dma_start3A_847 = arith.constant 0 : i32
        %dma_start3A_848 = tpu.memref_slice %arg2[%multiple_of3A_844, %dma_start3A_847] : memref<160000x256xf32, #tpu.memory_space<hbm>> -> memref<80x256xf32, #tpu.memory_space<hbm>>
        tpu.enqueue_dma source(%dma_start3A_848 : memref<80x256xf32, #tpu.memory_space<hbm>>) target(%arg11 : memref<80x256xf32, #tpu.memory_space<vmem>>) target_semaphore(%arg16 : memref<!tpu.dma_semaphore, #tpu.memory_space<semaphore_mem>>)
        %add3A_849 = arith.constant 0 : i32
        %add3A_850 = arith.addi %mul3A_2, %add3A_849 : i32
        %multiple_of3A_851 = tpu.assume_multiple %add3A_850, 8 : i32
        %dma_wait3A_852 = tpu.memref_slice %arg3[%multiple_of3A_851] : memref<160000xi32, #tpu.memory_space<hbm>> -> memref<80xi32, #tpu.memory_space<hbm>>
        %dma_wait3A_853 = tpu.memref_slice %arg3[%multiple_of3A_851] : memref<160000xi32, #tpu.memory_space<hbm>> -> memref<80xi32, #tpu.memory_space<hbm>>
        tpu.wait_dma2 semaphore(%arg20 : memref<!tpu.dma_semaphore, #tpu.memory_space<semaphore_mem>>) src(%dma_wait3A_853 : memref<80xi32, #tpu.memory_space<hbm>>) dst(%arg7 : memref<80xi32, #tpu.memory_space<vmem>>)
        %get3A = arith.constant 0 : index
        %get3A_854 = tpu.vector_load %arg7[%get3A] {strides = array<i32>} : memref<80xi32, #tpu.memory_space<vmem>>, vector<16xi32>,
        %get3A_855 = vector.shape_cast %get3A_854 : vector<16xi32> to vector<16xi32>
        %sub3A = vector.broadcast %mul3A_0 : i32 to vector<16xi32>
        %sub3A_856 = arith.subi %get3A_855, %sub3A : vector<16xi32>
        %ge3A_857 = arith.constant 0 : i32
        %ge3A_858 = vector.broadcast %ge3A_857 : i32 to vector<16xi32>
        %ge3A_859 = arith.cmpi sge, %sub3A_856, %ge3A_858 : vector<16xi32>
        %lt3A_860 = arith.constant 5000 : i32
        %lt3A_861 = vector.broadcast %lt3A_860 : i32 to vector<16xi32>
        %lt3A_862 = arith.cmpi slt, %sub3A_856, %lt3A_861 : vector<16xi32>
        %and3A_863 = arith.andi %ge3A_859, %lt3A_862 : vector<16xi1>
        %add3A_864 = vector.broadcast %add3A_811 : i32 to vector<16xi32>
        %add3A_865 = arith.addi %iota3A, %add3A_864 : vector<16xi32>
        %add3A_866 = arith.constant 0 : i32
        %add3A_867 = vector.broadcast %add3A_866 : i32 to vector<16xi32>
        %add3A_868 = arith.addi %add3A_865, %add3A_867 : vector<16xi32>
        %and3A_869 = arith.constant 63 : i32
        %and3A_870 = vector.broadcast %and3A_869 : i32 to vector<16xi32>
        %and3A_871 = arith.andi %add3A_868, %and3A_870 : vector<16xi32>
        %add3A_872 = arith.constant 5000 : i32
        %add3A_873 = vector.broadcast %add3A_872 : i32 to vector<16xi32>
        %add3A_874 = arith.addi %add3A_873, %and3A_871 : vector<16xi32>
        %select_n3A = arith.select %and3A_863, %sub3A_856, %add3A_874 : vector<16xi1>, vector<16xi32>
        %swap3A_875 = arith.constant 0 : index
        %swap3A_876 = tpu.vector_load %arg9[%swap3A_875] {strides = array<i32>} : memref<80xi32, #tpu.memory_space<vmem>>, vector<16xi32>,
        %swap3A_877 = vector.shape_cast %swap3A_876 : vector<16xi32> to vector<16xi32>
        %swap3A_878 = vector.shape_cast %select_n3A : vector<16xi32> to vector<16xi32>
        tpu.vector_store %arg9[%swap3A_875], %swap3A_878 {strides = array<i32>} : memref<80xi32, #tpu.memory_space<vmem>>, vector<16xi32>,
        %get3A_879 = arith.constant 16 : index
        %get3A_880 = tpu.vector_load %arg7[%get3A_879] {strides = array<i32>} : memref<80xi32, #tpu.memory_space<vmem>>, vector<16xi32>,
        %get3A_881 = vector.shape_cast %get3A_880 : vector<16xi32> to vector<16xi32>
        %sub3A_882 = vector.broadcast %mul3A_0 : i32 to vector<16xi32>
        %sub3A_883 = arith.subi %get3A_881, %sub3A_882 : vector<16xi32>
        %ge3A_884 = arith.constant 0 : i32
        %ge3A_885 = vector.broadcast %ge3A_884 : i32 to vector<16xi32>
        %ge3A_886 = arith.cmpi sge, %sub3A_883, %ge3A_885 : vector<16xi32>
        %lt3A_887 = arith.constant 5000 : i32
        %lt3A_888 = vector.broadcast %lt3A_887 : i32 to vector<16xi32>
        %lt3A_889 = arith.cmpi slt, %sub3A_883, %lt3A_888 : vector<16xi32>
        %and3A_890 = arith.andi %ge3A_886, %lt3A_889 : vector<16xi1>
        %add3A_891 = vector.broadcast %add3A_811 : i32 to vector<16xi32>
        %add3A_892 = arith.addi %iota3A, %add3A_891 : vector<16xi32>
        %add3A_893 = arith.constant 1 : i32
        %add3A_894 = vector.broadcast %add3A_893 : i32 to vector<16xi32>
        %add3A_895 = arith.addi %add3A_892, %add3A_894 : vector<16xi32>
        %and3A_896 = arith.constant 63 : i32
        %and3A_897 = vector.broadcast %and3A_896 : i32 to vector<16xi32>
        %and3A_898 = arith.andi %add3A_895, %and3A_897 : vector<16xi32>
        %add3A_899 = arith.constant 5000 : i32
        %add3A_900 = vector.broadcast %add3A_899 : i32 to vector<16xi32>
        %add3A_901 = arith.addi %add3A_900, %and3A_898 : vector<16xi32>
        %select_n3A_902 = arith.select %and3A_890, %sub3A_883, %add3A_901 : vector<16xi1>, vector<16xi32>
        %swap3A_903 = arith.constant 16 : index
        %swap3A_904 = tpu.vector_load %arg9[%swap3A_903] {strides = array<i32>} : memref<80xi32, #tpu.memory_space<vmem>>, vector<16xi32>,
        %swap3A_905 = vector.shape_cast %swap3A_904 : vector<16xi32> to vector<16xi32>
        %swap3A_906 = vector.shape_cast %select_n3A_902 : vector<16xi32> to vector<16xi32>
        tpu.vector_store %arg9[%swap3A_903], %swap3A_906 {strides = array<i32>} : memref<80xi32, #tpu.memory_space<vmem>>, vector<16xi32>,
        %get3A_907 = arith.constant 32 : index
        %get3A_908 = tpu.vector_load %arg7[%get3A_907] {strides = array<i32>} : memref<80xi32, #tpu.memory_space<vmem>>, vector<16xi32>,
        %get3A_909 = vector.shape_cast %get3A_908 : vector<16xi32> to vector<16xi32>
        %sub3A_910 = vector.broadcast %mul3A_0 : i32 to vector<16xi32>
        %sub3A_911 = arith.subi %get3A_909, %sub3A_910 : vector<16xi32>
        %ge3A_912 = arith.constant 0 : i32
        %ge3A_913 = vector.broadcast %ge3A_912 : i32 to vector<16xi32>
        %ge3A_914 = arith.cmpi sge, %sub3A_911, %ge3A_913 : vector<16xi32>
        %lt3A_915 = arith.constant 5000 : i32
        %lt3A_916 = vector.broadcast %lt3A_915 : i32 to vector<16xi32>
        %lt3A_917 = arith.cmpi slt, %sub3A_911, %lt3A_916 : vector<16xi32>
        %and3A_918 = arith.andi %ge3A_914, %lt3A_917 : vector<16xi1>
        %add3A_919 = vector.broadcast %add3A_811 : i32 to vector<16xi32>
        %add3A_920 = arith.addi %iota3A, %add3A_919 : vector<16xi32>
        %add3A_921 = arith.constant 2 : i32
        %add3A_922 = vector.broadcast %add3A_921 : i32 to vector<16xi32>
        %add3A_923 = arith.addi %add3A_920, %add3A_922 : vector<16xi32>
        %and3A_924 = arith.constant 63 : i32
        %and3A_925 = vector.broadcast %and3A_924 : i32 to vector<16xi32>
        %and3A_926 = arith.andi %add3A_923, %and3A_925 : vector<16xi32>
        %add3A_927 = arith.constant 5000 : i32
        %add3A_928 = vector.broadcast %add3A_927 : i32 to vector<16xi32>
        %add3A_929 = arith.addi %add3A_928, %and3A_926 : vector<16xi32>
        %select_n3A_930 = arith.select %and3A_918, %sub3A_911, %add3A_929 : vector<16xi1>, vector<16xi32>
        %swap3A_931 = arith.constant 32 : index
        %swap3A_932 = tpu.vector_load %arg9[%swap3A_931] {strides = array<i32>} : memref<80xi32, #tpu.memory_space<vmem>>, vector<16xi32>,
        %swap3A_933 = vector.shape_cast %swap3A_932 : vector<16xi32> to vector<16xi32>
        %swap3A_934 = vector.shape_cast %select_n3A_930 : vector<16xi32> to vector<16xi32>
        tpu.vector_store %arg9[%swap3A_931], %swap3A_934 {strides = array<i32>} : memref<80xi32, #tpu.memory_space<vmem>>, vector<16xi32>,
        %get3A_935 = arith.constant 48 : index
        %get3A_936 = tpu.vector_load %arg7[%get3A_935] {strides = array<i32>} : memref<80xi32, #tpu.memory_space<vmem>>, vector<16xi32>,
        %get3A_937 = vector.shape_cast %get3A_936 : vector<16xi32> to vector<16xi32>
        %sub3A_938 = vector.broadcast %mul3A_0 : i32 to vector<16xi32>
        %sub3A_939 = arith.subi %get3A_937, %sub3A_938 : vector<16xi32>
        %ge3A_940 = arith.constant 0 : i32
        %ge3A_941 = vector.broadcast %ge3A_940 : i32 to vector<16xi32>
        %ge3A_942 = arith.cmpi sge, %sub3A_939, %ge3A_941 : vector<16xi32>
        %lt3A_943 = arith.constant 5000 : i32
        %lt3A_944 = vector.broadcast %lt3A_943 : i32 to vector<16xi32>
        %lt3A_945 = arith.cmpi slt, %sub3A_939, %lt3A_944 : vector<16xi32>
        %and3A_946 = arith.andi %ge3A_942, %lt3A_945 : vector<16xi1>
        %add3A_947 = vector.broadcast %add3A_811 : i32 to vector<16xi32>
        %add3A_948 = arith.addi %iota3A, %add3A_947 : vector<16xi32>
        %add3A_949 = arith.constant 3 : i32
        %add3A_950 = vector.broadcast %add3A_949 : i32 to vector<16xi32>
        %add3A_951 = arith.addi %add3A_948, %add3A_950 : vector<16xi32>
        %and3A_952 = arith.constant 63 : i32
        %and3A_953 = vector.broadcast %and3A_952 : i32 to vector<16xi32>
        %and3A_954 = arith.andi %add3A_951, %and3A_953 : vector<16xi32>
        %add3A_955 = arith.constant 5000 : i32
        %add3A_956 = vector.broadcast %add3A_955 : i32 to vector<16xi32>
        %add3A_957 = arith.addi %add3A_956, %and3A_954 : vector<16xi32>
        %select_n3A_958 = arith.select %and3A_946, %sub3A_939, %add3A_957 : vector<16xi1>, vector<16xi32>
        %swap3A_959 = arith.constant 48 : index
        %swap3A_960 = tpu.vector_load %arg9[%swap3A_959] {strides = array<i32>} : memref<80xi32, #tpu.memory_space<vmem>>, vector<16xi32>,
        %swap3A_961 = vector.shape_cast %swap3A_960 : vector<16xi32> to vector<16xi32>
        %swap3A_962 = vector.shape_cast %select_n3A_958 : vector<16xi32> to vector<16xi32>
        tpu.vector_store %arg9[%swap3A_959], %swap3A_962 {strides = array<i32>} : memref<80xi32, #tpu.memory_space<vmem>>, vector<16xi32>,
        %get3A_963 = arith.constant 64 : index
        %get3A_964 = tpu.vector_load %arg7[%get3A_963] {strides = array<i32>} : memref<80xi32, #tpu.memory_space<vmem>>, vector<16xi32>,
        %get3A_965 = vector.shape_cast %get3A_964 : vector<16xi32> to vector<16xi32>
        %sub3A_966 = vector.broadcast %mul3A_0 : i32 to vector<16xi32>
        %sub3A_967 = arith.subi %get3A_965, %sub3A_966 : vector<16xi32>
        %ge3A_968 = arith.constant 0 : i32
        %ge3A_969 = vector.broadcast %ge3A_968 : i32 to vector<16xi32>
        %ge3A_970 = arith.cmpi sge, %sub3A_967, %ge3A_969 : vector<16xi32>
        %lt3A_971 = arith.constant 5000 : i32
        %lt3A_972 = vector.broadcast %lt3A_971 : i32 to vector<16xi32>
        %lt3A_973 = arith.cmpi slt, %sub3A_967, %lt3A_972 : vector<16xi32>
        %and3A_974 = arith.andi %ge3A_970, %lt3A_973 : vector<16xi1>
        %add3A_975 = vector.broadcast %add3A_811 : i32 to vector<16xi32>
        %add3A_976 = arith.addi %iota3A, %add3A_975 : vector<16xi32>
        %add3A_977 = arith.constant 4 : i32
        %add3A_978 = vector.broadcast %add3A_977 : i32 to vector<16xi32>
        %add3A_979 = arith.addi %add3A_976, %add3A_978 : vector<16xi32>
        %and3A_980 = arith.constant 63 : i32
        %and3A_981 = vector.broadcast %and3A_980 : i32 to vector<16xi32>
        %and3A_982 = arith.andi %add3A_979, %and3A_981 : vector<16xi32>
        %add3A_983 = arith.constant 5000 : i32
        %add3A_984 = vector.broadcast %add3A_983 : i32 to vector<16xi32>
        %add3A_985 = arith.addi %add3A_984, %and3A_982 : vector<16xi32>
        %select_n3A_986 = arith.select %and3A_974, %sub3A_967, %add3A_985 : vector<16xi1>, vector<16xi32>
        %swap3A_987 = arith.constant 64 : index
        %swap3A_988 = tpu.vector_load %arg9[%swap3A_987] {strides = array<i32>} : memref<80xi32, #tpu.memory_space<vmem>>, vector<16xi32>,
        %swap3A_989 = vector.shape_cast %swap3A_988 : vector<16xi32> to vector<16xi32>
        %swap3A_990 = vector.shape_cast %select_n3A_986 : vector<16xi32> to vector<16xi32>
        tpu.vector_store %arg9[%swap3A_987], %swap3A_990 {strides = array<i32>} : memref<80xi32, #tpu.memory_space<vmem>>, vector<16xi32>,
        %add3A_991 = arith.constant 2 : i32
        %add3A_992 = arith.addi %add3A_811, %add3A_991 : i32
        %lt3A_993 = arith.constant 125 : i32
        %lt3A_994 = arith.cmpi slt, %add3A_992, %lt3A_993 : i32
        %convert_element_type3A_995 = arith.extui %lt3A_994 : i1 to i32
        %cond3A_996 = arith.constant 0 : i32
        %cond3A_997 = arith.cmpi ne, %convert_element_type3A_995, %cond3A_996 : i32
        scf.if %cond3A_997 {
          %add3A_998 = arith.constant 2 : i32
          %add3A_999 = arith.addi %add3A_811, %add3A_998 : i32
          %mul3A_1000 = arith.constant 80 : i32
          %mul3A_1001 = arith.muli %add3A_999, %mul3A_1000 : i32
          %add3A_1002 = arith.addi %mul3A_2, %mul3A_1001 : i32
          %multiple_of3A_1003 = tpu.assume_multiple %add3A_1002, 8 : i32
          %dma_start3A_1004 = tpu.memref_slice %arg3[%multiple_of3A_1003] : memref<160000xi32, #tpu.memory_space<hbm>> -> memref<80xi32, #tpu.memory_space<hbm>>
          %dma_start3A_1005 = tpu.memref_slice %arg3[%multiple_of3A_1003] : memref<160000xi32, #tpu.memory_space<hbm>> -> memref<80xi32, #tpu.memory_space<hbm>>
          tpu.enqueue_dma source(%dma_start3A_1005 : memref<80xi32, #tpu.memory_space<hbm>>) target(%arg7 : memref<80xi32, #tpu.memory_space<vmem>>) target_semaphore(%arg20 : memref<!tpu.dma_semaphore, #tpu.memory_space<semaphore_mem>>)
        } else {
        }
      } else {
      }
      %ge3A = arith.constant 1 : i32
      %ge3A_814 = arith.cmpi sge, %add3A_811, %ge3A : i32
      %le3A = arith.constant 125 : i32
      %le3A_815 = arith.cmpi sle, %add3A_811, %le3A : i32
      %and3A = arith.andi %ge3A_814, %le3A_815 : i1
      %convert_element_type3A_816 = arith.extui %and3A : i1 to i32
      %cond3A_817 = arith.constant 0 : i32
      %cond3A_818 = arith.cmpi ne, %convert_element_type3A_816, %cond3A_817 : i32
      scf.if %cond3A_818 {
        %dma_wait3A_836 = arith.constant 0 : i32
        %dma_wait3A_837 = arith.constant 0 : i32
        %dma_wait3A_838 = tpu.memref_slice %arg2[%dma_wait3A_836, %dma_wait3A_837] : memref<160000x256xf32, #tpu.memory_space<hbm>> -> memref<80x256xf32, #tpu.memory_space<hbm>>
        %dma_wait3A_839 = arith.constant 0 : i32
        %dma_wait3A_840 = arith.constant 0 : i32
        %dma_wait3A_841 = tpu.memref_slice %arg2[%dma_wait3A_839, %dma_wait3A_840] : memref<160000x256xf32, #tpu.memory_space<hbm>> -> memref<80x256xf32, #tpu.memory_space<hbm>>
        tpu.wait_dma2 semaphore(%arg17 : memref<!tpu.dma_semaphore, #tpu.memory_space<semaphore_mem>>) src(%dma_wait3A_841 : memref<80x256xf32, #tpu.memory_space<hbm>>) dst(%arg12 : memref<80x256xf32, #tpu.memory_space<vmem>>)
        %dma_start3A_842 = arith.constant 0 : i32
        %dma_start3A_843 = arith.constant 0 : i32
        %dma_start3A_844 = tpu.memref_slice %arg6[%dma_start3A_842, %dma_start3A_843] : memref<5064x256xf32, #tpu.memory_space<vmem_shared>> -> memref<5064x256xf32, #tpu.memory_space<vmem_shared>>
        tpu.enqueue_indirect_dma source(%arg12 : memref<80x256xf32, #tpu.memory_space<vmem>>) target(%dma_start3A_844 : memref<5064x256xf32, #tpu.memory_space<vmem_shared>>) offsets(%arg10 : memref<80xi32, #tpu.memory_space<vmem>>) semaphore(%arg19 : memref<!tpu.dma_semaphore, #tpu.memory_space<semaphore_mem>>) {add = true}
      } else {
      }
      %mul3A_819 = arith.constant 2 : i32
      %mul3A_820 = arith.muli %scan3A_807, %mul3A_819 : i32
      %add3A_821 = arith.constant 1 : i32
      %add3A_822 = arith.addi %mul3A_820, %add3A_821 : i32
      %lt3A_823 = arith.constant 125 : i32
      %lt3A_824 = arith.cmpi slt, %add3A_822, %lt3A_823 : i32
      %convert_element_type3A_825 = arith.extui %lt3A_824 : i1 to i32
      %cond3A_826 = arith.constant 0 : i32
      %cond3A_827 = arith.cmpi ne, %convert_element_type3A_825, %cond3A_826 : i32
      scf.if %cond3A_827 {
        %ge3A_836 = arith.constant 2 : i32
        %ge3A_837 = arith.cmpi sge, %add3A_822, %ge3A_836 : i32
        %convert_element_type3A_838 = arith.extui %ge3A_837 : i1 to i32
        %cond3A_839 = arith.constant 0 : i32
        %cond3A_840 = arith.cmpi ne, %convert_element_type3A_838, %cond3A_839 : i32
        scf.if %cond3A_840 {
          %dma_wait3A_998 = arith.constant 0 : i32
          %dma_wait3A_999 = arith.constant 0 : i32
          %dma_wait3A_1000 = tpu.memref_slice %arg6[%dma_wait3A_998, %dma_wait3A_999] : memref<5064x256xf32, #tpu.memory_space<vmem_shared>> -> memref<80x256xf32, #tpu.memory_space<vmem_shared>>
          %dma_wait3A_1001 = arith.constant 0 : i32
          %dma_wait3A_1002 = arith.constant 0 : i32
          %dma_wait3A_1003 = tpu.memref_slice %arg6[%dma_wait3A_1001, %dma_wait3A_1002] : memref<5064x256xf32, #tpu.memory_space<vmem_shared>> -> memref<80x256xf32, #tpu.memory_space<vmem_shared>>
          tpu.wait_dma2 semaphore(%arg19 : memref<!tpu.dma_semaphore, #tpu.memory_space<semaphore_mem>>) src(%arg12 : memref<80x256xf32, #tpu.memory_space<vmem>>) dst(%dma_wait3A_1003 : memref<80x256xf32, #tpu.memory_space<vmem_shared>>)
        } else {
        }
        %mul3A_841 = arith.constant 80 : i32
        %mul3A_842 = arith.muli %add3A_822, %mul3A_841 : i32
        %add3A_843 = arith.addi %mul3A_2, %mul3A_842 : i32
        %multiple_of3A_844 = tpu.assume_multiple %add3A_843, 8 : i32
        %dma_start3A_845 = arith.constant 0 : i32
        %dma_start3A_846 = tpu.memref_slice %arg2[%multiple_of3A_844, %dma_start3A_845] : memref<160000x256xf32, #tpu.memory_space<hbm>> -> memref<80x256xf32, #tpu.memory_space<hbm>>
        %dma_start3A_847 = arith.constant 0 : i32
        %dma_start3A_848 = tpu.memref_slice %arg2[%multiple_of3A_844, %dma_start3A_847] : memref<160000x256xf32, #tpu.memory_space<hbm>> -> memref<80x256xf32, #tpu.memory_space<hbm>>
        tpu.enqueue_dma source(%dma_start3A_848 : memref<80x256xf32, #tpu.memory_space<hbm>>) target(%arg12 : memref<80x256xf32, #tpu.memory_space<vmem>>) target_semaphore(%arg17 : memref<!tpu.dma_semaphore, #tpu.memory_space<semaphore_mem>>)
        %add3A_849 = arith.constant 0 : i32
        %add3A_850 = arith.addi %mul3A_2, %add3A_849 : i32
        %multiple_of3A_851 = tpu.assume_multiple %add3A_850, 8 : i32
        %dma_wait3A_852 = tpu.memref_slice %arg3[%multiple_of3A_851] : memref<160000xi32, #tpu.memory_space<hbm>> -> memref<80xi32, #tpu.memory_space<hbm>>
        %dma_wait3A_853 = tpu.memref_slice %arg3[%multiple_of3A_851] : memref<160000xi32, #tpu.memory_space<hbm>> -> memref<80xi32, #tpu.memory_space<hbm>>
        tpu.wait_dma2 semaphore(%arg21 : memref<!tpu.dma_semaphore, #tpu.memory_space<semaphore_mem>>) src(%dma_wait3A_853 : memref<80xi32, #tpu.memory_space<hbm>>) dst(%arg8 : memref<80xi32, #tpu.memory_space<vmem>>)
        %get3A = arith.constant 0 : index
        %get3A_854 = tpu.vector_load %arg8[%get3A] {strides = array<i32>} : memref<80xi32, #tpu.memory_space<vmem>>, vector<16xi32>,
        %get3A_855 = vector.shape_cast %get3A_854 : vector<16xi32> to vector<16xi32>
        %sub3A = vector.broadcast %mul3A_0 : i32 to vector<16xi32>
        %sub3A_856 = arith.subi %get3A_855, %sub3A : vector<16xi32>
        %ge3A_857 = arith.constant 0 : i32
        %ge3A_858 = vector.broadcast %ge3A_857 : i32 to vector<16xi32>
        %ge3A_859 = arith.cmpi sge, %sub3A_856, %ge3A_858 : vector<16xi32>
        %lt3A_860 = arith.constant 5000 : i32
        %lt3A_861 = vector.broadcast %lt3A_860 : i32 to vector<16xi32>
        %lt3A_862 = arith.cmpi slt, %sub3A_856, %lt3A_861 : vector<16xi32>
        %and3A_863 = arith.andi %ge3A_859, %lt3A_862 : vector<16xi1>
        %add3A_864 = vector.broadcast %add3A_822 : i32 to vector<16xi32>
        %add3A_865 = arith.addi %iota3A, %add3A_864 : vector<16xi32>
        %add3A_866 = arith.constant 0 : i32
        %add3A_867 = vector.broadcast %add3A_866 : i32 to vector<16xi32>
        %add3A_868 = arith.addi %add3A_865, %add3A_867 : vector<16xi32>
        %and3A_869 = arith.constant 63 : i32
        %and3A_870 = vector.broadcast %and3A_869 : i32 to vector<16xi32>
        %and3A_871 = arith.andi %add3A_868, %and3A_870 : vector<16xi32>
        %add3A_872 = arith.constant 5000 : i32
        %add3A_873 = vector.broadcast %add3A_872 : i32 to vector<16xi32>
        %add3A_874 = arith.addi %add3A_873, %and3A_871 : vector<16xi32>
        %select_n3A = arith.select %and3A_863, %sub3A_856, %add3A_874 : vector<16xi1>, vector<16xi32>
        %swap3A_875 = arith.constant 0 : index
        %swap3A_876 = tpu.vector_load %arg10[%swap3A_875] {strides = array<i32>} : memref<80xi32, #tpu.memory_space<vmem>>, vector<16xi32>,
        %swap3A_877 = vector.shape_cast %swap3A_876 : vector<16xi32> to vector<16xi32>
        %swap3A_878 = vector.shape_cast %select_n3A : vector<16xi32> to vector<16xi32>
        tpu.vector_store %arg10[%swap3A_875], %swap3A_878 {strides = array<i32>} : memref<80xi32, #tpu.memory_space<vmem>>, vector<16xi32>,
        %get3A_879 = arith.constant 16 : index
        %get3A_880 = tpu.vector_load %arg8[%get3A_879] {strides = array<i32>} : memref<80xi32, #tpu.memory_space<vmem>>, vector<16xi32>,
        %get3A_881 = vector.shape_cast %get3A_880 : vector<16xi32> to vector<16xi32>
        %sub3A_882 = vector.broadcast %mul3A_0 : i32 to vector<16xi32>
        %sub3A_883 = arith.subi %get3A_881, %sub3A_882 : vector<16xi32>
        %ge3A_884 = arith.constant 0 : i32
        %ge3A_885 = vector.broadcast %ge3A_884 : i32 to vector<16xi32>
        %ge3A_886 = arith.cmpi sge, %sub3A_883, %ge3A_885 : vector<16xi32>
        %lt3A_887 = arith.constant 5000 : i32
        %lt3A_888 = vector.broadcast %lt3A_887 : i32 to vector<16xi32>
        %lt3A_889 = arith.cmpi slt, %sub3A_883, %lt3A_888 : vector<16xi32>
        %and3A_890 = arith.andi %ge3A_886, %lt3A_889 : vector<16xi1>
        %add3A_891 = vector.broadcast %add3A_822 : i32 to vector<16xi32>
        %add3A_892 = arith.addi %iota3A, %add3A_891 : vector<16xi32>
        %add3A_893 = arith.constant 1 : i32
        %add3A_894 = vector.broadcast %add3A_893 : i32 to vector<16xi32>
        %add3A_895 = arith.addi %add3A_892, %add3A_894 : vector<16xi32>
        %and3A_896 = arith.constant 63 : i32
        %and3A_897 = vector.broadcast %and3A_896 : i32 to vector<16xi32>
        %and3A_898 = arith.andi %add3A_895, %and3A_897 : vector<16xi32>
        %add3A_899 = arith.constant 5000 : i32
        %add3A_900 = vector.broadcast %add3A_899 : i32 to vector<16xi32>
        %add3A_901 = arith.addi %add3A_900, %and3A_898 : vector<16xi32>
        %select_n3A_902 = arith.select %and3A_890, %sub3A_883, %add3A_901 : vector<16xi1>, vector<16xi32>
        %swap3A_903 = arith.constant 16 : index
        %swap3A_904 = tpu.vector_load %arg10[%swap3A_903] {strides = array<i32>} : memref<80xi32, #tpu.memory_space<vmem>>, vector<16xi32>,
        %swap3A_905 = vector.shape_cast %swap3A_904 : vector<16xi32> to vector<16xi32>
        %swap3A_906 = vector.shape_cast %select_n3A_902 : vector<16xi32> to vector<16xi32>
        tpu.vector_store %arg10[%swap3A_903], %swap3A_906 {strides = array<i32>} : memref<80xi32, #tpu.memory_space<vmem>>, vector<16xi32>,
        %get3A_907 = arith.constant 32 : index
        %get3A_908 = tpu.vector_load %arg8[%get3A_907] {strides = array<i32>} : memref<80xi32, #tpu.memory_space<vmem>>, vector<16xi32>,
        %get3A_909 = vector.shape_cast %get3A_908 : vector<16xi32> to vector<16xi32>
        %sub3A_910 = vector.broadcast %mul3A_0 : i32 to vector<16xi32>
        %sub3A_911 = arith.subi %get3A_909, %sub3A_910 : vector<16xi32>
        %ge3A_912 = arith.constant 0 : i32
        %ge3A_913 = vector.broadcast %ge3A_912 : i32 to vector<16xi32>
        %ge3A_914 = arith.cmpi sge, %sub3A_911, %ge3A_913 : vector<16xi32>
        %lt3A_915 = arith.constant 5000 : i32
        %lt3A_916 = vector.broadcast %lt3A_915 : i32 to vector<16xi32>
        %lt3A_917 = arith.cmpi slt, %sub3A_911, %lt3A_916 : vector<16xi32>
        %and3A_918 = arith.andi %ge3A_914, %lt3A_917 : vector<16xi1>
        %add3A_919 = vector.broadcast %add3A_822 : i32 to vector<16xi32>
        %add3A_920 = arith.addi %iota3A, %add3A_919 : vector<16xi32>
        %add3A_921 = arith.constant 2 : i32
        %add3A_922 = vector.broadcast %add3A_921 : i32 to vector<16xi32>
        %add3A_923 = arith.addi %add3A_920, %add3A_922 : vector<16xi32>
        %and3A_924 = arith.constant 63 : i32
        %and3A_925 = vector.broadcast %and3A_924 : i32 to vector<16xi32>
        %and3A_926 = arith.andi %add3A_923, %and3A_925 : vector<16xi32>
        %add3A_927 = arith.constant 5000 : i32
        %add3A_928 = vector.broadcast %add3A_927 : i32 to vector<16xi32>
        %add3A_929 = arith.addi %add3A_928, %and3A_926 : vector<16xi32>
        %select_n3A_930 = arith.select %and3A_918, %sub3A_911, %add3A_929 : vector<16xi1>, vector<16xi32>
        %swap3A_931 = arith.constant 32 : index
        %swap3A_932 = tpu.vector_load %arg10[%swap3A_931] {strides = array<i32>} : memref<80xi32, #tpu.memory_space<vmem>>, vector<16xi32>,
        %swap3A_933 = vector.shape_cast %swap3A_932 : vector<16xi32> to vector<16xi32>
        %swap3A_934 = vector.shape_cast %select_n3A_930 : vector<16xi32> to vector<16xi32>
        tpu.vector_store %arg10[%swap3A_931], %swap3A_934 {strides = array<i32>} : memref<80xi32, #tpu.memory_space<vmem>>, vector<16xi32>,
        %get3A_935 = arith.constant 48 : index
        %get3A_936 = tpu.vector_load %arg8[%get3A_935] {strides = array<i32>} : memref<80xi32, #tpu.memory_space<vmem>>, vector<16xi32>,
        %get3A_937 = vector.shape_cast %get3A_936 : vector<16xi32> to vector<16xi32>
        %sub3A_938 = vector.broadcast %mul3A_0 : i32 to vector<16xi32>
        %sub3A_939 = arith.subi %get3A_937, %sub3A_938 : vector<16xi32>
        %ge3A_940 = arith.constant 0 : i32
        %ge3A_941 = vector.broadcast %ge3A_940 : i32 to vector<16xi32>
        %ge3A_942 = arith.cmpi sge, %sub3A_939, %ge3A_941 : vector<16xi32>
        %lt3A_943 = arith.constant 5000 : i32
        %lt3A_944 = vector.broadcast %lt3A_943 : i32 to vector<16xi32>
        %lt3A_945 = arith.cmpi slt, %sub3A_939, %lt3A_944 : vector<16xi32>
        %and3A_946 = arith.andi %ge3A_942, %lt3A_945 : vector<16xi1>
        %add3A_947 = vector.broadcast %add3A_822 : i32 to vector<16xi32>
        %add3A_948 = arith.addi %iota3A, %add3A_947 : vector<16xi32>
        %add3A_949 = arith.constant 3 : i32
        %add3A_950 = vector.broadcast %add3A_949 : i32 to vector<16xi32>
        %add3A_951 = arith.addi %add3A_948, %add3A_950 : vector<16xi32>
        %and3A_952 = arith.constant 63 : i32
        %and3A_953 = vector.broadcast %and3A_952 : i32 to vector<16xi32>
        %and3A_954 = arith.andi %add3A_951, %and3A_953 : vector<16xi32>
        %add3A_955 = arith.constant 5000 : i32
        %add3A_956 = vector.broadcast %add3A_955 : i32 to vector<16xi32>
        %add3A_957 = arith.addi %add3A_956, %and3A_954 : vector<16xi32>
        %select_n3A_958 = arith.select %and3A_946, %sub3A_939, %add3A_957 : vector<16xi1>, vector<16xi32>
        %swap3A_959 = arith.constant 48 : index
        %swap3A_960 = tpu.vector_load %arg10[%swap3A_959] {strides = array<i32>} : memref<80xi32, #tpu.memory_space<vmem>>, vector<16xi32>,
        %swap3A_961 = vector.shape_cast %swap3A_960 : vector<16xi32> to vector<16xi32>
        %swap3A_962 = vector.shape_cast %select_n3A_958 : vector<16xi32> to vector<16xi32>
        tpu.vector_store %arg10[%swap3A_959], %swap3A_962 {strides = array<i32>} : memref<80xi32, #tpu.memory_space<vmem>>, vector<16xi32>,
        %get3A_963 = arith.constant 64 : index
        %get3A_964 = tpu.vector_load %arg8[%get3A_963] {strides = array<i32>} : memref<80xi32, #tpu.memory_space<vmem>>, vector<16xi32>,
        %get3A_965 = vector.shape_cast %get3A_964 : vector<16xi32> to vector<16xi32>
        %sub3A_966 = vector.broadcast %mul3A_0 : i32 to vector<16xi32>
        %sub3A_967 = arith.subi %get3A_965, %sub3A_966 : vector<16xi32>
        %ge3A_968 = arith.constant 0 : i32
        %ge3A_969 = vector.broadcast %ge3A_968 : i32 to vector<16xi32>
        %ge3A_970 = arith.cmpi sge, %sub3A_967, %ge3A_969 : vector<16xi32>
        %lt3A_971 = arith.constant 5000 : i32
        %lt3A_972 = vector.broadcast %lt3A_971 : i32 to vector<16xi32>
        %lt3A_973 = arith.cmpi slt, %sub3A_967, %lt3A_972 : vector<16xi32>
        %and3A_974 = arith.andi %ge3A_970, %lt3A_973 : vector<16xi1>
        %add3A_975 = vector.broadcast %add3A_822 : i32 to vector<16xi32>
        %add3A_976 = arith.addi %iota3A, %add3A_975 : vector<16xi32>
        %add3A_977 = arith.constant 4 : i32
        %add3A_978 = vector.broadcast %add3A_977 : i32 to vector<16xi32>
        %add3A_979 = arith.addi %add3A_976, %add3A_978 : vector<16xi32>
        %and3A_980 = arith.constant 63 : i32
        %and3A_981 = vector.broadcast %and3A_980 : i32 to vector<16xi32>
        %and3A_982 = arith.andi %add3A_979, %and3A_981 : vector<16xi32>
        %add3A_983 = arith.constant 5000 : i32
        %add3A_984 = vector.broadcast %add3A_983 : i32 to vector<16xi32>
        %add3A_985 = arith.addi %add3A_984, %and3A_982 : vector<16xi32>
        %select_n3A_986 = arith.select %and3A_974, %sub3A_967, %add3A_985 : vector<16xi1>, vector<16xi32>
        %swap3A_987 = arith.constant 64 : index
        %swap3A_988 = tpu.vector_load %arg10[%swap3A_987] {strides = array<i32>} : memref<80xi32, #tpu.memory_space<vmem>>, vector<16xi32>,
        %swap3A_989 = vector.shape_cast %swap3A_988 : vector<16xi32> to vector<16xi32>
        %swap3A_990 = vector.shape_cast %select_n3A_986 : vector<16xi32> to vector<16xi32>
        tpu.vector_store %arg10[%swap3A_987], %swap3A_990 {strides = array<i32>} : memref<80xi32, #tpu.memory_space<vmem>>, vector<16xi32>,
        %add3A_991 = arith.constant 2 : i32
        %add3A_992 = arith.addi %add3A_822, %add3A_991 : i32
        %lt3A_993 = arith.constant 125 : i32
        %lt3A_994 = arith.cmpi slt, %add3A_992, %lt3A_993 : i32
        %convert_element_type3A_995 = arith.extui %lt3A_994 : i1 to i32
        %cond3A_996 = arith.constant 0 : i32
        %cond3A_997 = arith.cmpi ne, %convert_element_type3A_995, %cond3A_996 : i32
        scf.if %cond3A_997 {
          %add3A_998 = arith.constant 2 : i32
          %add3A_999 = arith.addi %add3A_822, %add3A_998 : i32
          %mul3A_1000 = arith.constant 80 : i32
          %mul3A_1001 = arith.muli %add3A_999, %mul3A_1000 : i32
          %add3A_1002 = arith.addi %mul3A_2, %mul3A_1001 : i32
          %multiple_of3A_1003 = tpu.assume_multiple %add3A_1002, 8 : i32
          %dma_start3A_1004 = tpu.memref_slice %arg3[%multiple_of3A_1003] : memref<160000xi32, #tpu.memory_space<hbm>> -> memref<80xi32, #tpu.memory_space<hbm>>
          %dma_start3A_1005 = tpu.memref_slice %arg3[%multiple_of3A_1003] : memref<160000xi32, #tpu.memory_space<hbm>> -> memref<80xi32, #tpu.memory_space<hbm>>
          tpu.enqueue_dma source(%dma_start3A_1005 : memref<80xi32, #tpu.memory_space<hbm>>) target(%arg8 : memref<80xi32, #tpu.memory_space<vmem>>) target_semaphore(%arg21 : memref<!tpu.dma_semaphore, #tpu.memory_space<semaphore_mem>>)
        } else {
        }
      } else {
      }
      %ge3A_828 = arith.constant 1 : i32
      %ge3A_829 = arith.cmpi sge, %add3A_822, %ge3A_828 : i32
      %le3A_830 = arith.constant 125 : i32
      %le3A_831 = arith.cmpi sle, %add3A_822, %le3A_830 : i32
      %and3A_832 = arith.andi %ge3A_829, %le3A_831 : i1
      %convert_element_type3A_833 = arith.extui %and3A_832 : i1 to i32
      %cond3A_834 = arith.constant 0 : i32
      %cond3A_835 = arith.cmpi ne, %convert_element_type3A_833, %cond3A_834 : i32
      scf.if %cond3A_835 {
        %dma_wait3A_836 = arith.constant 0 : i32
        %dma_wait3A_837 = arith.constant 0 : i32
        %dma_wait3A_838 = tpu.memref_slice %arg2[%dma_wait3A_836, %dma_wait3A_837] : memref<160000x256xf32, #tpu.memory_space<hbm>> -> memref<80x256xf32, #tpu.memory_space<hbm>>
        %dma_wait3A_839 = arith.constant 0 : i32
        %dma_wait3A_840 = arith.constant 0 : i32
        %dma_wait3A_841 = tpu.memref_slice %arg2[%dma_wait3A_839, %dma_wait3A_840] : memref<160000x256xf32, #tpu.memory_space<hbm>> -> memref<80x256xf32, #tpu.memory_space<hbm>>
        tpu.wait_dma2 semaphore(%arg16 : memref<!tpu.dma_semaphore, #tpu.memory_space<semaphore_mem>>) src(%dma_wait3A_841 : memref<80x256xf32, #tpu.memory_space<hbm>>) dst(%arg11 : memref<80x256xf32, #tpu.memory_space<vmem>>)
        %dma_start3A_842 = arith.constant 0 : i32
        %dma_start3A_843 = arith.constant 0 : i32
        %dma_start3A_844 = tpu.memref_slice %arg6[%dma_start3A_842, %dma_start3A_843] : memref<5064x256xf32, #tpu.memory_space<vmem_shared>> -> memref<5064x256xf32, #tpu.memory_space<vmem_shared>>
        tpu.enqueue_indirect_dma source(%arg11 : memref<80x256xf32, #tpu.memory_space<vmem>>) target(%dma_start3A_844 : memref<5064x256xf32, #tpu.memory_space<vmem_shared>>) offsets(%arg9 : memref<80xi32, #tpu.memory_space<vmem>>) semaphore(%arg18 : memref<!tpu.dma_semaphore, #tpu.memory_space<semaphore_mem>>) {add = true}
      } else {
      }
    }
    %scan3A_788 = arith.constant 63 : i32
    %dma_wait3A = arith.constant 0 : i32
    %dma_wait3A_789 = arith.constant 0 : i32
    %dma_wait3A_790 = tpu.memref_slice %arg6[%dma_wait3A, %dma_wait3A_789] : memref<5064x256xf32, #tpu.memory_space<vmem_shared>> -> memref<80x256xf32, #tpu.memory_space<vmem_shared>>
    %dma_wait3A_791 = arith.constant 0 : i32
    %dma_wait3A_792 = arith.constant 0 : i32
    %dma_wait3A_793 = tpu.memref_slice %arg6[%dma_wait3A_791, %dma_wait3A_792] : memref<5064x256xf32, #tpu.memory_space<vmem_shared>> -> memref<80x256xf32, #tpu.memory_space<vmem_shared>>
    tpu.wait_dma2 semaphore(%arg18 : memref<!tpu.dma_semaphore, #tpu.memory_space<semaphore_mem>>) src(%arg11 : memref<80x256xf32, #tpu.memory_space<vmem>>) dst(%dma_wait3A_793 : memref<80x256xf32, #tpu.memory_space<vmem_shared>>)
    %dma_wait3A_794 = arith.constant 0 : i32
    %dma_wait3A_795 = arith.constant 0 : i32
    %dma_wait3A_796 = tpu.memref_slice %arg6[%dma_wait3A_794, %dma_wait3A_795] : memref<5064x256xf32, #tpu.memory_space<vmem_shared>> -> memref<80x256xf32, #tpu.memory_space<vmem_shared>>
    %dma_wait3A_797 = arith.constant 0 : i32
    %dma_wait3A_798 = arith.constant 0 : i32
    %dma_wait3A_799 = tpu.memref_slice %arg6[%dma_wait3A_797, %dma_wait3A_798] : memref<5064x256xf32, #tpu.memory_space<vmem_shared>> -> memref<80x256xf32, #tpu.memory_space<vmem_shared>>
    tpu.wait_dma2 semaphore(%arg19 : memref<!tpu.dma_semaphore, #tpu.memory_space<semaphore_mem>>) src(%arg12 : memref<80x256xf32, #tpu.memory_space<vmem>>) dst(%dma_wait3A_799 : memref<80x256xf32, #tpu.memory_space<vmem_shared>>)
    %barrier3A_800 = arith.constant 0 : index
    tpu.barrier barrier_id(%barrier3A_800)
    %scan3A_801 = arith.constant 0 : i32
    %scan3A_802 = arith.constant 0 : i32
    %scan3A_803 = arith.constant 40 : i32
    %scan3A_804 = arith.addi %scan3A_802, %scan3A_803 : i32
    %scan3A_805 = arith.constant 1 : i32
    scf.for %scan3A_807 = %scan3A_802 to %scan3A_804 step %scan3A_805  : i32 {
      %mul3A_808 = arith.constant 16 : i32
      %mul3A_809 = arith.muli %scan3A_807, %mul3A_808 : i32
      %add3A_810 = arith.addi %arg1, %mul3A_809 : i32
      %lt3A = arith.constant 625 : i32
      %lt3A_811 = arith.cmpi slt, %add3A_810, %lt3A : i32
      %convert_element_type3A = arith.extui %lt3A_811 : i1 to i32
      %cond3A = arith.constant 0 : i32
      %cond3A_812 = arith.cmpi ne, %convert_element_type3A, %cond3A : i32
      scf.if %cond3A_812 {
        %mul3A_813 = arith.constant 8 : i32
        %mul3A_814 = arith.muli %add3A_810, %mul3A_813 : i32
        %multiple_of3A_815 = tpu.assume_multiple %mul3A_814, 8 : i32
        %mul3A_816 = arith.constant 8 : i32
        %mul3A_817 = arith.muli %add3A_810, %mul3A_816 : i32
        %add3A_818 = arith.addi %mul3A_0, %mul3A_817 : i32
        %multiple_of3A_819 = tpu.assume_multiple %add3A_818, 8 : i32
        "tpu.region"() ({
          %run_scoped3A = tpu.sem_alloc : memref<!tpu.dma_semaphore, #tpu.memory_space<semaphore_mem>>
          %dma_start3A_2995 = arith.constant 0 : i32
          %dma_start3A_2996 = tpu.memref_slice %arg6[%multiple_of3A_815, %dma_start3A_2995] : memref<5064x256xf32, #tpu.memory_space<vmem_shared>> -> memref<8x256xf32, #tpu.memory_space<vmem_shared>>
          %dma_start3A_2997 = arith.constant 0 : i32
          %dma_start3A_2998 = tpu.memref_slice %arg6[%multiple_of3A_815, %dma_start3A_2997] : memref<5064x256xf32, #tpu.memory_space<vmem_shared>> -> memref<8x256xf32, #tpu.memory_space<vmem_shared>>
          tpu.enqueue_dma source(%dma_start3A_2998 : memref<8x256xf32, #tpu.memory_space<vmem_shared>>) target(%arg14 : memref<8x256xf32, #tpu.memory_space<vmem>>) target_semaphore(%run_scoped3A : memref<!tpu.dma_semaphore, #tpu.memory_space<semaphore_mem>>)
          %dma_wait3A_2999 = arith.constant 0 : i32
          %dma_wait3A_3000 = tpu.memref_slice %arg6[%multiple_of3A_815, %dma_wait3A_2999] : memref<5064x256xf32, #tpu.memory_space<vmem_shared>> -> memref<8x256xf32, #tpu.memory_space<vmem_shared>>
          %dma_wait3A_3001 = arith.constant 0 : i32
          %dma_wait3A_3002 = tpu.memref_slice %arg6[%multiple_of3A_815, %dma_wait3A_3001] : memref<5064x256xf32, #tpu.memory_space<vmem_shared>> -> memref<8x256xf32, #tpu.memory_space<vmem_shared>>
          tpu.wait_dma2 semaphore(%run_scoped3A : memref<!tpu.dma_semaphore, #tpu.memory_space<semaphore_mem>>) src(%dma_wait3A_3002 : memref<8x256xf32, #tpu.memory_space<vmem_shared>>) dst(%arg14 : memref<8x256xf32, #tpu.memory_space<vmem>>)
          tpu.yield
        }) : () -> ()
        "tpu.region"() ({
          %run_scoped3A = tpu.sem_alloc : memref<!tpu.dma_semaphore, #tpu.memory_space<semaphore_mem>>
          %dma_start3A_2995 = arith.constant 0 : i32
          %dma_start3A_2996 = tpu.memref_slice %arg4[%multiple_of3A_819, %dma_start3A_2995] : memref<10000x256xf32, #tpu.memory_space<hbm>> -> memref<8x256xf32, #tpu.memory_space<hbm>>
          %dma_start3A_2997 = arith.constant 0 : i32
          %dma_start3A_2998 = tpu.memref_slice %arg4[%multiple_of3A_819, %dma_start3A_2997] : memref<10000x256xf32, #tpu.memory_space<hbm>> -> memref<8x256xf32, #tpu.memory_space<hbm>>
          tpu.enqueue_dma source(%dma_start3A_2998 : memref<8x256xf32, #tpu.memory_space<hbm>>) target(%arg15 : memref<8x256xf32, #tpu.memory_space<vmem>>) target_semaphore(%run_scoped3A : memref<!tpu.dma_semaphore, #tpu.memory_space<semaphore_mem>>)
          %dma_wait3A_2999 = arith.constant 0 : i32
          %dma_wait3A_3000 = tpu.memref_slice %arg4[%multiple_of3A_819, %dma_wait3A_2999] : memref<10000x256xf32, #tpu.memory_space<hbm>> -> memref<8x256xf32, #tpu.memory_space<hbm>>
          %dma_wait3A_3001 = arith.constant 0 : i32
          %dma_wait3A_3002 = tpu.memref_slice %arg4[%multiple_of3A_819, %dma_wait3A_3001] : memref<10000x256xf32, #tpu.memory_space<hbm>> -> memref<8x256xf32, #tpu.memory_space<hbm>>
          tpu.wait_dma2 semaphore(%run_scoped3A : memref<!tpu.dma_semaphore, #tpu.memory_space<semaphore_mem>>) src(%dma_wait3A_3002 : memref<8x256xf32, #tpu.memory_space<hbm>>) dst(%arg15 : memref<8x256xf32, #tpu.memory_space<vmem>>)
          tpu.yield
        }) : () -> ()
        %get3A = arith.constant 0 : i32
        %get3A_820 = arith.index_cast %get3A : i32 to index
        %get3A_821 = arith.constant 0 : index
        %get3A_822 = tpu.vector_load %arg14[%get3A_820, %get3A_821] {strides = array<i32>} : memref<8x256xf32, #tpu.memory_space<vmem>>, vector<1x16xf32>,
        %get3A_823 = vector.shape_cast %get3A_822 : vector<1x16xf32> to vector<16xf32>
        %get3A_824 = arith.constant 0 : i32
        %get3A_825 = arith.index_cast %get3A_824 : i32 to index
        %get3A_826 = arith.constant 0 : index
        %get3A_827 = tpu.vector_load %arg15[%get3A_825, %get3A_826] {strides = array<i32>} : memref<8x256xf32, #tpu.memory_space<vmem>>, vector<1x16xf32>,
        %get3A_828 = vector.shape_cast %get3A_827 : vector<1x16xf32> to vector<16xf32>
        %add3A_829 = arith.addf %get3A_823, %get3A_828 : vector<16xf32>
        %swap3A_830 = arith.constant 0 : i32
        %swap3A_831 = arith.index_cast %swap3A_830 : i32 to index
        %swap3A_832 = arith.constant 0 : index
        %swap3A_833 = tpu.vector_load %arg14[%swap3A_831, %swap3A_832] {strides = array<i32>} : memref<8x256xf32, #tpu.memory_space<vmem>>, vector<1x16xf32>,
        %swap3A_834 = vector.shape_cast %swap3A_833 : vector<1x16xf32> to vector<16xf32>
        %swap3A_835 = vector.shape_cast %add3A_829 : vector<16xf32> to vector<1x16xf32>
        tpu.vector_store %arg14[%swap3A_831, %swap3A_832], %swap3A_835 {strides = array<i32>} : memref<8x256xf32, #tpu.memory_space<vmem>>, vector<1x16xf32>,
        %get3A_836 = arith.constant 0 : i32
        %get3A_837 = arith.index_cast %get3A_836 : i32 to index
        %get3A_838 = arith.constant 16 : index
        %get3A_839 = tpu.vector_load %arg14[%get3A_837, %get3A_838] {strides = array<i32>} : memref<8x256xf32, #tpu.memory_space<vmem>>, vector<1x16xf32>,
        %get3A_840 = vector.shape_cast %get3A_839 : vector<1x16xf32> to vector<16xf32>
        %get3A_841 = arith.constant 0 : i32
        %get3A_842 = arith.index_cast %get3A_841 : i32 to index
        %get3A_843 = arith.constant 16 : index
        %get3A_844 = tpu.vector_load %arg15[%get3A_842, %get3A_843] {strides = array<i32>} : memref<8x256xf32, #tpu.memory_space<vmem>>, vector<1x16xf32>,
        %get3A_845 = vector.shape_cast %get3A_844 : vector<1x16xf32> to vector<16xf32>
        %add3A_846 = arith.addf %get3A_840, %get3A_845 : vector<16xf32>
        %swap3A_847 = arith.constant 0 : i32
        %swap3A_848 = arith.index_cast %swap3A_847 : i32 to index
        %swap3A_849 = arith.constant 16 : index
        %swap3A_850 = tpu.vector_load %arg14[%swap3A_848, %swap3A_849] {strides = array<i32>} : memref<8x256xf32, #tpu.memory_space<vmem>>, vector<1x16xf32>,
        %swap3A_851 = vector.shape_cast %swap3A_850 : vector<1x16xf32> to vector<16xf32>
        %swap3A_852 = vector.shape_cast %add3A_846 : vector<16xf32> to vector<1x16xf32>
        tpu.vector_store %arg14[%swap3A_848, %swap3A_849], %swap3A_852 {strides = array<i32>} : memref<8x256xf32, #tpu.memory_space<vmem>>, vector<1x16xf32>,
        %get3A_853 = arith.constant 0 : i32
        %get3A_854 = arith.index_cast %get3A_853 : i32 to index
        %get3A_855 = arith.constant 32 : index
        %get3A_856 = tpu.vector_load %arg14[%get3A_854, %get3A_855] {strides = array<i32>} : memref<8x256xf32, #tpu.memory_space<vmem>>, vector<1x16xf32>,
        %get3A_857 = vector.shape_cast %get3A_856 : vector<1x16xf32> to vector<16xf32>
        %get3A_858 = arith.constant 0 : i32
        %get3A_859 = arith.index_cast %get3A_858 : i32 to index
        %get3A_860 = arith.constant 32 : index
        %get3A_861 = tpu.vector_load %arg15[%get3A_859, %get3A_860] {strides = array<i32>} : memref<8x256xf32, #tpu.memory_space<vmem>>, vector<1x16xf32>,
        %get3A_862 = vector.shape_cast %get3A_861 : vector<1x16xf32> to vector<16xf32>
        %add3A_863 = arith.addf %get3A_857, %get3A_862 : vector<16xf32>
        %swap3A_864 = arith.constant 0 : i32
        %swap3A_865 = arith.index_cast %swap3A_864 : i32 to index
        %swap3A_866 = arith.constant 32 : index
        %swap3A_867 = tpu.vector_load %arg14[%swap3A_865, %swap3A_866] {strides = array<i32>} : memref<8x256xf32, #tpu.memory_space<vmem>>, vector<1x16xf32>,
        %swap3A_868 = vector.shape_cast %swap3A_867 : vector<1x16xf32> to vector<16xf32>
        %swap3A_869 = vector.shape_cast %add3A_863 : vector<16xf32> to vector<1x16xf32>
        tpu.vector_store %arg14[%swap3A_865, %swap3A_866], %swap3A_869 {strides = array<i32>} : memref<8x256xf32, #tpu.memory_space<vmem>>, vector<1x16xf32>,
        %get3A_870 = arith.constant 0 : i32
        %get3A_871 = arith.index_cast %get3A_870 : i32 to index
        %get3A_872 = arith.constant 48 : index
        %get3A_873 = tpu.vector_load %arg14[%get3A_871, %get3A_872] {strides = array<i32>} : memref<8x256xf32, #tpu.memory_space<vmem>>, vector<1x16xf32>,
        %get3A_874 = vector.shape_cast %get3A_873 : vector<1x16xf32> to vector<16xf32>
        %get3A_875 = arith.constant 0 : i32
        %get3A_876 = arith.index_cast %get3A_875 : i32 to index
        %get3A_877 = arith.constant 48 : index
        %get3A_878 = tpu.vector_load %arg15[%get3A_876, %get3A_877] {strides = array<i32>} : memref<8x256xf32, #tpu.memory_space<vmem>>, vector<1x16xf32>,
        %get3A_879 = vector.shape_cast %get3A_878 : vector<1x16xf32> to vector<16xf32>
        %add3A_880 = arith.addf %get3A_874, %get3A_879 : vector<16xf32>
        %swap3A_881 = arith.constant 0 : i32
        %swap3A_882 = arith.index_cast %swap3A_881 : i32 to index
        %swap3A_883 = arith.constant 48 : index
        %swap3A_884 = tpu.vector_load %arg14[%swap3A_882, %swap3A_883] {strides = array<i32>} : memref<8x256xf32, #tpu.memory_space<vmem>>, vector<1x16xf32>,
        %swap3A_885 = vector.shape_cast %swap3A_884 : vector<1x16xf32> to vector<16xf32>
        %swap3A_886 = vector.shape_cast %add3A_880 : vector<16xf32> to vector<1x16xf32>
        tpu.vector_store %arg14[%swap3A_882, %swap3A_883], %swap3A_886 {strides = array<i32>} : memref<8x256xf32, #tpu.memory_space<vmem>>, vector<1x16xf32>,
        %get3A_887 = arith.constant 0 : i32
        %get3A_888 = arith.index_cast %get3A_887 : i32 to index
        %get3A_889 = arith.constant 64 : index
        %get3A_890 = tpu.vector_load %arg14[%get3A_888, %get3A_889] {strides = array<i32>} : memref<8x256xf32, #tpu.memory_space<vmem>>, vector<1x16xf32>,
        %get3A_891 = vector.shape_cast %get3A_890 : vector<1x16xf32> to vector<16xf32>
        %get3A_892 = arith.constant 0 : i32
        %get3A_893 = arith.index_cast %get3A_892 : i32 to index
        %get3A_894 = arith.constant 64 : index
        %get3A_895 = tpu.vector_load %arg15[%get3A_893, %get3A_894] {strides = array<i32>} : memref<8x256xf32, #tpu.memory_space<vmem>>, vector<1x16xf32>,
        %get3A_896 = vector.shape_cast %get3A_895 : vector<1x16xf32> to vector<16xf32>
        %add3A_897 = arith.addf %get3A_891, %get3A_896 : vector<16xf32>
        %swap3A_898 = arith.constant 0 : i32
        %swap3A_899 = arith.index_cast %swap3A_898 : i32 to index
        %swap3A_900 = arith.constant 64 : index
        %swap3A_901 = tpu.vector_load %arg14[%swap3A_899, %swap3A_900] {strides = array<i32>} : memref<8x256xf32, #tpu.memory_space<vmem>>, vector<1x16xf32>,
        %swap3A_902 = vector.shape_cast %swap3A_901 : vector<1x16xf32> to vector<16xf32>
        %swap3A_903 = vector.shape_cast %add3A_897 : vector<16xf32> to vector<1x16xf32>
        tpu.vector_store %arg14[%swap3A_899, %swap3A_900], %swap3A_903 {strides = array<i32>} : memref<8x256xf32, #tpu.memory_space<vmem>>, vector<1x16xf32>,
        %get3A_904 = arith.constant 0 : i32
        %get3A_905 = arith.index_cast %get3A_904 : i32 to index
        %get3A_906 = arith.constant 80 : index
        %get3A_907 = tpu.vector_load %arg14[%get3A_905, %get3A_906] {strides = array<i32>} : memref<8x256xf32, #tpu.memory_space<vmem>>, vector<1x16xf32>,
        %get3A_908 = vector.shape_cast %get3A_907 : vector<1x16xf32> to vector<16xf32>
        %get3A_909 = arith.constant 0 : i32
        %get3A_910 = arith.index_cast %get3A_909 : i32 to index
        %get3A_911 = arith.constant 80 : index
        %get3A_912 = tpu.vector_load %arg15[%get3A_910, %get3A_911] {strides = array<i32>} : memref<8x256xf32, #tpu.memory_space<vmem>>, vector<1x16xf32>,
        %get3A_913 = vector.shape_cast %get3A_912 : vector<1x16xf32> to vector<16xf32>
        %add3A_914 = arith.addf %get3A_908, %get3A_913 : vector<16xf32>
        %swap3A_915 = arith.constant 0 : i32
        %swap3A_916 = arith.index_cast %swap3A_915 : i32 to index
        %swap3A_917 = arith.constant 80 : index
        %swap3A_918 = tpu.vector_load %arg14[%swap3A_916, %swap3A_917] {strides = array<i32>} : memref<8x256xf32, #tpu.memory_space<vmem>>, vector<1x16xf32>,
        %swap3A_919 = vector.shape_cast %swap3A_918 : vector<1x16xf32> to vector<16xf32>
        %swap3A_920 = vector.shape_cast %add3A_914 : vector<16xf32> to vector<1x16xf32>
        tpu.vector_store %arg14[%swap3A_916, %swap3A_917], %swap3A_920 {strides = array<i32>} : memref<8x256xf32, #tpu.memory_space<vmem>>, vector<1x16xf32>,
        %get3A_921 = arith.constant 0 : i32
        %get3A_922 = arith.index_cast %get3A_921 : i32 to index
        %get3A_923 = arith.constant 96 : index
        %get3A_924 = tpu.vector_load %arg14[%get3A_922, %get3A_923] {strides = array<i32>} : memref<8x256xf32, #tpu.memory_space<vmem>>, vector<1x16xf32>,
        %get3A_925 = vector.shape_cast %get3A_924 : vector<1x16xf32> to vector<16xf32>
        %get3A_926 = arith.constant 0 : i32
        %get3A_927 = arith.index_cast %get3A_926 : i32 to index
        %get3A_928 = arith.constant 96 : index
        %get3A_929 = tpu.vector_load %arg15[%get3A_927, %get3A_928] {strides = array<i32>} : memref<8x256xf32, #tpu.memory_space<vmem>>, vector<1x16xf32>,
        %get3A_930 = vector.shape_cast %get3A_929 : vector<1x16xf32> to vector<16xf32>
        %add3A_931 = arith.addf %get3A_925, %get3A_930 : vector<16xf32>
        %swap3A_932 = arith.constant 0 : i32
        %swap3A_933 = arith.index_cast %swap3A_932 : i32 to index
        %swap3A_934 = arith.constant 96 : index
        %swap3A_935 = tpu.vector_load %arg14[%swap3A_933, %swap3A_934] {strides = array<i32>} : memref<8x256xf32, #tpu.memory_space<vmem>>, vector<1x16xf32>,
        %swap3A_936 = vector.shape_cast %swap3A_935 : vector<1x16xf32> to vector<16xf32>
        %swap3A_937 = vector.shape_cast %add3A_931 : vector<16xf32> to vector<1x16xf32>
        tpu.vector_store %arg14[%swap3A_933, %swap3A_934], %swap3A_937 {strides = array<i32>} : memref<8x256xf32, #tpu.memory_space<vmem>>, vector<1x16xf32>,
        %get3A_938 = arith.constant 0 : i32
        %get3A_939 = arith.index_cast %get3A_938 : i32 to index
        %get3A_940 = arith.constant 112 : index
        %get3A_941 = tpu.vector_load %arg14[%get3A_939, %get3A_940] {strides = array<i32>} : memref<8x256xf32, #tpu.memory_space<vmem>>, vector<1x16xf32>,
        %get3A_942 = vector.shape_cast %get3A_941 : vector<1x16xf32> to vector<16xf32>
        %get3A_943 = arith.constant 0 : i32
        %get3A_944 = arith.index_cast %get3A_943 : i32 to index
        %get3A_945 = arith.constant 112 : index
        %get3A_946 = tpu.vector_load %arg15[%get3A_944, %get3A_945] {strides = array<i32>} : memref<8x256xf32, #tpu.memory_space<vmem>>, vector<1x16xf32>,
        %get3A_947 = vector.shape_cast %get3A_946 : vector<1x16xf32> to vector<16xf32>
        %add3A_948 = arith.addf %get3A_942, %get3A_947 : vector<16xf32>
        %swap3A_949 = arith.constant 0 : i32
        %swap3A_950 = arith.index_cast %swap3A_949 : i32 to index
        %swap3A_951 = arith.constant 112 : index
        %swap3A_952 = tpu.vector_load %arg14[%swap3A_950, %swap3A_951] {strides = array<i32>} : memref<8x256xf32, #tpu.memory_space<vmem>>, vector<1x16xf32>,
        %swap3A_953 = vector.shape_cast %swap3A_952 : vector<1x16xf32> to vector<16xf32>
        %swap3A_954 = vector.shape_cast %add3A_948 : vector<16xf32> to vector<1x16xf32>
        tpu.vector_store %arg14[%swap3A_950, %swap3A_951], %swap3A_954 {strides = array<i32>} : memref<8x256xf32, #tpu.memory_space<vmem>>, vector<1x16xf32>,
        %get3A_955 = arith.constant 0 : i32
        %get3A_956 = arith.index_cast %get3A_955 : i32 to index
        %get3A_957 = arith.constant 128 : index
        %get3A_958 = tpu.vector_load %arg14[%get3A_956, %get3A_957] {strides = array<i32>} : memref<8x256xf32, #tpu.memory_space<vmem>>, vector<1x16xf32>,
        %get3A_959 = vector.shape_cast %get3A_958 : vector<1x16xf32> to vector<16xf32>
        %get3A_960 = arith.constant 0 : i32
        %get3A_961 = arith.index_cast %get3A_960 : i32 to index
        %get3A_962 = arith.constant 128 : index
        %get3A_963 = tpu.vector_load %arg15[%get3A_961, %get3A_962] {strides = array<i32>} : memref<8x256xf32, #tpu.memory_space<vmem>>, vector<1x16xf32>,
        %get3A_964 = vector.shape_cast %get3A_963 : vector<1x16xf32> to vector<16xf32>
        %add3A_965 = arith.addf %get3A_959, %get3A_964 : vector<16xf32>
        %swap3A_966 = arith.constant 0 : i32
        %swap3A_967 = arith.index_cast %swap3A_966 : i32 to index
        %swap3A_968 = arith.constant 128 : index
        %swap3A_969 = tpu.vector_load %arg14[%swap3A_967, %swap3A_968] {strides = array<i32>} : memref<8x256xf32, #tpu.memory_space<vmem>>, vector<1x16xf32>,
        %swap3A_970 = vector.shape_cast %swap3A_969 : vector<1x16xf32> to vector<16xf32>
        %swap3A_971 = vector.shape_cast %add3A_965 : vector<16xf32> to vector<1x16xf32>
        tpu.vector_store %arg14[%swap3A_967, %swap3A_968], %swap3A_971 {strides = array<i32>} : memref<8x256xf32, #tpu.memory_space<vmem>>, vector<1x16xf32>,
        %get3A_972 = arith.constant 0 : i32
        %get3A_973 = arith.index_cast %get3A_972 : i32 to index
        %get3A_974 = arith.constant 144 : index
        %get3A_975 = tpu.vector_load %arg14[%get3A_973, %get3A_974] {strides = array<i32>} : memref<8x256xf32, #tpu.memory_space<vmem>>, vector<1x16xf32>,
        %get3A_976 = vector.shape_cast %get3A_975 : vector<1x16xf32> to vector<16xf32>
        %get3A_977 = arith.constant 0 : i32
        %get3A_978 = arith.index_cast %get3A_977 : i32 to index
        %get3A_979 = arith.constant 144 : index
        %get3A_980 = tpu.vector_load %arg15[%get3A_978, %get3A_979] {strides = array<i32>} : memref<8x256xf32, #tpu.memory_space<vmem>>, vector<1x16xf32>,
        %get3A_981 = vector.shape_cast %get3A_980 : vector<1x16xf32> to vector<16xf32>
        %add3A_982 = arith.addf %get3A_976, %get3A_981 : vector<16xf32>
        %swap3A_983 = arith.constant 0 : i32
        %swap3A_984 = arith.index_cast %swap3A_983 : i32 to index
        %swap3A_985 = arith.constant 144 : index
        %swap3A_986 = tpu.vector_load %arg14[%swap3A_984, %swap3A_985] {strides = array<i32>} : memref<8x256xf32, #tpu.memory_space<vmem>>, vector<1x16xf32>,
        %swap3A_987 = vector.shape_cast %swap3A_986 : vector<1x16xf32> to vector<16xf32>
        %swap3A_988 = vector.shape_cast %add3A_982 : vector<16xf32> to vector<1x16xf32>
        tpu.vector_store %arg14[%swap3A_984, %swap3A_985], %swap3A_988 {strides = array<i32>} : memref<8x256xf32, #tpu.memory_space<vmem>>, vector<1x16xf32>,
        %get3A_989 = arith.constant 0 : i32
        %get3A_990 = arith.index_cast %get3A_989 : i32 to index
        %get3A_991 = arith.constant 160 : index
        %get3A_992 = tpu.vector_load %arg14[%get3A_990, %get3A_991] {strides = array<i32>} : memref<8x256xf32, #tpu.memory_space<vmem>>, vector<1x16xf32>,
        %get3A_993 = vector.shape_cast %get3A_992 : vector<1x16xf32> to vector<16xf32>
        %get3A_994 = arith.constant 0 : i32
        %get3A_995 = arith.index_cast %get3A_994 : i32 to index
        %get3A_996 = arith.constant 160 : index
        %get3A_997 = tpu.vector_load %arg15[%get3A_995, %get3A_996] {strides = array<i32>} : memref<8x256xf32, #tpu.memory_space<vmem>>, vector<1x16xf32>,
        %get3A_998 = vector.shape_cast %get3A_997 : vector<1x16xf32> to vector<16xf32>
        %add3A_999 = arith.addf %get3A_993, %get3A_998 : vector<16xf32>
        %swap3A_1000 = arith.constant 0 : i32
        %swap3A_1001 = arith.index_cast %swap3A_1000 : i32 to index
        %swap3A_1002 = arith.constant 160 : index
        %swap3A_1003 = tpu.vector_load %arg14[%swap3A_1001, %swap3A_1002] {strides = array<i32>} : memref<8x256xf32, #tpu.memory_space<vmem>>, vector<1x16xf32>,
        %swap3A_1004 = vector.shape_cast %swap3A_1003 : vector<1x16xf32> to vector<16xf32>
        %swap3A_1005 = vector.shape_cast %add3A_999 : vector<16xf32> to vector<1x16xf32>
        tpu.vector_store %arg14[%swap3A_1001, %swap3A_1002], %swap3A_1005 {strides = array<i32>} : memref<8x256xf32, #tpu.memory_space<vmem>>, vector<1x16xf32>,
        %get3A_1006 = arith.constant 0 : i32
        %get3A_1007 = arith.index_cast %get3A_1006 : i32 to index
        %get3A_1008 = arith.constant 176 : index
        %get3A_1009 = tpu.vector_load %arg14[%get3A_1007, %get3A_1008] {strides = array<i32>} : memref<8x256xf32, #tpu.memory_space<vmem>>, vector<1x16xf32>,
        %get3A_1010 = vector.shape_cast %get3A_1009 : vector<1x16xf32> to vector<16xf32>
        %get3A_1011 = arith.constant 0 : i32
        %get3A_1012 = arith.index_cast %get3A_1011 : i32 to index
        %get3A_1013 = arith.constant 176 : index
        %get3A_1014 = tpu.vector_load %arg15[%get3A_1012, %get3A_1013] {strides = array<i32>} : memref<8x256xf32, #tpu.memory_space<vmem>>, vector<1x16xf32>,
        %get3A_1015 = vector.shape_cast %get3A_1014 : vector<1x16xf32> to vector<16xf32>
        %add3A_1016 = arith.addf %get3A_1010, %get3A_1015 : vector<16xf32>
        %swap3A_1017 = arith.constant 0 : i32
        %swap3A_1018 = arith.index_cast %swap3A_1017 : i32 to index
        %swap3A_1019 = arith.constant 176 : index
        %swap3A_1020 = tpu.vector_load %arg14[%swap3A_1018, %swap3A_1019] {strides = array<i32>} : memref<8x256xf32, #tpu.memory_space<vmem>>, vector<1x16xf32>,
        %swap3A_1021 = vector.shape_cast %swap3A_1020 : vector<1x16xf32> to vector<16xf32>
        %swap3A_1022 = vector.shape_cast %add3A_1016 : vector<16xf32> to vector<1x16xf32>
        tpu.vector_store %arg14[%swap3A_1018, %swap3A_1019], %swap3A_1022 {strides = array<i32>} : memref<8x256xf32, #tpu.memory_space<vmem>>, vector<1x16xf32>,
        %get3A_1023 = arith.constant 0 : i32
        %get3A_1024 = arith.index_cast %get3A_1023 : i32 to index
        %get3A_1025 = arith.constant 192 : index
        %get3A_1026 = tpu.vector_load %arg14[%get3A_1024, %get3A_1025] {strides = array<i32>} : memref<8x256xf32, #tpu.memory_space<vmem>>, vector<1x16xf32>,
        %get3A_1027 = vector.shape_cast %get3A_1026 : vector<1x16xf32> to vector<16xf32>
        %get3A_1028 = arith.constant 0 : i32
        %get3A_1029 = arith.index_cast %get3A_1028 : i32 to index
        %get3A_1030 = arith.constant 192 : index
        %get3A_1031 = tpu.vector_load %arg15[%get3A_1029, %get3A_1030] {strides = array<i32>} : memref<8x256xf32, #tpu.memory_space<vmem>>, vector<1x16xf32>,
        %get3A_1032 = vector.shape_cast %get3A_1031 : vector<1x16xf32> to vector<16xf32>
        %add3A_1033 = arith.addf %get3A_1027, %get3A_1032 : vector<16xf32>
        %swap3A_1034 = arith.constant 0 : i32
        %swap3A_1035 = arith.index_cast %swap3A_1034 : i32 to index
        %swap3A_1036 = arith.constant 192 : index
        %swap3A_1037 = tpu.vector_load %arg14[%swap3A_1035, %swap3A_1036] {strides = array<i32>} : memref<8x256xf32, #tpu.memory_space<vmem>>, vector<1x16xf32>,
        %swap3A_1038 = vector.shape_cast %swap3A_1037 : vector<1x16xf32> to vector<16xf32>
        %swap3A_1039 = vector.shape_cast %add3A_1033 : vector<16xf32> to vector<1x16xf32>
        tpu.vector_store %arg14[%swap3A_1035, %swap3A_1036], %swap3A_1039 {strides = array<i32>} : memref<8x256xf32, #tpu.memory_space<vmem>>, vector<1x16xf32>,
        %get3A_1040 = arith.constant 0 : i32
        %get3A_1041 = arith.index_cast %get3A_1040 : i32 to index
        %get3A_1042 = arith.constant 208 : index
        %get3A_1043 = tpu.vector_load %arg14[%get3A_1041, %get3A_1042] {strides = array<i32>} : memref<8x256xf32, #tpu.memory_space<vmem>>, vector<1x16xf32>,
        %get3A_1044 = vector.shape_cast %get3A_1043 : vector<1x16xf32> to vector<16xf32>
        %get3A_1045 = arith.constant 0 : i32
        %get3A_1046 = arith.index_cast %get3A_1045 : i32 to index
        %get3A_1047 = arith.constant 208 : index
        %get3A_1048 = tpu.vector_load %arg15[%get3A_1046, %get3A_1047] {strides = array<i32>} : memref<8x256xf32, #tpu.memory_space<vmem>>, vector<1x16xf32>,
        %get3A_1049 = vector.shape_cast %get3A_1048 : vector<1x16xf32> to vector<16xf32>
        %add3A_1050 = arith.addf %get3A_1044, %get3A_1049 : vector<16xf32>
        %swap3A_1051 = arith.constant 0 : i32
        %swap3A_1052 = arith.index_cast %swap3A_1051 : i32 to index
        %swap3A_1053 = arith.constant 208 : index
        %swap3A_1054 = tpu.vector_load %arg14[%swap3A_1052, %swap3A_1053] {strides = array<i32>} : memref<8x256xf32, #tpu.memory_space<vmem>>, vector<1x16xf32>,
        %swap3A_1055 = vector.shape_cast %swap3A_1054 : vector<1x16xf32> to vector<16xf32>
        %swap3A_1056 = vector.shape_cast %add3A_1050 : vector<16xf32> to vector<1x16xf32>
        tpu.vector_store %arg14[%swap3A_1052, %swap3A_1053], %swap3A_1056 {strides = array<i32>} : memref<8x256xf32, #tpu.memory_space<vmem>>, vector<1x16xf32>,
        %get3A_1057 = arith.constant 0 : i32
        %get3A_1058 = arith.index_cast %get3A_1057 : i32 to index
        %get3A_1059 = arith.constant 224 : index
        %get3A_1060 = tpu.vector_load %arg14[%get3A_1058, %get3A_1059] {strides = array<i32>} : memref<8x256xf32, #tpu.memory_space<vmem>>, vector<1x16xf32>,
        %get3A_1061 = vector.shape_cast %get3A_1060 : vector<1x16xf32> to vector<16xf32>
        %get3A_1062 = arith.constant 0 : i32
        %get3A_1063 = arith.index_cast %get3A_1062 : i32 to index
        %get3A_1064 = arith.constant 224 : index
        %get3A_1065 = tpu.vector_load %arg15[%get3A_1063, %get3A_1064] {strides = array<i32>} : memref<8x256xf32, #tpu.memory_space<vmem>>, vector<1x16xf32>,
        %get3A_1066 = vector.shape_cast %get3A_1065 : vector<1x16xf32> to vector<16xf32>
        %add3A_1067 = arith.addf %get3A_1061, %get3A_1066 : vector<16xf32>
        %swap3A_1068 = arith.constant 0 : i32
        %swap3A_1069 = arith.index_cast %swap3A_1068 : i32 to index
        %swap3A_1070 = arith.constant 224 : index
        %swap3A_1071 = tpu.vector_load %arg14[%swap3A_1069, %swap3A_1070] {strides = array<i32>} : memref<8x256xf32, #tpu.memory_space<vmem>>, vector<1x16xf32>,
        %swap3A_1072 = vector.shape_cast %swap3A_1071 : vector<1x16xf32> to vector<16xf32>
        %swap3A_1073 = vector.shape_cast %add3A_1067 : vector<16xf32> to vector<1x16xf32>
        tpu.vector_store %arg14[%swap3A_1069, %swap3A_1070], %swap3A_1073 {strides = array<i32>} : memref<8x256xf32, #tpu.memory_space<vmem>>, vector<1x16xf32>,
        %get3A_1074 = arith.constant 0 : i32
        %get3A_1075 = arith.index_cast %get3A_1074 : i32 to index
        %get3A_1076 = arith.constant 240 : index
        %get3A_1077 = tpu.vector_load %arg14[%get3A_1075, %get3A_1076] {strides = array<i32>} : memref<8x256xf32, #tpu.memory_space<vmem>>, vector<1x16xf32>,
        %get3A_1078 = vector.shape_cast %get3A_1077 : vector<1x16xf32> to vector<16xf32>
        %get3A_1079 = arith.constant 0 : i32
        %get3A_1080 = arith.index_cast %get3A_1079 : i32 to index
        %get3A_1081 = arith.constant 240 : index
        %get3A_1082 = tpu.vector_load %arg15[%get3A_1080, %get3A_1081] {strides = array<i32>} : memref<8x256xf32, #tpu.memory_space<vmem>>, vector<1x16xf32>,
        %get3A_1083 = vector.shape_cast %get3A_1082 : vector<1x16xf32> to vector<16xf32>
        %add3A_1084 = arith.addf %get3A_1078, %get3A_1083 : vector<16xf32>
        %swap3A_1085 = arith.constant 0 : i32
        %swap3A_1086 = arith.index_cast %swap3A_1085 : i32 to index
        %swap3A_1087 = arith.constant 240 : index
        %swap3A_1088 = tpu.vector_load %arg14[%swap3A_1086, %swap3A_1087] {strides = array<i32>} : memref<8x256xf32, #tpu.memory_space<vmem>>, vector<1x16xf32>,
        %swap3A_1089 = vector.shape_cast %swap3A_1088 : vector<1x16xf32> to vector<16xf32>
        %swap3A_1090 = vector.shape_cast %add3A_1084 : vector<16xf32> to vector<1x16xf32>
        tpu.vector_store %arg14[%swap3A_1086, %swap3A_1087], %swap3A_1090 {strides = array<i32>} : memref<8x256xf32, #tpu.memory_space<vmem>>, vector<1x16xf32>,
        %get3A_1091 = arith.constant 1 : i32
        %get3A_1092 = arith.index_cast %get3A_1091 : i32 to index
        %get3A_1093 = arith.constant 0 : index
        %get3A_1094 = tpu.vector_load %arg14[%get3A_1092, %get3A_1093] {strides = array<i32>} : memref<8x256xf32, #tpu.memory_space<vmem>>, vector<1x16xf32>,
        %get3A_1095 = vector.shape_cast %get3A_1094 : vector<1x16xf32> to vector<16xf32>
        %get3A_1096 = arith.constant 1 : i32
        %get3A_1097 = arith.index_cast %get3A_1096 : i32 to index
        %get3A_1098 = arith.constant 0 : index
        %get3A_1099 = tpu.vector_load %arg15[%get3A_1097, %get3A_1098] {strides = array<i32>} : memref<8x256xf32, #tpu.memory_space<vmem>>, vector<1x16xf32>,
        %get3A_1100 = vector.shape_cast %get3A_1099 : vector<1x16xf32> to vector<16xf32>
        %add3A_1101 = arith.addf %get3A_1095, %get3A_1100 : vector<16xf32>
        %swap3A_1102 = arith.constant 1 : i32
        %swap3A_1103 = arith.index_cast %swap3A_1102 : i32 to index
        %swap3A_1104 = arith.constant 0 : index
        %swap3A_1105 = tpu.vector_load %arg14[%swap3A_1103, %swap3A_1104] {strides = array<i32>} : memref<8x256xf32, #tpu.memory_space<vmem>>, vector<1x16xf32>,
        %swap3A_1106 = vector.shape_cast %swap3A_1105 : vector<1x16xf32> to vector<16xf32>
        %swap3A_1107 = vector.shape_cast %add3A_1101 : vector<16xf32> to vector<1x16xf32>
        tpu.vector_store %arg14[%swap3A_1103, %swap3A_1104], %swap3A_1107 {strides = array<i32>} : memref<8x256xf32, #tpu.memory_space<vmem>>, vector<1x16xf32>,
        %get3A_1108 = arith.constant 1 : i32
        %get3A_1109 = arith.index_cast %get3A_1108 : i32 to index
        %get3A_1110 = arith.constant 16 : index
        %get3A_1111 = tpu.vector_load %arg14[%get3A_1109, %get3A_1110] {strides = array<i32>} : memref<8x256xf32, #tpu.memory_space<vmem>>, vector<1x16xf32>,
        %get3A_1112 = vector.shape_cast %get3A_1111 : vector<1x16xf32> to vector<16xf32>
        %get3A_1113 = arith.constant 1 : i32
        %get3A_1114 = arith.index_cast %get3A_1113 : i32 to index
        %get3A_1115 = arith.constant 16 : index
        %get3A_1116 = tpu.vector_load %arg15[%get3A_1114, %get3A_1115] {strides = array<i32>} : memref<8x256xf32, #tpu.memory_space<vmem>>, vector<1x16xf32>,
        %get3A_1117 = vector.shape_cast %get3A_1116 : vector<1x16xf32> to vector<16xf32>
        %add3A_1118 = arith.addf %get3A_1112, %get3A_1117 : vector<16xf32>
        %swap3A_1119 = arith.constant 1 : i32
        %swap3A_1120 = arith.index_cast %swap3A_1119 : i32 to index
        %swap3A_1121 = arith.constant 16 : index
        %swap3A_1122 = tpu.vector_load %arg14[%swap3A_1120, %swap3A_1121] {strides = array<i32>} : memref<8x256xf32, #tpu.memory_space<vmem>>, vector<1x16xf32>,
        %swap3A_1123 = vector.shape_cast %swap3A_1122 : vector<1x16xf32> to vector<16xf32>
        %swap3A_1124 = vector.shape_cast %add3A_1118 : vector<16xf32> to vector<1x16xf32>
        tpu.vector_store %arg14[%swap3A_1120, %swap3A_1121], %swap3A_1124 {strides = array<i32>} : memref<8x256xf32, #tpu.memory_space<vmem>>, vector<1x16xf32>,
        %get3A_1125 = arith.constant 1 : i32
        %get3A_1126 = arith.index_cast %get3A_1125 : i32 to index
        %get3A_1127 = arith.constant 32 : index
        %get3A_1128 = tpu.vector_load %arg14[%get3A_1126, %get3A_1127] {strides = array<i32>} : memref<8x256xf32, #tpu.memory_space<vmem>>, vector<1x16xf32>,
        %get3A_1129 = vector.shape_cast %get3A_1128 : vector<1x16xf32> to vector<16xf32>
        %get3A_1130 = arith.constant 1 : i32
        %get3A_1131 = arith.index_cast %get3A_1130 : i32 to index
        %get3A_1132 = arith.constant 32 : index
        %get3A_1133 = tpu.vector_load %arg15[%get3A_1131, %get3A_1132] {strides = array<i32>} : memref<8x256xf32, #tpu.memory_space<vmem>>, vector<1x16xf32>,
        %get3A_1134 = vector.shape_cast %get3A_1133 : vector<1x16xf32> to vector<16xf32>
        %add3A_1135 = arith.addf %get3A_1129, %get3A_1134 : vector<16xf32>
        %swap3A_1136 = arith.constant 1 : i32
        %swap3A_1137 = arith.index_cast %swap3A_1136 : i32 to index
        %swap3A_1138 = arith.constant 32 : index
        %swap3A_1139 = tpu.vector_load %arg14[%swap3A_1137, %swap3A_1138] {strides = array<i32>} : memref<8x256xf32, #tpu.memory_space<vmem>>, vector<1x16xf32>,
        %swap3A_1140 = vector.shape_cast %swap3A_1139 : vector<1x16xf32> to vector<16xf32>
        %swap3A_1141 = vector.shape_cast %add3A_1135 : vector<16xf32> to vector<1x16xf32>
        tpu.vector_store %arg14[%swap3A_1137, %swap3A_1138], %swap3A_1141 {strides = array<i32>} : memref<8x256xf32, #tpu.memory_space<vmem>>, vector<1x16xf32>,
        %get3A_1142 = arith.constant 1 : i32
        %get3A_1143 = arith.index_cast %get3A_1142 : i32 to index
        %get3A_1144 = arith.constant 48 : index
        %get3A_1145 = tpu.vector_load %arg14[%get3A_1143, %get3A_1144] {strides = array<i32>} : memref<8x256xf32, #tpu.memory_space<vmem>>, vector<1x16xf32>,
        %get3A_1146 = vector.shape_cast %get3A_1145 : vector<1x16xf32> to vector<16xf32>
        %get3A_1147 = arith.constant 1 : i32
        %get3A_1148 = arith.index_cast %get3A_1147 : i32 to index
        %get3A_1149 = arith.constant 48 : index
        %get3A_1150 = tpu.vector_load %arg15[%get3A_1148, %get3A_1149] {strides = array<i32>} : memref<8x256xf32, #tpu.memory_space<vmem>>, vector<1x16xf32>,
        %get3A_1151 = vector.shape_cast %get3A_1150 : vector<1x16xf32> to vector<16xf32>
        %add3A_1152 = arith.addf %get3A_1146, %get3A_1151 : vector<16xf32>
        %swap3A_1153 = arith.constant 1 : i32
        %swap3A_1154 = arith.index_cast %swap3A_1153 : i32 to index
        %swap3A_1155 = arith.constant 48 : index
        %swap3A_1156 = tpu.vector_load %arg14[%swap3A_1154, %swap3A_1155] {strides = array<i32>} : memref<8x256xf32, #tpu.memory_space<vmem>>, vector<1x16xf32>,
        %swap3A_1157 = vector.shape_cast %swap3A_1156 : vector<1x16xf32> to vector<16xf32>
        %swap3A_1158 = vector.shape_cast %add3A_1152 : vector<16xf32> to vector<1x16xf32>
        tpu.vector_store %arg14[%swap3A_1154, %swap3A_1155], %swap3A_1158 {strides = array<i32>} : memref<8x256xf32, #tpu.memory_space<vmem>>, vector<1x16xf32>,
        %get3A_1159 = arith.constant 1 : i32
        %get3A_1160 = arith.index_cast %get3A_1159 : i32 to index
        %get3A_1161 = arith.constant 64 : index
        %get3A_1162 = tpu.vector_load %arg14[%get3A_1160, %get3A_1161] {strides = array<i32>} : memref<8x256xf32, #tpu.memory_space<vmem>>, vector<1x16xf32>,
        %get3A_1163 = vector.shape_cast %get3A_1162 : vector<1x16xf32> to vector<16xf32>
        %get3A_1164 = arith.constant 1 : i32
        %get3A_1165 = arith.index_cast %get3A_1164 : i32 to index
        %get3A_1166 = arith.constant 64 : index
        %get3A_1167 = tpu.vector_load %arg15[%get3A_1165, %get3A_1166] {strides = array<i32>} : memref<8x256xf32, #tpu.memory_space<vmem>>, vector<1x16xf32>,
        %get3A_1168 = vector.shape_cast %get3A_1167 : vector<1x16xf32> to vector<16xf32>
        %add3A_1169 = arith.addf %get3A_1163, %get3A_1168 : vector<16xf32>
        %swap3A_1170 = arith.constant 1 : i32
        %swap3A_1171 = arith.index_cast %swap3A_1170 : i32 to index
        %swap3A_1172 = arith.constant 64 : index
        %swap3A_1173 = tpu.vector_load %arg14[%swap3A_1171, %swap3A_1172] {strides = array<i32>} : memref<8x256xf32, #tpu.memory_space<vmem>>, vector<1x16xf32>,
        %swap3A_1174 = vector.shape_cast %swap3A_1173 : vector<1x16xf32> to vector<16xf32>
        %swap3A_1175 = vector.shape_cast %add3A_1169 : vector<16xf32> to vector<1x16xf32>
        tpu.vector_store %arg14[%swap3A_1171, %swap3A_1172], %swap3A_1175 {strides = array<i32>} : memref<8x256xf32, #tpu.memory_space<vmem>>, vector<1x16xf32>,
        %get3A_1176 = arith.constant 1 : i32
        %get3A_1177 = arith.index_cast %get3A_1176 : i32 to index
        %get3A_1178 = arith.constant 80 : index
        %get3A_1179 = tpu.vector_load %arg14[%get3A_1177, %get3A_1178] {strides = array<i32>} : memref<8x256xf32, #tpu.memory_space<vmem>>, vector<1x16xf32>,
        %get3A_1180 = vector.shape_cast %get3A_1179 : vector<1x16xf32> to vector<16xf32>
        %get3A_1181 = arith.constant 1 : i32
        %get3A_1182 = arith.index_cast %get3A_1181 : i32 to index
        %get3A_1183 = arith.constant 80 : index
        %get3A_1184 = tpu.vector_load %arg15[%get3A_1182, %get3A_1183] {strides = array<i32>} : memref<8x256xf32, #tpu.memory_space<vmem>>, vector<1x16xf32>,
        %get3A_1185 = vector.shape_cast %get3A_1184 : vector<1x16xf32> to vector<16xf32>
        %add3A_1186 = arith.addf %get3A_1180, %get3A_1185 : vector<16xf32>
        %swap3A_1187 = arith.constant 1 : i32
        %swap3A_1188 = arith.index_cast %swap3A_1187 : i32 to index
        %swap3A_1189 = arith.constant 80 : index
        %swap3A_1190 = tpu.vector_load %arg14[%swap3A_1188, %swap3A_1189] {strides = array<i32>} : memref<8x256xf32, #tpu.memory_space<vmem>>, vector<1x16xf32>,
        %swap3A_1191 = vector.shape_cast %swap3A_1190 : vector<1x16xf32> to vector<16xf32>
        %swap3A_1192 = vector.shape_cast %add3A_1186 : vector<16xf32> to vector<1x16xf32>
        tpu.vector_store %arg14[%swap3A_1188, %swap3A_1189], %swap3A_1192 {strides = array<i32>} : memref<8x256xf32, #tpu.memory_space<vmem>>, vector<1x16xf32>,
        %get3A_1193 = arith.constant 1 : i32
        %get3A_1194 = arith.index_cast %get3A_1193 : i32 to index
        %get3A_1195 = arith.constant 96 : index
        %get3A_1196 = tpu.vector_load %arg14[%get3A_1194, %get3A_1195] {strides = array<i32>} : memref<8x256xf32, #tpu.memory_space<vmem>>, vector<1x16xf32>,
        %get3A_1197 = vector.shape_cast %get3A_1196 : vector<1x16xf32> to vector<16xf32>
        %get3A_1198 = arith.constant 1 : i32
        %get3A_1199 = arith.index_cast %get3A_1198 : i32 to index
        %get3A_1200 = arith.constant 96 : index
        %get3A_1201 = tpu.vector_load %arg15[%get3A_1199, %get3A_1200] {strides = array<i32>} : memref<8x256xf32, #tpu.memory_space<vmem>>, vector<1x16xf32>,
        %get3A_1202 = vector.shape_cast %get3A_1201 : vector<1x16xf32> to vector<16xf32>
        %add3A_1203 = arith.addf %get3A_1197, %get3A_1202 : vector<16xf32>
        %swap3A_1204 = arith.constant 1 : i32
        %swap3A_1205 = arith.index_cast %swap3A_1204 : i32 to index
        %swap3A_1206 = arith.constant 96 : index
        %swap3A_1207 = tpu.vector_load %arg14[%swap3A_1205, %swap3A_1206] {strides = array<i32>} : memref<8x256xf32, #tpu.memory_space<vmem>>, vector<1x16xf32>,
        %swap3A_1208 = vector.shape_cast %swap3A_1207 : vector<1x16xf32> to vector<16xf32>
        %swap3A_1209 = vector.shape_cast %add3A_1203 : vector<16xf32> to vector<1x16xf32>
        tpu.vector_store %arg14[%swap3A_1205, %swap3A_1206], %swap3A_1209 {strides = array<i32>} : memref<8x256xf32, #tpu.memory_space<vmem>>, vector<1x16xf32>,
        %get3A_1210 = arith.constant 1 : i32
        %get3A_1211 = arith.index_cast %get3A_1210 : i32 to index
        %get3A_1212 = arith.constant 112 : index
        %get3A_1213 = tpu.vector_load %arg14[%get3A_1211, %get3A_1212] {strides = array<i32>} : memref<8x256xf32, #tpu.memory_space<vmem>>, vector<1x16xf32>,
        %get3A_1214 = vector.shape_cast %get3A_1213 : vector<1x16xf32> to vector<16xf32>
        %get3A_1215 = arith.constant 1 : i32
        %get3A_1216 = arith.index_cast %get3A_1215 : i32 to index
        %get3A_1217 = arith.constant 112 : index
        %get3A_1218 = tpu.vector_load %arg15[%get3A_1216, %get3A_1217] {strides = array<i32>} : memref<8x256xf32, #tpu.memory_space<vmem>>, vector<1x16xf32>,
        %get3A_1219 = vector.shape_cast %get3A_1218 : vector<1x16xf32> to vector<16xf32>
        %add3A_1220 = arith.addf %get3A_1214, %get3A_1219 : vector<16xf32>
        %swap3A_1221 = arith.constant 1 : i32
        %swap3A_1222 = arith.index_cast %swap3A_1221 : i32 to index
        %swap3A_1223 = arith.constant 112 : index
        %swap3A_1224 = tpu.vector_load %arg14[%swap3A_1222, %swap3A_1223] {strides = array<i32>} : memref<8x256xf32, #tpu.memory_space<vmem>>, vector<1x16xf32>,
        %swap3A_1225 = vector.shape_cast %swap3A_1224 : vector<1x16xf32> to vector<16xf32>
        %swap3A_1226 = vector.shape_cast %add3A_1220 : vector<16xf32> to vector<1x16xf32>
        tpu.vector_store %arg14[%swap3A_1222, %swap3A_1223], %swap3A_1226 {strides = array<i32>} : memref<8x256xf32, #tpu.memory_space<vmem>>, vector<1x16xf32>,
        %get3A_1227 = arith.constant 1 : i32
        %get3A_1228 = arith.index_cast %get3A_1227 : i32 to index
        %get3A_1229 = arith.constant 128 : index
        %get3A_1230 = tpu.vector_load %arg14[%get3A_1228, %get3A_1229] {strides = array<i32>} : memref<8x256xf32, #tpu.memory_space<vmem>>, vector<1x16xf32>,
        %get3A_1231 = vector.shape_cast %get3A_1230 : vector<1x16xf32> to vector<16xf32>
        %get3A_1232 = arith.constant 1 : i32
        %get3A_1233 = arith.index_cast %get3A_1232 : i32 to index
        %get3A_1234 = arith.constant 128 : index
        %get3A_1235 = tpu.vector_load %arg15[%get3A_1233, %get3A_1234] {strides = array<i32>} : memref<8x256xf32, #tpu.memory_space<vmem>>, vector<1x16xf32>,
        %get3A_1236 = vector.shape_cast %get3A_1235 : vector<1x16xf32> to vector<16xf32>
        %add3A_1237 = arith.addf %get3A_1231, %get3A_1236 : vector<16xf32>
        %swap3A_1238 = arith.constant 1 : i32
        %swap3A_1239 = arith.index_cast %swap3A_1238 : i32 to index
        %swap3A_1240 = arith.constant 128 : index
        %swap3A_1241 = tpu.vector_load %arg14[%swap3A_1239, %swap3A_1240] {strides = array<i32>} : memref<8x256xf32, #tpu.memory_space<vmem>>, vector<1x16xf32>,
        %swap3A_1242 = vector.shape_cast %swap3A_1241 : vector<1x16xf32> to vector<16xf32>
        %swap3A_1243 = vector.shape_cast %add3A_1237 : vector<16xf32> to vector<1x16xf32>
        tpu.vector_store %arg14[%swap3A_1239, %swap3A_1240], %swap3A_1243 {strides = array<i32>} : memref<8x256xf32, #tpu.memory_space<vmem>>, vector<1x16xf32>,
        %get3A_1244 = arith.constant 1 : i32
        %get3A_1245 = arith.index_cast %get3A_1244 : i32 to index
        %get3A_1246 = arith.constant 144 : index
        %get3A_1247 = tpu.vector_load %arg14[%get3A_1245, %get3A_1246] {strides = array<i32>} : memref<8x256xf32, #tpu.memory_space<vmem>>, vector<1x16xf32>,
        %get3A_1248 = vector.shape_cast %get3A_1247 : vector<1x16xf32> to vector<16xf32>
        %get3A_1249 = arith.constant 1 : i32
        %get3A_1250 = arith.index_cast %get3A_1249 : i32 to index
        %get3A_1251 = arith.constant 144 : index
        %get3A_1252 = tpu.vector_load %arg15[%get3A_1250, %get3A_1251] {strides = array<i32>} : memref<8x256xf32, #tpu.memory_space<vmem>>, vector<1x16xf32>,
        %get3A_1253 = vector.shape_cast %get3A_1252 : vector<1x16xf32> to vector<16xf32>
        %add3A_1254 = arith.addf %get3A_1248, %get3A_1253 : vector<16xf32>
        %swap3A_1255 = arith.constant 1 : i32
        %swap3A_1256 = arith.index_cast %swap3A_1255 : i32 to index
        %swap3A_1257 = arith.constant 144 : index
        %swap3A_1258 = tpu.vector_load %arg14[%swap3A_1256, %swap3A_1257] {strides = array<i32>} : memref<8x256xf32, #tpu.memory_space<vmem>>, vector<1x16xf32>,
        %swap3A_1259 = vector.shape_cast %swap3A_1258 : vector<1x16xf32> to vector<16xf32>
        %swap3A_1260 = vector.shape_cast %add3A_1254 : vector<16xf32> to vector<1x16xf32>
        tpu.vector_store %arg14[%swap3A_1256, %swap3A_1257], %swap3A_1260 {strides = array<i32>} : memref<8x256xf32, #tpu.memory_space<vmem>>, vector<1x16xf32>,
        %get3A_1261 = arith.constant 1 : i32
        %get3A_1262 = arith.index_cast %get3A_1261 : i32 to index
        %get3A_1263 = arith.constant 160 : index
        %get3A_1264 = tpu.vector_load %arg14[%get3A_1262, %get3A_1263] {strides = array<i32>} : memref<8x256xf32, #tpu.memory_space<vmem>>, vector<1x16xf32>,
        %get3A_1265 = vector.shape_cast %get3A_1264 : vector<1x16xf32> to vector<16xf32>
        %get3A_1266 = arith.constant 1 : i32
        %get3A_1267 = arith.index_cast %get3A_1266 : i32 to index
        %get3A_1268 = arith.constant 160 : index
        %get3A_1269 = tpu.vector_load %arg15[%get3A_1267, %get3A_1268] {strides = array<i32>} : memref<8x256xf32, #tpu.memory_space<vmem>>, vector<1x16xf32>,
        %get3A_1270 = vector.shape_cast %get3A_1269 : vector<1x16xf32> to vector<16xf32>
        %add3A_1271 = arith.addf %get3A_1265, %get3A_1270 : vector<16xf32>
        %swap3A_1272 = arith.constant 1 : i32
        %swap3A_1273 = arith.index_cast %swap3A_1272 : i32 to index
        %swap3A_1274 = arith.constant 160 : index
        %swap3A_1275 = tpu.vector_load %arg14[%swap3A_1273, %swap3A_1274] {strides = array<i32>} : memref<8x256xf32, #tpu.memory_space<vmem>>, vector<1x16xf32>,
        %swap3A_1276 = vector.shape_cast %swap3A_1275 : vector<1x16xf32> to vector<16xf32>
        %swap3A_1277 = vector.shape_cast %add3A_1271 : vector<16xf32> to vector<1x16xf32>
        tpu.vector_store %arg14[%swap3A_1273, %swap3A_1274], %swap3A_1277 {strides = array<i32>} : memref<8x256xf32, #tpu.memory_space<vmem>>, vector<1x16xf32>,
        %get3A_1278 = arith.constant 1 : i32
        %get3A_1279 = arith.index_cast %get3A_1278 : i32 to index
        %get3A_1280 = arith.constant 176 : index
        %get3A_1281 = tpu.vector_load %arg14[%get3A_1279, %get3A_1280] {strides = array<i32>} : memref<8x256xf32, #tpu.memory_space<vmem>>, vector<1x16xf32>,
        %get3A_1282 = vector.shape_cast %get3A_1281 : vector<1x16xf32> to vector<16xf32>
        %get3A_1283 = arith.constant 1 : i32
        %get3A_1284 = arith.index_cast %get3A_1283 : i32 to index
        %get3A_1285 = arith.constant 176 : index
        %get3A_1286 = tpu.vector_load %arg15[%get3A_1284, %get3A_1285] {strides = array<i32>} : memref<8x256xf32, #tpu.memory_space<vmem>>, vector<1x16xf32>,
        %get3A_1287 = vector.shape_cast %get3A_1286 : vector<1x16xf32> to vector<16xf32>
        %add3A_1288 = arith.addf %get3A_1282, %get3A_1287 : vector<16xf32>
        %swap3A_1289 = arith.constant 1 : i32
        %swap3A_1290 = arith.index_cast %swap3A_1289 : i32 to index
        %swap3A_1291 = arith.constant 176 : index
        %swap3A_1292 = tpu.vector_load %arg14[%swap3A_1290, %swap3A_1291] {strides = array<i32>} : memref<8x256xf32, #tpu.memory_space<vmem>>, vector<1x16xf32>,
        %swap3A_1293 = vector.shape_cast %swap3A_1292 : vector<1x16xf32> to vector<16xf32>
        %swap3A_1294 = vector.shape_cast %add3A_1288 : vector<16xf32> to vector<1x16xf32>
        tpu.vector_store %arg14[%swap3A_1290, %swap3A_1291], %swap3A_1294 {strides = array<i32>} : memref<8x256xf32, #tpu.memory_space<vmem>>, vector<1x16xf32>,
        %get3A_1295 = arith.constant 1 : i32
        %get3A_1296 = arith.index_cast %get3A_1295 : i32 to index
        %get3A_1297 = arith.constant 192 : index
        %get3A_1298 = tpu.vector_load %arg14[%get3A_1296, %get3A_1297] {strides = array<i32>} : memref<8x256xf32, #tpu.memory_space<vmem>>, vector<1x16xf32>,
        %get3A_1299 = vector.shape_cast %get3A_1298 : vector<1x16xf32> to vector<16xf32>
        %get3A_1300 = arith.constant 1 : i32
        %get3A_1301 = arith.index_cast %get3A_1300 : i32 to index
        %get3A_1302 = arith.constant 192 : index
        %get3A_1303 = tpu.vector_load %arg15[%get3A_1301, %get3A_1302] {strides = array<i32>} : memref<8x256xf32, #tpu.memory_space<vmem>>, vector<1x16xf32>,
        %get3A_1304 = vector.shape_cast %get3A_1303 : vector<1x16xf32> to vector<16xf32>
        %add3A_1305 = arith.addf %get3A_1299, %get3A_1304 : vector<16xf32>
        %swap3A_1306 = arith.constant 1 : i32
        %swap3A_1307 = arith.index_cast %swap3A_1306 : i32 to index
        %swap3A_1308 = arith.constant 192 : index
        %swap3A_1309 = tpu.vector_load %arg14[%swap3A_1307, %swap3A_1308] {strides = array<i32>} : memref<8x256xf32, #tpu.memory_space<vmem>>, vector<1x16xf32>,
        %swap3A_1310 = vector.shape_cast %swap3A_1309 : vector<1x16xf32> to vector<16xf32>
        %swap3A_1311 = vector.shape_cast %add3A_1305 : vector<16xf32> to vector<1x16xf32>
        tpu.vector_store %arg14[%swap3A_1307, %swap3A_1308], %swap3A_1311 {strides = array<i32>} : memref<8x256xf32, #tpu.memory_space<vmem>>, vector<1x16xf32>,
        %get3A_1312 = arith.constant 1 : i32
        %get3A_1313 = arith.index_cast %get3A_1312 : i32 to index
        %get3A_1314 = arith.constant 208 : index
        %get3A_1315 = tpu.vector_load %arg14[%get3A_1313, %get3A_1314] {strides = array<i32>} : memref<8x256xf32, #tpu.memory_space<vmem>>, vector<1x16xf32>,
        %get3A_1316 = vector.shape_cast %get3A_1315 : vector<1x16xf32> to vector<16xf32>
        %get3A_1317 = arith.constant 1 : i32
        %get3A_1318 = arith.index_cast %get3A_1317 : i32 to index
        %get3A_1319 = arith.constant 208 : index
        %get3A_1320 = tpu.vector_load %arg15[%get3A_1318, %get3A_1319] {strides = array<i32>} : memref<8x256xf32, #tpu.memory_space<vmem>>, vector<1x16xf32>,
        %get3A_1321 = vector.shape_cast %get3A_1320 : vector<1x16xf32> to vector<16xf32>
        %add3A_1322 = arith.addf %get3A_1316, %get3A_1321 : vector<16xf32>
        %swap3A_1323 = arith.constant 1 : i32
        %swap3A_1324 = arith.index_cast %swap3A_1323 : i32 to index
        %swap3A_1325 = arith.constant 208 : index
        %swap3A_1326 = tpu.vector_load %arg14[%swap3A_1324, %swap3A_1325] {strides = array<i32>} : memref<8x256xf32, #tpu.memory_space<vmem>>, vector<1x16xf32>,
        %swap3A_1327 = vector.shape_cast %swap3A_1326 : vector<1x16xf32> to vector<16xf32>
        %swap3A_1328 = vector.shape_cast %add3A_1322 : vector<16xf32> to vector<1x16xf32>
        tpu.vector_store %arg14[%swap3A_1324, %swap3A_1325], %swap3A_1328 {strides = array<i32>} : memref<8x256xf32, #tpu.memory_space<vmem>>, vector<1x16xf32>,
        %get3A_1329 = arith.constant 1 : i32
        %get3A_1330 = arith.index_cast %get3A_1329 : i32 to index
        %get3A_1331 = arith.constant 224 : index
        %get3A_1332 = tpu.vector_load %arg14[%get3A_1330, %get3A_1331] {strides = array<i32>} : memref<8x256xf32, #tpu.memory_space<vmem>>, vector<1x16xf32>,
        %get3A_1333 = vector.shape_cast %get3A_1332 : vector<1x16xf32> to vector<16xf32>
        %get3A_1334 = arith.constant 1 : i32
        %get3A_1335 = arith.index_cast %get3A_1334 : i32 to index
        %get3A_1336 = arith.constant 224 : index
        %get3A_1337 = tpu.vector_load %arg15[%get3A_1335, %get3A_1336] {strides = array<i32>} : memref<8x256xf32, #tpu.memory_space<vmem>>, vector<1x16xf32>,
        %get3A_1338 = vector.shape_cast %get3A_1337 : vector<1x16xf32> to vector<16xf32>
        %add3A_1339 = arith.addf %get3A_1333, %get3A_1338 : vector<16xf32>
        %swap3A_1340 = arith.constant 1 : i32
        %swap3A_1341 = arith.index_cast %swap3A_1340 : i32 to index
        %swap3A_1342 = arith.constant 224 : index
        %swap3A_1343 = tpu.vector_load %arg14[%swap3A_1341, %swap3A_1342] {strides = array<i32>} : memref<8x256xf32, #tpu.memory_space<vmem>>, vector<1x16xf32>,
        %swap3A_1344 = vector.shape_cast %swap3A_1343 : vector<1x16xf32> to vector<16xf32>
        %swap3A_1345 = vector.shape_cast %add3A_1339 : vector<16xf32> to vector<1x16xf32>
        tpu.vector_store %arg14[%swap3A_1341, %swap3A_1342], %swap3A_1345 {strides = array<i32>} : memref<8x256xf32, #tpu.memory_space<vmem>>, vector<1x16xf32>,
        %get3A_1346 = arith.constant 1 : i32
        %get3A_1347 = arith.index_cast %get3A_1346 : i32 to index
        %get3A_1348 = arith.constant 240 : index
        %get3A_1349 = tpu.vector_load %arg14[%get3A_1347, %get3A_1348] {strides = array<i32>} : memref<8x256xf32, #tpu.memory_space<vmem>>, vector<1x16xf32>,
        %get3A_1350 = vector.shape_cast %get3A_1349 : vector<1x16xf32> to vector<16xf32>
        %get3A_1351 = arith.constant 1 : i32
        %get3A_1352 = arith.index_cast %get3A_1351 : i32 to index
        %get3A_1353 = arith.constant 240 : index
        %get3A_1354 = tpu.vector_load %arg15[%get3A_1352, %get3A_1353] {strides = array<i32>} : memref<8x256xf32, #tpu.memory_space<vmem>>, vector<1x16xf32>,
        %get3A_1355 = vector.shape_cast %get3A_1354 : vector<1x16xf32> to vector<16xf32>
        %add3A_1356 = arith.addf %get3A_1350, %get3A_1355 : vector<16xf32>
        %swap3A_1357 = arith.constant 1 : i32
        %swap3A_1358 = arith.index_cast %swap3A_1357 : i32 to index
        %swap3A_1359 = arith.constant 240 : index
        %swap3A_1360 = tpu.vector_load %arg14[%swap3A_1358, %swap3A_1359] {strides = array<i32>} : memref<8x256xf32, #tpu.memory_space<vmem>>, vector<1x16xf32>,
        %swap3A_1361 = vector.shape_cast %swap3A_1360 : vector<1x16xf32> to vector<16xf32>
        %swap3A_1362 = vector.shape_cast %add3A_1356 : vector<16xf32> to vector<1x16xf32>
        tpu.vector_store %arg14[%swap3A_1358, %swap3A_1359], %swap3A_1362 {strides = array<i32>} : memref<8x256xf32, #tpu.memory_space<vmem>>, vector<1x16xf32>,
        %get3A_1363 = arith.constant 2 : i32
        %get3A_1364 = arith.index_cast %get3A_1363 : i32 to index
        %get3A_1365 = arith.constant 0 : index
        %get3A_1366 = tpu.vector_load %arg14[%get3A_1364, %get3A_1365] {strides = array<i32>} : memref<8x256xf32, #tpu.memory_space<vmem>>, vector<1x16xf32>,
        %get3A_1367 = vector.shape_cast %get3A_1366 : vector<1x16xf32> to vector<16xf32>
        %get3A_1368 = arith.constant 2 : i32
        %get3A_1369 = arith.index_cast %get3A_1368 : i32 to index
        %get3A_1370 = arith.constant 0 : index
        %get3A_1371 = tpu.vector_load %arg15[%get3A_1369, %get3A_1370] {strides = array<i32>} : memref<8x256xf32, #tpu.memory_space<vmem>>, vector<1x16xf32>,
        %get3A_1372 = vector.shape_cast %get3A_1371 : vector<1x16xf32> to vector<16xf32>
        %add3A_1373 = arith.addf %get3A_1367, %get3A_1372 : vector<16xf32>
        %swap3A_1374 = arith.constant 2 : i32
        %swap3A_1375 = arith.index_cast %swap3A_1374 : i32 to index
        %swap3A_1376 = arith.constant 0 : index
        %swap3A_1377 = tpu.vector_load %arg14[%swap3A_1375, %swap3A_1376] {strides = array<i32>} : memref<8x256xf32, #tpu.memory_space<vmem>>, vector<1x16xf32>,
        %swap3A_1378 = vector.shape_cast %swap3A_1377 : vector<1x16xf32> to vector<16xf32>
        %swap3A_1379 = vector.shape_cast %add3A_1373 : vector<16xf32> to vector<1x16xf32>
        tpu.vector_store %arg14[%swap3A_1375, %swap3A_1376], %swap3A_1379 {strides = array<i32>} : memref<8x256xf32, #tpu.memory_space<vmem>>, vector<1x16xf32>,
        %get3A_1380 = arith.constant 2 : i32
        %get3A_1381 = arith.index_cast %get3A_1380 : i32 to index
        %get3A_1382 = arith.constant 16 : index
        %get3A_1383 = tpu.vector_load %arg14[%get3A_1381, %get3A_1382] {strides = array<i32>} : memref<8x256xf32, #tpu.memory_space<vmem>>, vector<1x16xf32>,
        %get3A_1384 = vector.shape_cast %get3A_1383 : vector<1x16xf32> to vector<16xf32>
        %get3A_1385 = arith.constant 2 : i32
        %get3A_1386 = arith.index_cast %get3A_1385 : i32 to index
        %get3A_1387 = arith.constant 16 : index
        %get3A_1388 = tpu.vector_load %arg15[%get3A_1386, %get3A_1387] {strides = array<i32>} : memref<8x256xf32, #tpu.memory_space<vmem>>, vector<1x16xf32>,
        %get3A_1389 = vector.shape_cast %get3A_1388 : vector<1x16xf32> to vector<16xf32>
        %add3A_1390 = arith.addf %get3A_1384, %get3A_1389 : vector<16xf32>
        %swap3A_1391 = arith.constant 2 : i32
        %swap3A_1392 = arith.index_cast %swap3A_1391 : i32 to index
        %swap3A_1393 = arith.constant 16 : index
        %swap3A_1394 = tpu.vector_load %arg14[%swap3A_1392, %swap3A_1393] {strides = array<i32>} : memref<8x256xf32, #tpu.memory_space<vmem>>, vector<1x16xf32>,
        %swap3A_1395 = vector.shape_cast %swap3A_1394 : vector<1x16xf32> to vector<16xf32>
        %swap3A_1396 = vector.shape_cast %add3A_1390 : vector<16xf32> to vector<1x16xf32>
        tpu.vector_store %arg14[%swap3A_1392, %swap3A_1393], %swap3A_1396 {strides = array<i32>} : memref<8x256xf32, #tpu.memory_space<vmem>>, vector<1x16xf32>,
        %get3A_1397 = arith.constant 2 : i32
        %get3A_1398 = arith.index_cast %get3A_1397 : i32 to index
        %get3A_1399 = arith.constant 32 : index
        %get3A_1400 = tpu.vector_load %arg14[%get3A_1398, %get3A_1399] {strides = array<i32>} : memref<8x256xf32, #tpu.memory_space<vmem>>, vector<1x16xf32>,
        %get3A_1401 = vector.shape_cast %get3A_1400 : vector<1x16xf32> to vector<16xf32>
        %get3A_1402 = arith.constant 2 : i32
        %get3A_1403 = arith.index_cast %get3A_1402 : i32 to index
        %get3A_1404 = arith.constant 32 : index
        %get3A_1405 = tpu.vector_load %arg15[%get3A_1403, %get3A_1404] {strides = array<i32>} : memref<8x256xf32, #tpu.memory_space<vmem>>, vector<1x16xf32>,
        %get3A_1406 = vector.shape_cast %get3A_1405 : vector<1x16xf32> to vector<16xf32>
        %add3A_1407 = arith.addf %get3A_1401, %get3A_1406 : vector<16xf32>
        %swap3A_1408 = arith.constant 2 : i32
        %swap3A_1409 = arith.index_cast %swap3A_1408 : i32 to index
        %swap3A_1410 = arith.constant 32 : index
        %swap3A_1411 = tpu.vector_load %arg14[%swap3A_1409, %swap3A_1410] {strides = array<i32>} : memref<8x256xf32, #tpu.memory_space<vmem>>, vector<1x16xf32>,
        %swap3A_1412 = vector.shape_cast %swap3A_1411 : vector<1x16xf32> to vector<16xf32>
        %swap3A_1413 = vector.shape_cast %add3A_1407 : vector<16xf32> to vector<1x16xf32>
        tpu.vector_store %arg14[%swap3A_1409, %swap3A_1410], %swap3A_1413 {strides = array<i32>} : memref<8x256xf32, #tpu.memory_space<vmem>>, vector<1x16xf32>,
        %get3A_1414 = arith.constant 2 : i32
        %get3A_1415 = arith.index_cast %get3A_1414 : i32 to index
        %get3A_1416 = arith.constant 48 : index
        %get3A_1417 = tpu.vector_load %arg14[%get3A_1415, %get3A_1416] {strides = array<i32>} : memref<8x256xf32, #tpu.memory_space<vmem>>, vector<1x16xf32>,
        %get3A_1418 = vector.shape_cast %get3A_1417 : vector<1x16xf32> to vector<16xf32>
        %get3A_1419 = arith.constant 2 : i32
        %get3A_1420 = arith.index_cast %get3A_1419 : i32 to index
        %get3A_1421 = arith.constant 48 : index
        %get3A_1422 = tpu.vector_load %arg15[%get3A_1420, %get3A_1421] {strides = array<i32>} : memref<8x256xf32, #tpu.memory_space<vmem>>, vector<1x16xf32>,
        %get3A_1423 = vector.shape_cast %get3A_1422 : vector<1x16xf32> to vector<16xf32>
        %add3A_1424 = arith.addf %get3A_1418, %get3A_1423 : vector<16xf32>
        %swap3A_1425 = arith.constant 2 : i32
        %swap3A_1426 = arith.index_cast %swap3A_1425 : i32 to index
        %swap3A_1427 = arith.constant 48 : index
        %swap3A_1428 = tpu.vector_load %arg14[%swap3A_1426, %swap3A_1427] {strides = array<i32>} : memref<8x256xf32, #tpu.memory_space<vmem>>, vector<1x16xf32>,
        %swap3A_1429 = vector.shape_cast %swap3A_1428 : vector<1x16xf32> to vector<16xf32>
        %swap3A_1430 = vector.shape_cast %add3A_1424 : vector<16xf32> to vector<1x16xf32>
        tpu.vector_store %arg14[%swap3A_1426, %swap3A_1427], %swap3A_1430 {strides = array<i32>} : memref<8x256xf32, #tpu.memory_space<vmem>>, vector<1x16xf32>,
        %get3A_1431 = arith.constant 2 : i32
        %get3A_1432 = arith.index_cast %get3A_1431 : i32 to index
        %get3A_1433 = arith.constant 64 : index
        %get3A_1434 = tpu.vector_load %arg14[%get3A_1432, %get3A_1433] {strides = array<i32>} : memref<8x256xf32, #tpu.memory_space<vmem>>, vector<1x16xf32>,
        %get3A_1435 = vector.shape_cast %get3A_1434 : vector<1x16xf32> to vector<16xf32>
        %get3A_1436 = arith.constant 2 : i32
        %get3A_1437 = arith.index_cast %get3A_1436 : i32 to index
        %get3A_1438 = arith.constant 64 : index
        %get3A_1439 = tpu.vector_load %arg15[%get3A_1437, %get3A_1438] {strides = array<i32>} : memref<8x256xf32, #tpu.memory_space<vmem>>, vector<1x16xf32>,
        %get3A_1440 = vector.shape_cast %get3A_1439 : vector<1x16xf32> to vector<16xf32>
        %add3A_1441 = arith.addf %get3A_1435, %get3A_1440 : vector<16xf32>
        %swap3A_1442 = arith.constant 2 : i32
        %swap3A_1443 = arith.index_cast %swap3A_1442 : i32 to index
        %swap3A_1444 = arith.constant 64 : index
        %swap3A_1445 = tpu.vector_load %arg14[%swap3A_1443, %swap3A_1444] {strides = array<i32>} : memref<8x256xf32, #tpu.memory_space<vmem>>, vector<1x16xf32>,
        %swap3A_1446 = vector.shape_cast %swap3A_1445 : vector<1x16xf32> to vector<16xf32>
        %swap3A_1447 = vector.shape_cast %add3A_1441 : vector<16xf32> to vector<1x16xf32>
        tpu.vector_store %arg14[%swap3A_1443, %swap3A_1444], %swap3A_1447 {strides = array<i32>} : memref<8x256xf32, #tpu.memory_space<vmem>>, vector<1x16xf32>,
        %get3A_1448 = arith.constant 2 : i32
        %get3A_1449 = arith.index_cast %get3A_1448 : i32 to index
        %get3A_1450 = arith.constant 80 : index
        %get3A_1451 = tpu.vector_load %arg14[%get3A_1449, %get3A_1450] {strides = array<i32>} : memref<8x256xf32, #tpu.memory_space<vmem>>, vector<1x16xf32>,
        %get3A_1452 = vector.shape_cast %get3A_1451 : vector<1x16xf32> to vector<16xf32>
        %get3A_1453 = arith.constant 2 : i32
        %get3A_1454 = arith.index_cast %get3A_1453 : i32 to index
        %get3A_1455 = arith.constant 80 : index
        %get3A_1456 = tpu.vector_load %arg15[%get3A_1454, %get3A_1455] {strides = array<i32>} : memref<8x256xf32, #tpu.memory_space<vmem>>, vector<1x16xf32>,
        %get3A_1457 = vector.shape_cast %get3A_1456 : vector<1x16xf32> to vector<16xf32>
        %add3A_1458 = arith.addf %get3A_1452, %get3A_1457 : vector<16xf32>
        %swap3A_1459 = arith.constant 2 : i32
        %swap3A_1460 = arith.index_cast %swap3A_1459 : i32 to index
        %swap3A_1461 = arith.constant 80 : index
        %swap3A_1462 = tpu.vector_load %arg14[%swap3A_1460, %swap3A_1461] {strides = array<i32>} : memref<8x256xf32, #tpu.memory_space<vmem>>, vector<1x16xf32>,
        %swap3A_1463 = vector.shape_cast %swap3A_1462 : vector<1x16xf32> to vector<16xf32>
        %swap3A_1464 = vector.shape_cast %add3A_1458 : vector<16xf32> to vector<1x16xf32>
        tpu.vector_store %arg14[%swap3A_1460, %swap3A_1461], %swap3A_1464 {strides = array<i32>} : memref<8x256xf32, #tpu.memory_space<vmem>>, vector<1x16xf32>,
        %get3A_1465 = arith.constant 2 : i32
        %get3A_1466 = arith.index_cast %get3A_1465 : i32 to index
        %get3A_1467 = arith.constant 96 : index
        %get3A_1468 = tpu.vector_load %arg14[%get3A_1466, %get3A_1467] {strides = array<i32>} : memref<8x256xf32, #tpu.memory_space<vmem>>, vector<1x16xf32>,
        %get3A_1469 = vector.shape_cast %get3A_1468 : vector<1x16xf32> to vector<16xf32>
        %get3A_1470 = arith.constant 2 : i32
        %get3A_1471 = arith.index_cast %get3A_1470 : i32 to index
        %get3A_1472 = arith.constant 96 : index
        %get3A_1473 = tpu.vector_load %arg15[%get3A_1471, %get3A_1472] {strides = array<i32>} : memref<8x256xf32, #tpu.memory_space<vmem>>, vector<1x16xf32>,
        %get3A_1474 = vector.shape_cast %get3A_1473 : vector<1x16xf32> to vector<16xf32>
        %add3A_1475 = arith.addf %get3A_1469, %get3A_1474 : vector<16xf32>
        %swap3A_1476 = arith.constant 2 : i32
        %swap3A_1477 = arith.index_cast %swap3A_1476 : i32 to index
        %swap3A_1478 = arith.constant 96 : index
        %swap3A_1479 = tpu.vector_load %arg14[%swap3A_1477, %swap3A_1478] {strides = array<i32>} : memref<8x256xf32, #tpu.memory_space<vmem>>, vector<1x16xf32>,
        %swap3A_1480 = vector.shape_cast %swap3A_1479 : vector<1x16xf32> to vector<16xf32>
        %swap3A_1481 = vector.shape_cast %add3A_1475 : vector<16xf32> to vector<1x16xf32>
        tpu.vector_store %arg14[%swap3A_1477, %swap3A_1478], %swap3A_1481 {strides = array<i32>} : memref<8x256xf32, #tpu.memory_space<vmem>>, vector<1x16xf32>,
        %get3A_1482 = arith.constant 2 : i32
        %get3A_1483 = arith.index_cast %get3A_1482 : i32 to index
        %get3A_1484 = arith.constant 112 : index
        %get3A_1485 = tpu.vector_load %arg14[%get3A_1483, %get3A_1484] {strides = array<i32>} : memref<8x256xf32, #tpu.memory_space<vmem>>, vector<1x16xf32>,
        %get3A_1486 = vector.shape_cast %get3A_1485 : vector<1x16xf32> to vector<16xf32>
        %get3A_1487 = arith.constant 2 : i32
        %get3A_1488 = arith.index_cast %get3A_1487 : i32 to index
        %get3A_1489 = arith.constant 112 : index
        %get3A_1490 = tpu.vector_load %arg15[%get3A_1488, %get3A_1489] {strides = array<i32>} : memref<8x256xf32, #tpu.memory_space<vmem>>, vector<1x16xf32>,
        %get3A_1491 = vector.shape_cast %get3A_1490 : vector<1x16xf32> to vector<16xf32>
        %add3A_1492 = arith.addf %get3A_1486, %get3A_1491 : vector<16xf32>
        %swap3A_1493 = arith.constant 2 : i32
        %swap3A_1494 = arith.index_cast %swap3A_1493 : i32 to index
        %swap3A_1495 = arith.constant 112 : index
        %swap3A_1496 = tpu.vector_load %arg14[%swap3A_1494, %swap3A_1495] {strides = array<i32>} : memref<8x256xf32, #tpu.memory_space<vmem>>, vector<1x16xf32>,
        %swap3A_1497 = vector.shape_cast %swap3A_1496 : vector<1x16xf32> to vector<16xf32>
        %swap3A_1498 = vector.shape_cast %add3A_1492 : vector<16xf32> to vector<1x16xf32>
        tpu.vector_store %arg14[%swap3A_1494, %swap3A_1495], %swap3A_1498 {strides = array<i32>} : memref<8x256xf32, #tpu.memory_space<vmem>>, vector<1x16xf32>,
        %get3A_1499 = arith.constant 2 : i32
        %get3A_1500 = arith.index_cast %get3A_1499 : i32 to index
        %get3A_1501 = arith.constant 128 : index
        %get3A_1502 = tpu.vector_load %arg14[%get3A_1500, %get3A_1501] {strides = array<i32>} : memref<8x256xf32, #tpu.memory_space<vmem>>, vector<1x16xf32>,
        %get3A_1503 = vector.shape_cast %get3A_1502 : vector<1x16xf32> to vector<16xf32>
        %get3A_1504 = arith.constant 2 : i32
        %get3A_1505 = arith.index_cast %get3A_1504 : i32 to index
        %get3A_1506 = arith.constant 128 : index
        %get3A_1507 = tpu.vector_load %arg15[%get3A_1505, %get3A_1506] {strides = array<i32>} : memref<8x256xf32, #tpu.memory_space<vmem>>, vector<1x16xf32>,
        %get3A_1508 = vector.shape_cast %get3A_1507 : vector<1x16xf32> to vector<16xf32>
        %add3A_1509 = arith.addf %get3A_1503, %get3A_1508 : vector<16xf32>
        %swap3A_1510 = arith.constant 2 : i32
        %swap3A_1511 = arith.index_cast %swap3A_1510 : i32 to index
        %swap3A_1512 = arith.constant 128 : index
        %swap3A_1513 = tpu.vector_load %arg14[%swap3A_1511, %swap3A_1512] {strides = array<i32>} : memref<8x256xf32, #tpu.memory_space<vmem>>, vector<1x16xf32>,
        %swap3A_1514 = vector.shape_cast %swap3A_1513 : vector<1x16xf32> to vector<16xf32>
        %swap3A_1515 = vector.shape_cast %add3A_1509 : vector<16xf32> to vector<1x16xf32>
        tpu.vector_store %arg14[%swap3A_1511, %swap3A_1512], %swap3A_1515 {strides = array<i32>} : memref<8x256xf32, #tpu.memory_space<vmem>>, vector<1x16xf32>,
        %get3A_1516 = arith.constant 2 : i32
        %get3A_1517 = arith.index_cast %get3A_1516 : i32 to index
        %get3A_1518 = arith.constant 144 : index
        %get3A_1519 = tpu.vector_load %arg14[%get3A_1517, %get3A_1518] {strides = array<i32>} : memref<8x256xf32, #tpu.memory_space<vmem>>, vector<1x16xf32>,
        %get3A_1520 = vector.shape_cast %get3A_1519 : vector<1x16xf32> to vector<16xf32>
        %get3A_1521 = arith.constant 2 : i32
        %get3A_1522 = arith.index_cast %get3A_1521 : i32 to index
        %get3A_1523 = arith.constant 144 : index
        %get3A_1524 = tpu.vector_load %arg15[%get3A_1522, %get3A_1523] {strides = array<i32>} : memref<8x256xf32, #tpu.memory_space<vmem>>, vector<1x16xf32>,
        %get3A_1525 = vector.shape_cast %get3A_1524 : vector<1x16xf32> to vector<16xf32>
        %add3A_1526 = arith.addf %get3A_1520, %get3A_1525 : vector<16xf32>
        %swap3A_1527 = arith.constant 2 : i32
        %swap3A_1528 = arith.index_cast %swap3A_1527 : i32 to index
        %swap3A_1529 = arith.constant 144 : index
        %swap3A_1530 = tpu.vector_load %arg14[%swap3A_1528, %swap3A_1529] {strides = array<i32>} : memref<8x256xf32, #tpu.memory_space<vmem>>, vector<1x16xf32>,
        %swap3A_1531 = vector.shape_cast %swap3A_1530 : vector<1x16xf32> to vector<16xf32>
        %swap3A_1532 = vector.shape_cast %add3A_1526 : vector<16xf32> to vector<1x16xf32>
        tpu.vector_store %arg14[%swap3A_1528, %swap3A_1529], %swap3A_1532 {strides = array<i32>} : memref<8x256xf32, #tpu.memory_space<vmem>>, vector<1x16xf32>,
        %get3A_1533 = arith.constant 2 : i32
        %get3A_1534 = arith.index_cast %get3A_1533 : i32 to index
        %get3A_1535 = arith.constant 160 : index
        %get3A_1536 = tpu.vector_load %arg14[%get3A_1534, %get3A_1535] {strides = array<i32>} : memref<8x256xf32, #tpu.memory_space<vmem>>, vector<1x16xf32>,
        %get3A_1537 = vector.shape_cast %get3A_1536 : vector<1x16xf32> to vector<16xf32>
        %get3A_1538 = arith.constant 2 : i32
        %get3A_1539 = arith.index_cast %get3A_1538 : i32 to index
        %get3A_1540 = arith.constant 160 : index
        %get3A_1541 = tpu.vector_load %arg15[%get3A_1539, %get3A_1540] {strides = array<i32>} : memref<8x256xf32, #tpu.memory_space<vmem>>, vector<1x16xf32>,
        %get3A_1542 = vector.shape_cast %get3A_1541 : vector<1x16xf32> to vector<16xf32>
        %add3A_1543 = arith.addf %get3A_1537, %get3A_1542 : vector<16xf32>
        %swap3A_1544 = arith.constant 2 : i32
        %swap3A_1545 = arith.index_cast %swap3A_1544 : i32 to index
        %swap3A_1546 = arith.constant 160 : index
        %swap3A_1547 = tpu.vector_load %arg14[%swap3A_1545, %swap3A_1546] {strides = array<i32>} : memref<8x256xf32, #tpu.memory_space<vmem>>, vector<1x16xf32>,
        %swap3A_1548 = vector.shape_cast %swap3A_1547 : vector<1x16xf32> to vector<16xf32>
        %swap3A_1549 = vector.shape_cast %add3A_1543 : vector<16xf32> to vector<1x16xf32>
        tpu.vector_store %arg14[%swap3A_1545, %swap3A_1546], %swap3A_1549 {strides = array<i32>} : memref<8x256xf32, #tpu.memory_space<vmem>>, vector<1x16xf32>,
        %get3A_1550 = arith.constant 2 : i32
        %get3A_1551 = arith.index_cast %get3A_1550 : i32 to index
        %get3A_1552 = arith.constant 176 : index
        %get3A_1553 = tpu.vector_load %arg14[%get3A_1551, %get3A_1552] {strides = array<i32>} : memref<8x256xf32, #tpu.memory_space<vmem>>, vector<1x16xf32>,
        %get3A_1554 = vector.shape_cast %get3A_1553 : vector<1x16xf32> to vector<16xf32>
        %get3A_1555 = arith.constant 2 : i32
        %get3A_1556 = arith.index_cast %get3A_1555 : i32 to index
        %get3A_1557 = arith.constant 176 : index
        %get3A_1558 = tpu.vector_load %arg15[%get3A_1556, %get3A_1557] {strides = array<i32>} : memref<8x256xf32, #tpu.memory_space<vmem>>, vector<1x16xf32>,
        %get3A_1559 = vector.shape_cast %get3A_1558 : vector<1x16xf32> to vector<16xf32>
        %add3A_1560 = arith.addf %get3A_1554, %get3A_1559 : vector<16xf32>
        %swap3A_1561 = arith.constant 2 : i32
        %swap3A_1562 = arith.index_cast %swap3A_1561 : i32 to index
        %swap3A_1563 = arith.constant 176 : index
        %swap3A_1564 = tpu.vector_load %arg14[%swap3A_1562, %swap3A_1563] {strides = array<i32>} : memref<8x256xf32, #tpu.memory_space<vmem>>, vector<1x16xf32>,
        %swap3A_1565 = vector.shape_cast %swap3A_1564 : vector<1x16xf32> to vector<16xf32>
        %swap3A_1566 = vector.shape_cast %add3A_1560 : vector<16xf32> to vector<1x16xf32>
        tpu.vector_store %arg14[%swap3A_1562, %swap3A_1563], %swap3A_1566 {strides = array<i32>} : memref<8x256xf32, #tpu.memory_space<vmem>>, vector<1x16xf32>,
        %get3A_1567 = arith.constant 2 : i32
        %get3A_1568 = arith.index_cast %get3A_1567 : i32 to index
        %get3A_1569 = arith.constant 192 : index
        %get3A_1570 = tpu.vector_load %arg14[%get3A_1568, %get3A_1569] {strides = array<i32>} : memref<8x256xf32, #tpu.memory_space<vmem>>, vector<1x16xf32>,
        %get3A_1571 = vector.shape_cast %get3A_1570 : vector<1x16xf32> to vector<16xf32>
        %get3A_1572 = arith.constant 2 : i32
        %get3A_1573 = arith.index_cast %get3A_1572 : i32 to index
        %get3A_1574 = arith.constant 192 : index
        %get3A_1575 = tpu.vector_load %arg15[%get3A_1573, %get3A_1574] {strides = array<i32>} : memref<8x256xf32, #tpu.memory_space<vmem>>, vector<1x16xf32>,
        %get3A_1576 = vector.shape_cast %get3A_1575 : vector<1x16xf32> to vector<16xf32>
        %add3A_1577 = arith.addf %get3A_1571, %get3A_1576 : vector<16xf32>
        %swap3A_1578 = arith.constant 2 : i32
        %swap3A_1579 = arith.index_cast %swap3A_1578 : i32 to index
        %swap3A_1580 = arith.constant 192 : index
        %swap3A_1581 = tpu.vector_load %arg14[%swap3A_1579, %swap3A_1580] {strides = array<i32>} : memref<8x256xf32, #tpu.memory_space<vmem>>, vector<1x16xf32>,
        %swap3A_1582 = vector.shape_cast %swap3A_1581 : vector<1x16xf32> to vector<16xf32>
        %swap3A_1583 = vector.shape_cast %add3A_1577 : vector<16xf32> to vector<1x16xf32>
        tpu.vector_store %arg14[%swap3A_1579, %swap3A_1580], %swap3A_1583 {strides = array<i32>} : memref<8x256xf32, #tpu.memory_space<vmem>>, vector<1x16xf32>,
        %get3A_1584 = arith.constant 2 : i32
        %get3A_1585 = arith.index_cast %get3A_1584 : i32 to index
        %get3A_1586 = arith.constant 208 : index
        %get3A_1587 = tpu.vector_load %arg14[%get3A_1585, %get3A_1586] {strides = array<i32>} : memref<8x256xf32, #tpu.memory_space<vmem>>, vector<1x16xf32>,
        %get3A_1588 = vector.shape_cast %get3A_1587 : vector<1x16xf32> to vector<16xf32>
        %get3A_1589 = arith.constant 2 : i32
        %get3A_1590 = arith.index_cast %get3A_1589 : i32 to index
        %get3A_1591 = arith.constant 208 : index
        %get3A_1592 = tpu.vector_load %arg15[%get3A_1590, %get3A_1591] {strides = array<i32>} : memref<8x256xf32, #tpu.memory_space<vmem>>, vector<1x16xf32>,
        %get3A_1593 = vector.shape_cast %get3A_1592 : vector<1x16xf32> to vector<16xf32>
        %add3A_1594 = arith.addf %get3A_1588, %get3A_1593 : vector<16xf32>
        %swap3A_1595 = arith.constant 2 : i32
        %swap3A_1596 = arith.index_cast %swap3A_1595 : i32 to index
        %swap3A_1597 = arith.constant 208 : index
        %swap3A_1598 = tpu.vector_load %arg14[%swap3A_1596, %swap3A_1597] {strides = array<i32>} : memref<8x256xf32, #tpu.memory_space<vmem>>, vector<1x16xf32>,
        %swap3A_1599 = vector.shape_cast %swap3A_1598 : vector<1x16xf32> to vector<16xf32>
        %swap3A_1600 = vector.shape_cast %add3A_1594 : vector<16xf32> to vector<1x16xf32>
        tpu.vector_store %arg14[%swap3A_1596, %swap3A_1597], %swap3A_1600 {strides = array<i32>} : memref<8x256xf32, #tpu.memory_space<vmem>>, vector<1x16xf32>,
        %get3A_1601 = arith.constant 2 : i32
        %get3A_1602 = arith.index_cast %get3A_1601 : i32 to index
        %get3A_1603 = arith.constant 224 : index
        %get3A_1604 = tpu.vector_load %arg14[%get3A_1602, %get3A_1603] {strides = array<i32>} : memref<8x256xf32, #tpu.memory_space<vmem>>, vector<1x16xf32>,
        %get3A_1605 = vector.shape_cast %get3A_1604 : vector<1x16xf32> to vector<16xf32>
        %get3A_1606 = arith.constant 2 : i32
        %get3A_1607 = arith.index_cast %get3A_1606 : i32 to index
        %get3A_1608 = arith.constant 224 : index
        %get3A_1609 = tpu.vector_load %arg15[%get3A_1607, %get3A_1608] {strides = array<i32>} : memref<8x256xf32, #tpu.memory_space<vmem>>, vector<1x16xf32>,
        %get3A_1610 = vector.shape_cast %get3A_1609 : vector<1x16xf32> to vector<16xf32>
        %add3A_1611 = arith.addf %get3A_1605, %get3A_1610 : vector<16xf32>
        %swap3A_1612 = arith.constant 2 : i32
        %swap3A_1613 = arith.index_cast %swap3A_1612 : i32 to index
        %swap3A_1614 = arith.constant 224 : index
        %swap3A_1615 = tpu.vector_load %arg14[%swap3A_1613, %swap3A_1614] {strides = array<i32>} : memref<8x256xf32, #tpu.memory_space<vmem>>, vector<1x16xf32>,
        %swap3A_1616 = vector.shape_cast %swap3A_1615 : vector<1x16xf32> to vector<16xf32>
        %swap3A_1617 = vector.shape_cast %add3A_1611 : vector<16xf32> to vector<1x16xf32>
        tpu.vector_store %arg14[%swap3A_1613, %swap3A_1614], %swap3A_1617 {strides = array<i32>} : memref<8x256xf32, #tpu.memory_space<vmem>>, vector<1x16xf32>,
        %get3A_1618 = arith.constant 2 : i32
        %get3A_1619 = arith.index_cast %get3A_1618 : i32 to index
        %get3A_1620 = arith.constant 240 : index
        %get3A_1621 = tpu.vector_load %arg14[%get3A_1619, %get3A_1620] {strides = array<i32>} : memref<8x256xf32, #tpu.memory_space<vmem>>, vector<1x16xf32>,
        %get3A_1622 = vector.shape_cast %get3A_1621 : vector<1x16xf32> to vector<16xf32>
        %get3A_1623 = arith.constant 2 : i32
        %get3A_1624 = arith.index_cast %get3A_1623 : i32 to index
        %get3A_1625 = arith.constant 240 : index
        %get3A_1626 = tpu.vector_load %arg15[%get3A_1624, %get3A_1625] {strides = array<i32>} : memref<8x256xf32, #tpu.memory_space<vmem>>, vector<1x16xf32>,
        %get3A_1627 = vector.shape_cast %get3A_1626 : vector<1x16xf32> to vector<16xf32>
        %add3A_1628 = arith.addf %get3A_1622, %get3A_1627 : vector<16xf32>
        %swap3A_1629 = arith.constant 2 : i32
        %swap3A_1630 = arith.index_cast %swap3A_1629 : i32 to index
        %swap3A_1631 = arith.constant 240 : index
        %swap3A_1632 = tpu.vector_load %arg14[%swap3A_1630, %swap3A_1631] {strides = array<i32>} : memref<8x256xf32, #tpu.memory_space<vmem>>, vector<1x16xf32>,
        %swap3A_1633 = vector.shape_cast %swap3A_1632 : vector<1x16xf32> to vector<16xf32>
        %swap3A_1634 = vector.shape_cast %add3A_1628 : vector<16xf32> to vector<1x16xf32>
        tpu.vector_store %arg14[%swap3A_1630, %swap3A_1631], %swap3A_1634 {strides = array<i32>} : memref<8x256xf32, #tpu.memory_space<vmem>>, vector<1x16xf32>,
        %get3A_1635 = arith.constant 3 : i32
        %get3A_1636 = arith.index_cast %get3A_1635 : i32 to index
        %get3A_1637 = arith.constant 0 : index
        %get3A_1638 = tpu.vector_load %arg14[%get3A_1636, %get3A_1637] {strides = array<i32>} : memref<8x256xf32, #tpu.memory_space<vmem>>, vector<1x16xf32>,
        %get3A_1639 = vector.shape_cast %get3A_1638 : vector<1x16xf32> to vector<16xf32>
        %get3A_1640 = arith.constant 3 : i32
        %get3A_1641 = arith.index_cast %get3A_1640 : i32 to index
        %get3A_1642 = arith.constant 0 : index
        %get3A_1643 = tpu.vector_load %arg15[%get3A_1641, %get3A_1642] {strides = array<i32>} : memref<8x256xf32, #tpu.memory_space<vmem>>, vector<1x16xf32>,
        %get3A_1644 = vector.shape_cast %get3A_1643 : vector<1x16xf32> to vector<16xf32>
        %add3A_1645 = arith.addf %get3A_1639, %get3A_1644 : vector<16xf32>
        %swap3A_1646 = arith.constant 3 : i32
        %swap3A_1647 = arith.index_cast %swap3A_1646 : i32 to index
        %swap3A_1648 = arith.constant 0 : index
        %swap3A_1649 = tpu.vector_load %arg14[%swap3A_1647, %swap3A_1648] {strides = array<i32>} : memref<8x256xf32, #tpu.memory_space<vmem>>, vector<1x16xf32>,
        %swap3A_1650 = vector.shape_cast %swap3A_1649 : vector<1x16xf32> to vector<16xf32>
        %swap3A_1651 = vector.shape_cast %add3A_1645 : vector<16xf32> to vector<1x16xf32>
        tpu.vector_store %arg14[%swap3A_1647, %swap3A_1648], %swap3A_1651 {strides = array<i32>} : memref<8x256xf32, #tpu.memory_space<vmem>>, vector<1x16xf32>,
        %get3A_1652 = arith.constant 3 : i32
        %get3A_1653 = arith.index_cast %get3A_1652 : i32 to index
        %get3A_1654 = arith.constant 16 : index
        %get3A_1655 = tpu.vector_load %arg14[%get3A_1653, %get3A_1654] {strides = array<i32>} : memref<8x256xf32, #tpu.memory_space<vmem>>, vector<1x16xf32>,
        %get3A_1656 = vector.shape_cast %get3A_1655 : vector<1x16xf32> to vector<16xf32>
        %get3A_1657 = arith.constant 3 : i32
        %get3A_1658 = arith.index_cast %get3A_1657 : i32 to index
        %get3A_1659 = arith.constant 16 : index
        %get3A_1660 = tpu.vector_load %arg15[%get3A_1658, %get3A_1659] {strides = array<i32>} : memref<8x256xf32, #tpu.memory_space<vmem>>, vector<1x16xf32>,
        %get3A_1661 = vector.shape_cast %get3A_1660 : vector<1x16xf32> to vector<16xf32>
        %add3A_1662 = arith.addf %get3A_1656, %get3A_1661 : vector<16xf32>
        %swap3A_1663 = arith.constant 3 : i32
        %swap3A_1664 = arith.index_cast %swap3A_1663 : i32 to index
        %swap3A_1665 = arith.constant 16 : index
        %swap3A_1666 = tpu.vector_load %arg14[%swap3A_1664, %swap3A_1665] {strides = array<i32>} : memref<8x256xf32, #tpu.memory_space<vmem>>, vector<1x16xf32>,
        %swap3A_1667 = vector.shape_cast %swap3A_1666 : vector<1x16xf32> to vector<16xf32>
        %swap3A_1668 = vector.shape_cast %add3A_1662 : vector<16xf32> to vector<1x16xf32>
        tpu.vector_store %arg14[%swap3A_1664, %swap3A_1665], %swap3A_1668 {strides = array<i32>} : memref<8x256xf32, #tpu.memory_space<vmem>>, vector<1x16xf32>,
        %get3A_1669 = arith.constant 3 : i32
        %get3A_1670 = arith.index_cast %get3A_1669 : i32 to index
        %get3A_1671 = arith.constant 32 : index
        %get3A_1672 = tpu.vector_load %arg14[%get3A_1670, %get3A_1671] {strides = array<i32>} : memref<8x256xf32, #tpu.memory_space<vmem>>, vector<1x16xf32>,
        %get3A_1673 = vector.shape_cast %get3A_1672 : vector<1x16xf32> to vector<16xf32>
        %get3A_1674 = arith.constant 3 : i32
        %get3A_1675 = arith.index_cast %get3A_1674 : i32 to index
        %get3A_1676 = arith.constant 32 : index
        %get3A_1677 = tpu.vector_load %arg15[%get3A_1675, %get3A_1676] {strides = array<i32>} : memref<8x256xf32, #tpu.memory_space<vmem>>, vector<1x16xf32>,
        %get3A_1678 = vector.shape_cast %get3A_1677 : vector<1x16xf32> to vector<16xf32>
        %add3A_1679 = arith.addf %get3A_1673, %get3A_1678 : vector<16xf32>
        %swap3A_1680 = arith.constant 3 : i32
        %swap3A_1681 = arith.index_cast %swap3A_1680 : i32 to index
        %swap3A_1682 = arith.constant 32 : index
        %swap3A_1683 = tpu.vector_load %arg14[%swap3A_1681, %swap3A_1682] {strides = array<i32>} : memref<8x256xf32, #tpu.memory_space<vmem>>, vector<1x16xf32>,
        %swap3A_1684 = vector.shape_cast %swap3A_1683 : vector<1x16xf32> to vector<16xf32>
        %swap3A_1685 = vector.shape_cast %add3A_1679 : vector<16xf32> to vector<1x16xf32>
        tpu.vector_store %arg14[%swap3A_1681, %swap3A_1682], %swap3A_1685 {strides = array<i32>} : memref<8x256xf32, #tpu.memory_space<vmem>>, vector<1x16xf32>,
        %get3A_1686 = arith.constant 3 : i32
        %get3A_1687 = arith.index_cast %get3A_1686 : i32 to index
        %get3A_1688 = arith.constant 48 : index
        %get3A_1689 = tpu.vector_load %arg14[%get3A_1687, %get3A_1688] {strides = array<i32>} : memref<8x256xf32, #tpu.memory_space<vmem>>, vector<1x16xf32>,
        %get3A_1690 = vector.shape_cast %get3A_1689 : vector<1x16xf32> to vector<16xf32>
        %get3A_1691 = arith.constant 3 : i32
        %get3A_1692 = arith.index_cast %get3A_1691 : i32 to index
        %get3A_1693 = arith.constant 48 : index
        %get3A_1694 = tpu.vector_load %arg15[%get3A_1692, %get3A_1693] {strides = array<i32>} : memref<8x256xf32, #tpu.memory_space<vmem>>, vector<1x16xf32>,
        %get3A_1695 = vector.shape_cast %get3A_1694 : vector<1x16xf32> to vector<16xf32>
        %add3A_1696 = arith.addf %get3A_1690, %get3A_1695 : vector<16xf32>
        %swap3A_1697 = arith.constant 3 : i32
        %swap3A_1698 = arith.index_cast %swap3A_1697 : i32 to index
        %swap3A_1699 = arith.constant 48 : index
        %swap3A_1700 = tpu.vector_load %arg14[%swap3A_1698, %swap3A_1699] {strides = array<i32>} : memref<8x256xf32, #tpu.memory_space<vmem>>, vector<1x16xf32>,
        %swap3A_1701 = vector.shape_cast %swap3A_1700 : vector<1x16xf32> to vector<16xf32>
        %swap3A_1702 = vector.shape_cast %add3A_1696 : vector<16xf32> to vector<1x16xf32>
        tpu.vector_store %arg14[%swap3A_1698, %swap3A_1699], %swap3A_1702 {strides = array<i32>} : memref<8x256xf32, #tpu.memory_space<vmem>>, vector<1x16xf32>,
        %get3A_1703 = arith.constant 3 : i32
        %get3A_1704 = arith.index_cast %get3A_1703 : i32 to index
        %get3A_1705 = arith.constant 64 : index
        %get3A_1706 = tpu.vector_load %arg14[%get3A_1704, %get3A_1705] {strides = array<i32>} : memref<8x256xf32, #tpu.memory_space<vmem>>, vector<1x16xf32>,
        %get3A_1707 = vector.shape_cast %get3A_1706 : vector<1x16xf32> to vector<16xf32>
        %get3A_1708 = arith.constant 3 : i32
        %get3A_1709 = arith.index_cast %get3A_1708 : i32 to index
        %get3A_1710 = arith.constant 64 : index
        %get3A_1711 = tpu.vector_load %arg15[%get3A_1709, %get3A_1710] {strides = array<i32>} : memref<8x256xf32, #tpu.memory_space<vmem>>, vector<1x16xf32>,
        %get3A_1712 = vector.shape_cast %get3A_1711 : vector<1x16xf32> to vector<16xf32>
        %add3A_1713 = arith.addf %get3A_1707, %get3A_1712 : vector<16xf32>
        %swap3A_1714 = arith.constant 3 : i32
        %swap3A_1715 = arith.index_cast %swap3A_1714 : i32 to index
        %swap3A_1716 = arith.constant 64 : index
        %swap3A_1717 = tpu.vector_load %arg14[%swap3A_1715, %swap3A_1716] {strides = array<i32>} : memref<8x256xf32, #tpu.memory_space<vmem>>, vector<1x16xf32>,
        %swap3A_1718 = vector.shape_cast %swap3A_1717 : vector<1x16xf32> to vector<16xf32>
        %swap3A_1719 = vector.shape_cast %add3A_1713 : vector<16xf32> to vector<1x16xf32>
        tpu.vector_store %arg14[%swap3A_1715, %swap3A_1716], %swap3A_1719 {strides = array<i32>} : memref<8x256xf32, #tpu.memory_space<vmem>>, vector<1x16xf32>,
        %get3A_1720 = arith.constant 3 : i32
        %get3A_1721 = arith.index_cast %get3A_1720 : i32 to index
        %get3A_1722 = arith.constant 80 : index
        %get3A_1723 = tpu.vector_load %arg14[%get3A_1721, %get3A_1722] {strides = array<i32>} : memref<8x256xf32, #tpu.memory_space<vmem>>, vector<1x16xf32>,
        %get3A_1724 = vector.shape_cast %get3A_1723 : vector<1x16xf32> to vector<16xf32>
        %get3A_1725 = arith.constant 3 : i32
        %get3A_1726 = arith.index_cast %get3A_1725 : i32 to index
        %get3A_1727 = arith.constant 80 : index
        %get3A_1728 = tpu.vector_load %arg15[%get3A_1726, %get3A_1727] {strides = array<i32>} : memref<8x256xf32, #tpu.memory_space<vmem>>, vector<1x16xf32>,
        %get3A_1729 = vector.shape_cast %get3A_1728 : vector<1x16xf32> to vector<16xf32>
        %add3A_1730 = arith.addf %get3A_1724, %get3A_1729 : vector<16xf32>
        %swap3A_1731 = arith.constant 3 : i32
        %swap3A_1732 = arith.index_cast %swap3A_1731 : i32 to index
        %swap3A_1733 = arith.constant 80 : index
        %swap3A_1734 = tpu.vector_load %arg14[%swap3A_1732, %swap3A_1733] {strides = array<i32>} : memref<8x256xf32, #tpu.memory_space<vmem>>, vector<1x16xf32>,
        %swap3A_1735 = vector.shape_cast %swap3A_1734 : vector<1x16xf32> to vector<16xf32>
        %swap3A_1736 = vector.shape_cast %add3A_1730 : vector<16xf32> to vector<1x16xf32>
        tpu.vector_store %arg14[%swap3A_1732, %swap3A_1733], %swap3A_1736 {strides = array<i32>} : memref<8x256xf32, #tpu.memory_space<vmem>>, vector<1x16xf32>,
        %get3A_1737 = arith.constant 3 : i32
        %get3A_1738 = arith.index_cast %get3A_1737 : i32 to index
        %get3A_1739 = arith.constant 96 : index
        %get3A_1740 = tpu.vector_load %arg14[%get3A_1738, %get3A_1739] {strides = array<i32>} : memref<8x256xf32, #tpu.memory_space<vmem>>, vector<1x16xf32>,
        %get3A_1741 = vector.shape_cast %get3A_1740 : vector<1x16xf32> to vector<16xf32>
        %get3A_1742 = arith.constant 3 : i32
        %get3A_1743 = arith.index_cast %get3A_1742 : i32 to index
        %get3A_1744 = arith.constant 96 : index
        %get3A_1745 = tpu.vector_load %arg15[%get3A_1743, %get3A_1744] {strides = array<i32>} : memref<8x256xf32, #tpu.memory_space<vmem>>, vector<1x16xf32>,
        %get3A_1746 = vector.shape_cast %get3A_1745 : vector<1x16xf32> to vector<16xf32>
        %add3A_1747 = arith.addf %get3A_1741, %get3A_1746 : vector<16xf32>
        %swap3A_1748 = arith.constant 3 : i32
        %swap3A_1749 = arith.index_cast %swap3A_1748 : i32 to index
        %swap3A_1750 = arith.constant 96 : index
        %swap3A_1751 = tpu.vector_load %arg14[%swap3A_1749, %swap3A_1750] {strides = array<i32>} : memref<8x256xf32, #tpu.memory_space<vmem>>, vector<1x16xf32>,
        %swap3A_1752 = vector.shape_cast %swap3A_1751 : vector<1x16xf32> to vector<16xf32>
        %swap3A_1753 = vector.shape_cast %add3A_1747 : vector<16xf32> to vector<1x16xf32>
        tpu.vector_store %arg14[%swap3A_1749, %swap3A_1750], %swap3A_1753 {strides = array<i32>} : memref<8x256xf32, #tpu.memory_space<vmem>>, vector<1x16xf32>,
        %get3A_1754 = arith.constant 3 : i32
        %get3A_1755 = arith.index_cast %get3A_1754 : i32 to index
        %get3A_1756 = arith.constant 112 : index
        %get3A_1757 = tpu.vector_load %arg14[%get3A_1755, %get3A_1756] {strides = array<i32>} : memref<8x256xf32, #tpu.memory_space<vmem>>, vector<1x16xf32>,
        %get3A_1758 = vector.shape_cast %get3A_1757 : vector<1x16xf32> to vector<16xf32>
        %get3A_1759 = arith.constant 3 : i32
        %get3A_1760 = arith.index_cast %get3A_1759 : i32 to index
        %get3A_1761 = arith.constant 112 : index
        %get3A_1762 = tpu.vector_load %arg15[%get3A_1760, %get3A_1761] {strides = array<i32>} : memref<8x256xf32, #tpu.memory_space<vmem>>, vector<1x16xf32>,
        %get3A_1763 = vector.shape_cast %get3A_1762 : vector<1x16xf32> to vector<16xf32>
        %add3A_1764 = arith.addf %get3A_1758, %get3A_1763 : vector<16xf32>
        %swap3A_1765 = arith.constant 3 : i32
        %swap3A_1766 = arith.index_cast %swap3A_1765 : i32 to index
        %swap3A_1767 = arith.constant 112 : index
        %swap3A_1768 = tpu.vector_load %arg14[%swap3A_1766, %swap3A_1767] {strides = array<i32>} : memref<8x256xf32, #tpu.memory_space<vmem>>, vector<1x16xf32>,
        %swap3A_1769 = vector.shape_cast %swap3A_1768 : vector<1x16xf32> to vector<16xf32>
        %swap3A_1770 = vector.shape_cast %add3A_1764 : vector<16xf32> to vector<1x16xf32>
        tpu.vector_store %arg14[%swap3A_1766, %swap3A_1767], %swap3A_1770 {strides = array<i32>} : memref<8x256xf32, #tpu.memory_space<vmem>>, vector<1x16xf32>,
        %get3A_1771 = arith.constant 3 : i32
        %get3A_1772 = arith.index_cast %get3A_1771 : i32 to index
        %get3A_1773 = arith.constant 128 : index
        %get3A_1774 = tpu.vector_load %arg14[%get3A_1772, %get3A_1773] {strides = array<i32>} : memref<8x256xf32, #tpu.memory_space<vmem>>, vector<1x16xf32>,
        %get3A_1775 = vector.shape_cast %get3A_1774 : vector<1x16xf32> to vector<16xf32>
        %get3A_1776 = arith.constant 3 : i32
        %get3A_1777 = arith.index_cast %get3A_1776 : i32 to index
        %get3A_1778 = arith.constant 128 : index
        %get3A_1779 = tpu.vector_load %arg15[%get3A_1777, %get3A_1778] {strides = array<i32>} : memref<8x256xf32, #tpu.memory_space<vmem>>, vector<1x16xf32>,
        %get3A_1780 = vector.shape_cast %get3A_1779 : vector<1x16xf32> to vector<16xf32>
        %add3A_1781 = arith.addf %get3A_1775, %get3A_1780 : vector<16xf32>
        %swap3A_1782 = arith.constant 3 : i32
        %swap3A_1783 = arith.index_cast %swap3A_1782 : i32 to index
        %swap3A_1784 = arith.constant 128 : index
        %swap3A_1785 = tpu.vector_load %arg14[%swap3A_1783, %swap3A_1784] {strides = array<i32>} : memref<8x256xf32, #tpu.memory_space<vmem>>, vector<1x16xf32>,
        %swap3A_1786 = vector.shape_cast %swap3A_1785 : vector<1x16xf32> to vector<16xf32>
        %swap3A_1787 = vector.shape_cast %add3A_1781 : vector<16xf32> to vector<1x16xf32>
        tpu.vector_store %arg14[%swap3A_1783, %swap3A_1784], %swap3A_1787 {strides = array<i32>} : memref<8x256xf32, #tpu.memory_space<vmem>>, vector<1x16xf32>,
        %get3A_1788 = arith.constant 3 : i32
        %get3A_1789 = arith.index_cast %get3A_1788 : i32 to index
        %get3A_1790 = arith.constant 144 : index
        %get3A_1791 = tpu.vector_load %arg14[%get3A_1789, %get3A_1790] {strides = array<i32>} : memref<8x256xf32, #tpu.memory_space<vmem>>, vector<1x16xf32>,
        %get3A_1792 = vector.shape_cast %get3A_1791 : vector<1x16xf32> to vector<16xf32>
        %get3A_1793 = arith.constant 3 : i32
        %get3A_1794 = arith.index_cast %get3A_1793 : i32 to index
        %get3A_1795 = arith.constant 144 : index
        %get3A_1796 = tpu.vector_load %arg15[%get3A_1794, %get3A_1795] {strides = array<i32>} : memref<8x256xf32, #tpu.memory_space<vmem>>, vector<1x16xf32>,
        %get3A_1797 = vector.shape_cast %get3A_1796 : vector<1x16xf32> to vector<16xf32>
        %add3A_1798 = arith.addf %get3A_1792, %get3A_1797 : vector<16xf32>
        %swap3A_1799 = arith.constant 3 : i32
        %swap3A_1800 = arith.index_cast %swap3A_1799 : i32 to index
        %swap3A_1801 = arith.constant 144 : index
        %swap3A_1802 = tpu.vector_load %arg14[%swap3A_1800, %swap3A_1801] {strides = array<i32>} : memref<8x256xf32, #tpu.memory_space<vmem>>, vector<1x16xf32>,
        %swap3A_1803 = vector.shape_cast %swap3A_1802 : vector<1x16xf32> to vector<16xf32>
        %swap3A_1804 = vector.shape_cast %add3A_1798 : vector<16xf32> to vector<1x16xf32>
        tpu.vector_store %arg14[%swap3A_1800, %swap3A_1801], %swap3A_1804 {strides = array<i32>} : memref<8x256xf32, #tpu.memory_space<vmem>>, vector<1x16xf32>,
        %get3A_1805 = arith.constant 3 : i32
        %get3A_1806 = arith.index_cast %get3A_1805 : i32 to index
        %get3A_1807 = arith.constant 160 : index
        %get3A_1808 = tpu.vector_load %arg14[%get3A_1806, %get3A_1807] {strides = array<i32>} : memref<8x256xf32, #tpu.memory_space<vmem>>, vector<1x16xf32>,
        %get3A_1809 = vector.shape_cast %get3A_1808 : vector<1x16xf32> to vector<16xf32>
        %get3A_1810 = arith.constant 3 : i32
        %get3A_1811 = arith.index_cast %get3A_1810 : i32 to index
        %get3A_1812 = arith.constant 160 : index
        %get3A_1813 = tpu.vector_load %arg15[%get3A_1811, %get3A_1812] {strides = array<i32>} : memref<8x256xf32, #tpu.memory_space<vmem>>, vector<1x16xf32>,
        %get3A_1814 = vector.shape_cast %get3A_1813 : vector<1x16xf32> to vector<16xf32>
        %add3A_1815 = arith.addf %get3A_1809, %get3A_1814 : vector<16xf32>
        %swap3A_1816 = arith.constant 3 : i32
        %swap3A_1817 = arith.index_cast %swap3A_1816 : i32 to index
        %swap3A_1818 = arith.constant 160 : index
        %swap3A_1819 = tpu.vector_load %arg14[%swap3A_1817, %swap3A_1818] {strides = array<i32>} : memref<8x256xf32, #tpu.memory_space<vmem>>, vector<1x16xf32>,
        %swap3A_1820 = vector.shape_cast %swap3A_1819 : vector<1x16xf32> to vector<16xf32>
        %swap3A_1821 = vector.shape_cast %add3A_1815 : vector<16xf32> to vector<1x16xf32>
        tpu.vector_store %arg14[%swap3A_1817, %swap3A_1818], %swap3A_1821 {strides = array<i32>} : memref<8x256xf32, #tpu.memory_space<vmem>>, vector<1x16xf32>,
        %get3A_1822 = arith.constant 3 : i32
        %get3A_1823 = arith.index_cast %get3A_1822 : i32 to index
        %get3A_1824 = arith.constant 176 : index
        %get3A_1825 = tpu.vector_load %arg14[%get3A_1823, %get3A_1824] {strides = array<i32>} : memref<8x256xf32, #tpu.memory_space<vmem>>, vector<1x16xf32>,
        %get3A_1826 = vector.shape_cast %get3A_1825 : vector<1x16xf32> to vector<16xf32>
        %get3A_1827 = arith.constant 3 : i32
        %get3A_1828 = arith.index_cast %get3A_1827 : i32 to index
        %get3A_1829 = arith.constant 176 : index
        %get3A_1830 = tpu.vector_load %arg15[%get3A_1828, %get3A_1829] {strides = array<i32>} : memref<8x256xf32, #tpu.memory_space<vmem>>, vector<1x16xf32>,
        %get3A_1831 = vector.shape_cast %get3A_1830 : vector<1x16xf32> to vector<16xf32>
        %add3A_1832 = arith.addf %get3A_1826, %get3A_1831 : vector<16xf32>
        %swap3A_1833 = arith.constant 3 : i32
        %swap3A_1834 = arith.index_cast %swap3A_1833 : i32 to index
        %swap3A_1835 = arith.constant 176 : index
        %swap3A_1836 = tpu.vector_load %arg14[%swap3A_1834, %swap3A_1835] {strides = array<i32>} : memref<8x256xf32, #tpu.memory_space<vmem>>, vector<1x16xf32>,
        %swap3A_1837 = vector.shape_cast %swap3A_1836 : vector<1x16xf32> to vector<16xf32>
        %swap3A_1838 = vector.shape_cast %add3A_1832 : vector<16xf32> to vector<1x16xf32>
        tpu.vector_store %arg14[%swap3A_1834, %swap3A_1835], %swap3A_1838 {strides = array<i32>} : memref<8x256xf32, #tpu.memory_space<vmem>>, vector<1x16xf32>,
        %get3A_1839 = arith.constant 3 : i32
        %get3A_1840 = arith.index_cast %get3A_1839 : i32 to index
        %get3A_1841 = arith.constant 192 : index
        %get3A_1842 = tpu.vector_load %arg14[%get3A_1840, %get3A_1841] {strides = array<i32>} : memref<8x256xf32, #tpu.memory_space<vmem>>, vector<1x16xf32>,
        %get3A_1843 = vector.shape_cast %get3A_1842 : vector<1x16xf32> to vector<16xf32>
        %get3A_1844 = arith.constant 3 : i32
        %get3A_1845 = arith.index_cast %get3A_1844 : i32 to index
        %get3A_1846 = arith.constant 192 : index
        %get3A_1847 = tpu.vector_load %arg15[%get3A_1845, %get3A_1846] {strides = array<i32>} : memref<8x256xf32, #tpu.memory_space<vmem>>, vector<1x16xf32>,
        %get3A_1848 = vector.shape_cast %get3A_1847 : vector<1x16xf32> to vector<16xf32>
        %add3A_1849 = arith.addf %get3A_1843, %get3A_1848 : vector<16xf32>
        %swap3A_1850 = arith.constant 3 : i32
        %swap3A_1851 = arith.index_cast %swap3A_1850 : i32 to index
        %swap3A_1852 = arith.constant 192 : index
        %swap3A_1853 = tpu.vector_load %arg14[%swap3A_1851, %swap3A_1852] {strides = array<i32>} : memref<8x256xf32, #tpu.memory_space<vmem>>, vector<1x16xf32>,
        %swap3A_1854 = vector.shape_cast %swap3A_1853 : vector<1x16xf32> to vector<16xf32>
        %swap3A_1855 = vector.shape_cast %add3A_1849 : vector<16xf32> to vector<1x16xf32>
        tpu.vector_store %arg14[%swap3A_1851, %swap3A_1852], %swap3A_1855 {strides = array<i32>} : memref<8x256xf32, #tpu.memory_space<vmem>>, vector<1x16xf32>,
        %get3A_1856 = arith.constant 3 : i32
        %get3A_1857 = arith.index_cast %get3A_1856 : i32 to index
        %get3A_1858 = arith.constant 208 : index
        %get3A_1859 = tpu.vector_load %arg14[%get3A_1857, %get3A_1858] {strides = array<i32>} : memref<8x256xf32, #tpu.memory_space<vmem>>, vector<1x16xf32>,
        %get3A_1860 = vector.shape_cast %get3A_1859 : vector<1x16xf32> to vector<16xf32>
        %get3A_1861 = arith.constant 3 : i32
        %get3A_1862 = arith.index_cast %get3A_1861 : i32 to index
        %get3A_1863 = arith.constant 208 : index
        %get3A_1864 = tpu.vector_load %arg15[%get3A_1862, %get3A_1863] {strides = array<i32>} : memref<8x256xf32, #tpu.memory_space<vmem>>, vector<1x16xf32>,
        %get3A_1865 = vector.shape_cast %get3A_1864 : vector<1x16xf32> to vector<16xf32>
        %add3A_1866 = arith.addf %get3A_1860, %get3A_1865 : vector<16xf32>
        %swap3A_1867 = arith.constant 3 : i32
        %swap3A_1868 = arith.index_cast %swap3A_1867 : i32 to index
        %swap3A_1869 = arith.constant 208 : index
        %swap3A_1870 = tpu.vector_load %arg14[%swap3A_1868, %swap3A_1869] {strides = array<i32>} : memref<8x256xf32, #tpu.memory_space<vmem>>, vector<1x16xf32>,
        %swap3A_1871 = vector.shape_cast %swap3A_1870 : vector<1x16xf32> to vector<16xf32>
        %swap3A_1872 = vector.shape_cast %add3A_1866 : vector<16xf32> to vector<1x16xf32>
        tpu.vector_store %arg14[%swap3A_1868, %swap3A_1869], %swap3A_1872 {strides = array<i32>} : memref<8x256xf32, #tpu.memory_space<vmem>>, vector<1x16xf32>,
        %get3A_1873 = arith.constant 3 : i32
        %get3A_1874 = arith.index_cast %get3A_1873 : i32 to index
        %get3A_1875 = arith.constant 224 : index
        %get3A_1876 = tpu.vector_load %arg14[%get3A_1874, %get3A_1875] {strides = array<i32>} : memref<8x256xf32, #tpu.memory_space<vmem>>, vector<1x16xf32>,
        %get3A_1877 = vector.shape_cast %get3A_1876 : vector<1x16xf32> to vector<16xf32>
        %get3A_1878 = arith.constant 3 : i32
        %get3A_1879 = arith.index_cast %get3A_1878 : i32 to index
        %get3A_1880 = arith.constant 224 : index
        %get3A_1881 = tpu.vector_load %arg15[%get3A_1879, %get3A_1880] {strides = array<i32>} : memref<8x256xf32, #tpu.memory_space<vmem>>, vector<1x16xf32>,
        %get3A_1882 = vector.shape_cast %get3A_1881 : vector<1x16xf32> to vector<16xf32>
        %add3A_1883 = arith.addf %get3A_1877, %get3A_1882 : vector<16xf32>
        %swap3A_1884 = arith.constant 3 : i32
        %swap3A_1885 = arith.index_cast %swap3A_1884 : i32 to index
        %swap3A_1886 = arith.constant 224 : index
        %swap3A_1887 = tpu.vector_load %arg14[%swap3A_1885, %swap3A_1886] {strides = array<i32>} : memref<8x256xf32, #tpu.memory_space<vmem>>, vector<1x16xf32>,
        %swap3A_1888 = vector.shape_cast %swap3A_1887 : vector<1x16xf32> to vector<16xf32>
        %swap3A_1889 = vector.shape_cast %add3A_1883 : vector<16xf32> to vector<1x16xf32>
        tpu.vector_store %arg14[%swap3A_1885, %swap3A_1886], %swap3A_1889 {strides = array<i32>} : memref<8x256xf32, #tpu.memory_space<vmem>>, vector<1x16xf32>,
        %get3A_1890 = arith.constant 3 : i32
        %get3A_1891 = arith.index_cast %get3A_1890 : i32 to index
        %get3A_1892 = arith.constant 240 : index
        %get3A_1893 = tpu.vector_load %arg14[%get3A_1891, %get3A_1892] {strides = array<i32>} : memref<8x256xf32, #tpu.memory_space<vmem>>, vector<1x16xf32>,
        %get3A_1894 = vector.shape_cast %get3A_1893 : vector<1x16xf32> to vector<16xf32>
        %get3A_1895 = arith.constant 3 : i32
        %get3A_1896 = arith.index_cast %get3A_1895 : i32 to index
        %get3A_1897 = arith.constant 240 : index
        %get3A_1898 = tpu.vector_load %arg15[%get3A_1896, %get3A_1897] {strides = array<i32>} : memref<8x256xf32, #tpu.memory_space<vmem>>, vector<1x16xf32>,
        %get3A_1899 = vector.shape_cast %get3A_1898 : vector<1x16xf32> to vector<16xf32>
        %add3A_1900 = arith.addf %get3A_1894, %get3A_1899 : vector<16xf32>
        %swap3A_1901 = arith.constant 3 : i32
        %swap3A_1902 = arith.index_cast %swap3A_1901 : i32 to index
        %swap3A_1903 = arith.constant 240 : index
        %swap3A_1904 = tpu.vector_load %arg14[%swap3A_1902, %swap3A_1903] {strides = array<i32>} : memref<8x256xf32, #tpu.memory_space<vmem>>, vector<1x16xf32>,
        %swap3A_1905 = vector.shape_cast %swap3A_1904 : vector<1x16xf32> to vector<16xf32>
        %swap3A_1906 = vector.shape_cast %add3A_1900 : vector<16xf32> to vector<1x16xf32>
        tpu.vector_store %arg14[%swap3A_1902, %swap3A_1903], %swap3A_1906 {strides = array<i32>} : memref<8x256xf32, #tpu.memory_space<vmem>>, vector<1x16xf32>,
        %get3A_1907 = arith.constant 4 : i32
        %get3A_1908 = arith.index_cast %get3A_1907 : i32 to index
        %get3A_1909 = arith.constant 0 : index
        %get3A_1910 = tpu.vector_load %arg14[%get3A_1908, %get3A_1909] {strides = array<i32>} : memref<8x256xf32, #tpu.memory_space<vmem>>, vector<1x16xf32>,
        %get3A_1911 = vector.shape_cast %get3A_1910 : vector<1x16xf32> to vector<16xf32>
        %get3A_1912 = arith.constant 4 : i32
        %get3A_1913 = arith.index_cast %get3A_1912 : i32 to index
        %get3A_1914 = arith.constant 0 : index
        %get3A_1915 = tpu.vector_load %arg15[%get3A_1913, %get3A_1914] {strides = array<i32>} : memref<8x256xf32, #tpu.memory_space<vmem>>, vector<1x16xf32>,
        %get3A_1916 = vector.shape_cast %get3A_1915 : vector<1x16xf32> to vector<16xf32>
        %add3A_1917 = arith.addf %get3A_1911, %get3A_1916 : vector<16xf32>
        %swap3A_1918 = arith.constant 4 : i32
        %swap3A_1919 = arith.index_cast %swap3A_1918 : i32 to index
        %swap3A_1920 = arith.constant 0 : index
        %swap3A_1921 = tpu.vector_load %arg14[%swap3A_1919, %swap3A_1920] {strides = array<i32>} : memref<8x256xf32, #tpu.memory_space<vmem>>, vector<1x16xf32>,
        %swap3A_1922 = vector.shape_cast %swap3A_1921 : vector<1x16xf32> to vector<16xf32>
        %swap3A_1923 = vector.shape_cast %add3A_1917 : vector<16xf32> to vector<1x16xf32>
        tpu.vector_store %arg14[%swap3A_1919, %swap3A_1920], %swap3A_1923 {strides = array<i32>} : memref<8x256xf32, #tpu.memory_space<vmem>>, vector<1x16xf32>,
        %get3A_1924 = arith.constant 4 : i32
        %get3A_1925 = arith.index_cast %get3A_1924 : i32 to index
        %get3A_1926 = arith.constant 16 : index
        %get3A_1927 = tpu.vector_load %arg14[%get3A_1925, %get3A_1926] {strides = array<i32>} : memref<8x256xf32, #tpu.memory_space<vmem>>, vector<1x16xf32>,
        %get3A_1928 = vector.shape_cast %get3A_1927 : vector<1x16xf32> to vector<16xf32>
        %get3A_1929 = arith.constant 4 : i32
        %get3A_1930 = arith.index_cast %get3A_1929 : i32 to index
        %get3A_1931 = arith.constant 16 : index
        %get3A_1932 = tpu.vector_load %arg15[%get3A_1930, %get3A_1931] {strides = array<i32>} : memref<8x256xf32, #tpu.memory_space<vmem>>, vector<1x16xf32>,
        %get3A_1933 = vector.shape_cast %get3A_1932 : vector<1x16xf32> to vector<16xf32>
        %add3A_1934 = arith.addf %get3A_1928, %get3A_1933 : vector<16xf32>
        %swap3A_1935 = arith.constant 4 : i32
        %swap3A_1936 = arith.index_cast %swap3A_1935 : i32 to index
        %swap3A_1937 = arith.constant 16 : index
        %swap3A_1938 = tpu.vector_load %arg14[%swap3A_1936, %swap3A_1937] {strides = array<i32>} : memref<8x256xf32, #tpu.memory_space<vmem>>, vector<1x16xf32>,
        %swap3A_1939 = vector.shape_cast %swap3A_1938 : vector<1x16xf32> to vector<16xf32>
        %swap3A_1940 = vector.shape_cast %add3A_1934 : vector<16xf32> to vector<1x16xf32>
        tpu.vector_store %arg14[%swap3A_1936, %swap3A_1937], %swap3A_1940 {strides = array<i32>} : memref<8x256xf32, #tpu.memory_space<vmem>>, vector<1x16xf32>,
        %get3A_1941 = arith.constant 4 : i32
        %get3A_1942 = arith.index_cast %get3A_1941 : i32 to index
        %get3A_1943 = arith.constant 32 : index
        %get3A_1944 = tpu.vector_load %arg14[%get3A_1942, %get3A_1943] {strides = array<i32>} : memref<8x256xf32, #tpu.memory_space<vmem>>, vector<1x16xf32>,
        %get3A_1945 = vector.shape_cast %get3A_1944 : vector<1x16xf32> to vector<16xf32>
        %get3A_1946 = arith.constant 4 : i32
        %get3A_1947 = arith.index_cast %get3A_1946 : i32 to index
        %get3A_1948 = arith.constant 32 : index
        %get3A_1949 = tpu.vector_load %arg15[%get3A_1947, %get3A_1948] {strides = array<i32>} : memref<8x256xf32, #tpu.memory_space<vmem>>, vector<1x16xf32>,
        %get3A_1950 = vector.shape_cast %get3A_1949 : vector<1x16xf32> to vector<16xf32>
        %add3A_1951 = arith.addf %get3A_1945, %get3A_1950 : vector<16xf32>
        %swap3A_1952 = arith.constant 4 : i32
        %swap3A_1953 = arith.index_cast %swap3A_1952 : i32 to index
        %swap3A_1954 = arith.constant 32 : index
        %swap3A_1955 = tpu.vector_load %arg14[%swap3A_1953, %swap3A_1954] {strides = array<i32>} : memref<8x256xf32, #tpu.memory_space<vmem>>, vector<1x16xf32>,
        %swap3A_1956 = vector.shape_cast %swap3A_1955 : vector<1x16xf32> to vector<16xf32>
        %swap3A_1957 = vector.shape_cast %add3A_1951 : vector<16xf32> to vector<1x16xf32>
        tpu.vector_store %arg14[%swap3A_1953, %swap3A_1954], %swap3A_1957 {strides = array<i32>} : memref<8x256xf32, #tpu.memory_space<vmem>>, vector<1x16xf32>,
        %get3A_1958 = arith.constant 4 : i32
        %get3A_1959 = arith.index_cast %get3A_1958 : i32 to index
        %get3A_1960 = arith.constant 48 : index
        %get3A_1961 = tpu.vector_load %arg14[%get3A_1959, %get3A_1960] {strides = array<i32>} : memref<8x256xf32, #tpu.memory_space<vmem>>, vector<1x16xf32>,
        %get3A_1962 = vector.shape_cast %get3A_1961 : vector<1x16xf32> to vector<16xf32>
        %get3A_1963 = arith.constant 4 : i32
        %get3A_1964 = arith.index_cast %get3A_1963 : i32 to index
        %get3A_1965 = arith.constant 48 : index
        %get3A_1966 = tpu.vector_load %arg15[%get3A_1964, %get3A_1965] {strides = array<i32>} : memref<8x256xf32, #tpu.memory_space<vmem>>, vector<1x16xf32>,
        %get3A_1967 = vector.shape_cast %get3A_1966 : vector<1x16xf32> to vector<16xf32>
        %add3A_1968 = arith.addf %get3A_1962, %get3A_1967 : vector<16xf32>
        %swap3A_1969 = arith.constant 4 : i32
        %swap3A_1970 = arith.index_cast %swap3A_1969 : i32 to index
        %swap3A_1971 = arith.constant 48 : index
        %swap3A_1972 = tpu.vector_load %arg14[%swap3A_1970, %swap3A_1971] {strides = array<i32>} : memref<8x256xf32, #tpu.memory_space<vmem>>, vector<1x16xf32>,
        %swap3A_1973 = vector.shape_cast %swap3A_1972 : vector<1x16xf32> to vector<16xf32>
        %swap3A_1974 = vector.shape_cast %add3A_1968 : vector<16xf32> to vector<1x16xf32>
        tpu.vector_store %arg14[%swap3A_1970, %swap3A_1971], %swap3A_1974 {strides = array<i32>} : memref<8x256xf32, #tpu.memory_space<vmem>>, vector<1x16xf32>,
        %get3A_1975 = arith.constant 4 : i32
        %get3A_1976 = arith.index_cast %get3A_1975 : i32 to index
        %get3A_1977 = arith.constant 64 : index
        %get3A_1978 = tpu.vector_load %arg14[%get3A_1976, %get3A_1977] {strides = array<i32>} : memref<8x256xf32, #tpu.memory_space<vmem>>, vector<1x16xf32>,
        %get3A_1979 = vector.shape_cast %get3A_1978 : vector<1x16xf32> to vector<16xf32>
        %get3A_1980 = arith.constant 4 : i32
        %get3A_1981 = arith.index_cast %get3A_1980 : i32 to index
        %get3A_1982 = arith.constant 64 : index
        %get3A_1983 = tpu.vector_load %arg15[%get3A_1981, %get3A_1982] {strides = array<i32>} : memref<8x256xf32, #tpu.memory_space<vmem>>, vector<1x16xf32>,
        %get3A_1984 = vector.shape_cast %get3A_1983 : vector<1x16xf32> to vector<16xf32>
        %add3A_1985 = arith.addf %get3A_1979, %get3A_1984 : vector<16xf32>
        %swap3A_1986 = arith.constant 4 : i32
        %swap3A_1987 = arith.index_cast %swap3A_1986 : i32 to index
        %swap3A_1988 = arith.constant 64 : index
        %swap3A_1989 = tpu.vector_load %arg14[%swap3A_1987, %swap3A_1988] {strides = array<i32>} : memref<8x256xf32, #tpu.memory_space<vmem>>, vector<1x16xf32>,
        %swap3A_1990 = vector.shape_cast %swap3A_1989 : vector<1x16xf32> to vector<16xf32>
        %swap3A_1991 = vector.shape_cast %add3A_1985 : vector<16xf32> to vector<1x16xf32>
        tpu.vector_store %arg14[%swap3A_1987, %swap3A_1988], %swap3A_1991 {strides = array<i32>} : memref<8x256xf32, #tpu.memory_space<vmem>>, vector<1x16xf32>,
        %get3A_1992 = arith.constant 4 : i32
        %get3A_1993 = arith.index_cast %get3A_1992 : i32 to index
        %get3A_1994 = arith.constant 80 : index
        %get3A_1995 = tpu.vector_load %arg14[%get3A_1993, %get3A_1994] {strides = array<i32>} : memref<8x256xf32, #tpu.memory_space<vmem>>, vector<1x16xf32>,
        %get3A_1996 = vector.shape_cast %get3A_1995 : vector<1x16xf32> to vector<16xf32>
        %get3A_1997 = arith.constant 4 : i32
        %get3A_1998 = arith.index_cast %get3A_1997 : i32 to index
        %get3A_1999 = arith.constant 80 : index
        %get3A_2000 = tpu.vector_load %arg15[%get3A_1998, %get3A_1999] {strides = array<i32>} : memref<8x256xf32, #tpu.memory_space<vmem>>, vector<1x16xf32>,
        %get3A_2001 = vector.shape_cast %get3A_2000 : vector<1x16xf32> to vector<16xf32>
        %add3A_2002 = arith.addf %get3A_1996, %get3A_2001 : vector<16xf32>
        %swap3A_2003 = arith.constant 4 : i32
        %swap3A_2004 = arith.index_cast %swap3A_2003 : i32 to index
        %swap3A_2005 = arith.constant 80 : index
        %swap3A_2006 = tpu.vector_load %arg14[%swap3A_2004, %swap3A_2005] {strides = array<i32>} : memref<8x256xf32, #tpu.memory_space<vmem>>, vector<1x16xf32>,
        %swap3A_2007 = vector.shape_cast %swap3A_2006 : vector<1x16xf32> to vector<16xf32>
        %swap3A_2008 = vector.shape_cast %add3A_2002 : vector<16xf32> to vector<1x16xf32>
        tpu.vector_store %arg14[%swap3A_2004, %swap3A_2005], %swap3A_2008 {strides = array<i32>} : memref<8x256xf32, #tpu.memory_space<vmem>>, vector<1x16xf32>,
        %get3A_2009 = arith.constant 4 : i32
        %get3A_2010 = arith.index_cast %get3A_2009 : i32 to index
        %get3A_2011 = arith.constant 96 : index
        %get3A_2012 = tpu.vector_load %arg14[%get3A_2010, %get3A_2011] {strides = array<i32>} : memref<8x256xf32, #tpu.memory_space<vmem>>, vector<1x16xf32>,
        %get3A_2013 = vector.shape_cast %get3A_2012 : vector<1x16xf32> to vector<16xf32>
        %get3A_2014 = arith.constant 4 : i32
        %get3A_2015 = arith.index_cast %get3A_2014 : i32 to index
        %get3A_2016 = arith.constant 96 : index
        %get3A_2017 = tpu.vector_load %arg15[%get3A_2015, %get3A_2016] {strides = array<i32>} : memref<8x256xf32, #tpu.memory_space<vmem>>, vector<1x16xf32>,
        %get3A_2018 = vector.shape_cast %get3A_2017 : vector<1x16xf32> to vector<16xf32>
        %add3A_2019 = arith.addf %get3A_2013, %get3A_2018 : vector<16xf32>
        %swap3A_2020 = arith.constant 4 : i32
        %swap3A_2021 = arith.index_cast %swap3A_2020 : i32 to index
        %swap3A_2022 = arith.constant 96 : index
        %swap3A_2023 = tpu.vector_load %arg14[%swap3A_2021, %swap3A_2022] {strides = array<i32>} : memref<8x256xf32, #tpu.memory_space<vmem>>, vector<1x16xf32>,
        %swap3A_2024 = vector.shape_cast %swap3A_2023 : vector<1x16xf32> to vector<16xf32>
        %swap3A_2025 = vector.shape_cast %add3A_2019 : vector<16xf32> to vector<1x16xf32>
        tpu.vector_store %arg14[%swap3A_2021, %swap3A_2022], %swap3A_2025 {strides = array<i32>} : memref<8x256xf32, #tpu.memory_space<vmem>>, vector<1x16xf32>,
        %get3A_2026 = arith.constant 4 : i32
        %get3A_2027 = arith.index_cast %get3A_2026 : i32 to index
        %get3A_2028 = arith.constant 112 : index
        %get3A_2029 = tpu.vector_load %arg14[%get3A_2027, %get3A_2028] {strides = array<i32>} : memref<8x256xf32, #tpu.memory_space<vmem>>, vector<1x16xf32>,
        %get3A_2030 = vector.shape_cast %get3A_2029 : vector<1x16xf32> to vector<16xf32>
        %get3A_2031 = arith.constant 4 : i32
        %get3A_2032 = arith.index_cast %get3A_2031 : i32 to index
        %get3A_2033 = arith.constant 112 : index
        %get3A_2034 = tpu.vector_load %arg15[%get3A_2032, %get3A_2033] {strides = array<i32>} : memref<8x256xf32, #tpu.memory_space<vmem>>, vector<1x16xf32>,
        %get3A_2035 = vector.shape_cast %get3A_2034 : vector<1x16xf32> to vector<16xf32>
        %add3A_2036 = arith.addf %get3A_2030, %get3A_2035 : vector<16xf32>
        %swap3A_2037 = arith.constant 4 : i32
        %swap3A_2038 = arith.index_cast %swap3A_2037 : i32 to index
        %swap3A_2039 = arith.constant 112 : index
        %swap3A_2040 = tpu.vector_load %arg14[%swap3A_2038, %swap3A_2039] {strides = array<i32>} : memref<8x256xf32, #tpu.memory_space<vmem>>, vector<1x16xf32>,
        %swap3A_2041 = vector.shape_cast %swap3A_2040 : vector<1x16xf32> to vector<16xf32>
        %swap3A_2042 = vector.shape_cast %add3A_2036 : vector<16xf32> to vector<1x16xf32>
        tpu.vector_store %arg14[%swap3A_2038, %swap3A_2039], %swap3A_2042 {strides = array<i32>} : memref<8x256xf32, #tpu.memory_space<vmem>>, vector<1x16xf32>,
        %get3A_2043 = arith.constant 4 : i32
        %get3A_2044 = arith.index_cast %get3A_2043 : i32 to index
        %get3A_2045 = arith.constant 128 : index
        %get3A_2046 = tpu.vector_load %arg14[%get3A_2044, %get3A_2045] {strides = array<i32>} : memref<8x256xf32, #tpu.memory_space<vmem>>, vector<1x16xf32>,
        %get3A_2047 = vector.shape_cast %get3A_2046 : vector<1x16xf32> to vector<16xf32>
        %get3A_2048 = arith.constant 4 : i32
        %get3A_2049 = arith.index_cast %get3A_2048 : i32 to index
        %get3A_2050 = arith.constant 128 : index
        %get3A_2051 = tpu.vector_load %arg15[%get3A_2049, %get3A_2050] {strides = array<i32>} : memref<8x256xf32, #tpu.memory_space<vmem>>, vector<1x16xf32>,
        %get3A_2052 = vector.shape_cast %get3A_2051 : vector<1x16xf32> to vector<16xf32>
        %add3A_2053 = arith.addf %get3A_2047, %get3A_2052 : vector<16xf32>
        %swap3A_2054 = arith.constant 4 : i32
        %swap3A_2055 = arith.index_cast %swap3A_2054 : i32 to index
        %swap3A_2056 = arith.constant 128 : index
        %swap3A_2057 = tpu.vector_load %arg14[%swap3A_2055, %swap3A_2056] {strides = array<i32>} : memref<8x256xf32, #tpu.memory_space<vmem>>, vector<1x16xf32>,
        %swap3A_2058 = vector.shape_cast %swap3A_2057 : vector<1x16xf32> to vector<16xf32>
        %swap3A_2059 = vector.shape_cast %add3A_2053 : vector<16xf32> to vector<1x16xf32>
        tpu.vector_store %arg14[%swap3A_2055, %swap3A_2056], %swap3A_2059 {strides = array<i32>} : memref<8x256xf32, #tpu.memory_space<vmem>>, vector<1x16xf32>,
        %get3A_2060 = arith.constant 4 : i32
        %get3A_2061 = arith.index_cast %get3A_2060 : i32 to index
        %get3A_2062 = arith.constant 144 : index
        %get3A_2063 = tpu.vector_load %arg14[%get3A_2061, %get3A_2062] {strides = array<i32>} : memref<8x256xf32, #tpu.memory_space<vmem>>, vector<1x16xf32>,
        %get3A_2064 = vector.shape_cast %get3A_2063 : vector<1x16xf32> to vector<16xf32>
        %get3A_2065 = arith.constant 4 : i32
        %get3A_2066 = arith.index_cast %get3A_2065 : i32 to index
        %get3A_2067 = arith.constant 144 : index
        %get3A_2068 = tpu.vector_load %arg15[%get3A_2066, %get3A_2067] {strides = array<i32>} : memref<8x256xf32, #tpu.memory_space<vmem>>, vector<1x16xf32>,
        %get3A_2069 = vector.shape_cast %get3A_2068 : vector<1x16xf32> to vector<16xf32>
        %add3A_2070 = arith.addf %get3A_2064, %get3A_2069 : vector<16xf32>
        %swap3A_2071 = arith.constant 4 : i32
        %swap3A_2072 = arith.index_cast %swap3A_2071 : i32 to index
        %swap3A_2073 = arith.constant 144 : index
        %swap3A_2074 = tpu.vector_load %arg14[%swap3A_2072, %swap3A_2073] {strides = array<i32>} : memref<8x256xf32, #tpu.memory_space<vmem>>, vector<1x16xf32>,
        %swap3A_2075 = vector.shape_cast %swap3A_2074 : vector<1x16xf32> to vector<16xf32>
        %swap3A_2076 = vector.shape_cast %add3A_2070 : vector<16xf32> to vector<1x16xf32>
        tpu.vector_store %arg14[%swap3A_2072, %swap3A_2073], %swap3A_2076 {strides = array<i32>} : memref<8x256xf32, #tpu.memory_space<vmem>>, vector<1x16xf32>,
        %get3A_2077 = arith.constant 4 : i32
        %get3A_2078 = arith.index_cast %get3A_2077 : i32 to index
        %get3A_2079 = arith.constant 160 : index
        %get3A_2080 = tpu.vector_load %arg14[%get3A_2078, %get3A_2079] {strides = array<i32>} : memref<8x256xf32, #tpu.memory_space<vmem>>, vector<1x16xf32>,
        %get3A_2081 = vector.shape_cast %get3A_2080 : vector<1x16xf32> to vector<16xf32>
        %get3A_2082 = arith.constant 4 : i32
        %get3A_2083 = arith.index_cast %get3A_2082 : i32 to index
        %get3A_2084 = arith.constant 160 : index
        %get3A_2085 = tpu.vector_load %arg15[%get3A_2083, %get3A_2084] {strides = array<i32>} : memref<8x256xf32, #tpu.memory_space<vmem>>, vector<1x16xf32>,
        %get3A_2086 = vector.shape_cast %get3A_2085 : vector<1x16xf32> to vector<16xf32>
        %add3A_2087 = arith.addf %get3A_2081, %get3A_2086 : vector<16xf32>
        %swap3A_2088 = arith.constant 4 : i32
        %swap3A_2089 = arith.index_cast %swap3A_2088 : i32 to index
        %swap3A_2090 = arith.constant 160 : index
        %swap3A_2091 = tpu.vector_load %arg14[%swap3A_2089, %swap3A_2090] {strides = array<i32>} : memref<8x256xf32, #tpu.memory_space<vmem>>, vector<1x16xf32>,
        %swap3A_2092 = vector.shape_cast %swap3A_2091 : vector<1x16xf32> to vector<16xf32>
        %swap3A_2093 = vector.shape_cast %add3A_2087 : vector<16xf32> to vector<1x16xf32>
        tpu.vector_store %arg14[%swap3A_2089, %swap3A_2090], %swap3A_2093 {strides = array<i32>} : memref<8x256xf32, #tpu.memory_space<vmem>>, vector<1x16xf32>,
        %get3A_2094 = arith.constant 4 : i32
        %get3A_2095 = arith.index_cast %get3A_2094 : i32 to index
        %get3A_2096 = arith.constant 176 : index
        %get3A_2097 = tpu.vector_load %arg14[%get3A_2095, %get3A_2096] {strides = array<i32>} : memref<8x256xf32, #tpu.memory_space<vmem>>, vector<1x16xf32>,
        %get3A_2098 = vector.shape_cast %get3A_2097 : vector<1x16xf32> to vector<16xf32>
        %get3A_2099 = arith.constant 4 : i32
        %get3A_2100 = arith.index_cast %get3A_2099 : i32 to index
        %get3A_2101 = arith.constant 176 : index
        %get3A_2102 = tpu.vector_load %arg15[%get3A_2100, %get3A_2101] {strides = array<i32>} : memref<8x256xf32, #tpu.memory_space<vmem>>, vector<1x16xf32>,
        %get3A_2103 = vector.shape_cast %get3A_2102 : vector<1x16xf32> to vector<16xf32>
        %add3A_2104 = arith.addf %get3A_2098, %get3A_2103 : vector<16xf32>
        %swap3A_2105 = arith.constant 4 : i32
        %swap3A_2106 = arith.index_cast %swap3A_2105 : i32 to index
        %swap3A_2107 = arith.constant 176 : index
        %swap3A_2108 = tpu.vector_load %arg14[%swap3A_2106, %swap3A_2107] {strides = array<i32>} : memref<8x256xf32, #tpu.memory_space<vmem>>, vector<1x16xf32>,
        %swap3A_2109 = vector.shape_cast %swap3A_2108 : vector<1x16xf32> to vector<16xf32>
        %swap3A_2110 = vector.shape_cast %add3A_2104 : vector<16xf32> to vector<1x16xf32>
        tpu.vector_store %arg14[%swap3A_2106, %swap3A_2107], %swap3A_2110 {strides = array<i32>} : memref<8x256xf32, #tpu.memory_space<vmem>>, vector<1x16xf32>,
        %get3A_2111 = arith.constant 4 : i32
        %get3A_2112 = arith.index_cast %get3A_2111 : i32 to index
        %get3A_2113 = arith.constant 192 : index
        %get3A_2114 = tpu.vector_load %arg14[%get3A_2112, %get3A_2113] {strides = array<i32>} : memref<8x256xf32, #tpu.memory_space<vmem>>, vector<1x16xf32>,
        %get3A_2115 = vector.shape_cast %get3A_2114 : vector<1x16xf32> to vector<16xf32>
        %get3A_2116 = arith.constant 4 : i32
        %get3A_2117 = arith.index_cast %get3A_2116 : i32 to index
        %get3A_2118 = arith.constant 192 : index
        %get3A_2119 = tpu.vector_load %arg15[%get3A_2117, %get3A_2118] {strides = array<i32>} : memref<8x256xf32, #tpu.memory_space<vmem>>, vector<1x16xf32>,
        %get3A_2120 = vector.shape_cast %get3A_2119 : vector<1x16xf32> to vector<16xf32>
        %add3A_2121 = arith.addf %get3A_2115, %get3A_2120 : vector<16xf32>
        %swap3A_2122 = arith.constant 4 : i32
        %swap3A_2123 = arith.index_cast %swap3A_2122 : i32 to index
        %swap3A_2124 = arith.constant 192 : index
        %swap3A_2125 = tpu.vector_load %arg14[%swap3A_2123, %swap3A_2124] {strides = array<i32>} : memref<8x256xf32, #tpu.memory_space<vmem>>, vector<1x16xf32>,
        %swap3A_2126 = vector.shape_cast %swap3A_2125 : vector<1x16xf32> to vector<16xf32>
        %swap3A_2127 = vector.shape_cast %add3A_2121 : vector<16xf32> to vector<1x16xf32>
        tpu.vector_store %arg14[%swap3A_2123, %swap3A_2124], %swap3A_2127 {strides = array<i32>} : memref<8x256xf32, #tpu.memory_space<vmem>>, vector<1x16xf32>,
        %get3A_2128 = arith.constant 4 : i32
        %get3A_2129 = arith.index_cast %get3A_2128 : i32 to index
        %get3A_2130 = arith.constant 208 : index
        %get3A_2131 = tpu.vector_load %arg14[%get3A_2129, %get3A_2130] {strides = array<i32>} : memref<8x256xf32, #tpu.memory_space<vmem>>, vector<1x16xf32>,
        %get3A_2132 = vector.shape_cast %get3A_2131 : vector<1x16xf32> to vector<16xf32>
        %get3A_2133 = arith.constant 4 : i32
        %get3A_2134 = arith.index_cast %get3A_2133 : i32 to index
        %get3A_2135 = arith.constant 208 : index
        %get3A_2136 = tpu.vector_load %arg15[%get3A_2134, %get3A_2135] {strides = array<i32>} : memref<8x256xf32, #tpu.memory_space<vmem>>, vector<1x16xf32>,
        %get3A_2137 = vector.shape_cast %get3A_2136 : vector<1x16xf32> to vector<16xf32>
        %add3A_2138 = arith.addf %get3A_2132, %get3A_2137 : vector<16xf32>
        %swap3A_2139 = arith.constant 4 : i32
        %swap3A_2140 = arith.index_cast %swap3A_2139 : i32 to index
        %swap3A_2141 = arith.constant 208 : index
        %swap3A_2142 = tpu.vector_load %arg14[%swap3A_2140, %swap3A_2141] {strides = array<i32>} : memref<8x256xf32, #tpu.memory_space<vmem>>, vector<1x16xf32>,
        %swap3A_2143 = vector.shape_cast %swap3A_2142 : vector<1x16xf32> to vector<16xf32>
        %swap3A_2144 = vector.shape_cast %add3A_2138 : vector<16xf32> to vector<1x16xf32>
        tpu.vector_store %arg14[%swap3A_2140, %swap3A_2141], %swap3A_2144 {strides = array<i32>} : memref<8x256xf32, #tpu.memory_space<vmem>>, vector<1x16xf32>,
        %get3A_2145 = arith.constant 4 : i32
        %get3A_2146 = arith.index_cast %get3A_2145 : i32 to index
        %get3A_2147 = arith.constant 224 : index
        %get3A_2148 = tpu.vector_load %arg14[%get3A_2146, %get3A_2147] {strides = array<i32>} : memref<8x256xf32, #tpu.memory_space<vmem>>, vector<1x16xf32>,
        %get3A_2149 = vector.shape_cast %get3A_2148 : vector<1x16xf32> to vector<16xf32>
        %get3A_2150 = arith.constant 4 : i32
        %get3A_2151 = arith.index_cast %get3A_2150 : i32 to index
        %get3A_2152 = arith.constant 224 : index
        %get3A_2153 = tpu.vector_load %arg15[%get3A_2151, %get3A_2152] {strides = array<i32>} : memref<8x256xf32, #tpu.memory_space<vmem>>, vector<1x16xf32>,
        %get3A_2154 = vector.shape_cast %get3A_2153 : vector<1x16xf32> to vector<16xf32>
        %add3A_2155 = arith.addf %get3A_2149, %get3A_2154 : vector<16xf32>
        %swap3A_2156 = arith.constant 4 : i32
        %swap3A_2157 = arith.index_cast %swap3A_2156 : i32 to index
        %swap3A_2158 = arith.constant 224 : index
        %swap3A_2159 = tpu.vector_load %arg14[%swap3A_2157, %swap3A_2158] {strides = array<i32>} : memref<8x256xf32, #tpu.memory_space<vmem>>, vector<1x16xf32>,
        %swap3A_2160 = vector.shape_cast %swap3A_2159 : vector<1x16xf32> to vector<16xf32>
        %swap3A_2161 = vector.shape_cast %add3A_2155 : vector<16xf32> to vector<1x16xf32>
        tpu.vector_store %arg14[%swap3A_2157, %swap3A_2158], %swap3A_2161 {strides = array<i32>} : memref<8x256xf32, #tpu.memory_space<vmem>>, vector<1x16xf32>,
        %get3A_2162 = arith.constant 4 : i32
        %get3A_2163 = arith.index_cast %get3A_2162 : i32 to index
        %get3A_2164 = arith.constant 240 : index
        %get3A_2165 = tpu.vector_load %arg14[%get3A_2163, %get3A_2164] {strides = array<i32>} : memref<8x256xf32, #tpu.memory_space<vmem>>, vector<1x16xf32>,
        %get3A_2166 = vector.shape_cast %get3A_2165 : vector<1x16xf32> to vector<16xf32>
        %get3A_2167 = arith.constant 4 : i32
        %get3A_2168 = arith.index_cast %get3A_2167 : i32 to index
        %get3A_2169 = arith.constant 240 : index
        %get3A_2170 = tpu.vector_load %arg15[%get3A_2168, %get3A_2169] {strides = array<i32>} : memref<8x256xf32, #tpu.memory_space<vmem>>, vector<1x16xf32>,
        %get3A_2171 = vector.shape_cast %get3A_2170 : vector<1x16xf32> to vector<16xf32>
        %add3A_2172 = arith.addf %get3A_2166, %get3A_2171 : vector<16xf32>
        %swap3A_2173 = arith.constant 4 : i32
        %swap3A_2174 = arith.index_cast %swap3A_2173 : i32 to index
        %swap3A_2175 = arith.constant 240 : index
        %swap3A_2176 = tpu.vector_load %arg14[%swap3A_2174, %swap3A_2175] {strides = array<i32>} : memref<8x256xf32, #tpu.memory_space<vmem>>, vector<1x16xf32>,
        %swap3A_2177 = vector.shape_cast %swap3A_2176 : vector<1x16xf32> to vector<16xf32>
        %swap3A_2178 = vector.shape_cast %add3A_2172 : vector<16xf32> to vector<1x16xf32>
        tpu.vector_store %arg14[%swap3A_2174, %swap3A_2175], %swap3A_2178 {strides = array<i32>} : memref<8x256xf32, #tpu.memory_space<vmem>>, vector<1x16xf32>,
        %get3A_2179 = arith.constant 5 : i32
        %get3A_2180 = arith.index_cast %get3A_2179 : i32 to index
        %get3A_2181 = arith.constant 0 : index
        %get3A_2182 = tpu.vector_load %arg14[%get3A_2180, %get3A_2181] {strides = array<i32>} : memref<8x256xf32, #tpu.memory_space<vmem>>, vector<1x16xf32>,
        %get3A_2183 = vector.shape_cast %get3A_2182 : vector<1x16xf32> to vector<16xf32>
        %get3A_2184 = arith.constant 5 : i32
        %get3A_2185 = arith.index_cast %get3A_2184 : i32 to index
        %get3A_2186 = arith.constant 0 : index
        %get3A_2187 = tpu.vector_load %arg15[%get3A_2185, %get3A_2186] {strides = array<i32>} : memref<8x256xf32, #tpu.memory_space<vmem>>, vector<1x16xf32>,
        %get3A_2188 = vector.shape_cast %get3A_2187 : vector<1x16xf32> to vector<16xf32>
        %add3A_2189 = arith.addf %get3A_2183, %get3A_2188 : vector<16xf32>
        %swap3A_2190 = arith.constant 5 : i32
        %swap3A_2191 = arith.index_cast %swap3A_2190 : i32 to index
        %swap3A_2192 = arith.constant 0 : index
        %swap3A_2193 = tpu.vector_load %arg14[%swap3A_2191, %swap3A_2192] {strides = array<i32>} : memref<8x256xf32, #tpu.memory_space<vmem>>, vector<1x16xf32>,
        %swap3A_2194 = vector.shape_cast %swap3A_2193 : vector<1x16xf32> to vector<16xf32>
        %swap3A_2195 = vector.shape_cast %add3A_2189 : vector<16xf32> to vector<1x16xf32>
        tpu.vector_store %arg14[%swap3A_2191, %swap3A_2192], %swap3A_2195 {strides = array<i32>} : memref<8x256xf32, #tpu.memory_space<vmem>>, vector<1x16xf32>,
        %get3A_2196 = arith.constant 5 : i32
        %get3A_2197 = arith.index_cast %get3A_2196 : i32 to index
        %get3A_2198 = arith.constant 16 : index
        %get3A_2199 = tpu.vector_load %arg14[%get3A_2197, %get3A_2198] {strides = array<i32>} : memref<8x256xf32, #tpu.memory_space<vmem>>, vector<1x16xf32>,
        %get3A_2200 = vector.shape_cast %get3A_2199 : vector<1x16xf32> to vector<16xf32>
        %get3A_2201 = arith.constant 5 : i32
        %get3A_2202 = arith.index_cast %get3A_2201 : i32 to index
        %get3A_2203 = arith.constant 16 : index
        %get3A_2204 = tpu.vector_load %arg15[%get3A_2202, %get3A_2203] {strides = array<i32>} : memref<8x256xf32, #tpu.memory_space<vmem>>, vector<1x16xf32>,
        %get3A_2205 = vector.shape_cast %get3A_2204 : vector<1x16xf32> to vector<16xf32>
        %add3A_2206 = arith.addf %get3A_2200, %get3A_2205 : vector<16xf32>
        %swap3A_2207 = arith.constant 5 : i32
        %swap3A_2208 = arith.index_cast %swap3A_2207 : i32 to index
        %swap3A_2209 = arith.constant 16 : index
        %swap3A_2210 = tpu.vector_load %arg14[%swap3A_2208, %swap3A_2209] {strides = array<i32>} : memref<8x256xf32, #tpu.memory_space<vmem>>, vector<1x16xf32>,
        %swap3A_2211 = vector.shape_cast %swap3A_2210 : vector<1x16xf32> to vector<16xf32>
        %swap3A_2212 = vector.shape_cast %add3A_2206 : vector<16xf32> to vector<1x16xf32>
        tpu.vector_store %arg14[%swap3A_2208, %swap3A_2209], %swap3A_2212 {strides = array<i32>} : memref<8x256xf32, #tpu.memory_space<vmem>>, vector<1x16xf32>,
        %get3A_2213 = arith.constant 5 : i32
        %get3A_2214 = arith.index_cast %get3A_2213 : i32 to index
        %get3A_2215 = arith.constant 32 : index
        %get3A_2216 = tpu.vector_load %arg14[%get3A_2214, %get3A_2215] {strides = array<i32>} : memref<8x256xf32, #tpu.memory_space<vmem>>, vector<1x16xf32>,
        %get3A_2217 = vector.shape_cast %get3A_2216 : vector<1x16xf32> to vector<16xf32>
        %get3A_2218 = arith.constant 5 : i32
        %get3A_2219 = arith.index_cast %get3A_2218 : i32 to index
        %get3A_2220 = arith.constant 32 : index
        %get3A_2221 = tpu.vector_load %arg15[%get3A_2219, %get3A_2220] {strides = array<i32>} : memref<8x256xf32, #tpu.memory_space<vmem>>, vector<1x16xf32>,
        %get3A_2222 = vector.shape_cast %get3A_2221 : vector<1x16xf32> to vector<16xf32>
        %add3A_2223 = arith.addf %get3A_2217, %get3A_2222 : vector<16xf32>
        %swap3A_2224 = arith.constant 5 : i32
        %swap3A_2225 = arith.index_cast %swap3A_2224 : i32 to index
        %swap3A_2226 = arith.constant 32 : index
        %swap3A_2227 = tpu.vector_load %arg14[%swap3A_2225, %swap3A_2226] {strides = array<i32>} : memref<8x256xf32, #tpu.memory_space<vmem>>, vector<1x16xf32>,
        %swap3A_2228 = vector.shape_cast %swap3A_2227 : vector<1x16xf32> to vector<16xf32>
        %swap3A_2229 = vector.shape_cast %add3A_2223 : vector<16xf32> to vector<1x16xf32>
        tpu.vector_store %arg14[%swap3A_2225, %swap3A_2226], %swap3A_2229 {strides = array<i32>} : memref<8x256xf32, #tpu.memory_space<vmem>>, vector<1x16xf32>,
        %get3A_2230 = arith.constant 5 : i32
        %get3A_2231 = arith.index_cast %get3A_2230 : i32 to index
        %get3A_2232 = arith.constant 48 : index
        %get3A_2233 = tpu.vector_load %arg14[%get3A_2231, %get3A_2232] {strides = array<i32>} : memref<8x256xf32, #tpu.memory_space<vmem>>, vector<1x16xf32>,
        %get3A_2234 = vector.shape_cast %get3A_2233 : vector<1x16xf32> to vector<16xf32>
        %get3A_2235 = arith.constant 5 : i32
        %get3A_2236 = arith.index_cast %get3A_2235 : i32 to index
        %get3A_2237 = arith.constant 48 : index
        %get3A_2238 = tpu.vector_load %arg15[%get3A_2236, %get3A_2237] {strides = array<i32>} : memref<8x256xf32, #tpu.memory_space<vmem>>, vector<1x16xf32>,
        %get3A_2239 = vector.shape_cast %get3A_2238 : vector<1x16xf32> to vector<16xf32>
        %add3A_2240 = arith.addf %get3A_2234, %get3A_2239 : vector<16xf32>
        %swap3A_2241 = arith.constant 5 : i32
        %swap3A_2242 = arith.index_cast %swap3A_2241 : i32 to index
        %swap3A_2243 = arith.constant 48 : index
        %swap3A_2244 = tpu.vector_load %arg14[%swap3A_2242, %swap3A_2243] {strides = array<i32>} : memref<8x256xf32, #tpu.memory_space<vmem>>, vector<1x16xf32>,
        %swap3A_2245 = vector.shape_cast %swap3A_2244 : vector<1x16xf32> to vector<16xf32>
        %swap3A_2246 = vector.shape_cast %add3A_2240 : vector<16xf32> to vector<1x16xf32>
        tpu.vector_store %arg14[%swap3A_2242, %swap3A_2243], %swap3A_2246 {strides = array<i32>} : memref<8x256xf32, #tpu.memory_space<vmem>>, vector<1x16xf32>,
        %get3A_2247 = arith.constant 5 : i32
        %get3A_2248 = arith.index_cast %get3A_2247 : i32 to index
        %get3A_2249 = arith.constant 64 : index
        %get3A_2250 = tpu.vector_load %arg14[%get3A_2248, %get3A_2249] {strides = array<i32>} : memref<8x256xf32, #tpu.memory_space<vmem>>, vector<1x16xf32>,
        %get3A_2251 = vector.shape_cast %get3A_2250 : vector<1x16xf32> to vector<16xf32>
        %get3A_2252 = arith.constant 5 : i32
        %get3A_2253 = arith.index_cast %get3A_2252 : i32 to index
        %get3A_2254 = arith.constant 64 : index
        %get3A_2255 = tpu.vector_load %arg15[%get3A_2253, %get3A_2254] {strides = array<i32>} : memref<8x256xf32, #tpu.memory_space<vmem>>, vector<1x16xf32>,
        %get3A_2256 = vector.shape_cast %get3A_2255 : vector<1x16xf32> to vector<16xf32>
        %add3A_2257 = arith.addf %get3A_2251, %get3A_2256 : vector<16xf32>
        %swap3A_2258 = arith.constant 5 : i32
        %swap3A_2259 = arith.index_cast %swap3A_2258 : i32 to index
        %swap3A_2260 = arith.constant 64 : index
        %swap3A_2261 = tpu.vector_load %arg14[%swap3A_2259, %swap3A_2260] {strides = array<i32>} : memref<8x256xf32, #tpu.memory_space<vmem>>, vector<1x16xf32>,
        %swap3A_2262 = vector.shape_cast %swap3A_2261 : vector<1x16xf32> to vector<16xf32>
        %swap3A_2263 = vector.shape_cast %add3A_2257 : vector<16xf32> to vector<1x16xf32>
        tpu.vector_store %arg14[%swap3A_2259, %swap3A_2260], %swap3A_2263 {strides = array<i32>} : memref<8x256xf32, #tpu.memory_space<vmem>>, vector<1x16xf32>,
        %get3A_2264 = arith.constant 5 : i32
        %get3A_2265 = arith.index_cast %get3A_2264 : i32 to index
        %get3A_2266 = arith.constant 80 : index
        %get3A_2267 = tpu.vector_load %arg14[%get3A_2265, %get3A_2266] {strides = array<i32>} : memref<8x256xf32, #tpu.memory_space<vmem>>, vector<1x16xf32>,
        %get3A_2268 = vector.shape_cast %get3A_2267 : vector<1x16xf32> to vector<16xf32>
        %get3A_2269 = arith.constant 5 : i32
        %get3A_2270 = arith.index_cast %get3A_2269 : i32 to index
        %get3A_2271 = arith.constant 80 : index
        %get3A_2272 = tpu.vector_load %arg15[%get3A_2270, %get3A_2271] {strides = array<i32>} : memref<8x256xf32, #tpu.memory_space<vmem>>, vector<1x16xf32>,
        %get3A_2273 = vector.shape_cast %get3A_2272 : vector<1x16xf32> to vector<16xf32>
        %add3A_2274 = arith.addf %get3A_2268, %get3A_2273 : vector<16xf32>
        %swap3A_2275 = arith.constant 5 : i32
        %swap3A_2276 = arith.index_cast %swap3A_2275 : i32 to index
        %swap3A_2277 = arith.constant 80 : index
        %swap3A_2278 = tpu.vector_load %arg14[%swap3A_2276, %swap3A_2277] {strides = array<i32>} : memref<8x256xf32, #tpu.memory_space<vmem>>, vector<1x16xf32>,
        %swap3A_2279 = vector.shape_cast %swap3A_2278 : vector<1x16xf32> to vector<16xf32>
        %swap3A_2280 = vector.shape_cast %add3A_2274 : vector<16xf32> to vector<1x16xf32>
        tpu.vector_store %arg14[%swap3A_2276, %swap3A_2277], %swap3A_2280 {strides = array<i32>} : memref<8x256xf32, #tpu.memory_space<vmem>>, vector<1x16xf32>,
        %get3A_2281 = arith.constant 5 : i32
        %get3A_2282 = arith.index_cast %get3A_2281 : i32 to index
        %get3A_2283 = arith.constant 96 : index
        %get3A_2284 = tpu.vector_load %arg14[%get3A_2282, %get3A_2283] {strides = array<i32>} : memref<8x256xf32, #tpu.memory_space<vmem>>, vector<1x16xf32>,
        %get3A_2285 = vector.shape_cast %get3A_2284 : vector<1x16xf32> to vector<16xf32>
        %get3A_2286 = arith.constant 5 : i32
        %get3A_2287 = arith.index_cast %get3A_2286 : i32 to index
        %get3A_2288 = arith.constant 96 : index
        %get3A_2289 = tpu.vector_load %arg15[%get3A_2287, %get3A_2288] {strides = array<i32>} : memref<8x256xf32, #tpu.memory_space<vmem>>, vector<1x16xf32>,
        %get3A_2290 = vector.shape_cast %get3A_2289 : vector<1x16xf32> to vector<16xf32>
        %add3A_2291 = arith.addf %get3A_2285, %get3A_2290 : vector<16xf32>
        %swap3A_2292 = arith.constant 5 : i32
        %swap3A_2293 = arith.index_cast %swap3A_2292 : i32 to index
        %swap3A_2294 = arith.constant 96 : index
        %swap3A_2295 = tpu.vector_load %arg14[%swap3A_2293, %swap3A_2294] {strides = array<i32>} : memref<8x256xf32, #tpu.memory_space<vmem>>, vector<1x16xf32>,
        %swap3A_2296 = vector.shape_cast %swap3A_2295 : vector<1x16xf32> to vector<16xf32>
        %swap3A_2297 = vector.shape_cast %add3A_2291 : vector<16xf32> to vector<1x16xf32>
        tpu.vector_store %arg14[%swap3A_2293, %swap3A_2294], %swap3A_2297 {strides = array<i32>} : memref<8x256xf32, #tpu.memory_space<vmem>>, vector<1x16xf32>,
        %get3A_2298 = arith.constant 5 : i32
        %get3A_2299 = arith.index_cast %get3A_2298 : i32 to index
        %get3A_2300 = arith.constant 112 : index
        %get3A_2301 = tpu.vector_load %arg14[%get3A_2299, %get3A_2300] {strides = array<i32>} : memref<8x256xf32, #tpu.memory_space<vmem>>, vector<1x16xf32>,
        %get3A_2302 = vector.shape_cast %get3A_2301 : vector<1x16xf32> to vector<16xf32>
        %get3A_2303 = arith.constant 5 : i32
        %get3A_2304 = arith.index_cast %get3A_2303 : i32 to index
        %get3A_2305 = arith.constant 112 : index
        %get3A_2306 = tpu.vector_load %arg15[%get3A_2304, %get3A_2305] {strides = array<i32>} : memref<8x256xf32, #tpu.memory_space<vmem>>, vector<1x16xf32>,
        %get3A_2307 = vector.shape_cast %get3A_2306 : vector<1x16xf32> to vector<16xf32>
        %add3A_2308 = arith.addf %get3A_2302, %get3A_2307 : vector<16xf32>
        %swap3A_2309 = arith.constant 5 : i32
        %swap3A_2310 = arith.index_cast %swap3A_2309 : i32 to index
        %swap3A_2311 = arith.constant 112 : index
        %swap3A_2312 = tpu.vector_load %arg14[%swap3A_2310, %swap3A_2311] {strides = array<i32>} : memref<8x256xf32, #tpu.memory_space<vmem>>, vector<1x16xf32>,
        %swap3A_2313 = vector.shape_cast %swap3A_2312 : vector<1x16xf32> to vector<16xf32>
        %swap3A_2314 = vector.shape_cast %add3A_2308 : vector<16xf32> to vector<1x16xf32>
        tpu.vector_store %arg14[%swap3A_2310, %swap3A_2311], %swap3A_2314 {strides = array<i32>} : memref<8x256xf32, #tpu.memory_space<vmem>>, vector<1x16xf32>,
        %get3A_2315 = arith.constant 5 : i32
        %get3A_2316 = arith.index_cast %get3A_2315 : i32 to index
        %get3A_2317 = arith.constant 128 : index
        %get3A_2318 = tpu.vector_load %arg14[%get3A_2316, %get3A_2317] {strides = array<i32>} : memref<8x256xf32, #tpu.memory_space<vmem>>, vector<1x16xf32>,
        %get3A_2319 = vector.shape_cast %get3A_2318 : vector<1x16xf32> to vector<16xf32>
        %get3A_2320 = arith.constant 5 : i32
        %get3A_2321 = arith.index_cast %get3A_2320 : i32 to index
        %get3A_2322 = arith.constant 128 : index
        %get3A_2323 = tpu.vector_load %arg15[%get3A_2321, %get3A_2322] {strides = array<i32>} : memref<8x256xf32, #tpu.memory_space<vmem>>, vector<1x16xf32>,
        %get3A_2324 = vector.shape_cast %get3A_2323 : vector<1x16xf32> to vector<16xf32>
        %add3A_2325 = arith.addf %get3A_2319, %get3A_2324 : vector<16xf32>
        %swap3A_2326 = arith.constant 5 : i32
        %swap3A_2327 = arith.index_cast %swap3A_2326 : i32 to index
        %swap3A_2328 = arith.constant 128 : index
        %swap3A_2329 = tpu.vector_load %arg14[%swap3A_2327, %swap3A_2328] {strides = array<i32>} : memref<8x256xf32, #tpu.memory_space<vmem>>, vector<1x16xf32>,
        %swap3A_2330 = vector.shape_cast %swap3A_2329 : vector<1x16xf32> to vector<16xf32>
        %swap3A_2331 = vector.shape_cast %add3A_2325 : vector<16xf32> to vector<1x16xf32>
        tpu.vector_store %arg14[%swap3A_2327, %swap3A_2328], %swap3A_2331 {strides = array<i32>} : memref<8x256xf32, #tpu.memory_space<vmem>>, vector<1x16xf32>,
        %get3A_2332 = arith.constant 5 : i32
        %get3A_2333 = arith.index_cast %get3A_2332 : i32 to index
        %get3A_2334 = arith.constant 144 : index
        %get3A_2335 = tpu.vector_load %arg14[%get3A_2333, %get3A_2334] {strides = array<i32>} : memref<8x256xf32, #tpu.memory_space<vmem>>, vector<1x16xf32>,
        %get3A_2336 = vector.shape_cast %get3A_2335 : vector<1x16xf32> to vector<16xf32>
        %get3A_2337 = arith.constant 5 : i32
        %get3A_2338 = arith.index_cast %get3A_2337 : i32 to index
        %get3A_2339 = arith.constant 144 : index
        %get3A_2340 = tpu.vector_load %arg15[%get3A_2338, %get3A_2339] {strides = array<i32>} : memref<8x256xf32, #tpu.memory_space<vmem>>, vector<1x16xf32>,
        %get3A_2341 = vector.shape_cast %get3A_2340 : vector<1x16xf32> to vector<16xf32>
        %add3A_2342 = arith.addf %get3A_2336, %get3A_2341 : vector<16xf32>
        %swap3A_2343 = arith.constant 5 : i32
        %swap3A_2344 = arith.index_cast %swap3A_2343 : i32 to index
        %swap3A_2345 = arith.constant 144 : index
        %swap3A_2346 = tpu.vector_load %arg14[%swap3A_2344, %swap3A_2345] {strides = array<i32>} : memref<8x256xf32, #tpu.memory_space<vmem>>, vector<1x16xf32>,
        %swap3A_2347 = vector.shape_cast %swap3A_2346 : vector<1x16xf32> to vector<16xf32>
        %swap3A_2348 = vector.shape_cast %add3A_2342 : vector<16xf32> to vector<1x16xf32>
        tpu.vector_store %arg14[%swap3A_2344, %swap3A_2345], %swap3A_2348 {strides = array<i32>} : memref<8x256xf32, #tpu.memory_space<vmem>>, vector<1x16xf32>,
        %get3A_2349 = arith.constant 5 : i32
        %get3A_2350 = arith.index_cast %get3A_2349 : i32 to index
        %get3A_2351 = arith.constant 160 : index
        %get3A_2352 = tpu.vector_load %arg14[%get3A_2350, %get3A_2351] {strides = array<i32>} : memref<8x256xf32, #tpu.memory_space<vmem>>, vector<1x16xf32>,
        %get3A_2353 = vector.shape_cast %get3A_2352 : vector<1x16xf32> to vector<16xf32>
        %get3A_2354 = arith.constant 5 : i32
        %get3A_2355 = arith.index_cast %get3A_2354 : i32 to index
        %get3A_2356 = arith.constant 160 : index
        %get3A_2357 = tpu.vector_load %arg15[%get3A_2355, %get3A_2356] {strides = array<i32>} : memref<8x256xf32, #tpu.memory_space<vmem>>, vector<1x16xf32>,
        %get3A_2358 = vector.shape_cast %get3A_2357 : vector<1x16xf32> to vector<16xf32>
        %add3A_2359 = arith.addf %get3A_2353, %get3A_2358 : vector<16xf32>
        %swap3A_2360 = arith.constant 5 : i32
        %swap3A_2361 = arith.index_cast %swap3A_2360 : i32 to index
        %swap3A_2362 = arith.constant 160 : index
        %swap3A_2363 = tpu.vector_load %arg14[%swap3A_2361, %swap3A_2362] {strides = array<i32>} : memref<8x256xf32, #tpu.memory_space<vmem>>, vector<1x16xf32>,
        %swap3A_2364 = vector.shape_cast %swap3A_2363 : vector<1x16xf32> to vector<16xf32>
        %swap3A_2365 = vector.shape_cast %add3A_2359 : vector<16xf32> to vector<1x16xf32>
        tpu.vector_store %arg14[%swap3A_2361, %swap3A_2362], %swap3A_2365 {strides = array<i32>} : memref<8x256xf32, #tpu.memory_space<vmem>>, vector<1x16xf32>,
        %get3A_2366 = arith.constant 5 : i32
        %get3A_2367 = arith.index_cast %get3A_2366 : i32 to index
        %get3A_2368 = arith.constant 176 : index
        %get3A_2369 = tpu.vector_load %arg14[%get3A_2367, %get3A_2368] {strides = array<i32>} : memref<8x256xf32, #tpu.memory_space<vmem>>, vector<1x16xf32>,
        %get3A_2370 = vector.shape_cast %get3A_2369 : vector<1x16xf32> to vector<16xf32>
        %get3A_2371 = arith.constant 5 : i32
        %get3A_2372 = arith.index_cast %get3A_2371 : i32 to index
        %get3A_2373 = arith.constant 176 : index
        %get3A_2374 = tpu.vector_load %arg15[%get3A_2372, %get3A_2373] {strides = array<i32>} : memref<8x256xf32, #tpu.memory_space<vmem>>, vector<1x16xf32>,
        %get3A_2375 = vector.shape_cast %get3A_2374 : vector<1x16xf32> to vector<16xf32>
        %add3A_2376 = arith.addf %get3A_2370, %get3A_2375 : vector<16xf32>
        %swap3A_2377 = arith.constant 5 : i32
        %swap3A_2378 = arith.index_cast %swap3A_2377 : i32 to index
        %swap3A_2379 = arith.constant 176 : index
        %swap3A_2380 = tpu.vector_load %arg14[%swap3A_2378, %swap3A_2379] {strides = array<i32>} : memref<8x256xf32, #tpu.memory_space<vmem>>, vector<1x16xf32>,
        %swap3A_2381 = vector.shape_cast %swap3A_2380 : vector<1x16xf32> to vector<16xf32>
        %swap3A_2382 = vector.shape_cast %add3A_2376 : vector<16xf32> to vector<1x16xf32>
        tpu.vector_store %arg14[%swap3A_2378, %swap3A_2379], %swap3A_2382 {strides = array<i32>} : memref<8x256xf32, #tpu.memory_space<vmem>>, vector<1x16xf32>,
        %get3A_2383 = arith.constant 5 : i32
        %get3A_2384 = arith.index_cast %get3A_2383 : i32 to index
        %get3A_2385 = arith.constant 192 : index
        %get3A_2386 = tpu.vector_load %arg14[%get3A_2384, %get3A_2385] {strides = array<i32>} : memref<8x256xf32, #tpu.memory_space<vmem>>, vector<1x16xf32>,
        %get3A_2387 = vector.shape_cast %get3A_2386 : vector<1x16xf32> to vector<16xf32>
        %get3A_2388 = arith.constant 5 : i32
        %get3A_2389 = arith.index_cast %get3A_2388 : i32 to index
        %get3A_2390 = arith.constant 192 : index
        %get3A_2391 = tpu.vector_load %arg15[%get3A_2389, %get3A_2390] {strides = array<i32>} : memref<8x256xf32, #tpu.memory_space<vmem>>, vector<1x16xf32>,
        %get3A_2392 = vector.shape_cast %get3A_2391 : vector<1x16xf32> to vector<16xf32>
        %add3A_2393 = arith.addf %get3A_2387, %get3A_2392 : vector<16xf32>
        %swap3A_2394 = arith.constant 5 : i32
        %swap3A_2395 = arith.index_cast %swap3A_2394 : i32 to index
        %swap3A_2396 = arith.constant 192 : index
        %swap3A_2397 = tpu.vector_load %arg14[%swap3A_2395, %swap3A_2396] {strides = array<i32>} : memref<8x256xf32, #tpu.memory_space<vmem>>, vector<1x16xf32>,
        %swap3A_2398 = vector.shape_cast %swap3A_2397 : vector<1x16xf32> to vector<16xf32>
        %swap3A_2399 = vector.shape_cast %add3A_2393 : vector<16xf32> to vector<1x16xf32>
        tpu.vector_store %arg14[%swap3A_2395, %swap3A_2396], %swap3A_2399 {strides = array<i32>} : memref<8x256xf32, #tpu.memory_space<vmem>>, vector<1x16xf32>,
        %get3A_2400 = arith.constant 5 : i32
        %get3A_2401 = arith.index_cast %get3A_2400 : i32 to index
        %get3A_2402 = arith.constant 208 : index
        %get3A_2403 = tpu.vector_load %arg14[%get3A_2401, %get3A_2402] {strides = array<i32>} : memref<8x256xf32, #tpu.memory_space<vmem>>, vector<1x16xf32>,
        %get3A_2404 = vector.shape_cast %get3A_2403 : vector<1x16xf32> to vector<16xf32>
        %get3A_2405 = arith.constant 5 : i32
        %get3A_2406 = arith.index_cast %get3A_2405 : i32 to index
        %get3A_2407 = arith.constant 208 : index
        %get3A_2408 = tpu.vector_load %arg15[%get3A_2406, %get3A_2407] {strides = array<i32>} : memref<8x256xf32, #tpu.memory_space<vmem>>, vector<1x16xf32>,
        %get3A_2409 = vector.shape_cast %get3A_2408 : vector<1x16xf32> to vector<16xf32>
        %add3A_2410 = arith.addf %get3A_2404, %get3A_2409 : vector<16xf32>
        %swap3A_2411 = arith.constant 5 : i32
        %swap3A_2412 = arith.index_cast %swap3A_2411 : i32 to index
        %swap3A_2413 = arith.constant 208 : index
        %swap3A_2414 = tpu.vector_load %arg14[%swap3A_2412, %swap3A_2413] {strides = array<i32>} : memref<8x256xf32, #tpu.memory_space<vmem>>, vector<1x16xf32>,
        %swap3A_2415 = vector.shape_cast %swap3A_2414 : vector<1x16xf32> to vector<16xf32>
        %swap3A_2416 = vector.shape_cast %add3A_2410 : vector<16xf32> to vector<1x16xf32>
        tpu.vector_store %arg14[%swap3A_2412, %swap3A_2413], %swap3A_2416 {strides = array<i32>} : memref<8x256xf32, #tpu.memory_space<vmem>>, vector<1x16xf32>,
        %get3A_2417 = arith.constant 5 : i32
        %get3A_2418 = arith.index_cast %get3A_2417 : i32 to index
        %get3A_2419 = arith.constant 224 : index
        %get3A_2420 = tpu.vector_load %arg14[%get3A_2418, %get3A_2419] {strides = array<i32>} : memref<8x256xf32, #tpu.memory_space<vmem>>, vector<1x16xf32>,
        %get3A_2421 = vector.shape_cast %get3A_2420 : vector<1x16xf32> to vector<16xf32>
        %get3A_2422 = arith.constant 5 : i32
        %get3A_2423 = arith.index_cast %get3A_2422 : i32 to index
        %get3A_2424 = arith.constant 224 : index
        %get3A_2425 = tpu.vector_load %arg15[%get3A_2423, %get3A_2424] {strides = array<i32>} : memref<8x256xf32, #tpu.memory_space<vmem>>, vector<1x16xf32>,
        %get3A_2426 = vector.shape_cast %get3A_2425 : vector<1x16xf32> to vector<16xf32>
        %add3A_2427 = arith.addf %get3A_2421, %get3A_2426 : vector<16xf32>
        %swap3A_2428 = arith.constant 5 : i32
        %swap3A_2429 = arith.index_cast %swap3A_2428 : i32 to index
        %swap3A_2430 = arith.constant 224 : index
        %swap3A_2431 = tpu.vector_load %arg14[%swap3A_2429, %swap3A_2430] {strides = array<i32>} : memref<8x256xf32, #tpu.memory_space<vmem>>, vector<1x16xf32>,
        %swap3A_2432 = vector.shape_cast %swap3A_2431 : vector<1x16xf32> to vector<16xf32>
        %swap3A_2433 = vector.shape_cast %add3A_2427 : vector<16xf32> to vector<1x16xf32>
        tpu.vector_store %arg14[%swap3A_2429, %swap3A_2430], %swap3A_2433 {strides = array<i32>} : memref<8x256xf32, #tpu.memory_space<vmem>>, vector<1x16xf32>,
        %get3A_2434 = arith.constant 5 : i32
        %get3A_2435 = arith.index_cast %get3A_2434 : i32 to index
        %get3A_2436 = arith.constant 240 : index
        %get3A_2437 = tpu.vector_load %arg14[%get3A_2435, %get3A_2436] {strides = array<i32>} : memref<8x256xf32, #tpu.memory_space<vmem>>, vector<1x16xf32>,
        %get3A_2438 = vector.shape_cast %get3A_2437 : vector<1x16xf32> to vector<16xf32>
        %get3A_2439 = arith.constant 5 : i32
        %get3A_2440 = arith.index_cast %get3A_2439 : i32 to index
        %get3A_2441 = arith.constant 240 : index
        %get3A_2442 = tpu.vector_load %arg15[%get3A_2440, %get3A_2441] {strides = array<i32>} : memref<8x256xf32, #tpu.memory_space<vmem>>, vector<1x16xf32>,
        %get3A_2443 = vector.shape_cast %get3A_2442 : vector<1x16xf32> to vector<16xf32>
        %add3A_2444 = arith.addf %get3A_2438, %get3A_2443 : vector<16xf32>
        %swap3A_2445 = arith.constant 5 : i32
        %swap3A_2446 = arith.index_cast %swap3A_2445 : i32 to index
        %swap3A_2447 = arith.constant 240 : index
        %swap3A_2448 = tpu.vector_load %arg14[%swap3A_2446, %swap3A_2447] {strides = array<i32>} : memref<8x256xf32, #tpu.memory_space<vmem>>, vector<1x16xf32>,
        %swap3A_2449 = vector.shape_cast %swap3A_2448 : vector<1x16xf32> to vector<16xf32>
        %swap3A_2450 = vector.shape_cast %add3A_2444 : vector<16xf32> to vector<1x16xf32>
        tpu.vector_store %arg14[%swap3A_2446, %swap3A_2447], %swap3A_2450 {strides = array<i32>} : memref<8x256xf32, #tpu.memory_space<vmem>>, vector<1x16xf32>,
        %get3A_2451 = arith.constant 6 : i32
        %get3A_2452 = arith.index_cast %get3A_2451 : i32 to index
        %get3A_2453 = arith.constant 0 : index
        %get3A_2454 = tpu.vector_load %arg14[%get3A_2452, %get3A_2453] {strides = array<i32>} : memref<8x256xf32, #tpu.memory_space<vmem>>, vector<1x16xf32>,
        %get3A_2455 = vector.shape_cast %get3A_2454 : vector<1x16xf32> to vector<16xf32>
        %get3A_2456 = arith.constant 6 : i32
        %get3A_2457 = arith.index_cast %get3A_2456 : i32 to index
        %get3A_2458 = arith.constant 0 : index
        %get3A_2459 = tpu.vector_load %arg15[%get3A_2457, %get3A_2458] {strides = array<i32>} : memref<8x256xf32, #tpu.memory_space<vmem>>, vector<1x16xf32>,
        %get3A_2460 = vector.shape_cast %get3A_2459 : vector<1x16xf32> to vector<16xf32>
        %add3A_2461 = arith.addf %get3A_2455, %get3A_2460 : vector<16xf32>
        %swap3A_2462 = arith.constant 6 : i32
        %swap3A_2463 = arith.index_cast %swap3A_2462 : i32 to index
        %swap3A_2464 = arith.constant 0 : index
        %swap3A_2465 = tpu.vector_load %arg14[%swap3A_2463, %swap3A_2464] {strides = array<i32>} : memref<8x256xf32, #tpu.memory_space<vmem>>, vector<1x16xf32>,
        %swap3A_2466 = vector.shape_cast %swap3A_2465 : vector<1x16xf32> to vector<16xf32>
        %swap3A_2467 = vector.shape_cast %add3A_2461 : vector<16xf32> to vector<1x16xf32>
        tpu.vector_store %arg14[%swap3A_2463, %swap3A_2464], %swap3A_2467 {strides = array<i32>} : memref<8x256xf32, #tpu.memory_space<vmem>>, vector<1x16xf32>,
        %get3A_2468 = arith.constant 6 : i32
        %get3A_2469 = arith.index_cast %get3A_2468 : i32 to index
        %get3A_2470 = arith.constant 16 : index
        %get3A_2471 = tpu.vector_load %arg14[%get3A_2469, %get3A_2470] {strides = array<i32>} : memref<8x256xf32, #tpu.memory_space<vmem>>, vector<1x16xf32>,
        %get3A_2472 = vector.shape_cast %get3A_2471 : vector<1x16xf32> to vector<16xf32>
        %get3A_2473 = arith.constant 6 : i32
        %get3A_2474 = arith.index_cast %get3A_2473 : i32 to index
        %get3A_2475 = arith.constant 16 : index
        %get3A_2476 = tpu.vector_load %arg15[%get3A_2474, %get3A_2475] {strides = array<i32>} : memref<8x256xf32, #tpu.memory_space<vmem>>, vector<1x16xf32>,
        %get3A_2477 = vector.shape_cast %get3A_2476 : vector<1x16xf32> to vector<16xf32>
        %add3A_2478 = arith.addf %get3A_2472, %get3A_2477 : vector<16xf32>
        %swap3A_2479 = arith.constant 6 : i32
        %swap3A_2480 = arith.index_cast %swap3A_2479 : i32 to index
        %swap3A_2481 = arith.constant 16 : index
        %swap3A_2482 = tpu.vector_load %arg14[%swap3A_2480, %swap3A_2481] {strides = array<i32>} : memref<8x256xf32, #tpu.memory_space<vmem>>, vector<1x16xf32>,
        %swap3A_2483 = vector.shape_cast %swap3A_2482 : vector<1x16xf32> to vector<16xf32>
        %swap3A_2484 = vector.shape_cast %add3A_2478 : vector<16xf32> to vector<1x16xf32>
        tpu.vector_store %arg14[%swap3A_2480, %swap3A_2481], %swap3A_2484 {strides = array<i32>} : memref<8x256xf32, #tpu.memory_space<vmem>>, vector<1x16xf32>,
        %get3A_2485 = arith.constant 6 : i32
        %get3A_2486 = arith.index_cast %get3A_2485 : i32 to index
        %get3A_2487 = arith.constant 32 : index
        %get3A_2488 = tpu.vector_load %arg14[%get3A_2486, %get3A_2487] {strides = array<i32>} : memref<8x256xf32, #tpu.memory_space<vmem>>, vector<1x16xf32>,
        %get3A_2489 = vector.shape_cast %get3A_2488 : vector<1x16xf32> to vector<16xf32>
        %get3A_2490 = arith.constant 6 : i32
        %get3A_2491 = arith.index_cast %get3A_2490 : i32 to index
        %get3A_2492 = arith.constant 32 : index
        %get3A_2493 = tpu.vector_load %arg15[%get3A_2491, %get3A_2492] {strides = array<i32>} : memref<8x256xf32, #tpu.memory_space<vmem>>, vector<1x16xf32>,
        %get3A_2494 = vector.shape_cast %get3A_2493 : vector<1x16xf32> to vector<16xf32>
        %add3A_2495 = arith.addf %get3A_2489, %get3A_2494 : vector<16xf32>
        %swap3A_2496 = arith.constant 6 : i32
        %swap3A_2497 = arith.index_cast %swap3A_2496 : i32 to index
        %swap3A_2498 = arith.constant 32 : index
        %swap3A_2499 = tpu.vector_load %arg14[%swap3A_2497, %swap3A_2498] {strides = array<i32>} : memref<8x256xf32, #tpu.memory_space<vmem>>, vector<1x16xf32>,
        %swap3A_2500 = vector.shape_cast %swap3A_2499 : vector<1x16xf32> to vector<16xf32>
        %swap3A_2501 = vector.shape_cast %add3A_2495 : vector<16xf32> to vector<1x16xf32>
        tpu.vector_store %arg14[%swap3A_2497, %swap3A_2498], %swap3A_2501 {strides = array<i32>} : memref<8x256xf32, #tpu.memory_space<vmem>>, vector<1x16xf32>,
        %get3A_2502 = arith.constant 6 : i32
        %get3A_2503 = arith.index_cast %get3A_2502 : i32 to index
        %get3A_2504 = arith.constant 48 : index
        %get3A_2505 = tpu.vector_load %arg14[%get3A_2503, %get3A_2504] {strides = array<i32>} : memref<8x256xf32, #tpu.memory_space<vmem>>, vector<1x16xf32>,
        %get3A_2506 = vector.shape_cast %get3A_2505 : vector<1x16xf32> to vector<16xf32>
        %get3A_2507 = arith.constant 6 : i32
        %get3A_2508 = arith.index_cast %get3A_2507 : i32 to index
        %get3A_2509 = arith.constant 48 : index
        %get3A_2510 = tpu.vector_load %arg15[%get3A_2508, %get3A_2509] {strides = array<i32>} : memref<8x256xf32, #tpu.memory_space<vmem>>, vector<1x16xf32>,
        %get3A_2511 = vector.shape_cast %get3A_2510 : vector<1x16xf32> to vector<16xf32>
        %add3A_2512 = arith.addf %get3A_2506, %get3A_2511 : vector<16xf32>
        %swap3A_2513 = arith.constant 6 : i32
        %swap3A_2514 = arith.index_cast %swap3A_2513 : i32 to index
        %swap3A_2515 = arith.constant 48 : index
        %swap3A_2516 = tpu.vector_load %arg14[%swap3A_2514, %swap3A_2515] {strides = array<i32>} : memref<8x256xf32, #tpu.memory_space<vmem>>, vector<1x16xf32>,
        %swap3A_2517 = vector.shape_cast %swap3A_2516 : vector<1x16xf32> to vector<16xf32>
        %swap3A_2518 = vector.shape_cast %add3A_2512 : vector<16xf32> to vector<1x16xf32>
        tpu.vector_store %arg14[%swap3A_2514, %swap3A_2515], %swap3A_2518 {strides = array<i32>} : memref<8x256xf32, #tpu.memory_space<vmem>>, vector<1x16xf32>,
        %get3A_2519 = arith.constant 6 : i32
        %get3A_2520 = arith.index_cast %get3A_2519 : i32 to index
        %get3A_2521 = arith.constant 64 : index
        %get3A_2522 = tpu.vector_load %arg14[%get3A_2520, %get3A_2521] {strides = array<i32>} : memref<8x256xf32, #tpu.memory_space<vmem>>, vector<1x16xf32>,
        %get3A_2523 = vector.shape_cast %get3A_2522 : vector<1x16xf32> to vector<16xf32>
        %get3A_2524 = arith.constant 6 : i32
        %get3A_2525 = arith.index_cast %get3A_2524 : i32 to index
        %get3A_2526 = arith.constant 64 : index
        %get3A_2527 = tpu.vector_load %arg15[%get3A_2525, %get3A_2526] {strides = array<i32>} : memref<8x256xf32, #tpu.memory_space<vmem>>, vector<1x16xf32>,
        %get3A_2528 = vector.shape_cast %get3A_2527 : vector<1x16xf32> to vector<16xf32>
        %add3A_2529 = arith.addf %get3A_2523, %get3A_2528 : vector<16xf32>
        %swap3A_2530 = arith.constant 6 : i32
        %swap3A_2531 = arith.index_cast %swap3A_2530 : i32 to index
        %swap3A_2532 = arith.constant 64 : index
        %swap3A_2533 = tpu.vector_load %arg14[%swap3A_2531, %swap3A_2532] {strides = array<i32>} : memref<8x256xf32, #tpu.memory_space<vmem>>, vector<1x16xf32>,
        %swap3A_2534 = vector.shape_cast %swap3A_2533 : vector<1x16xf32> to vector<16xf32>
        %swap3A_2535 = vector.shape_cast %add3A_2529 : vector<16xf32> to vector<1x16xf32>
        tpu.vector_store %arg14[%swap3A_2531, %swap3A_2532], %swap3A_2535 {strides = array<i32>} : memref<8x256xf32, #tpu.memory_space<vmem>>, vector<1x16xf32>,
        %get3A_2536 = arith.constant 6 : i32
        %get3A_2537 = arith.index_cast %get3A_2536 : i32 to index
        %get3A_2538 = arith.constant 80 : index
        %get3A_2539 = tpu.vector_load %arg14[%get3A_2537, %get3A_2538] {strides = array<i32>} : memref<8x256xf32, #tpu.memory_space<vmem>>, vector<1x16xf32>,
        %get3A_2540 = vector.shape_cast %get3A_2539 : vector<1x16xf32> to vector<16xf32>
        %get3A_2541 = arith.constant 6 : i32
        %get3A_2542 = arith.index_cast %get3A_2541 : i32 to index
        %get3A_2543 = arith.constant 80 : index
        %get3A_2544 = tpu.vector_load %arg15[%get3A_2542, %get3A_2543] {strides = array<i32>} : memref<8x256xf32, #tpu.memory_space<vmem>>, vector<1x16xf32>,
        %get3A_2545 = vector.shape_cast %get3A_2544 : vector<1x16xf32> to vector<16xf32>
        %add3A_2546 = arith.addf %get3A_2540, %get3A_2545 : vector<16xf32>
        %swap3A_2547 = arith.constant 6 : i32
        %swap3A_2548 = arith.index_cast %swap3A_2547 : i32 to index
        %swap3A_2549 = arith.constant 80 : index
        %swap3A_2550 = tpu.vector_load %arg14[%swap3A_2548, %swap3A_2549] {strides = array<i32>} : memref<8x256xf32, #tpu.memory_space<vmem>>, vector<1x16xf32>,
        %swap3A_2551 = vector.shape_cast %swap3A_2550 : vector<1x16xf32> to vector<16xf32>
        %swap3A_2552 = vector.shape_cast %add3A_2546 : vector<16xf32> to vector<1x16xf32>
        tpu.vector_store %arg14[%swap3A_2548, %swap3A_2549], %swap3A_2552 {strides = array<i32>} : memref<8x256xf32, #tpu.memory_space<vmem>>, vector<1x16xf32>,
        %get3A_2553 = arith.constant 6 : i32
        %get3A_2554 = arith.index_cast %get3A_2553 : i32 to index
        %get3A_2555 = arith.constant 96 : index
        %get3A_2556 = tpu.vector_load %arg14[%get3A_2554, %get3A_2555] {strides = array<i32>} : memref<8x256xf32, #tpu.memory_space<vmem>>, vector<1x16xf32>,
        %get3A_2557 = vector.shape_cast %get3A_2556 : vector<1x16xf32> to vector<16xf32>
        %get3A_2558 = arith.constant 6 : i32
        %get3A_2559 = arith.index_cast %get3A_2558 : i32 to index
        %get3A_2560 = arith.constant 96 : index
        %get3A_2561 = tpu.vector_load %arg15[%get3A_2559, %get3A_2560] {strides = array<i32>} : memref<8x256xf32, #tpu.memory_space<vmem>>, vector<1x16xf32>,
        %get3A_2562 = vector.shape_cast %get3A_2561 : vector<1x16xf32> to vector<16xf32>
        %add3A_2563 = arith.addf %get3A_2557, %get3A_2562 : vector<16xf32>
        %swap3A_2564 = arith.constant 6 : i32
        %swap3A_2565 = arith.index_cast %swap3A_2564 : i32 to index
        %swap3A_2566 = arith.constant 96 : index
        %swap3A_2567 = tpu.vector_load %arg14[%swap3A_2565, %swap3A_2566] {strides = array<i32>} : memref<8x256xf32, #tpu.memory_space<vmem>>, vector<1x16xf32>,
        %swap3A_2568 = vector.shape_cast %swap3A_2567 : vector<1x16xf32> to vector<16xf32>
        %swap3A_2569 = vector.shape_cast %add3A_2563 : vector<16xf32> to vector<1x16xf32>
        tpu.vector_store %arg14[%swap3A_2565, %swap3A_2566], %swap3A_2569 {strides = array<i32>} : memref<8x256xf32, #tpu.memory_space<vmem>>, vector<1x16xf32>,
        %get3A_2570 = arith.constant 6 : i32
        %get3A_2571 = arith.index_cast %get3A_2570 : i32 to index
        %get3A_2572 = arith.constant 112 : index
        %get3A_2573 = tpu.vector_load %arg14[%get3A_2571, %get3A_2572] {strides = array<i32>} : memref<8x256xf32, #tpu.memory_space<vmem>>, vector<1x16xf32>,
        %get3A_2574 = vector.shape_cast %get3A_2573 : vector<1x16xf32> to vector<16xf32>
        %get3A_2575 = arith.constant 6 : i32
        %get3A_2576 = arith.index_cast %get3A_2575 : i32 to index
        %get3A_2577 = arith.constant 112 : index
        %get3A_2578 = tpu.vector_load %arg15[%get3A_2576, %get3A_2577] {strides = array<i32>} : memref<8x256xf32, #tpu.memory_space<vmem>>, vector<1x16xf32>,
        %get3A_2579 = vector.shape_cast %get3A_2578 : vector<1x16xf32> to vector<16xf32>
        %add3A_2580 = arith.addf %get3A_2574, %get3A_2579 : vector<16xf32>
        %swap3A_2581 = arith.constant 6 : i32
        %swap3A_2582 = arith.index_cast %swap3A_2581 : i32 to index
        %swap3A_2583 = arith.constant 112 : index
        %swap3A_2584 = tpu.vector_load %arg14[%swap3A_2582, %swap3A_2583] {strides = array<i32>} : memref<8x256xf32, #tpu.memory_space<vmem>>, vector<1x16xf32>,
        %swap3A_2585 = vector.shape_cast %swap3A_2584 : vector<1x16xf32> to vector<16xf32>
        %swap3A_2586 = vector.shape_cast %add3A_2580 : vector<16xf32> to vector<1x16xf32>
        tpu.vector_store %arg14[%swap3A_2582, %swap3A_2583], %swap3A_2586 {strides = array<i32>} : memref<8x256xf32, #tpu.memory_space<vmem>>, vector<1x16xf32>,
        %get3A_2587 = arith.constant 6 : i32
        %get3A_2588 = arith.index_cast %get3A_2587 : i32 to index
        %get3A_2589 = arith.constant 128 : index
        %get3A_2590 = tpu.vector_load %arg14[%get3A_2588, %get3A_2589] {strides = array<i32>} : memref<8x256xf32, #tpu.memory_space<vmem>>, vector<1x16xf32>,
        %get3A_2591 = vector.shape_cast %get3A_2590 : vector<1x16xf32> to vector<16xf32>
        %get3A_2592 = arith.constant 6 : i32
        %get3A_2593 = arith.index_cast %get3A_2592 : i32 to index
        %get3A_2594 = arith.constant 128 : index
        %get3A_2595 = tpu.vector_load %arg15[%get3A_2593, %get3A_2594] {strides = array<i32>} : memref<8x256xf32, #tpu.memory_space<vmem>>, vector<1x16xf32>,
        %get3A_2596 = vector.shape_cast %get3A_2595 : vector<1x16xf32> to vector<16xf32>
        %add3A_2597 = arith.addf %get3A_2591, %get3A_2596 : vector<16xf32>
        %swap3A_2598 = arith.constant 6 : i32
        %swap3A_2599 = arith.index_cast %swap3A_2598 : i32 to index
        %swap3A_2600 = arith.constant 128 : index
        %swap3A_2601 = tpu.vector_load %arg14[%swap3A_2599, %swap3A_2600] {strides = array<i32>} : memref<8x256xf32, #tpu.memory_space<vmem>>, vector<1x16xf32>,
        %swap3A_2602 = vector.shape_cast %swap3A_2601 : vector<1x16xf32> to vector<16xf32>
        %swap3A_2603 = vector.shape_cast %add3A_2597 : vector<16xf32> to vector<1x16xf32>
        tpu.vector_store %arg14[%swap3A_2599, %swap3A_2600], %swap3A_2603 {strides = array<i32>} : memref<8x256xf32, #tpu.memory_space<vmem>>, vector<1x16xf32>,
        %get3A_2604 = arith.constant 6 : i32
        %get3A_2605 = arith.index_cast %get3A_2604 : i32 to index
        %get3A_2606 = arith.constant 144 : index
        %get3A_2607 = tpu.vector_load %arg14[%get3A_2605, %get3A_2606] {strides = array<i32>} : memref<8x256xf32, #tpu.memory_space<vmem>>, vector<1x16xf32>,
        %get3A_2608 = vector.shape_cast %get3A_2607 : vector<1x16xf32> to vector<16xf32>
        %get3A_2609 = arith.constant 6 : i32
        %get3A_2610 = arith.index_cast %get3A_2609 : i32 to index
        %get3A_2611 = arith.constant 144 : index
        %get3A_2612 = tpu.vector_load %arg15[%get3A_2610, %get3A_2611] {strides = array<i32>} : memref<8x256xf32, #tpu.memory_space<vmem>>, vector<1x16xf32>,
        %get3A_2613 = vector.shape_cast %get3A_2612 : vector<1x16xf32> to vector<16xf32>
        %add3A_2614 = arith.addf %get3A_2608, %get3A_2613 : vector<16xf32>
        %swap3A_2615 = arith.constant 6 : i32
        %swap3A_2616 = arith.index_cast %swap3A_2615 : i32 to index
        %swap3A_2617 = arith.constant 144 : index
        %swap3A_2618 = tpu.vector_load %arg14[%swap3A_2616, %swap3A_2617] {strides = array<i32>} : memref<8x256xf32, #tpu.memory_space<vmem>>, vector<1x16xf32>,
        %swap3A_2619 = vector.shape_cast %swap3A_2618 : vector<1x16xf32> to vector<16xf32>
        %swap3A_2620 = vector.shape_cast %add3A_2614 : vector<16xf32> to vector<1x16xf32>
        tpu.vector_store %arg14[%swap3A_2616, %swap3A_2617], %swap3A_2620 {strides = array<i32>} : memref<8x256xf32, #tpu.memory_space<vmem>>, vector<1x16xf32>,
        %get3A_2621 = arith.constant 6 : i32
        %get3A_2622 = arith.index_cast %get3A_2621 : i32 to index
        %get3A_2623 = arith.constant 160 : index
        %get3A_2624 = tpu.vector_load %arg14[%get3A_2622, %get3A_2623] {strides = array<i32>} : memref<8x256xf32, #tpu.memory_space<vmem>>, vector<1x16xf32>,
        %get3A_2625 = vector.shape_cast %get3A_2624 : vector<1x16xf32> to vector<16xf32>
        %get3A_2626 = arith.constant 6 : i32
        %get3A_2627 = arith.index_cast %get3A_2626 : i32 to index
        %get3A_2628 = arith.constant 160 : index
        %get3A_2629 = tpu.vector_load %arg15[%get3A_2627, %get3A_2628] {strides = array<i32>} : memref<8x256xf32, #tpu.memory_space<vmem>>, vector<1x16xf32>,
        %get3A_2630 = vector.shape_cast %get3A_2629 : vector<1x16xf32> to vector<16xf32>
        %add3A_2631 = arith.addf %get3A_2625, %get3A_2630 : vector<16xf32>
        %swap3A_2632 = arith.constant 6 : i32
        %swap3A_2633 = arith.index_cast %swap3A_2632 : i32 to index
        %swap3A_2634 = arith.constant 160 : index
        %swap3A_2635 = tpu.vector_load %arg14[%swap3A_2633, %swap3A_2634] {strides = array<i32>} : memref<8x256xf32, #tpu.memory_space<vmem>>, vector<1x16xf32>,
        %swap3A_2636 = vector.shape_cast %swap3A_2635 : vector<1x16xf32> to vector<16xf32>
        %swap3A_2637 = vector.shape_cast %add3A_2631 : vector<16xf32> to vector<1x16xf32>
        tpu.vector_store %arg14[%swap3A_2633, %swap3A_2634], %swap3A_2637 {strides = array<i32>} : memref<8x256xf32, #tpu.memory_space<vmem>>, vector<1x16xf32>,
        %get3A_2638 = arith.constant 6 : i32
        %get3A_2639 = arith.index_cast %get3A_2638 : i32 to index
        %get3A_2640 = arith.constant 176 : index
        %get3A_2641 = tpu.vector_load %arg14[%get3A_2639, %get3A_2640] {strides = array<i32>} : memref<8x256xf32, #tpu.memory_space<vmem>>, vector<1x16xf32>,
        %get3A_2642 = vector.shape_cast %get3A_2641 : vector<1x16xf32> to vector<16xf32>
        %get3A_2643 = arith.constant 6 : i32
        %get3A_2644 = arith.index_cast %get3A_2643 : i32 to index
        %get3A_2645 = arith.constant 176 : index
        %get3A_2646 = tpu.vector_load %arg15[%get3A_2644, %get3A_2645] {strides = array<i32>} : memref<8x256xf32, #tpu.memory_space<vmem>>, vector<1x16xf32>,
        %get3A_2647 = vector.shape_cast %get3A_2646 : vector<1x16xf32> to vector<16xf32>
        %add3A_2648 = arith.addf %get3A_2642, %get3A_2647 : vector<16xf32>
        %swap3A_2649 = arith.constant 6 : i32
        %swap3A_2650 = arith.index_cast %swap3A_2649 : i32 to index
        %swap3A_2651 = arith.constant 176 : index
        %swap3A_2652 = tpu.vector_load %arg14[%swap3A_2650, %swap3A_2651] {strides = array<i32>} : memref<8x256xf32, #tpu.memory_space<vmem>>, vector<1x16xf32>,
        %swap3A_2653 = vector.shape_cast %swap3A_2652 : vector<1x16xf32> to vector<16xf32>
        %swap3A_2654 = vector.shape_cast %add3A_2648 : vector<16xf32> to vector<1x16xf32>
        tpu.vector_store %arg14[%swap3A_2650, %swap3A_2651], %swap3A_2654 {strides = array<i32>} : memref<8x256xf32, #tpu.memory_space<vmem>>, vector<1x16xf32>,
        %get3A_2655 = arith.constant 6 : i32
        %get3A_2656 = arith.index_cast %get3A_2655 : i32 to index
        %get3A_2657 = arith.constant 192 : index
        %get3A_2658 = tpu.vector_load %arg14[%get3A_2656, %get3A_2657] {strides = array<i32>} : memref<8x256xf32, #tpu.memory_space<vmem>>, vector<1x16xf32>,
        %get3A_2659 = vector.shape_cast %get3A_2658 : vector<1x16xf32> to vector<16xf32>
        %get3A_2660 = arith.constant 6 : i32
        %get3A_2661 = arith.index_cast %get3A_2660 : i32 to index
        %get3A_2662 = arith.constant 192 : index
        %get3A_2663 = tpu.vector_load %arg15[%get3A_2661, %get3A_2662] {strides = array<i32>} : memref<8x256xf32, #tpu.memory_space<vmem>>, vector<1x16xf32>,
        %get3A_2664 = vector.shape_cast %get3A_2663 : vector<1x16xf32> to vector<16xf32>
        %add3A_2665 = arith.addf %get3A_2659, %get3A_2664 : vector<16xf32>
        %swap3A_2666 = arith.constant 6 : i32
        %swap3A_2667 = arith.index_cast %swap3A_2666 : i32 to index
        %swap3A_2668 = arith.constant 192 : index
        %swap3A_2669 = tpu.vector_load %arg14[%swap3A_2667, %swap3A_2668] {strides = array<i32>} : memref<8x256xf32, #tpu.memory_space<vmem>>, vector<1x16xf32>,
        %swap3A_2670 = vector.shape_cast %swap3A_2669 : vector<1x16xf32> to vector<16xf32>
        %swap3A_2671 = vector.shape_cast %add3A_2665 : vector<16xf32> to vector<1x16xf32>
        tpu.vector_store %arg14[%swap3A_2667, %swap3A_2668], %swap3A_2671 {strides = array<i32>} : memref<8x256xf32, #tpu.memory_space<vmem>>, vector<1x16xf32>,
        %get3A_2672 = arith.constant 6 : i32
        %get3A_2673 = arith.index_cast %get3A_2672 : i32 to index
        %get3A_2674 = arith.constant 208 : index
        %get3A_2675 = tpu.vector_load %arg14[%get3A_2673, %get3A_2674] {strides = array<i32>} : memref<8x256xf32, #tpu.memory_space<vmem>>, vector<1x16xf32>,
        %get3A_2676 = vector.shape_cast %get3A_2675 : vector<1x16xf32> to vector<16xf32>
        %get3A_2677 = arith.constant 6 : i32
        %get3A_2678 = arith.index_cast %get3A_2677 : i32 to index
        %get3A_2679 = arith.constant 208 : index
        %get3A_2680 = tpu.vector_load %arg15[%get3A_2678, %get3A_2679] {strides = array<i32>} : memref<8x256xf32, #tpu.memory_space<vmem>>, vector<1x16xf32>,
        %get3A_2681 = vector.shape_cast %get3A_2680 : vector<1x16xf32> to vector<16xf32>
        %add3A_2682 = arith.addf %get3A_2676, %get3A_2681 : vector<16xf32>
        %swap3A_2683 = arith.constant 6 : i32
        %swap3A_2684 = arith.index_cast %swap3A_2683 : i32 to index
        %swap3A_2685 = arith.constant 208 : index
        %swap3A_2686 = tpu.vector_load %arg14[%swap3A_2684, %swap3A_2685] {strides = array<i32>} : memref<8x256xf32, #tpu.memory_space<vmem>>, vector<1x16xf32>,
        %swap3A_2687 = vector.shape_cast %swap3A_2686 : vector<1x16xf32> to vector<16xf32>
        %swap3A_2688 = vector.shape_cast %add3A_2682 : vector<16xf32> to vector<1x16xf32>
        tpu.vector_store %arg14[%swap3A_2684, %swap3A_2685], %swap3A_2688 {strides = array<i32>} : memref<8x256xf32, #tpu.memory_space<vmem>>, vector<1x16xf32>,
        %get3A_2689 = arith.constant 6 : i32
        %get3A_2690 = arith.index_cast %get3A_2689 : i32 to index
        %get3A_2691 = arith.constant 224 : index
        %get3A_2692 = tpu.vector_load %arg14[%get3A_2690, %get3A_2691] {strides = array<i32>} : memref<8x256xf32, #tpu.memory_space<vmem>>, vector<1x16xf32>,
        %get3A_2693 = vector.shape_cast %get3A_2692 : vector<1x16xf32> to vector<16xf32>
        %get3A_2694 = arith.constant 6 : i32
        %get3A_2695 = arith.index_cast %get3A_2694 : i32 to index
        %get3A_2696 = arith.constant 224 : index
        %get3A_2697 = tpu.vector_load %arg15[%get3A_2695, %get3A_2696] {strides = array<i32>} : memref<8x256xf32, #tpu.memory_space<vmem>>, vector<1x16xf32>,
        %get3A_2698 = vector.shape_cast %get3A_2697 : vector<1x16xf32> to vector<16xf32>
        %add3A_2699 = arith.addf %get3A_2693, %get3A_2698 : vector<16xf32>
        %swap3A_2700 = arith.constant 6 : i32
        %swap3A_2701 = arith.index_cast %swap3A_2700 : i32 to index
        %swap3A_2702 = arith.constant 224 : index
        %swap3A_2703 = tpu.vector_load %arg14[%swap3A_2701, %swap3A_2702] {strides = array<i32>} : memref<8x256xf32, #tpu.memory_space<vmem>>, vector<1x16xf32>,
        %swap3A_2704 = vector.shape_cast %swap3A_2703 : vector<1x16xf32> to vector<16xf32>
        %swap3A_2705 = vector.shape_cast %add3A_2699 : vector<16xf32> to vector<1x16xf32>
        tpu.vector_store %arg14[%swap3A_2701, %swap3A_2702], %swap3A_2705 {strides = array<i32>} : memref<8x256xf32, #tpu.memory_space<vmem>>, vector<1x16xf32>,
        %get3A_2706 = arith.constant 6 : i32
        %get3A_2707 = arith.index_cast %get3A_2706 : i32 to index
        %get3A_2708 = arith.constant 240 : index
        %get3A_2709 = tpu.vector_load %arg14[%get3A_2707, %get3A_2708] {strides = array<i32>} : memref<8x256xf32, #tpu.memory_space<vmem>>, vector<1x16xf32>,
        %get3A_2710 = vector.shape_cast %get3A_2709 : vector<1x16xf32> to vector<16xf32>
        %get3A_2711 = arith.constant 6 : i32
        %get3A_2712 = arith.index_cast %get3A_2711 : i32 to index
        %get3A_2713 = arith.constant 240 : index
        %get3A_2714 = tpu.vector_load %arg15[%get3A_2712, %get3A_2713] {strides = array<i32>} : memref<8x256xf32, #tpu.memory_space<vmem>>, vector<1x16xf32>,
        %get3A_2715 = vector.shape_cast %get3A_2714 : vector<1x16xf32> to vector<16xf32>
        %add3A_2716 = arith.addf %get3A_2710, %get3A_2715 : vector<16xf32>
        %swap3A_2717 = arith.constant 6 : i32
        %swap3A_2718 = arith.index_cast %swap3A_2717 : i32 to index
        %swap3A_2719 = arith.constant 240 : index
        %swap3A_2720 = tpu.vector_load %arg14[%swap3A_2718, %swap3A_2719] {strides = array<i32>} : memref<8x256xf32, #tpu.memory_space<vmem>>, vector<1x16xf32>,
        %swap3A_2721 = vector.shape_cast %swap3A_2720 : vector<1x16xf32> to vector<16xf32>
        %swap3A_2722 = vector.shape_cast %add3A_2716 : vector<16xf32> to vector<1x16xf32>
        tpu.vector_store %arg14[%swap3A_2718, %swap3A_2719], %swap3A_2722 {strides = array<i32>} : memref<8x256xf32, #tpu.memory_space<vmem>>, vector<1x16xf32>,
        %get3A_2723 = arith.constant 7 : i32
        %get3A_2724 = arith.index_cast %get3A_2723 : i32 to index
        %get3A_2725 = arith.constant 0 : index
        %get3A_2726 = tpu.vector_load %arg14[%get3A_2724, %get3A_2725] {strides = array<i32>} : memref<8x256xf32, #tpu.memory_space<vmem>>, vector<1x16xf32>,
        %get3A_2727 = vector.shape_cast %get3A_2726 : vector<1x16xf32> to vector<16xf32>
        %get3A_2728 = arith.constant 7 : i32
        %get3A_2729 = arith.index_cast %get3A_2728 : i32 to index
        %get3A_2730 = arith.constant 0 : index
        %get3A_2731 = tpu.vector_load %arg15[%get3A_2729, %get3A_2730] {strides = array<i32>} : memref<8x256xf32, #tpu.memory_space<vmem>>, vector<1x16xf32>,
        %get3A_2732 = vector.shape_cast %get3A_2731 : vector<1x16xf32> to vector<16xf32>
        %add3A_2733 = arith.addf %get3A_2727, %get3A_2732 : vector<16xf32>
        %swap3A_2734 = arith.constant 7 : i32
        %swap3A_2735 = arith.index_cast %swap3A_2734 : i32 to index
        %swap3A_2736 = arith.constant 0 : index
        %swap3A_2737 = tpu.vector_load %arg14[%swap3A_2735, %swap3A_2736] {strides = array<i32>} : memref<8x256xf32, #tpu.memory_space<vmem>>, vector<1x16xf32>,
        %swap3A_2738 = vector.shape_cast %swap3A_2737 : vector<1x16xf32> to vector<16xf32>
        %swap3A_2739 = vector.shape_cast %add3A_2733 : vector<16xf32> to vector<1x16xf32>
        tpu.vector_store %arg14[%swap3A_2735, %swap3A_2736], %swap3A_2739 {strides = array<i32>} : memref<8x256xf32, #tpu.memory_space<vmem>>, vector<1x16xf32>,
        %get3A_2740 = arith.constant 7 : i32
        %get3A_2741 = arith.index_cast %get3A_2740 : i32 to index
        %get3A_2742 = arith.constant 16 : index
        %get3A_2743 = tpu.vector_load %arg14[%get3A_2741, %get3A_2742] {strides = array<i32>} : memref<8x256xf32, #tpu.memory_space<vmem>>, vector<1x16xf32>,
        %get3A_2744 = vector.shape_cast %get3A_2743 : vector<1x16xf32> to vector<16xf32>
        %get3A_2745 = arith.constant 7 : i32
        %get3A_2746 = arith.index_cast %get3A_2745 : i32 to index
        %get3A_2747 = arith.constant 16 : index
        %get3A_2748 = tpu.vector_load %arg15[%get3A_2746, %get3A_2747] {strides = array<i32>} : memref<8x256xf32, #tpu.memory_space<vmem>>, vector<1x16xf32>,
        %get3A_2749 = vector.shape_cast %get3A_2748 : vector<1x16xf32> to vector<16xf32>
        %add3A_2750 = arith.addf %get3A_2744, %get3A_2749 : vector<16xf32>
        %swap3A_2751 = arith.constant 7 : i32
        %swap3A_2752 = arith.index_cast %swap3A_2751 : i32 to index
        %swap3A_2753 = arith.constant 16 : index
        %swap3A_2754 = tpu.vector_load %arg14[%swap3A_2752, %swap3A_2753] {strides = array<i32>} : memref<8x256xf32, #tpu.memory_space<vmem>>, vector<1x16xf32>,
        %swap3A_2755 = vector.shape_cast %swap3A_2754 : vector<1x16xf32> to vector<16xf32>
        %swap3A_2756 = vector.shape_cast %add3A_2750 : vector<16xf32> to vector<1x16xf32>
        tpu.vector_store %arg14[%swap3A_2752, %swap3A_2753], %swap3A_2756 {strides = array<i32>} : memref<8x256xf32, #tpu.memory_space<vmem>>, vector<1x16xf32>,
        %get3A_2757 = arith.constant 7 : i32
        %get3A_2758 = arith.index_cast %get3A_2757 : i32 to index
        %get3A_2759 = arith.constant 32 : index
        %get3A_2760 = tpu.vector_load %arg14[%get3A_2758, %get3A_2759] {strides = array<i32>} : memref<8x256xf32, #tpu.memory_space<vmem>>, vector<1x16xf32>,
        %get3A_2761 = vector.shape_cast %get3A_2760 : vector<1x16xf32> to vector<16xf32>
        %get3A_2762 = arith.constant 7 : i32
        %get3A_2763 = arith.index_cast %get3A_2762 : i32 to index
        %get3A_2764 = arith.constant 32 : index
        %get3A_2765 = tpu.vector_load %arg15[%get3A_2763, %get3A_2764] {strides = array<i32>} : memref<8x256xf32, #tpu.memory_space<vmem>>, vector<1x16xf32>,
        %get3A_2766 = vector.shape_cast %get3A_2765 : vector<1x16xf32> to vector<16xf32>
        %add3A_2767 = arith.addf %get3A_2761, %get3A_2766 : vector<16xf32>
        %swap3A_2768 = arith.constant 7 : i32
        %swap3A_2769 = arith.index_cast %swap3A_2768 : i32 to index
        %swap3A_2770 = arith.constant 32 : index
        %swap3A_2771 = tpu.vector_load %arg14[%swap3A_2769, %swap3A_2770] {strides = array<i32>} : memref<8x256xf32, #tpu.memory_space<vmem>>, vector<1x16xf32>,
        %swap3A_2772 = vector.shape_cast %swap3A_2771 : vector<1x16xf32> to vector<16xf32>
        %swap3A_2773 = vector.shape_cast %add3A_2767 : vector<16xf32> to vector<1x16xf32>
        tpu.vector_store %arg14[%swap3A_2769, %swap3A_2770], %swap3A_2773 {strides = array<i32>} : memref<8x256xf32, #tpu.memory_space<vmem>>, vector<1x16xf32>,
        %get3A_2774 = arith.constant 7 : i32
        %get3A_2775 = arith.index_cast %get3A_2774 : i32 to index
        %get3A_2776 = arith.constant 48 : index
        %get3A_2777 = tpu.vector_load %arg14[%get3A_2775, %get3A_2776] {strides = array<i32>} : memref<8x256xf32, #tpu.memory_space<vmem>>, vector<1x16xf32>,
        %get3A_2778 = vector.shape_cast %get3A_2777 : vector<1x16xf32> to vector<16xf32>
        %get3A_2779 = arith.constant 7 : i32
        %get3A_2780 = arith.index_cast %get3A_2779 : i32 to index
        %get3A_2781 = arith.constant 48 : index
        %get3A_2782 = tpu.vector_load %arg15[%get3A_2780, %get3A_2781] {strides = array<i32>} : memref<8x256xf32, #tpu.memory_space<vmem>>, vector<1x16xf32>,
        %get3A_2783 = vector.shape_cast %get3A_2782 : vector<1x16xf32> to vector<16xf32>
        %add3A_2784 = arith.addf %get3A_2778, %get3A_2783 : vector<16xf32>
        %swap3A_2785 = arith.constant 7 : i32
        %swap3A_2786 = arith.index_cast %swap3A_2785 : i32 to index
        %swap3A_2787 = arith.constant 48 : index
        %swap3A_2788 = tpu.vector_load %arg14[%swap3A_2786, %swap3A_2787] {strides = array<i32>} : memref<8x256xf32, #tpu.memory_space<vmem>>, vector<1x16xf32>,
        %swap3A_2789 = vector.shape_cast %swap3A_2788 : vector<1x16xf32> to vector<16xf32>
        %swap3A_2790 = vector.shape_cast %add3A_2784 : vector<16xf32> to vector<1x16xf32>
        tpu.vector_store %arg14[%swap3A_2786, %swap3A_2787], %swap3A_2790 {strides = array<i32>} : memref<8x256xf32, #tpu.memory_space<vmem>>, vector<1x16xf32>,
        %get3A_2791 = arith.constant 7 : i32
        %get3A_2792 = arith.index_cast %get3A_2791 : i32 to index
        %get3A_2793 = arith.constant 64 : index
        %get3A_2794 = tpu.vector_load %arg14[%get3A_2792, %get3A_2793] {strides = array<i32>} : memref<8x256xf32, #tpu.memory_space<vmem>>, vector<1x16xf32>,
        %get3A_2795 = vector.shape_cast %get3A_2794 : vector<1x16xf32> to vector<16xf32>
        %get3A_2796 = arith.constant 7 : i32
        %get3A_2797 = arith.index_cast %get3A_2796 : i32 to index
        %get3A_2798 = arith.constant 64 : index
        %get3A_2799 = tpu.vector_load %arg15[%get3A_2797, %get3A_2798] {strides = array<i32>} : memref<8x256xf32, #tpu.memory_space<vmem>>, vector<1x16xf32>,
        %get3A_2800 = vector.shape_cast %get3A_2799 : vector<1x16xf32> to vector<16xf32>
        %add3A_2801 = arith.addf %get3A_2795, %get3A_2800 : vector<16xf32>
        %swap3A_2802 = arith.constant 7 : i32
        %swap3A_2803 = arith.index_cast %swap3A_2802 : i32 to index
        %swap3A_2804 = arith.constant 64 : index
        %swap3A_2805 = tpu.vector_load %arg14[%swap3A_2803, %swap3A_2804] {strides = array<i32>} : memref<8x256xf32, #tpu.memory_space<vmem>>, vector<1x16xf32>,
        %swap3A_2806 = vector.shape_cast %swap3A_2805 : vector<1x16xf32> to vector<16xf32>
        %swap3A_2807 = vector.shape_cast %add3A_2801 : vector<16xf32> to vector<1x16xf32>
        tpu.vector_store %arg14[%swap3A_2803, %swap3A_2804], %swap3A_2807 {strides = array<i32>} : memref<8x256xf32, #tpu.memory_space<vmem>>, vector<1x16xf32>,
        %get3A_2808 = arith.constant 7 : i32
        %get3A_2809 = arith.index_cast %get3A_2808 : i32 to index
        %get3A_2810 = arith.constant 80 : index
        %get3A_2811 = tpu.vector_load %arg14[%get3A_2809, %get3A_2810] {strides = array<i32>} : memref<8x256xf32, #tpu.memory_space<vmem>>, vector<1x16xf32>,
        %get3A_2812 = vector.shape_cast %get3A_2811 : vector<1x16xf32> to vector<16xf32>
        %get3A_2813 = arith.constant 7 : i32
        %get3A_2814 = arith.index_cast %get3A_2813 : i32 to index
        %get3A_2815 = arith.constant 80 : index
        %get3A_2816 = tpu.vector_load %arg15[%get3A_2814, %get3A_2815] {strides = array<i32>} : memref<8x256xf32, #tpu.memory_space<vmem>>, vector<1x16xf32>,
        %get3A_2817 = vector.shape_cast %get3A_2816 : vector<1x16xf32> to vector<16xf32>
        %add3A_2818 = arith.addf %get3A_2812, %get3A_2817 : vector<16xf32>
        %swap3A_2819 = arith.constant 7 : i32
        %swap3A_2820 = arith.index_cast %swap3A_2819 : i32 to index
        %swap3A_2821 = arith.constant 80 : index
        %swap3A_2822 = tpu.vector_load %arg14[%swap3A_2820, %swap3A_2821] {strides = array<i32>} : memref<8x256xf32, #tpu.memory_space<vmem>>, vector<1x16xf32>,
        %swap3A_2823 = vector.shape_cast %swap3A_2822 : vector<1x16xf32> to vector<16xf32>
        %swap3A_2824 = vector.shape_cast %add3A_2818 : vector<16xf32> to vector<1x16xf32>
        tpu.vector_store %arg14[%swap3A_2820, %swap3A_2821], %swap3A_2824 {strides = array<i32>} : memref<8x256xf32, #tpu.memory_space<vmem>>, vector<1x16xf32>,
        %get3A_2825 = arith.constant 7 : i32
        %get3A_2826 = arith.index_cast %get3A_2825 : i32 to index
        %get3A_2827 = arith.constant 96 : index
        %get3A_2828 = tpu.vector_load %arg14[%get3A_2826, %get3A_2827] {strides = array<i32>} : memref<8x256xf32, #tpu.memory_space<vmem>>, vector<1x16xf32>,
        %get3A_2829 = vector.shape_cast %get3A_2828 : vector<1x16xf32> to vector<16xf32>
        %get3A_2830 = arith.constant 7 : i32
        %get3A_2831 = arith.index_cast %get3A_2830 : i32 to index
        %get3A_2832 = arith.constant 96 : index
        %get3A_2833 = tpu.vector_load %arg15[%get3A_2831, %get3A_2832] {strides = array<i32>} : memref<8x256xf32, #tpu.memory_space<vmem>>, vector<1x16xf32>,
        %get3A_2834 = vector.shape_cast %get3A_2833 : vector<1x16xf32> to vector<16xf32>
        %add3A_2835 = arith.addf %get3A_2829, %get3A_2834 : vector<16xf32>
        %swap3A_2836 = arith.constant 7 : i32
        %swap3A_2837 = arith.index_cast %swap3A_2836 : i32 to index
        %swap3A_2838 = arith.constant 96 : index
        %swap3A_2839 = tpu.vector_load %arg14[%swap3A_2837, %swap3A_2838] {strides = array<i32>} : memref<8x256xf32, #tpu.memory_space<vmem>>, vector<1x16xf32>,
        %swap3A_2840 = vector.shape_cast %swap3A_2839 : vector<1x16xf32> to vector<16xf32>
        %swap3A_2841 = vector.shape_cast %add3A_2835 : vector<16xf32> to vector<1x16xf32>
        tpu.vector_store %arg14[%swap3A_2837, %swap3A_2838], %swap3A_2841 {strides = array<i32>} : memref<8x256xf32, #tpu.memory_space<vmem>>, vector<1x16xf32>,
        %get3A_2842 = arith.constant 7 : i32
        %get3A_2843 = arith.index_cast %get3A_2842 : i32 to index
        %get3A_2844 = arith.constant 112 : index
        %get3A_2845 = tpu.vector_load %arg14[%get3A_2843, %get3A_2844] {strides = array<i32>} : memref<8x256xf32, #tpu.memory_space<vmem>>, vector<1x16xf32>,
        %get3A_2846 = vector.shape_cast %get3A_2845 : vector<1x16xf32> to vector<16xf32>
        %get3A_2847 = arith.constant 7 : i32
        %get3A_2848 = arith.index_cast %get3A_2847 : i32 to index
        %get3A_2849 = arith.constant 112 : index
        %get3A_2850 = tpu.vector_load %arg15[%get3A_2848, %get3A_2849] {strides = array<i32>} : memref<8x256xf32, #tpu.memory_space<vmem>>, vector<1x16xf32>,
        %get3A_2851 = vector.shape_cast %get3A_2850 : vector<1x16xf32> to vector<16xf32>
        %add3A_2852 = arith.addf %get3A_2846, %get3A_2851 : vector<16xf32>
        %swap3A_2853 = arith.constant 7 : i32
        %swap3A_2854 = arith.index_cast %swap3A_2853 : i32 to index
        %swap3A_2855 = arith.constant 112 : index
        %swap3A_2856 = tpu.vector_load %arg14[%swap3A_2854, %swap3A_2855] {strides = array<i32>} : memref<8x256xf32, #tpu.memory_space<vmem>>, vector<1x16xf32>,
        %swap3A_2857 = vector.shape_cast %swap3A_2856 : vector<1x16xf32> to vector<16xf32>
        %swap3A_2858 = vector.shape_cast %add3A_2852 : vector<16xf32> to vector<1x16xf32>
        tpu.vector_store %arg14[%swap3A_2854, %swap3A_2855], %swap3A_2858 {strides = array<i32>} : memref<8x256xf32, #tpu.memory_space<vmem>>, vector<1x16xf32>,
        %get3A_2859 = arith.constant 7 : i32
        %get3A_2860 = arith.index_cast %get3A_2859 : i32 to index
        %get3A_2861 = arith.constant 128 : index
        %get3A_2862 = tpu.vector_load %arg14[%get3A_2860, %get3A_2861] {strides = array<i32>} : memref<8x256xf32, #tpu.memory_space<vmem>>, vector<1x16xf32>,
        %get3A_2863 = vector.shape_cast %get3A_2862 : vector<1x16xf32> to vector<16xf32>
        %get3A_2864 = arith.constant 7 : i32
        %get3A_2865 = arith.index_cast %get3A_2864 : i32 to index
        %get3A_2866 = arith.constant 128 : index
        %get3A_2867 = tpu.vector_load %arg15[%get3A_2865, %get3A_2866] {strides = array<i32>} : memref<8x256xf32, #tpu.memory_space<vmem>>, vector<1x16xf32>,
        %get3A_2868 = vector.shape_cast %get3A_2867 : vector<1x16xf32> to vector<16xf32>
        %add3A_2869 = arith.addf %get3A_2863, %get3A_2868 : vector<16xf32>
        %swap3A_2870 = arith.constant 7 : i32
        %swap3A_2871 = arith.index_cast %swap3A_2870 : i32 to index
        %swap3A_2872 = arith.constant 128 : index
        %swap3A_2873 = tpu.vector_load %arg14[%swap3A_2871, %swap3A_2872] {strides = array<i32>} : memref<8x256xf32, #tpu.memory_space<vmem>>, vector<1x16xf32>,
        %swap3A_2874 = vector.shape_cast %swap3A_2873 : vector<1x16xf32> to vector<16xf32>
        %swap3A_2875 = vector.shape_cast %add3A_2869 : vector<16xf32> to vector<1x16xf32>
        tpu.vector_store %arg14[%swap3A_2871, %swap3A_2872], %swap3A_2875 {strides = array<i32>} : memref<8x256xf32, #tpu.memory_space<vmem>>, vector<1x16xf32>,
        %get3A_2876 = arith.constant 7 : i32
        %get3A_2877 = arith.index_cast %get3A_2876 : i32 to index
        %get3A_2878 = arith.constant 144 : index
        %get3A_2879 = tpu.vector_load %arg14[%get3A_2877, %get3A_2878] {strides = array<i32>} : memref<8x256xf32, #tpu.memory_space<vmem>>, vector<1x16xf32>,
        %get3A_2880 = vector.shape_cast %get3A_2879 : vector<1x16xf32> to vector<16xf32>
        %get3A_2881 = arith.constant 7 : i32
        %get3A_2882 = arith.index_cast %get3A_2881 : i32 to index
        %get3A_2883 = arith.constant 144 : index
        %get3A_2884 = tpu.vector_load %arg15[%get3A_2882, %get3A_2883] {strides = array<i32>} : memref<8x256xf32, #tpu.memory_space<vmem>>, vector<1x16xf32>,
        %get3A_2885 = vector.shape_cast %get3A_2884 : vector<1x16xf32> to vector<16xf32>
        %add3A_2886 = arith.addf %get3A_2880, %get3A_2885 : vector<16xf32>
        %swap3A_2887 = arith.constant 7 : i32
        %swap3A_2888 = arith.index_cast %swap3A_2887 : i32 to index
        %swap3A_2889 = arith.constant 144 : index
        %swap3A_2890 = tpu.vector_load %arg14[%swap3A_2888, %swap3A_2889] {strides = array<i32>} : memref<8x256xf32, #tpu.memory_space<vmem>>, vector<1x16xf32>,
        %swap3A_2891 = vector.shape_cast %swap3A_2890 : vector<1x16xf32> to vector<16xf32>
        %swap3A_2892 = vector.shape_cast %add3A_2886 : vector<16xf32> to vector<1x16xf32>
        tpu.vector_store %arg14[%swap3A_2888, %swap3A_2889], %swap3A_2892 {strides = array<i32>} : memref<8x256xf32, #tpu.memory_space<vmem>>, vector<1x16xf32>,
        %get3A_2893 = arith.constant 7 : i32
        %get3A_2894 = arith.index_cast %get3A_2893 : i32 to index
        %get3A_2895 = arith.constant 160 : index
        %get3A_2896 = tpu.vector_load %arg14[%get3A_2894, %get3A_2895] {strides = array<i32>} : memref<8x256xf32, #tpu.memory_space<vmem>>, vector<1x16xf32>,
        %get3A_2897 = vector.shape_cast %get3A_2896 : vector<1x16xf32> to vector<16xf32>
        %get3A_2898 = arith.constant 7 : i32
        %get3A_2899 = arith.index_cast %get3A_2898 : i32 to index
        %get3A_2900 = arith.constant 160 : index
        %get3A_2901 = tpu.vector_load %arg15[%get3A_2899, %get3A_2900] {strides = array<i32>} : memref<8x256xf32, #tpu.memory_space<vmem>>, vector<1x16xf32>,
        %get3A_2902 = vector.shape_cast %get3A_2901 : vector<1x16xf32> to vector<16xf32>
        %add3A_2903 = arith.addf %get3A_2897, %get3A_2902 : vector<16xf32>
        %swap3A_2904 = arith.constant 7 : i32
        %swap3A_2905 = arith.index_cast %swap3A_2904 : i32 to index
        %swap3A_2906 = arith.constant 160 : index
        %swap3A_2907 = tpu.vector_load %arg14[%swap3A_2905, %swap3A_2906] {strides = array<i32>} : memref<8x256xf32, #tpu.memory_space<vmem>>, vector<1x16xf32>,
        %swap3A_2908 = vector.shape_cast %swap3A_2907 : vector<1x16xf32> to vector<16xf32>
        %swap3A_2909 = vector.shape_cast %add3A_2903 : vector<16xf32> to vector<1x16xf32>
        tpu.vector_store %arg14[%swap3A_2905, %swap3A_2906], %swap3A_2909 {strides = array<i32>} : memref<8x256xf32, #tpu.memory_space<vmem>>, vector<1x16xf32>,
        %get3A_2910 = arith.constant 7 : i32
        %get3A_2911 = arith.index_cast %get3A_2910 : i32 to index
        %get3A_2912 = arith.constant 176 : index
        %get3A_2913 = tpu.vector_load %arg14[%get3A_2911, %get3A_2912] {strides = array<i32>} : memref<8x256xf32, #tpu.memory_space<vmem>>, vector<1x16xf32>,
        %get3A_2914 = vector.shape_cast %get3A_2913 : vector<1x16xf32> to vector<16xf32>
        %get3A_2915 = arith.constant 7 : i32
        %get3A_2916 = arith.index_cast %get3A_2915 : i32 to index
        %get3A_2917 = arith.constant 176 : index
        %get3A_2918 = tpu.vector_load %arg15[%get3A_2916, %get3A_2917] {strides = array<i32>} : memref<8x256xf32, #tpu.memory_space<vmem>>, vector<1x16xf32>,
        %get3A_2919 = vector.shape_cast %get3A_2918 : vector<1x16xf32> to vector<16xf32>
        %add3A_2920 = arith.addf %get3A_2914, %get3A_2919 : vector<16xf32>
        %swap3A_2921 = arith.constant 7 : i32
        %swap3A_2922 = arith.index_cast %swap3A_2921 : i32 to index
        %swap3A_2923 = arith.constant 176 : index
        %swap3A_2924 = tpu.vector_load %arg14[%swap3A_2922, %swap3A_2923] {strides = array<i32>} : memref<8x256xf32, #tpu.memory_space<vmem>>, vector<1x16xf32>,
        %swap3A_2925 = vector.shape_cast %swap3A_2924 : vector<1x16xf32> to vector<16xf32>
        %swap3A_2926 = vector.shape_cast %add3A_2920 : vector<16xf32> to vector<1x16xf32>
        tpu.vector_store %arg14[%swap3A_2922, %swap3A_2923], %swap3A_2926 {strides = array<i32>} : memref<8x256xf32, #tpu.memory_space<vmem>>, vector<1x16xf32>,
        %get3A_2927 = arith.constant 7 : i32
        %get3A_2928 = arith.index_cast %get3A_2927 : i32 to index
        %get3A_2929 = arith.constant 192 : index
        %get3A_2930 = tpu.vector_load %arg14[%get3A_2928, %get3A_2929] {strides = array<i32>} : memref<8x256xf32, #tpu.memory_space<vmem>>, vector<1x16xf32>,
        %get3A_2931 = vector.shape_cast %get3A_2930 : vector<1x16xf32> to vector<16xf32>
        %get3A_2932 = arith.constant 7 : i32
        %get3A_2933 = arith.index_cast %get3A_2932 : i32 to index
        %get3A_2934 = arith.constant 192 : index
        %get3A_2935 = tpu.vector_load %arg15[%get3A_2933, %get3A_2934] {strides = array<i32>} : memref<8x256xf32, #tpu.memory_space<vmem>>, vector<1x16xf32>,
        %get3A_2936 = vector.shape_cast %get3A_2935 : vector<1x16xf32> to vector<16xf32>
        %add3A_2937 = arith.addf %get3A_2931, %get3A_2936 : vector<16xf32>
        %swap3A_2938 = arith.constant 7 : i32
        %swap3A_2939 = arith.index_cast %swap3A_2938 : i32 to index
        %swap3A_2940 = arith.constant 192 : index
        %swap3A_2941 = tpu.vector_load %arg14[%swap3A_2939, %swap3A_2940] {strides = array<i32>} : memref<8x256xf32, #tpu.memory_space<vmem>>, vector<1x16xf32>,
        %swap3A_2942 = vector.shape_cast %swap3A_2941 : vector<1x16xf32> to vector<16xf32>
        %swap3A_2943 = vector.shape_cast %add3A_2937 : vector<16xf32> to vector<1x16xf32>
        tpu.vector_store %arg14[%swap3A_2939, %swap3A_2940], %swap3A_2943 {strides = array<i32>} : memref<8x256xf32, #tpu.memory_space<vmem>>, vector<1x16xf32>,
        %get3A_2944 = arith.constant 7 : i32
        %get3A_2945 = arith.index_cast %get3A_2944 : i32 to index
        %get3A_2946 = arith.constant 208 : index
        %get3A_2947 = tpu.vector_load %arg14[%get3A_2945, %get3A_2946] {strides = array<i32>} : memref<8x256xf32, #tpu.memory_space<vmem>>, vector<1x16xf32>,
        %get3A_2948 = vector.shape_cast %get3A_2947 : vector<1x16xf32> to vector<16xf32>
        %get3A_2949 = arith.constant 7 : i32
        %get3A_2950 = arith.index_cast %get3A_2949 : i32 to index
        %get3A_2951 = arith.constant 208 : index
        %get3A_2952 = tpu.vector_load %arg15[%get3A_2950, %get3A_2951] {strides = array<i32>} : memref<8x256xf32, #tpu.memory_space<vmem>>, vector<1x16xf32>,
        %get3A_2953 = vector.shape_cast %get3A_2952 : vector<1x16xf32> to vector<16xf32>
        %add3A_2954 = arith.addf %get3A_2948, %get3A_2953 : vector<16xf32>
        %swap3A_2955 = arith.constant 7 : i32
        %swap3A_2956 = arith.index_cast %swap3A_2955 : i32 to index
        %swap3A_2957 = arith.constant 208 : index
        %swap3A_2958 = tpu.vector_load %arg14[%swap3A_2956, %swap3A_2957] {strides = array<i32>} : memref<8x256xf32, #tpu.memory_space<vmem>>, vector<1x16xf32>,
        %swap3A_2959 = vector.shape_cast %swap3A_2958 : vector<1x16xf32> to vector<16xf32>
        %swap3A_2960 = vector.shape_cast %add3A_2954 : vector<16xf32> to vector<1x16xf32>
        tpu.vector_store %arg14[%swap3A_2956, %swap3A_2957], %swap3A_2960 {strides = array<i32>} : memref<8x256xf32, #tpu.memory_space<vmem>>, vector<1x16xf32>,
        %get3A_2961 = arith.constant 7 : i32
        %get3A_2962 = arith.index_cast %get3A_2961 : i32 to index
        %get3A_2963 = arith.constant 224 : index
        %get3A_2964 = tpu.vector_load %arg14[%get3A_2962, %get3A_2963] {strides = array<i32>} : memref<8x256xf32, #tpu.memory_space<vmem>>, vector<1x16xf32>,
        %get3A_2965 = vector.shape_cast %get3A_2964 : vector<1x16xf32> to vector<16xf32>
        %get3A_2966 = arith.constant 7 : i32
        %get3A_2967 = arith.index_cast %get3A_2966 : i32 to index
        %get3A_2968 = arith.constant 224 : index
        %get3A_2969 = tpu.vector_load %arg15[%get3A_2967, %get3A_2968] {strides = array<i32>} : memref<8x256xf32, #tpu.memory_space<vmem>>, vector<1x16xf32>,
        %get3A_2970 = vector.shape_cast %get3A_2969 : vector<1x16xf32> to vector<16xf32>
        %add3A_2971 = arith.addf %get3A_2965, %get3A_2970 : vector<16xf32>
        %swap3A_2972 = arith.constant 7 : i32
        %swap3A_2973 = arith.index_cast %swap3A_2972 : i32 to index
        %swap3A_2974 = arith.constant 224 : index
        %swap3A_2975 = tpu.vector_load %arg14[%swap3A_2973, %swap3A_2974] {strides = array<i32>} : memref<8x256xf32, #tpu.memory_space<vmem>>, vector<1x16xf32>,
        %swap3A_2976 = vector.shape_cast %swap3A_2975 : vector<1x16xf32> to vector<16xf32>
        %swap3A_2977 = vector.shape_cast %add3A_2971 : vector<16xf32> to vector<1x16xf32>
        tpu.vector_store %arg14[%swap3A_2973, %swap3A_2974], %swap3A_2977 {strides = array<i32>} : memref<8x256xf32, #tpu.memory_space<vmem>>, vector<1x16xf32>,
        %get3A_2978 = arith.constant 7 : i32
        %get3A_2979 = arith.index_cast %get3A_2978 : i32 to index
        %get3A_2980 = arith.constant 240 : index
        %get3A_2981 = tpu.vector_load %arg14[%get3A_2979, %get3A_2980] {strides = array<i32>} : memref<8x256xf32, #tpu.memory_space<vmem>>, vector<1x16xf32>,
        %get3A_2982 = vector.shape_cast %get3A_2981 : vector<1x16xf32> to vector<16xf32>
        %get3A_2983 = arith.constant 7 : i32
        %get3A_2984 = arith.index_cast %get3A_2983 : i32 to index
        %get3A_2985 = arith.constant 240 : index
        %get3A_2986 = tpu.vector_load %arg15[%get3A_2984, %get3A_2985] {strides = array<i32>} : memref<8x256xf32, #tpu.memory_space<vmem>>, vector<1x16xf32>,
        %get3A_2987 = vector.shape_cast %get3A_2986 : vector<1x16xf32> to vector<16xf32>
        %add3A_2988 = arith.addf %get3A_2982, %get3A_2987 : vector<16xf32>
        %swap3A_2989 = arith.constant 7 : i32
        %swap3A_2990 = arith.index_cast %swap3A_2989 : i32 to index
        %swap3A_2991 = arith.constant 240 : index
        %swap3A_2992 = tpu.vector_load %arg14[%swap3A_2990, %swap3A_2991] {strides = array<i32>} : memref<8x256xf32, #tpu.memory_space<vmem>>, vector<1x16xf32>,
        %swap3A_2993 = vector.shape_cast %swap3A_2992 : vector<1x16xf32> to vector<16xf32>
        %swap3A_2994 = vector.shape_cast %add3A_2988 : vector<16xf32> to vector<1x16xf32>
        tpu.vector_store %arg14[%swap3A_2990, %swap3A_2991], %swap3A_2994 {strides = array<i32>} : memref<8x256xf32, #tpu.memory_space<vmem>>, vector<1x16xf32>,
        "tpu.region"() ({
          %run_scoped3A = tpu.sem_alloc : memref<!tpu.dma_semaphore, #tpu.memory_space<semaphore_mem>>
          %dma_start3A_2995 = arith.constant 0 : i32
          %dma_start3A_2996 = tpu.memref_slice %arg5[%multiple_of3A_819, %dma_start3A_2995] : memref<10000x256xf32, #tpu.memory_space<hbm>> -> memref<8x256xf32, #tpu.memory_space<hbm>>
          %dma_start3A_2997 = arith.constant 0 : i32
          %dma_start3A_2998 = tpu.memref_slice %arg5[%multiple_of3A_819, %dma_start3A_2997] : memref<10000x256xf32, #tpu.memory_space<hbm>> -> memref<8x256xf32, #tpu.memory_space<hbm>>
          tpu.enqueue_dma source(%arg14 : memref<8x256xf32, #tpu.memory_space<vmem>>) target(%dma_start3A_2998 : memref<8x256xf32, #tpu.memory_space<hbm>>) target_semaphore(%run_scoped3A : memref<!tpu.dma_semaphore, #tpu.memory_space<semaphore_mem>>)
          %dma_wait3A_2999 = arith.constant 0 : i32
          %dma_wait3A_3000 = tpu.memref_slice %arg5[%multiple_of3A_819, %dma_wait3A_2999] : memref<10000x256xf32, #tpu.memory_space<hbm>> -> memref<8x256xf32, #tpu.memory_space<hbm>>
          %dma_wait3A_3001 = arith.constant 0 : i32
          %dma_wait3A_3002 = tpu.memref_slice %arg5[%multiple_of3A_819, %dma_wait3A_3001] : memref<10000x256xf32, #tpu.memory_space<hbm>> -> memref<8x256xf32, #tpu.memory_space<hbm>>
          tpu.wait_dma2 semaphore(%run_scoped3A : memref<!tpu.dma_semaphore, #tpu.memory_space<semaphore_mem>>) src(%arg14 : memref<8x256xf32, #tpu.memory_space<vmem>>) dst(%dma_wait3A_3002 : memref<8x256xf32, #tpu.memory_space<hbm>>)
          tpu.yield
        }) : () -> ()
      } else {
      }
    }
    %scan3A_806 = arith.constant 40 : i32
    return
  }
}

#map = affine_map<(d0, d1) -> (0, 0)>
#map1 = affine_map<(d0, d1) -> (0)>
module attributes {stable_mosaic.version = 14 : i64} {
  func.func @_gather_body(%arg0: i32, %arg1: i32, %arg2: memref<10000x256xf32, #tpu.memory_space<hbm>>, %arg3: memref<160000xi32, #tpu.memory_space<hbm>>, %arg4: memref<160000x256xf32, #tpu.memory_space<hbm>>, %arg5: memref<5000xi32, #tpu.memory_space<vmem>>, %arg6: memref<128x256xf32, #tpu.memory_space<vmem>>, %arg7: memref<128x256xf32, #tpu.memory_space<vmem>>, %arg8: memref<!tpu.dma_semaphore, #tpu.memory_space<semaphore_mem>>, %arg9: memref<!tpu.dma_semaphore, #tpu.memory_space<semaphore_mem>>, %arg10: memref<!tpu.dma_semaphore, #tpu.memory_space<semaphore_mem>>, %arg11: memref<!tpu.dma_semaphore, #tpu.memory_space<semaphore_mem>>) attributes {dimension_semantics = [#tpu.dimension_semantics<core_parallel>, #tpu.dimension_semantics<subcore_parallel>], iteration_bounds = array<i64: 2, 16>, scalar_prefetch = 0 : i64, scratch_operands = 7 : i64, tpu.core_type = #tpu.core_type<sc_vector_subcore>, window_params = [{transform_indices = #map}, {transform_indices = #map1}, {transform_indices = #map}]} {
    %mul3A = arith.constant 2 : i32
    %mul3A_0 = arith.muli %arg1, %mul3A : i32
    %add3A = arith.addi %mul3A_0, %arg0 : i32
    %mul3A_1 = arith.constant 5000 : i32
    %mul3A_2 = arith.muli %add3A, %mul3A_1 : i32
    "tpu.region"() ({
      %run_scoped3A = tpu.sem_alloc : memref<!tpu.dma_semaphore, #tpu.memory_space<semaphore_mem>>
      %dma_start3A = tpu.memref_slice %arg3[%mul3A_2] : memref<160000xi32, #tpu.memory_space<hbm>> -> memref<5000xi32, #tpu.memory_space<hbm>>
      %dma_start3A_22 = tpu.memref_slice %arg3[%mul3A_2] : memref<160000xi32, #tpu.memory_space<hbm>> -> memref<5000xi32, #tpu.memory_space<hbm>>
      tpu.enqueue_dma source(%dma_start3A_22 : memref<5000xi32, #tpu.memory_space<hbm>>) target(%arg5 : memref<5000xi32, #tpu.memory_space<vmem>>) target_semaphore(%run_scoped3A : memref<!tpu.dma_semaphore, #tpu.memory_space<semaphore_mem>>)
      %dma_wait3A_23 = tpu.memref_slice %arg3[%mul3A_2] : memref<160000xi32, #tpu.memory_space<hbm>> -> memref<5000xi32, #tpu.memory_space<hbm>>
      %dma_wait3A_24 = tpu.memref_slice %arg3[%mul3A_2] : memref<160000xi32, #tpu.memory_space<hbm>> -> memref<5000xi32, #tpu.memory_space<hbm>>
      tpu.wait_dma2 semaphore(%run_scoped3A : memref<!tpu.dma_semaphore, #tpu.memory_space<semaphore_mem>>) src(%dma_wait3A_24 : memref<5000xi32, #tpu.memory_space<hbm>>) dst(%arg5 : memref<5000xi32, #tpu.memory_space<vmem>>)
      tpu.yield
    }) : () -> ()
    %scan3A = arith.constant 0 : i32
    %scan3A_3 = arith.constant 0 : i32
    %scan3A_4 = arith.constant 20 : i32
    %scan3A_5 = arith.addi %scan3A_3, %scan3A_4 : i32
    %scan3A_6 = arith.constant 1 : i32
    scf.for %scan3A_22 = %scan3A_3 to %scan3A_5 step %scan3A_6  : i32 {
      %mul3A_23 = arith.constant 2 : i32
      %mul3A_24 = arith.muli %scan3A_22, %mul3A_23 : i32
      %add3A_25 = arith.constant 0 : i32
      %add3A_26 = arith.addi %mul3A_24, %add3A_25 : i32
      %lt3A = arith.constant 39 : i32
      %lt3A_27 = arith.cmpi slt, %add3A_26, %lt3A : i32
      %convert_element_type3A = arith.extui %lt3A_27 : i1 to i32
      %cond3A = arith.constant 0 : i32
      %cond3A_28 = arith.cmpi ne, %convert_element_type3A, %cond3A : i32
      scf.if %cond3A_28 {
        %ge3A_51 = arith.constant 2 : i32
        %ge3A_52 = arith.cmpi sge, %add3A_26, %ge3A_51 : i32
        %convert_element_type3A_53 = arith.extui %ge3A_52 : i1 to i32
        %cond3A_54 = arith.constant 0 : i32
        %cond3A_55 = arith.cmpi ne, %convert_element_type3A_53, %cond3A_54 : i32
        scf.if %cond3A_55 {
          %add3A_62 = arith.constant 0 : i32
          %add3A_63 = arith.addi %mul3A_2, %add3A_62 : i32
          %multiple_of3A_64 = tpu.assume_multiple %add3A_63, 8 : i32
          %dma_wait3A_65 = arith.constant 0 : i32
          %dma_wait3A_66 = tpu.memref_slice %arg4[%multiple_of3A_64, %dma_wait3A_65] : memref<160000x256xf32, #tpu.memory_space<hbm>> -> memref<128x256xf32, #tpu.memory_space<hbm>>
          %dma_wait3A_67 = arith.constant 0 : i32
          %dma_wait3A_68 = tpu.memref_slice %arg4[%multiple_of3A_64, %dma_wait3A_67] : memref<160000x256xf32, #tpu.memory_space<hbm>> -> memref<128x256xf32, #tpu.memory_space<hbm>>
          tpu.wait_dma2 semaphore(%arg10 : memref<!tpu.dma_semaphore, #tpu.memory_space<semaphore_mem>>) src(%arg6 : memref<128x256xf32, #tpu.memory_space<vmem>>) dst(%dma_wait3A_68 : memref<128x256xf32, #tpu.memory_space<hbm>>)
        } else {
        }
        %mul3A_56 = arith.constant 128 : i32
        %mul3A_57 = arith.muli %add3A_26, %mul3A_56 : i32
        %multiple_of3A_58 = tpu.assume_multiple %mul3A_57, 8 : i32
        %dma_start3A = tpu.memref_slice %arg5[%multiple_of3A_58] : memref<5000xi32, #tpu.memory_space<vmem>> -> memref<128xi32, #tpu.memory_space<vmem>>
        %dma_start3A_59 = arith.constant 0 : i32
        %dma_start3A_60 = arith.constant 0 : i32
        %dma_start3A_61 = tpu.memref_slice %arg2[%dma_start3A_59, %dma_start3A_60] : memref<10000x256xf32, #tpu.memory_space<hbm>> -> memref<10000x256xf32, #tpu.memory_space<hbm>>
        tpu.enqueue_indirect_dma source(%dma_start3A_61 : memref<10000x256xf32, #tpu.memory_space<hbm>>) target(%arg6 : memref<128x256xf32, #tpu.memory_space<vmem>>) offsets(%dma_start3A : memref<128xi32, #tpu.memory_space<vmem>>) semaphore(%arg8 : memref<!tpu.dma_semaphore, #tpu.memory_space<semaphore_mem>>)
      } else {
      }
      %ge3A = arith.constant 1 : i32
      %ge3A_29 = arith.cmpi sge, %add3A_26, %ge3A : i32
      %le3A = arith.constant 39 : i32
      %le3A_30 = arith.cmpi sle, %add3A_26, %le3A : i32
      %and3A = arith.andi %ge3A_29, %le3A_30 : i1
      %convert_element_type3A_31 = arith.extui %and3A : i1 to i32
      %cond3A_32 = arith.constant 0 : i32
      %cond3A_33 = arith.cmpi ne, %convert_element_type3A_31, %cond3A_32 : i32
      scf.if %cond3A_33 {
        %dma_wait3A_51 = arith.constant 0 : i32
        %dma_wait3A_52 = arith.constant 0 : i32
        %dma_wait3A_53 = tpu.memref_slice %arg2[%dma_wait3A_51, %dma_wait3A_52] : memref<10000x256xf32, #tpu.memory_space<hbm>> -> memref<128x256xf32, #tpu.memory_space<hbm>>
        %dma_wait3A_54 = arith.constant 0 : i32
        %dma_wait3A_55 = arith.constant 0 : i32
        %dma_wait3A_56 = tpu.memref_slice %arg2[%dma_wait3A_54, %dma_wait3A_55] : memref<10000x256xf32, #tpu.memory_space<hbm>> -> memref<128x256xf32, #tpu.memory_space<hbm>>
        tpu.wait_dma2 semaphore(%arg9 : memref<!tpu.dma_semaphore, #tpu.memory_space<semaphore_mem>>) src(%dma_wait3A_56 : memref<128x256xf32, #tpu.memory_space<hbm>>) dst(%arg7 : memref<128x256xf32, #tpu.memory_space<vmem>>)
        %sub3A = arith.constant 1 : i32
        %sub3A_57 = arith.subi %add3A_26, %sub3A : i32
        %mul3A_58 = arith.constant 128 : i32
        %mul3A_59 = arith.muli %sub3A_57, %mul3A_58 : i32
        %add3A_60 = arith.addi %mul3A_2, %mul3A_59 : i32
        %multiple_of3A_61 = tpu.assume_multiple %add3A_60, 8 : i32
        %dma_start3A = arith.constant 0 : i32
        %dma_start3A_62 = tpu.memref_slice %arg4[%multiple_of3A_61, %dma_start3A] : memref<160000x256xf32, #tpu.memory_space<hbm>> -> memref<128x256xf32, #tpu.memory_space<hbm>>
        %dma_start3A_63 = arith.constant 0 : i32
        %dma_start3A_64 = tpu.memref_slice %arg4[%multiple_of3A_61, %dma_start3A_63] : memref<160000x256xf32, #tpu.memory_space<hbm>> -> memref<128x256xf32, #tpu.memory_space<hbm>>
        tpu.enqueue_dma source(%arg7 : memref<128x256xf32, #tpu.memory_space<vmem>>) target(%dma_start3A_64 : memref<128x256xf32, #tpu.memory_space<hbm>>) target_semaphore(%arg11 : memref<!tpu.dma_semaphore, #tpu.memory_space<semaphore_mem>>)
      } else {
      }
      %mul3A_34 = arith.constant 2 : i32
      %mul3A_35 = arith.muli %scan3A_22, %mul3A_34 : i32
      %add3A_36 = arith.constant 1 : i32
      %add3A_37 = arith.addi %mul3A_35, %add3A_36 : i32
      %lt3A_38 = arith.constant 39 : i32
      %lt3A_39 = arith.cmpi slt, %add3A_37, %lt3A_38 : i32
      %convert_element_type3A_40 = arith.extui %lt3A_39 : i1 to i32
      %cond3A_41 = arith.constant 0 : i32
      %cond3A_42 = arith.cmpi ne, %convert_element_type3A_40, %cond3A_41 : i32
      scf.if %cond3A_42 {
        %ge3A_51 = arith.constant 2 : i32
        %ge3A_52 = arith.cmpi sge, %add3A_37, %ge3A_51 : i32
        %convert_element_type3A_53 = arith.extui %ge3A_52 : i1 to i32
        %cond3A_54 = arith.constant 0 : i32
        %cond3A_55 = arith.cmpi ne, %convert_element_type3A_53, %cond3A_54 : i32
        scf.if %cond3A_55 {
          %add3A_62 = arith.constant 0 : i32
          %add3A_63 = arith.addi %mul3A_2, %add3A_62 : i32
          %multiple_of3A_64 = tpu.assume_multiple %add3A_63, 8 : i32
          %dma_wait3A_65 = arith.constant 0 : i32
          %dma_wait3A_66 = tpu.memref_slice %arg4[%multiple_of3A_64, %dma_wait3A_65] : memref<160000x256xf32, #tpu.memory_space<hbm>> -> memref<128x256xf32, #tpu.memory_space<hbm>>
          %dma_wait3A_67 = arith.constant 0 : i32
          %dma_wait3A_68 = tpu.memref_slice %arg4[%multiple_of3A_64, %dma_wait3A_67] : memref<160000x256xf32, #tpu.memory_space<hbm>> -> memref<128x256xf32, #tpu.memory_space<hbm>>
          tpu.wait_dma2 semaphore(%arg11 : memref<!tpu.dma_semaphore, #tpu.memory_space<semaphore_mem>>) src(%arg7 : memref<128x256xf32, #tpu.memory_space<vmem>>) dst(%dma_wait3A_68 : memref<128x256xf32, #tpu.memory_space<hbm>>)
        } else {
        }
        %mul3A_56 = arith.constant 128 : i32
        %mul3A_57 = arith.muli %add3A_37, %mul3A_56 : i32
        %multiple_of3A_58 = tpu.assume_multiple %mul3A_57, 8 : i32
        %dma_start3A = tpu.memref_slice %arg5[%multiple_of3A_58] : memref<5000xi32, #tpu.memory_space<vmem>> -> memref<128xi32, #tpu.memory_space<vmem>>
        %dma_start3A_59 = arith.constant 0 : i32
        %dma_start3A_60 = arith.constant 0 : i32
        %dma_start3A_61 = tpu.memref_slice %arg2[%dma_start3A_59, %dma_start3A_60] : memref<10000x256xf32, #tpu.memory_space<hbm>> -> memref<10000x256xf32, #tpu.memory_space<hbm>>
        tpu.enqueue_indirect_dma source(%dma_start3A_61 : memref<10000x256xf32, #tpu.memory_space<hbm>>) target(%arg7 : memref<128x256xf32, #tpu.memory_space<vmem>>) offsets(%dma_start3A : memref<128xi32, #tpu.memory_space<vmem>>) semaphore(%arg9 : memref<!tpu.dma_semaphore, #tpu.memory_space<semaphore_mem>>)
      } else {
      }
      %ge3A_43 = arith.constant 1 : i32
      %ge3A_44 = arith.cmpi sge, %add3A_37, %ge3A_43 : i32
      %le3A_45 = arith.constant 39 : i32
      %le3A_46 = arith.cmpi sle, %add3A_37, %le3A_45 : i32
      %and3A_47 = arith.andi %ge3A_44, %le3A_46 : i1
      %convert_element_type3A_48 = arith.extui %and3A_47 : i1 to i32
      %cond3A_49 = arith.constant 0 : i32
      %cond3A_50 = arith.cmpi ne, %convert_element_type3A_48, %cond3A_49 : i32
      scf.if %cond3A_50 {
        %dma_wait3A_51 = arith.constant 0 : i32
        %dma_wait3A_52 = arith.constant 0 : i32
        %dma_wait3A_53 = tpu.memref_slice %arg2[%dma_wait3A_51, %dma_wait3A_52] : memref<10000x256xf32, #tpu.memory_space<hbm>> -> memref<128x256xf32, #tpu.memory_space<hbm>>
        %dma_wait3A_54 = arith.constant 0 : i32
        %dma_wait3A_55 = arith.constant 0 : i32
        %dma_wait3A_56 = tpu.memref_slice %arg2[%dma_wait3A_54, %dma_wait3A_55] : memref<10000x256xf32, #tpu.memory_space<hbm>> -> memref<128x256xf32, #tpu.memory_space<hbm>>
        tpu.wait_dma2 semaphore(%arg8 : memref<!tpu.dma_semaphore, #tpu.memory_space<semaphore_mem>>) src(%dma_wait3A_56 : memref<128x256xf32, #tpu.memory_space<hbm>>) dst(%arg6 : memref<128x256xf32, #tpu.memory_space<vmem>>)
        %sub3A = arith.constant 1 : i32
        %sub3A_57 = arith.subi %add3A_37, %sub3A : i32
        %mul3A_58 = arith.constant 128 : i32
        %mul3A_59 = arith.muli %sub3A_57, %mul3A_58 : i32
        %add3A_60 = arith.addi %mul3A_2, %mul3A_59 : i32
        %multiple_of3A_61 = tpu.assume_multiple %add3A_60, 8 : i32
        %dma_start3A = arith.constant 0 : i32
        %dma_start3A_62 = tpu.memref_slice %arg4[%multiple_of3A_61, %dma_start3A] : memref<160000x256xf32, #tpu.memory_space<hbm>> -> memref<128x256xf32, #tpu.memory_space<hbm>>
        %dma_start3A_63 = arith.constant 0 : i32
        %dma_start3A_64 = tpu.memref_slice %arg4[%multiple_of3A_61, %dma_start3A_63] : memref<160000x256xf32, #tpu.memory_space<hbm>> -> memref<128x256xf32, #tpu.memory_space<hbm>>
        tpu.enqueue_dma source(%arg6 : memref<128x256xf32, #tpu.memory_space<vmem>>) target(%dma_start3A_64 : memref<128x256xf32, #tpu.memory_space<hbm>>) target_semaphore(%arg10 : memref<!tpu.dma_semaphore, #tpu.memory_space<semaphore_mem>>)
      } else {
      }
    }
    %scan3A_7 = arith.constant 20 : i32
    %add3A_8 = arith.constant 0 : i32
    %add3A_9 = arith.addi %mul3A_2, %add3A_8 : i32
    %multiple_of3A = tpu.assume_multiple %add3A_9, 8 : i32
    %dma_wait3A = arith.constant 0 : i32
    %dma_wait3A_10 = tpu.memref_slice %arg4[%multiple_of3A, %dma_wait3A] : memref<160000x256xf32, #tpu.memory_space<hbm>> -> memref<128x256xf32, #tpu.memory_space<hbm>>
    %dma_wait3A_11 = arith.constant 0 : i32
    %dma_wait3A_12 = tpu.memref_slice %arg4[%multiple_of3A, %dma_wait3A_11] : memref<160000x256xf32, #tpu.memory_space<hbm>> -> memref<128x256xf32, #tpu.memory_space<hbm>>
    tpu.wait_dma2 semaphore(%arg10 : memref<!tpu.dma_semaphore, #tpu.memory_space<semaphore_mem>>) src(%arg6 : memref<128x256xf32, #tpu.memory_space<vmem>>) dst(%dma_wait3A_12 : memref<128x256xf32, #tpu.memory_space<hbm>>)
    %add3A_13 = arith.constant 0 : i32
    %add3A_14 = arith.addi %mul3A_2, %add3A_13 : i32
    %multiple_of3A_15 = tpu.assume_multiple %add3A_14, 8 : i32
    %dma_wait3A_16 = arith.constant 0 : i32
    %dma_wait3A_17 = tpu.memref_slice %arg4[%multiple_of3A_15, %dma_wait3A_16] : memref<160000x256xf32, #tpu.memory_space<hbm>> -> memref<128x256xf32, #tpu.memory_space<hbm>>
    %dma_wait3A_18 = arith.constant 0 : i32
    %dma_wait3A_19 = tpu.memref_slice %arg4[%multiple_of3A_15, %dma_wait3A_18] : memref<160000x256xf32, #tpu.memory_space<hbm>> -> memref<128x256xf32, #tpu.memory_space<hbm>>
    tpu.wait_dma2 semaphore(%arg11 : memref<!tpu.dma_semaphore, #tpu.memory_space<semaphore_mem>>) src(%arg7 : memref<128x256xf32, #tpu.memory_space<vmem>>) dst(%dma_wait3A_19 : memref<128x256xf32, #tpu.memory_space<hbm>>)
    "tpu.region"() ({
      %run_scoped3A = tpu.sem_alloc : memref<!tpu.dma_semaphore, #tpu.memory_space<semaphore_mem>>
      %dma_start3A = arith.constant 0 : i32
      %dma_start3A_22 = arith.constant 0 : i32
      %dma_start3A_23 = tpu.memref_slice %arg6[%dma_start3A, %dma_start3A_22] : memref<128x256xf32, #tpu.memory_space<vmem>> -> memref<8x256xf32, #tpu.memory_space<vmem>>
      %dma_start3A_24 = arith.constant 4992 : i32
      %dma_start3A_25 = tpu.memref_slice %arg5[%dma_start3A_24] : memref<5000xi32, #tpu.memory_space<vmem>> -> memref<8xi32, #tpu.memory_space<vmem>>
      %dma_start3A_26 = arith.constant 0 : i32
      %dma_start3A_27 = arith.constant 0 : i32
      %dma_start3A_28 = tpu.memref_slice %arg2[%dma_start3A_26, %dma_start3A_27] : memref<10000x256xf32, #tpu.memory_space<hbm>> -> memref<10000x256xf32, #tpu.memory_space<hbm>>
      tpu.enqueue_indirect_dma source(%dma_start3A_28 : memref<10000x256xf32, #tpu.memory_space<hbm>>) target(%dma_start3A_23 : memref<8x256xf32, #tpu.memory_space<vmem>>) offsets(%dma_start3A_25 : memref<8xi32, #tpu.memory_space<vmem>>) semaphore(%run_scoped3A : memref<!tpu.dma_semaphore, #tpu.memory_space<semaphore_mem>>)
      %dma_wait3A_29 = arith.constant 0 : i32
      %dma_wait3A_30 = arith.constant 0 : i32
      %dma_wait3A_31 = tpu.memref_slice %arg6[%dma_wait3A_29, %dma_wait3A_30] : memref<128x256xf32, #tpu.memory_space<vmem>> -> memref<8x256xf32, #tpu.memory_space<vmem>>
      %dma_wait3A_32 = arith.constant 4992 : i32
      %dma_wait3A_33 = tpu.memref_slice %arg5[%dma_wait3A_32] : memref<5000xi32, #tpu.memory_space<vmem>> -> memref<8xi32, #tpu.memory_space<vmem>>
      %dma_wait3A_34 = arith.constant 0 : i32
      %dma_wait3A_35 = arith.constant 0 : i32
      %dma_wait3A_36 = tpu.memref_slice %arg2[%dma_wait3A_34, %dma_wait3A_35] : memref<10000x256xf32, #tpu.memory_space<hbm>> -> memref<10000x256xf32, #tpu.memory_space<hbm>>
      tpu.wait_indirect_dma semaphore(%run_scoped3A : memref<!tpu.dma_semaphore, #tpu.memory_space<semaphore_mem>>) src(%dma_wait3A_36 : memref<10000x256xf32, #tpu.memory_space<hbm>>) dst(%dma_wait3A_31 : memref<8x256xf32, #tpu.memory_space<vmem>>)
      tpu.yield
    }) : () -> ()
    %add3A_20 = arith.constant 4992 : i32
    %add3A_21 = arith.addi %mul3A_2, %add3A_20 : i32
    "tpu.region"() ({
      %run_scoped3A = tpu.sem_alloc : memref<!tpu.dma_semaphore, #tpu.memory_space<semaphore_mem>>
      %dma_start3A = arith.constant 0 : i32
      %dma_start3A_22 = arith.constant 0 : i32
      %dma_start3A_23 = tpu.memref_slice %arg6[%dma_start3A, %dma_start3A_22] : memref<128x256xf32, #tpu.memory_space<vmem>> -> memref<8x256xf32, #tpu.memory_space<vmem>>
      %dma_start3A_24 = arith.constant 0 : i32
      %dma_start3A_25 = tpu.memref_slice %arg4[%add3A_21, %dma_start3A_24] : memref<160000x256xf32, #tpu.memory_space<hbm>> -> memref<8x256xf32, #tpu.memory_space<hbm>>
      %dma_start3A_26 = arith.constant 0 : i32
      %dma_start3A_27 = tpu.memref_slice %arg4[%add3A_21, %dma_start3A_26] : memref<160000x256xf32, #tpu.memory_space<hbm>> -> memref<8x256xf32, #tpu.memory_space<hbm>>
      %dma_start3A_28 = arith.constant 0 : i32
      %dma_start3A_29 = arith.constant 0 : i32
      %dma_start3A_30 = tpu.memref_slice %arg6[%dma_start3A_28, %dma_start3A_29] : memref<128x256xf32, #tpu.memory_space<vmem>> -> memref<8x256xf32, #tpu.memory_space<vmem>>
      tpu.enqueue_dma source(%dma_start3A_30 : memref<8x256xf32, #tpu.memory_space<vmem>>) target(%dma_start3A_27 : memref<8x256xf32, #tpu.memory_space<hbm>>) target_semaphore(%run_scoped3A : memref<!tpu.dma_semaphore, #tpu.memory_space<semaphore_mem>>)
      %dma_wait3A_31 = arith.constant 0 : i32
      %dma_wait3A_32 = arith.constant 0 : i32
      %dma_wait3A_33 = tpu.memref_slice %arg6[%dma_wait3A_31, %dma_wait3A_32] : memref<128x256xf32, #tpu.memory_space<vmem>> -> memref<8x256xf32, #tpu.memory_space<vmem>>
      %dma_wait3A_34 = arith.constant 0 : i32
      %dma_wait3A_35 = tpu.memref_slice %arg4[%add3A_21, %dma_wait3A_34] : memref<160000x256xf32, #tpu.memory_space<hbm>> -> memref<8x256xf32, #tpu.memory_space<hbm>>
      %dma_wait3A_36 = arith.constant 0 : i32
      %dma_wait3A_37 = tpu.memref_slice %arg4[%add3A_21, %dma_wait3A_36] : memref<160000x256xf32, #tpu.memory_space<hbm>> -> memref<8x256xf32, #tpu.memory_space<hbm>>
      %dma_wait3A_38 = arith.constant 0 : i32
      %dma_wait3A_39 = arith.constant 0 : i32
      %dma_wait3A_40 = tpu.memref_slice %arg6[%dma_wait3A_38, %dma_wait3A_39] : memref<128x256xf32, #tpu.memory_space<vmem>> -> memref<8x256xf32, #tpu.memory_space<vmem>>
      tpu.wait_dma2 semaphore(%run_scoped3A : memref<!tpu.dma_semaphore, #tpu.memory_space<semaphore_mem>>) src(%dma_wait3A_40 : memref<8x256xf32, #tpu.memory_space<vmem>>) dst(%dma_wait3A_37 : memref<8x256xf32, #tpu.memory_space<hbm>>)
      tpu.yield
    }) : () -> ()
    return
  }
}

module attributes {stable_mosaic.version = 14 : i64} {
  func.func @_edge_ffn_body(%arg0: i32, %arg1: memref<4000x256xf32, #tpu.memory_space<vmem>>, %arg2: memref<4000x256xf32, #tpu.memory_space<vmem>>, %arg3: memref<4000x256xf32, #tpu.memory_space<vmem>>, %arg4: memref<256x256xf32, #tpu.memory_space<vmem>>, %arg5: memref<1x256xf32, #tpu.memory_space<vmem>>, %arg6: memref<4000x256xf32, #tpu.memory_space<vmem>>) attributes {dimension_semantics = [#tpu.dimension_semantics<arbitrary>], iteration_bounds = array<i64: 40>, scalar_prefetch = 0 : i64, scratch_operands = 0 : i64, tpu.core_type = #tpu.core_type<tc>, window_params = [{transform_indices = @transform_0, window_bounds = array<i64: 4000, 256>}, {transform_indices = @transform_1, window_bounds = array<i64: 4000, 256>}, {transform_indices = @transform_2, window_bounds = array<i64: 4000, 256>}, {pipeline_mode = #tpu.pipeline_mode<synchronous>, transform_indices = @transform_3, window_bounds = array<i64: 256, 256>}, {pipeline_mode = #tpu.pipeline_mode<synchronous>, transform_indices = @transform_4, window_bounds = array<i64: 1, 256>}, {transform_indices = @transform_5, window_bounds = array<i64: 4000, 256>}]} {
    %get3A = arith.constant 0 : index
    %get3A_0 = arith.constant 0 : index
    %get3A_1 = vector.load %arg1[%get3A, %get3A_0] : memref<4000x256xf32, #tpu.memory_space<vmem>>, vector<4000x256xf32>
    %get3A_2 = arith.constant 0 : index
    %get3A_3 = arith.constant 0 : index
    %get3A_4 = vector.load %arg2[%get3A_2, %get3A_3] : memref<4000x256xf32, #tpu.memory_space<vmem>>, vector<4000x256xf32>
    %add3A = arith.addf %get3A_1, %get3A_4 : vector<4000x256xf32>
    %get3A_5 = arith.constant 0 : index
    %get3A_6 = arith.constant 0 : index
    %get3A_7 = vector.load %arg4[%get3A_5, %get3A_6] : memref<256x256xf32, #tpu.memory_space<vmem>>, vector<256x256xf32>
    %dot_general3A = arith.constant dense<0.000000e+00> : vector<4000x256xf32>
    %dot_general3A_8 = tpu.matmul %add3A, %get3A_7, %dot_general3A {dimension_numbers = #tpu.dot_dimension_numbers<[1], [0], [0], [1], [0, 0, 1, 1], [], []>, transpose_lhs_hint = false} : vector<4000x256xf32>, vector<256x256xf32>, vector<4000x256xf32> -> vector<4000x256xf32>
    %get3A_9 = arith.constant 0 : index
    %get3A_10 = arith.constant 0 : index
    %get3A_11 = vector.load %arg5[%get3A_9, %get3A_10] : memref<1x256xf32, #tpu.memory_space<vmem>>, vector<1x256xf32>
    %add3A_12 = vector.broadcast %get3A_11 : vector<1x256xf32> to vector<4000x256xf32>
    %add3A_13 = arith.addf %dot_general3A_8, %add3A_12 : vector<4000x256xf32>
    %mul3A = arith.constant 5.000000e-01 : f32
    %mul3A_14 = vector.broadcast %mul3A : f32 to vector<4000x256xf32>
    %mul3A_15 = arith.mulf %mul3A_14, %add3A_13 : vector<4000x256xf32>
    %mul3A_16 = arith.constant 0.707106769 : f32
    %mul3A_17 = vector.broadcast %mul3A_16 : f32 to vector<4000x256xf32>
    %mul3A_18 = arith.mulf %add3A_13, %mul3A_17 : vector<4000x256xf32>
    %erf3A = math.erf %mul3A_18 : vector<4000x256xf32>
    %add3A_19 = arith.constant 1.000000e+00 : f32
    %add3A_20 = vector.broadcast %add3A_19 : f32 to vector<4000x256xf32>
    %add3A_21 = arith.addf %add3A_20, %erf3A : vector<4000x256xf32>
    %mul3A_22 = arith.mulf %mul3A_15, %add3A_21 : vector<4000x256xf32>
    %get3A_23 = arith.constant 0 : index
    %get3A_24 = arith.constant 0 : index
    %get3A_25 = vector.load %arg3[%get3A_23, %get3A_24] : memref<4000x256xf32, #tpu.memory_space<vmem>>, vector<4000x256xf32>
    %mul3A_26 = arith.mulf %mul3A_22, %get3A_25 : vector<4000x256xf32>
    %swap3A = arith.constant 0 : index
    %swap3A_27 = arith.constant 0 : index
    %swap3A_28 = vector.load %arg6[%swap3A, %swap3A_27] : memref<4000x256xf32, #tpu.memory_space<vmem>>, vector<4000x256xf32>
    tpu.vector_store %arg6[%swap3A, %swap3A_27], %mul3A_26 {strides = array<i32>} : memref<4000x256xf32, #tpu.memory_space<vmem>>, vector<4000x256xf32>,
    return
  }
  func.func @transform_0(%arg0: i32) -> (i32, i32) {
    %c0_i32 = arith.constant 0 : i32
    %c0_i32_0 = arith.constant 0 : i32
    return %arg0, %c0_i32 : i32, i32
  }
  func.func @transform_1(%arg0: i32) -> (i32, i32) {
    %c0_i32 = arith.constant 0 : i32
    %c0_i32_0 = arith.constant 0 : i32
    return %arg0, %c0_i32 : i32, i32
  }
  func.func @transform_2(%arg0: i32) -> (i32, i32) {
    %c0_i32 = arith.constant 0 : i32
    %c0_i32_0 = arith.constant 0 : i32
    return %arg0, %c0_i32 : i32, i32
  }
  func.func @transform_3(%arg0: i32) -> (i32, i32) {
    %c0_i32 = arith.constant 0 : i32
    %c0_i32_0 = arith.constant 0 : i32
    %c0_i32_1 = arith.constant 0 : i32
    return %c0_i32, %c0_i32_0 : i32, i32
  }
  func.func @transform_4(%arg0: i32) -> (i32, i32) {
    %c0_i32 = arith.constant 0 : i32
    %c0_i32_0 = arith.constant 0 : i32
    %c0_i32_1 = arith.constant 0 : i32
    return %c0_i32, %c0_i32_0 : i32, i32
  }
  func.func @transform_5(%arg0: i32) -> (i32, i32) {
    %c0_i32 = arith.constant 0 : i32
    %c0_i32_0 = arith.constant 0 : i32
    return %arg0, %c0_i32 : i32, i32
  }
}

module attributes {stable_mosaic.version = 14 : i64} {
  func.func @_node_ffn_body(%arg0: memref<10000x256xf32, #tpu.memory_space<vmem>>, %arg1: memref<256x256xf32, #tpu.memory_space<vmem>>, %arg2: memref<1x256xf32, #tpu.memory_space<vmem>>, %arg3: memref<1x256xf32, #tpu.memory_space<vmem>>, %arg4: memref<1x256xf32, #tpu.memory_space<vmem>>, %arg5: memref<256x256xf32, #tpu.memory_space<vmem>>, %arg6: memref<1x256xf32, #tpu.memory_space<vmem>>, %arg7: memref<1x256xf32, #tpu.memory_space<vmem>>, %arg8: memref<1x256xf32, #tpu.memory_space<vmem>>, %arg9: memref<10000x256xf32, #tpu.memory_space<vmem>>) attributes {dimension_semantics = [], scalar_prefetch = 0 : i64, scratch_operands = 0 : i64, tpu.core_type = #tpu.core_type<tc>} {
    %get3A = arith.constant 0 : index
    %get3A_0 = arith.constant 0 : index
    %get3A_1 = vector.load %arg0[%get3A, %get3A_0] : memref<10000x256xf32, #tpu.memory_space<vmem>>, vector<10000x256xf32>
    %get3A_2 = arith.constant 0 : index
    %get3A_3 = arith.constant 0 : index
    %get3A_4 = vector.load %arg1[%get3A_2, %get3A_3] : memref<256x256xf32, #tpu.memory_space<vmem>>, vector<256x256xf32>
    %dot_general3A = arith.constant dense<0.000000e+00> : vector<10000x256xf32>
    %dot_general3A_5 = tpu.matmul %get3A_1, %get3A_4, %dot_general3A {dimension_numbers = #tpu.dot_dimension_numbers<[1], [0], [0], [1], [0, 0, 1, 1], [], []>, transpose_lhs_hint = false} : vector<10000x256xf32>, vector<256x256xf32>, vector<10000x256xf32> -> vector<10000x256xf32>
    %get3A_6 = arith.constant 0 : index
    %get3A_7 = arith.constant 0 : index
    %get3A_8 = vector.load %arg2[%get3A_6, %get3A_7] : memref<1x256xf32, #tpu.memory_space<vmem>>, vector<1x256xf32>
    %add3A = vector.broadcast %get3A_8 : vector<1x256xf32> to vector<10000x256xf32>
    %add3A_9 = arith.addf %dot_general3A_5, %add3A : vector<10000x256xf32>
    %reduce_sum3A = arith.constant dense<0.000000e+00> : vector<256xf32>
    %reduce_sum3A_10 = vector.multi_reduction <add>, %add3A_9, %reduce_sum3A [0] : vector<10000x256xf32> to vector<256xf32>
    %broadcast_in_dim3A = vector.shape_cast %reduce_sum3A_10 : vector<256xf32> to vector<1x256xf32>
    %div3A = arith.constant 1.000000e+04 : f32
    %div3A_11 = vector.broadcast %div3A : f32 to vector<1x256xf32>
    %div3A_12 = arith.divf %broadcast_in_dim3A, %div3A_11 : vector<1x256xf32>
    %sub3A = vector.broadcast %div3A_12 : vector<1x256xf32> to vector<10000x256xf32>
    %sub3A_13 = arith.subf %add3A_9, %sub3A : vector<10000x256xf32>
    %sub3A_14 = vector.broadcast %div3A_12 : vector<1x256xf32> to vector<10000x256xf32>
    %sub3A_15 = arith.subf %add3A_9, %sub3A_14 : vector<10000x256xf32>
    %mul3A = arith.mulf %sub3A_13, %sub3A_15 : vector<10000x256xf32>
    %reduce_sum3A_16 = arith.constant dense<0.000000e+00> : vector<256xf32>
    %reduce_sum3A_17 = vector.multi_reduction <add>, %mul3A, %reduce_sum3A_16 [0] : vector<10000x256xf32> to vector<256xf32>
    %broadcast_in_dim3A_18 = vector.shape_cast %reduce_sum3A_17 : vector<256xf32> to vector<1x256xf32>
    %div3A_19 = arith.constant 1.000000e+04 : f32
    %div3A_20 = vector.broadcast %div3A_19 : f32 to vector<1x256xf32>
    %div3A_21 = arith.divf %broadcast_in_dim3A_18, %div3A_20 : vector<1x256xf32>
    %sub3A_22 = vector.broadcast %div3A_12 : vector<1x256xf32> to vector<10000x256xf32>
    %sub3A_23 = arith.subf %add3A_9, %sub3A_22 : vector<10000x256xf32>
    %add3A_24 = arith.constant 9.99999974E-6 : f32
    %add3A_25 = vector.broadcast %add3A_24 : f32 to vector<1x256xf32>
    %add3A_26 = arith.addf %div3A_21, %add3A_25 : vector<1x256xf32>
    %rsqrt3A = math.rsqrt %add3A_26 : vector<1x256xf32>
    %mul3A_27 = vector.broadcast %rsqrt3A : vector<1x256xf32> to vector<10000x256xf32>
    %mul3A_28 = arith.mulf %sub3A_23, %mul3A_27 : vector<10000x256xf32>
    %get3A_29 = arith.constant 0 : index
    %get3A_30 = arith.constant 0 : index
    %get3A_31 = vector.load %arg3[%get3A_29, %get3A_30] : memref<1x256xf32, #tpu.memory_space<vmem>>, vector<1x256xf32>
    %mul3A_32 = vector.broadcast %get3A_31 : vector<1x256xf32> to vector<10000x256xf32>
    %mul3A_33 = arith.mulf %mul3A_28, %mul3A_32 : vector<10000x256xf32>
    %get3A_34 = arith.constant 0 : index
    %get3A_35 = arith.constant 0 : index
    %get3A_36 = vector.load %arg4[%get3A_34, %get3A_35] : memref<1x256xf32, #tpu.memory_space<vmem>>, vector<1x256xf32>
    %add3A_37 = vector.broadcast %get3A_36 : vector<1x256xf32> to vector<10000x256xf32>
    %add3A_38 = arith.addf %mul3A_33, %add3A_37 : vector<10000x256xf32>
    %max3A = arith.constant 0.000000e+00 : f32
    %max3A_39 = vector.broadcast %max3A : f32 to vector<10000x256xf32>
    %max3A_40 = arith.maximumf %add3A_38, %max3A_39 : vector<10000x256xf32>
    %get3A_41 = arith.constant 0 : index
    %get3A_42 = arith.constant 0 : index
    %get3A_43 = vector.load %arg5[%get3A_41, %get3A_42] : memref<256x256xf32, #tpu.memory_space<vmem>>, vector<256x256xf32>
    %dot_general3A_44 = arith.constant dense<0.000000e+00> : vector<10000x256xf32>
    %dot_general3A_45 = tpu.matmul %max3A_40, %get3A_43, %dot_general3A_44 {dimension_numbers = #tpu.dot_dimension_numbers<[1], [0], [0], [1], [0, 0, 1, 1], [], []>, transpose_lhs_hint = false} : vector<10000x256xf32>, vector<256x256xf32>, vector<10000x256xf32> -> vector<10000x256xf32>
    %get3A_46 = arith.constant 0 : index
    %get3A_47 = arith.constant 0 : index
    %get3A_48 = vector.load %arg6[%get3A_46, %get3A_47] : memref<1x256xf32, #tpu.memory_space<vmem>>, vector<1x256xf32>
    %add3A_49 = vector.broadcast %get3A_48 : vector<1x256xf32> to vector<10000x256xf32>
    %add3A_50 = arith.addf %dot_general3A_45, %add3A_49 : vector<10000x256xf32>
    %reduce_sum3A_51 = arith.constant dense<0.000000e+00> : vector<256xf32>
    %reduce_sum3A_52 = vector.multi_reduction <add>, %add3A_50, %reduce_sum3A_51 [0] : vector<10000x256xf32> to vector<256xf32>
    %broadcast_in_dim3A_53 = vector.shape_cast %reduce_sum3A_52 : vector<256xf32> to vector<1x256xf32>
    %div3A_54 = arith.constant 1.000000e+04 : f32
    %div3A_55 = vector.broadcast %div3A_54 : f32 to vector<1x256xf32>
    %div3A_56 = arith.divf %broadcast_in_dim3A_53, %div3A_55 : vector<1x256xf32>
    %sub3A_57 = vector.broadcast %div3A_56 : vector<1x256xf32> to vector<10000x256xf32>
    %sub3A_58 = arith.subf %add3A_50, %sub3A_57 : vector<10000x256xf32>
    %sub3A_59 = vector.broadcast %div3A_56 : vector<1x256xf32> to vector<10000x256xf32>
    %sub3A_60 = arith.subf %add3A_50, %sub3A_59 : vector<10000x256xf32>
    %mul3A_61 = arith.mulf %sub3A_58, %sub3A_60 : vector<10000x256xf32>
    %reduce_sum3A_62 = arith.constant dense<0.000000e+00> : vector<256xf32>
    %reduce_sum3A_63 = vector.multi_reduction <add>, %mul3A_61, %reduce_sum3A_62 [0] : vector<10000x256xf32> to vector<256xf32>
    %broadcast_in_dim3A_64 = vector.shape_cast %reduce_sum3A_63 : vector<256xf32> to vector<1x256xf32>
    %div3A_65 = arith.constant 1.000000e+04 : f32
    %div3A_66 = vector.broadcast %div3A_65 : f32 to vector<1x256xf32>
    %div3A_67 = arith.divf %broadcast_in_dim3A_64, %div3A_66 : vector<1x256xf32>
    %sub3A_68 = vector.broadcast %div3A_56 : vector<1x256xf32> to vector<10000x256xf32>
    %sub3A_69 = arith.subf %add3A_50, %sub3A_68 : vector<10000x256xf32>
    %add3A_70 = arith.constant 9.99999974E-6 : f32
    %add3A_71 = vector.broadcast %add3A_70 : f32 to vector<1x256xf32>
    %add3A_72 = arith.addf %div3A_67, %add3A_71 : vector<1x256xf32>
    %rsqrt3A_73 = math.rsqrt %add3A_72 : vector<1x256xf32>
    %mul3A_74 = vector.broadcast %rsqrt3A_73 : vector<1x256xf32> to vector<10000x256xf32>
    %mul3A_75 = arith.mulf %sub3A_69, %mul3A_74 : vector<10000x256xf32>
    %get3A_76 = arith.constant 0 : index
    %get3A_77 = arith.constant 0 : index
    %get3A_78 = vector.load %arg7[%get3A_76, %get3A_77] : memref<1x256xf32, #tpu.memory_space<vmem>>, vector<1x256xf32>
    %mul3A_79 = vector.broadcast %get3A_78 : vector<1x256xf32> to vector<10000x256xf32>
    %mul3A_80 = arith.mulf %mul3A_75, %mul3A_79 : vector<10000x256xf32>
    %get3A_81 = arith.constant 0 : index
    %get3A_82 = arith.constant 0 : index
    %get3A_83 = vector.load %arg8[%get3A_81, %get3A_82] : memref<1x256xf32, #tpu.memory_space<vmem>>, vector<1x256xf32>
    %add3A_84 = vector.broadcast %get3A_83 : vector<1x256xf32> to vector<10000x256xf32>
    %add3A_85 = arith.addf %mul3A_80, %add3A_84 : vector<10000x256xf32>
    %max3A_86 = arith.constant 0.000000e+00 : f32
    %max3A_87 = vector.broadcast %max3A_86 : f32 to vector<10000x256xf32>
    %max3A_88 = arith.maximumf %add3A_85, %max3A_87 : vector<10000x256xf32>
    %add3A_89 = arith.addf %get3A_1, %max3A_88 : vector<10000x256xf32>
    %swap3A = arith.constant 0 : index
    %swap3A_90 = arith.constant 0 : index
    %swap3A_91 = vector.load %arg9[%swap3A, %swap3A_90] : memref<10000x256xf32, #tpu.memory_space<vmem>>, vector<10000x256xf32>
    tpu.vector_store %arg9[%swap3A, %swap3A_90], %add3A_89 {strides = array<i32>} : memref<10000x256xf32, #tpu.memory_space<vmem>>, vector<10000x256xf32>,
    return
  }
}

</mosaic_0001>

<sc_bundles>
// kernel: kernel.6.cloned.1.call-start
scs
__scs_entry_jumppad:
0x0: {  	(pc) =	sbr.rel $0x88, $3  }
0x1: {  	(tag) =	ssettag $0x0;
	lr =	simm.s32 $0x1  }
0x2: {  	[smem:$0x3F93] =	sst lr;
	_ =	strace $0xD0000000  }
0x3: {  	_ = 	snop  }
0x4: {  	_ = 	snop  }
0x5: {  	_ = 	snop  }
0x6: {  	_ = 	snop  }
0x7: {  	_ = 	snop  }
__scs_overlays_trampoline_lowered:
0x8: {  	[smem:$0x3FA2] =	sst s0  }
0x9: {  	[smem:$0x3FA3] =	sst s1  }
0xa: {  	[smem:$0x3FA4] =	sst s2  }
0xb: {  	[smem:$0x3FA5] =	sst s3  }
0xc: {  	[smem:$0x3FA6] =	sst s4  }
0xd: {  	[smem:$0x3FA7] =	sst s5  }
0xe: {  	[smem:$0x3FA8] =	sst s6  }
0xf: {  	[smem:$0x3FA9] =	sst s7  }
0x10: {  	[smem:$0x3FAA] =	sst s8  }
0x11: {  	[smem:$0x3FAB] =	sst s9;
	s0 =	simm.s32 @!p0 $0x0  }
0x12: {  	s1 =	sld [smem:$0x3F91];
	s0 =	simm.s32 @p0 $0x1  }
0x13: {  	[smem:$0x3FAC] =	sst s0;
	s0 =	simm.s32 @!p1 $0x0  }
0x14: {  	s2 =	sld [smem:$0x3F90];
	s0 =	simm.s32 @p1 $0x1  }
0x15: {  	[smem:$0x3FAD] =	sst s0;
	s0 =	simm.s32 @!p2 $0x0  }
0x16: {  	s3 =	sld [smem:$0x3FDB];
	s0 =	simm.s32 @p2 $0x1  }
0x17: {  	s4 =	simm.s32 $0x1BF5;
	[smem:$0x3FAF] =	sst s0  }
0x18: {  	s0 =	sld [smem:$0x3F92];
	_ =	swait.ge [sflag:s4], $0x0  }
0x19: {  	s7 =	sld [smem:$0x3F93]  }
0x1a: {  	s8 =	sadd.s32 $0xFFFFE003, lr  }
0x1b: {  	s9 =	sadd.s32 $0xFFFFFEF7, lr;
	s5 =	simm.s32 $0xFFFFFFFF;
	p2 =	slt.u32 s8, $0xFFFFF086  }
0x1c: {  	p1 =	slt.u32 s9, $0xF7A;
	s5 =	simm.s32 @!p2 $0x0  }
0x1d: {  	s5 =	simm.s32 @p1 $0x1;
	p0 =	seq.s32 s7, s2  }
0x1e: {  	s7 =	smul.u32 @!p0 $0xF7A, s2;
	p2 =	seq.s32 @!p0 s5, $0x0  }
0x1f: {  	s9 =	smul.u32 $0xF7A, s1;
	s8 =	simm.s32 @!p0 $0x1BF5;
	p2 =	por !p2, p0  }
0x20: {  	[sflag:s8] =	ssyncset.s32 @!p0 $0xFFFFF086;
	s6 =	sadd.s32 @!p0 s3, s7;
	s7 =	simm.s32 @!p0 $0x108  }
0x21: {  	s3 =	sadd.s32 s3, s9;
	s6 =	sadd.s32 @!p0 $0x88, s6;
	s7 =	simm.s32 @p2 $0x1082  }
0x22: {  	[simem:s7], [sflag:s8] =	dma.local @!p0 [hbm:s6], $0xF7A  }
0x23: {  	s9 =	sor.u32 $0xD0000000, s2;
	s6 =	simm.s32 $0x108;
	_ =	swait.ge @!p0 [sflag:s8], $0x0  }
0x24: {  	s3 =	sadd.s32 $0x88, s3;
	s6 =	simm.s32 @!p1 $0x1082;
	[sflag:s4] =	ssyncset.s32 $0xFFFFF086  }
0x25: {  	[simem:s6], [sflag:s4] =	dma.local [hbm:s3], $0xF7A  }
0x26: {  	[smem:$0x3F93] =	sst s1;
	(tag) =	ssettag s2;
	_ =	strace s9  }
0x27: {  	s1 =	sld [smem:$0x3FA3]  }
0x28: {  	s2 =	sld [smem:$0x3FA4]  }
0x29: {  	s4 =	sld [smem:$0x3FA6]  }
0x2a: {  	p0 =	seq.s32 s5, $0x0;
	s5 =	sld [smem:$0x3FA7]  }
0x2b: {  	s6 =	sld [smem:$0x3FA8]  }
0x2c: {  	s7 =	sld [smem:$0x3FA9]  }
0x2d: {  	s3 =	simm.s32 $0x108;
	s8 =	sld [smem:$0x3FAA]  }
0x2e: {  	s3 =	simm.s32 @!p0 $0x1082;
	s9 =	sld [smem:$0x3FAB]  }
0x2f: {  	lr =	sadd.s32 s0, s3;
	s0 =	sld [smem:$0x3FA2]  }
0x30: {  	s3 =	sld [smem:$0x3FA5]  }
0x31: {  	[smem:$0x3FAE] =	sst s10  }
0x32: {  	s10 =	sld [smem:$0x3FAC];
	_ =	sdelay $0x3  }
0x33: {  	p0 =	seq.s32 s10, $0x1;
	s10 =	sld [smem:$0x3FAE];
	_ =	sdelay $0x3  }
0x34: {  	[smem:$0x3FAE] =	sst s10  }
0x35: {  	s10 =	sld [smem:$0x3FAD];
	_ =	sdelay $0x3  }
0x36: {  	p1 =	seq.s32 s10, $0x1;
	s10 =	sld [smem:$0x3FAE];
	_ =	sdelay $0x3  }
0x37: {  	[smem:$0x3FAE] =	sst s10  }
0x38: {  	s10 =	sld [smem:$0x3FAF]  }
0x39: {  	_ = 	snop;
	(pc) =	sbr.ind lr, $3  }
0x3a: {  	_ = 	snop  }
0x3b: {  	_ = 	snop  }
0x3c: {  	p2 =	seq.s32 s10, $0x1;
	s10 =	sld [smem:$0x3FAE]  }
0x3d: {  	_ =	shalt  }
0x3e: {  	_ =	shalt  }
0x3f: {  	_ =	shalt  }
0x40: {  	_ =	shalt  }
0x41: {  	_ =	shalt  }
0x42: {  	_ =	shalt  }
0x43: {  	_ =	shalt  }
0x44: {  	_ =	shalt  }
0x45: {  	_ =	shalt  }
0x46: {  	_ =	shalt  }
0x47: {  	_ =	shalt  }
0x48: {  	_ =	shalt  }
0x49: {  	_ =	shalt  }
0x4a: {  	_ =	shalt  }
0x4b: {  	_ =	shalt  }
0x4c: {  	_ =	shalt  }
0x4d: {  	_ =	shalt  }
0x4e: {  	_ =	shalt  }
0x4f: {  	_ =	shalt  }
0x50: {  	_ =	shalt  }
0x51: {  	_ =	shalt  }
0x52: {  	_ =	shalt  }
0x53: {  	_ =	shalt  }
0x54: {  	_ =	shalt  }
0x55: {  	_ =	shalt  }
0x56: {  	_ =	shalt  }
0x57: {  	_ =	shalt  }
0x58: {  	_ =	shalt  }
0x59: {  	_ =	shalt  }
0x5a: {  	_ =	shalt  }
0x5b: {  	_ =	shalt  }
0x5c: {  	_ =	shalt  }
0x5d: {  	_ =	shalt  }
0x5e: {  	_ =	shalt  }
0x5f: {  	_ =	shalt  }
0x60: {  	_ =	shalt  }
0x61: {  	_ =	shalt  }
0x62: {  	_ =	shalt  }
0x63: {  	_ =	shalt  }
0x64: {  	_ =	shalt  }
0x65: {  	_ =	shalt  }
0x66: {  	_ =	shalt  }
0x67: {  	_ =	shalt  }
0x68: {  	_ =	shalt  }
0x69: {  	_ =	shalt  }
0x6a: {  	_ =	shalt  }
0x6b: {  	_ =	shalt  }
0x6c: {  	_ =	shalt  }
0x6d: {  	_ =	shalt  }
0x6e: {  	_ =	shalt  }
0x6f: {  	_ =	shalt  }
0x70: {  	_ =	shalt  }
0x71: {  	_ =	shalt  }
0x72: {  	_ =	shalt  }
0x73: {  	_ =	shalt  }
0x74: {  	_ =	shalt  }
0x75: {  	_ =	shalt  }
0x76: {  	_ =	shalt  }
0x77: {  	_ =	shalt  }
0x78: {  	_ =	shalt  }
0x79: {  	_ =	shalt  }
0x7a: {  	_ =	shalt  }
0x7b: {  	_ =	shalt  }
0x7c: {  	_ =	shalt  }
0x7d: {  	_ =	shalt  }
0x7e: {  	_ =	shalt  }
0x7f: {  	_ =	shalt  }
0x80: {  	_ =	shalt  }
0x81: {  	_ =	shalt  }
0x82: {  	_ =	shalt  }
0x83: {  	_ =	shalt  }
0x84: {  	_ =	shalt  }
0x85: {  	_ =	shalt  }
0x86: {  	_ =	shalt  }
0x87: {  	_ =	shalt  }
.Lfunc_end0:
.L_simem_size_0:
called_computation.1_lowered:
.L_overlay_start_0:
0x88: {  	s2 =	sld [smem:$0x3FD9]  }
0x89: {  	s3 =	sld [smem:$0x3FFE];
	_ =	sdelay $0x1  }
0x8a: {  	s1 =	srdreg.scid  }
0x8b: {  	s0 =	sand.u32 $0x1, s1  }
0x8c: {  	s17 =	sshll.u32 s0, $0xA;
	s2 =	sadd.s32 s3, s2  }
0x8d: {  	s2 =	sadd.s32 s2, s17  }
0x8e: {  	[smem:$0x3FBA] =	sst s2  }
0x8f: {  	_ = 	snop  }
0x90: {  	s2 =	sld [smem:$0x3FC9]  }
0x91: {  	s18 =	sld [smem:$0x3FD0];
	(tm) =	ssettm $0x1  }
0x92: {  	s4 =	sld [smem:$0x3FFB];
	_ =	sdelay $0x3  }
0x93: {  	_ =	strace s4  }
0x94: {  	s4 =	sld [smem:$0x3FFC];
	_ =	sdelay $0x3  }
0x95: {  	_ =	strace s4  }
0x96: {  	s4 =	sld [smem:$0x3FFD];
	_ =	sdelay $0x3  }
0x97: {  	_ =	strace s4  }
0x98: {  	_ =	strace $0x8FFFFFFF  }
0x99: {  	s19 =	sld [smem:$0x3FDB];
	_ =	sdelay $0x1  }
0x9a: {  	s5 =	simm.s32 $_scs_section_size  }
0x9b: {  	s6 =	simm.s32 $_size__tile_overlayer_lowered;
	s7 =	simm.s32 $_tile_overlayer_lowered  }
0x9c: {  	s22 =	simm.s32 $0x1BFF;
	s21 =	sshll.u32 s7, $0x1;
	s4 =	sadd.s32 s5, s19  }
0x9d: {  	s8 =	simm.s32 $0x0;
	s20 =	sshll.u32 s6, $0x1;
	s6 =	sadd.s32 s21, s4  }
0x9e: {  	[timem:s8], [sflag:s22] =	dma.local [hbm:s6], s20  }
0x9f: {  	_ =	swait.ge [sflag:s22], s20  }
0xa0: {  	s5 =	ssub.s32 $0x0, s20;
	[sflag:s22] =	ssyncset.done $0x0  }
0xa1: {  	[sflag:s22] =	ssyncadd.s32 s5;
	_ =	sdelay $0x1  }
0xa2: {  	s23 =	simm.s32 $0x1B8B  }
0xa3: {  	_ =	swait.ge [sflag:s23], $0x1  }
0xa4: {  	[sflag:s23] =	ssyncset.done $0x0  }
0xa5: {  	s25 =	simm.s32 $0x1B8E;
	s24 =	sld [smem:$0x3FFE];
	[sflag:s23] =	ssyncadd.s32 $0xFFFFFFFF  }
0xa6: {  	s26 =	simm.s32 $execute0_lowered;
	[smem:$0x3FD2] =	sst s25  }
0xa7: {  	s6 =	sshll.u32 s26, $0x1;
	_ =	strace $0x80000046;
	[dreg:$0x1] =	wrdreg $0xFFFFFFFF  }
0xa8: {  	s28 =	simm.s32 $_size_execute0_lowered;
	s4 =	sadd.s32 s4, s6;
	[dreg:$0x0] =	wrdreg $0x0  }
0xa9: {  	s6 =	sshll.u32 s28, $0x1;
	[dreg:$0x2] =	wrdreg s4  }
0xaa: {  	[dreg:$0x3] =	wrdreg s6  }
0xab: {  	[dreg:$0x4] =	wrdreg $0xC0  }
0xac: {  	_ =	task [dreg:s8], $0x5FFFF  }
0xad: {  	[dreg:$0x1] =	wrdreg $0xFFFFFFFF  }
0xae: {  	[dreg:$0x0] =	wrdreg $0x60  }
0xaf: {  	[dreg:$0x2] =	wrdreg s2  }
0xb0: {  	[dreg:$0x3] =	wrdreg s18  }
0xb1: {  	[dreg:$0x4] =	wrdreg s24  }
0xb2: {  	[dreg:$0x5] =	wrdreg $0x9  }
0xb3: {  	_ =	task.clear_ibuf [dreg:s8], $0x6FFFF;
	_ =	strace $0x90000046  }
0xb4: {  	s29 =	simm.s32 $0x9;
	_ =	strace $0x80000048  }
0xb5: {  	_ =	swait.ge [sflag:s29], $0x1  }
0xb6: {  	[sflag:s29] =	ssyncadd.s32 $0xFFFFFFFF  }
0xb7: {  	_ =	strace $0x90000048  }
0xb8: {  	_ =	sfence  }
0xb9: {  	s30 =	sld [smem:$0x0];
	_ =	sdelay $0x2  }
0xba: {  	s31 =	sshll.u32 s1, $0xD;
	s1 =	sshrl.u32 s1, $0x2  }
0xbb: {  	s3 =	sand.u32 $0x4000, s31;
	s1 =	sadd.s32 s1, s30  }
0xbc: {  	s0 =	sor.u32 s3, s0;
	s1 =	sshll.u32 s1, $0x11  }
0xbd: {  	s0 =	sor.u32 s1, s0  }
0xbe: {  	s0 =	sadd.s32 $0x8F2B, s0  }
0xbf: {  	[sflag:s0] =	ssyncadd.remote.s32 $0x1  }
0xc0: {  	_ =	sfence.sel $0xFFFF  }
0xc1: {  	[dreg:$0x0] =	wrdreg $0xFFFFFFFF;
	(pc) =	sbr.abs _section_cstart, $3  }
0xc2: {  	[dreg:$0x1] =	wrdreg $0xFFFFFFFF  }
0xc3: {  	_ =	task.clear_ibuf [dreg:s8], $0x2FFFF;
	_ =	strace $0x9FFFFFFF  }
0xc4: {  	(tm) =	ssettm $0x7FFFFFFF  }
0xc5: {  	_ =	shalt  }
tec
execute0_lowered:
.L_overlay_start_1:
0x0: {  	(tag) =	ssettag $0x1  }
0x1: {  	s1 =	rddreg [dreg:$0x0]  }
0x2: {  	s0 =	srdreg.scid;
	s2 =	rddreg [dreg:$0x1]  }
0x3: {  	s11 =	stileid.u32;
	s4 =	rddreg [dreg:$0x2];
	s12 =	simm.s32 $0x2400  }
0x4: {  	s13 =	simm.s32 $0x2C00;
	s14 =	simm.s32 $0x3400;
	s15 =	simm.s32 $0x3C00  }
0x5: {  	s16 =	simm.s32 $0x4400;
	s17 =	simm.s32 $0x4C00;
	s18 =	simm.s32 $0x5400  }
0x6: {  	s19 =	simm.s32 $0x5C00;
	s20 =	simm.s32 $0x6400;
	s21 =	simm.s32 $0x6C00  }
0x7: {  	s28 =	simm.s32 $0xF400;
	s29 =	simm.s32 $0xFC00;
	s8 =	smul.u32 $0x271000, s11  }
0x8: {  	s30 =	simm.s32 $0x10400;
	s0 =	sand.u32 $0x1, s0;
	s22 =	smul.u32 $0x4E200, s11  }
0x9: {  	s31 =	simm.s32 $0x10C00;
	s3 =	sshll.u32 s11, $0x1;
	s10 =	smul.u32 $0x138800, s0  }
0xa: {  	s5 =	sor.u32 s0, s3;
	s7 =	ssub.s32 $0x2, s0;
	s0 =	smul.u32 $0x27100, s0  }
0xb: {  	s4 =	sadd.s32 $0x6A00, s4;
	s3 =	simm.s32 $0x0;
	s6 =	smul.u32 $0x271, s5  }
0xc: {  	s11 =	simm.s32 $0x1C00;
	[smem:$0x7FF] =	sst s3;
	s5 =	smul.u32 $0x138800, s5  }
0xd: {  	s9 =	sshrl.u32 s7, $0x1;
	s25 =	sadd.s32 s22, s4;
	s22 =	simm.s32 $0x7400  }
0xe: {  	_ =	strace $0x80000047;
	s7 =	ssub.s32 s7, s9;
	s24 =	sadd.s32 s10, s8  }
0xf: {  	s0 =	sadd.s32 s0, s25;
	s10 =	simm.s32 $0x1400;
	s25 =	simm.s32 $0x8C00  }
0x10: {  	s8 =	simm.s32 $0xE400;
	s5 =	sshrl.u32 s5, $0x3;
	s2 =	sadd.s32 s2, s6  }
0x11: {  	s26 =	smax.u32 s7, $0x1;
	s0 =	sadd.s32 $0xFFFFF000, s0;
	[dreg:$0x4] =	wrdreg s2  }
.Ltmp0:
0x12: {  	s23 =	sadd.s32 s4, s5;
	[dreg:$0x6] =	wrdreg s26;
	(pc) =	sbr.rel .LBB2_1-.Ltmp0, $4  }
0x13: {  	s9 =	simm.s32 $0xEC00;
	[dreg:$0x8] =	wrdreg s0;
	s2 =	sadd.s32 $0x27000, s23  }
0x14: {  	v2 =	vlaneseq.u32;
	s26 =	simm.s32 $0x1;
	[dreg:$0x5] =	wrdreg s2;
	s2 =	sshrl.u32 s24, $0x3  }
0x15: {  	vm0 =	vmmov $0xffff;
	v1 =	vshrl.u32 v2, $0x3;
	s23 =	simm.s32 $0x7C00;
	s24 =	simm.s32 $0x8400;
	s2 =	sadd.s32 s2, s4  }
0x16: {  	v0 =	vand.u32 $0x7, v2;
	v2 =	vor.u32 $0x8, v2;
	v1 =	vmul.u32 $0x8, v1;
	s4 =	simm.s32 $0x0;
	[dreg:$0x7] =	wrdreg s2;
	s2 =	simm.s32 $0x5  }
.LBB2_5:
0x17: {  	s0 =	simm.s32 $0x3  }
0x18: {  	_ =	swait.ge [sflag:s0], $0x8000  }
0x19: {  	[sflag:s0] =	ssyncset.done $0x0  }
0x1a: {  	s5 =	simm.s32 $0x4;
	[sflag:s0] =	ssyncadd.s32 $0xFFFF8000  }
0x1b: {  	_ =	swait.ge [sflag:s5], $0x8000  }
0x1c: {  	[sflag:s5] =	ssyncset.done $0x0  }
0x1d: {  	[sflag:s5] =	ssyncadd.s32 $0xFFFF8000  }
0x1e: {  	v3 =	vld.msk [tilespmem:$0x1380], $0xff;
	_ =	sdelay $0x4  }
0x1f: {  	v4 =	vshll.u32 v3, $0x1  }
0x20: {  	v3 =	vand.u32 $0x7, v3;
	v4 =	vand.u32 $0xFFFFFFF0, v4  }
0x21: {  	v3 =	vor.u32 v3, v4  }
0x22: {  	v3 =	vperm.xlane v3, v0;
	_ =	sdelay $0x1  }
0x23: {  	v3 =	vadd.s32 v1, v3;
	_ =	sdelay $0x3  }
0x24: {  	s2 =	simm.s32 $0x5  }
0x25: {  	[tilespmem:s10], [sflag:$0x5] =	stream.indirect_vreg.gather [hbm4b:s1+s3], $0x80, v3, vm0, $0xb8;
	[tilespmem:$0x11400] =	vst v63  }
0x26: {  	_ =	swait.ge [sflag:s2], $0x800  }
0x27: {  	[sflag:s2] =	ssyncset.done $0x0  }
0x28: {  	s6 =	rddreg [dreg:$0x5];
	[sflag:s2] =	ssyncadd.s32 $0xFFFFF800  }
0x29: {  	[hbm4b:s6+s3] =	stream.linear.scatter [tilespmem:s10], [sflag:$0x5], $0x800, $0x38;
	[tilespmem:$0x11400] =	vst v63  }
0x2a: {  	_ =	swait.ge [sflag:s2], $0x800  }
0x2b: {  	s4 =	rddreg [dreg:$0x9]  }
0x2c: {  	s7 =	rddreg [dreg:$0x6];
	s4 =	sadd.s32 $0x1, s4  }
0x2d: {  	p0 =	sne.s32 s4, s7  }
.Ltmp1:
0x2e: {  	_ = 	snop;
	(pc) =	sbr.rel @!p0 .LBB2_6-.Ltmp1, $3  }
0x2f: {  	_ =	sdelay $0x1  }
0x30: {  	[sflag:s2] =	ssyncset.done $0x0  }
0x31: {  	[sflag:s2] =	ssyncadd.s32 $0xFFFFF800  }
.LBB2_1:
0x32: {  	[dreg:$0x9] =	wrdreg s4  }
.Ltmp2:
0x33: {  	s0 =	rddreg [dreg:$0x4];
	(pc) =	sbr.rel .LBB2_2-.Ltmp2, $4  }
0x34: {  	[tilespmem:s3], [sflag:$0x5] =	stream.linear.gather [hbm4b:s0+s3], $0x1388, $0x38;
	[tilespmem:$0x11400] =	vst v63  }
0x35: {  	_ =	swait.ge [sflag:s2], $0x1388  }
0x36: {  	s0 =	simm.s32 $0x1;
	[sflag:s2] =	ssyncset.done $0x0;
	s4 =	rddreg [dreg:$0x8]  }
0x37: {  	s5 =	rddreg [dreg:$0x7];
	[sflag:s2] =	ssyncadd.s32 $0xFFFFEC78;
	s2 =	simm.s32 $0x40  }
.LBB2_4:
0x38: {  	s0 =	sadd.s32 $0x2, s0  }
0x39: {  	p0 =	sne.s32 s0, $0x29  }
.Ltmp3:
0x3a: {  	_ =	swait.ge [sflag:s26], $0x8000;
	(pc) =	sbr.rel @!p0 .LBB2_5-.Ltmp3, $4  }
0x3b: {  	[sflag:s26] =	ssyncset.done $0x0  }
0x3c: {  	[sflag:s26] =	ssyncadd.s32 $0xFFFF8000  }
0x3d: {  	[hbm4b:s5+s3] =	stream.linear.scatter [tilespmem:s10], [sflag:$0x3], $0x8000, $0x38;
	[tilespmem:$0x11400] =	vst v63  }
0x3e: {  	s4 =	sadd.s32 $0x2000, s4;
	s2 =	sadd.s32 $0x100, s2;
	s5 =	sadd.s32 $0x2000, s5  }
.LBB2_2:
0x3f: {  	p0 =	seq.s32 s0, $0x1  }
0x40: {  	s6 =	simm.s32 @!p0 $0x3  }
0x41: {  	_ =	swait.ge @!p0 [sflag:s6], $0x8000  }
0x42: {  	[sflag:s6] =	ssyncset.done @!p0 $0x0  }
0x43: {  	[sflag:s6] =	ssyncadd.s32 @!p0 $0xFFFF8000  }
0x44: {  	v3 =	vld [tilespmem:s2+$0xFFFFFFC0];
	_ =	sdelay $0x4  }
0x45: {  	v4 =	vshll.u32 v3, $0x1  }
0x46: {  	v3 =	vand.u32 $0x7, v3;
	v4 =	vand.u32 $0xFFFFFFF0, v4  }
0x47: {  	v3 =	vor.u32 v3, v4  }
0x48: {  	v4 =	vperm.xlane v3, v0;
	_ =	sdelay $0x1  }
0x49: {  	v3 =	vperm.xlane v3, v2;
	v4 =	vadd.s32 v1, v4;
	_ =	sdelay $0x1  }
0x4a: {  	v3 =	vadd.s32 v1, v3;
	_ =	sdelay $0x2  }
0x4b: {  	[tilespmem:s10], [sflag:$0x1] =	stream.indirect_vreg.gather [hbm4b:s1+s3], $0x80, v4, vm0, $0xb8;
	[tilespmem:$0x11400] =	vst v63  }
0x4c: {  	_ = 	snop  }
0x4d: {  	[tilespmem:s11], [sflag:$0x1] =	stream.indirect_vreg.gather [hbm4b:s1+s3], $0x80, v3, vm0, $0xb8;
	[tilespmem:$0x11400] =	vst v63  }
0x4e: {  	v3 =	vld [tilespmem:s2+$0xFFFFFFD0];
	_ =	sdelay $0x4  }
0x4f: {  	v57 =	vshll.u32 v3, $0x1  }
0x50: {  	v3 =	vand.u32 $0x7, v3;
	v4 =	vand.u32 $0xFFFFFFF0, v57  }
0x51: {  	v3 =	vor.u32 v3, v4  }
0x52: {  	v4 =	vperm.xlane v3, v0;
	_ =	sdelay $0x1  }
0x53: {  	v3 =	vperm.xlane v3, v2;
	v4 =	vadd.s32 v1, v4;
	_ =	sdelay $0x1  }
0x54: {  	v3 =	vadd.s32 v1, v3;
	_ =	sdelay $0x2  }
0x55: {  	[tilespmem:s12], [sflag:$0x1] =	stream.indirect_vreg.gather [hbm4b:s1+s3], $0x80, v4, vm0, $0xb8;
	[tilespmem:$0x11400] =	vst v63  }
0x56: {  	_ = 	snop  }
0x57: {  	[tilespmem:s13], [sflag:$0x1] =	stream.indirect_vreg.gather [hbm4b:s1+s3], $0x80, v3, vm0, $0xb8;
	[tilespmem:$0x11400] =	vst v63  }
0x58: {  	v3 =	vld [tilespmem:s2+$0xFFFFFFE0];
	_ =	sdelay $0x4  }
0x59: {  	v58 =	vshll.u32 v3, $0x1  }
0x5a: {  	v3 =	vand.u32 $0x7, v3;
	v4 =	vand.u32 $0xFFFFFFF0, v58  }
0x5b: {  	v3 =	vor.u32 v3, v4  }
0x5c: {  	v4 =	vperm.xlane v3, v0;
	_ =	sdelay $0x1  }
0x5d: {  	v3 =	vperm.xlane v3, v2;
	v4 =	vadd.s32 v1, v4;
	_ =	sdelay $0x1  }
0x5e: {  	v3 =	vadd.s32 v1, v3;
	_ =	sdelay $0x2  }
0x5f: {  	[tilespmem:s14], [sflag:$0x1] =	stream.indirect_vreg.gather [hbm4b:s1+s3], $0x80, v4, vm0, $0xb8;
	[tilespmem:$0x11400] =	vst v63  }
0x60: {  	_ = 	snop  }
0x61: {  	[tilespmem:s15], [sflag:$0x1] =	stream.indirect_vreg.gather [hbm4b:s1+s3], $0x80, v3, vm0, $0xb8;
	[tilespmem:$0x11400] =	vst v63  }
0x62: {  	v3 =	vld [tilespmem:s2+$0xFFFFFFF0];
	_ =	sdelay $0x4  }
0x63: {  	v59 =	vshll.u32 v3, $0x1  }
0x64: {  	v3 =	vand.u32 $0x7, v3;
	v4 =	vand.u32 $0xFFFFFFF0, v59  }
0x65: {  	v3 =	vor.u32 v3, v4  }
0x66: {  	v4 =	vperm.xlane v3, v0;
	_ =	sdelay $0x1  }
0x67: {  	v3 =	vperm.xlane v3, v2;
	v4 =	vadd.s32 v1, v4;
	_ =	sdelay $0x1  }
0x68: {  	v3 =	vadd.s32 v1, v3;
	_ =	sdelay $0x2  }
0x69: {  	[tilespmem:s16], [sflag:$0x1] =	stream.indirect_vreg.gather [hbm4b:s1+s3], $0x80, v4, vm0, $0xb8;
	[tilespmem:$0x11400] =	vst v63  }
0x6a: {  	_ = 	snop  }
0x6b: {  	[tilespmem:s17], [sflag:$0x1] =	stream.indirect_vreg.gather [hbm4b:s1+s3], $0x80, v3, vm0, $0xb8;
	[tilespmem:$0x11400] =	vst v63  }
0x6c: {  	v3 =	vld [tilespmem:s2+$0x0];
	_ =	sdelay $0x4  }
0x6d: {  	v60 =	vshll.u32 v3, $0x1  }
0x6e: {  	v3 =	vand.u32 $0x7, v3;
	v4 =	vand.u32 $0xFFFFFFF0, v60  }
0x6f: {  	v3 =	vor.u32 v3, v4  }
0x70: {  	v4 =	vperm.xlane v3, v0;
	_ =	sdelay $0x1  }
0x71: {  	v3 =	vperm.xlane v3, v2;
	v4 =	vadd.s32 v1, v4;
	_ =	sdelay $0x1  }
0x72: {  	v3 =	vadd.s32 v1, v3;
	_ =	sdelay $0x2  }
0x73: {  	[tilespmem:s18], [sflag:$0x1] =	stream.indirect_vreg.gather [hbm4b:s1+s3], $0x80, v4, vm0, $0xb8;
	[tilespmem:$0x11400] =	vst v63  }
0x74: {  	_ = 	snop  }
0x75: {  	[tilespmem:s19], [sflag:$0x1] =	stream.indirect_vreg.gather [hbm4b:s1+s3], $0x80, v3, vm0, $0xb8;
	[tilespmem:$0x11400] =	vst v63  }
0x76: {  	v3 =	vld [tilespmem:s2+$0x10];
	_ =	sdelay $0x4  }
0x77: {  	v61 =	vshll.u32 v3, $0x1  }
0x78: {  	v3 =	vand.u32 $0x7, v3;
	v4 =	vand.u32 $0xFFFFFFF0, v61  }
0x79: {  	v3 =	vor.u32 v3, v4  }
0x7a: {  	v4 =	vperm.xlane v3, v0;
	_ =	sdelay $0x1  }
0x7b: {  	v3 =	vperm.xlane v3, v2;
	v4 =	vadd.s32 v1, v4;
	_ =	sdelay $0x1  }
0x7c: {  	v3 =	vadd.s32 v1, v3;
	_ =	sdelay $0x2  }
0x7d: {  	[tilespmem:s20], [sflag:$0x1] =	stream.indirect_vreg.gather [hbm4b:s1+s3], $0x80, v4, vm0, $0xb8;
	[tilespmem:$0x11400] =	vst v63  }
0x7e: {  	_ = 	snop  }
0x7f: {  	[tilespmem:s21], [sflag:$0x1] =	stream.indirect_vreg.gather [hbm4b:s1+s3], $0x80, v3, vm0, $0xb8;
	[tilespmem:$0x11400] =	vst v63  }
0x80: {  	v3 =	vld [tilespmem:s2+$0x20];
	_ =	sdelay $0x4  }
0x81: {  	v62 =	vshll.u32 v3, $0x1  }
0x82: {  	v3 =	vand.u32 $0x7, v3;
	v4 =	vand.u32 $0xFFFFFFF0, v62  }
0x83: {  	v3 =	vor.u32 v3, v4  }
0x84: {  	v4 =	vperm.xlane v3, v0;
	_ =	sdelay $0x1  }
0x85: {  	v3 =	vperm.xlane v3, v2;
	v4 =	vadd.s32 v1, v4;
	_ =	sdelay $0x1  }
0x86: {  	v3 =	vadd.s32 v1, v3;
	_ =	sdelay $0x2  }
0x87: {  	[tilespmem:s22], [sflag:$0x1] =	stream.indirect_vreg.gather [hbm4b:s1+s3], $0x80, v4, vm0, $0xb8;
	[tilespmem:$0x11400] =	vst v63  }
0x88: {  	_ = 	snop  }
0x89: {  	[tilespmem:s23], [sflag:$0x1] =	stream.indirect_vreg.gather [hbm4b:s1+s3], $0x80, v3, vm0, $0xb8;
	[tilespmem:$0x11400] =	vst v63  }
0x8a: {  	v3 =	vld [tilespmem:s2+$0x30];
	_ =	sdelay $0x4  }
0x8b: {  	v63 =	vshll.u32 v3, $0x1  }
0x8c: {  	v3 =	vand.u32 $0x7, v3;
	v4 =	vand.u32 $0xFFFFFFF0, v63  }
0x8d: {  	v3 =	vor.u32 v3, v4  }
0x8e: {  	v4 =	vperm.xlane v3, v0;
	_ =	sdelay $0x1  }
0x8f: {  	v3 =	vperm.xlane v3, v2;
	v4 =	vadd.s32 v1, v4;
	_ =	sdelay $0x1  }
0x90: {  	s7 =	sadd.s32 $0xFFFFFFFE, s0;
	v3 =	vadd.s32 v1, v3  }
0x91: {  	p1 =	sgt.u32 s7, $0x26  }
0x92: {  	p2 =	sgt.u32 @!p1 s0, $0x26  }
0x93: {  	[tilespmem:s24], [sflag:$0x1] =	stream.indirect_vreg.gather [hbm4b:s1+s3], $0x80, v4, vm0, $0xb8;
	[tilespmem:$0x11400] =	vst v63  }
0x94: {  	p2 =	por p1, !p2  }
0x95: {  	[tilespmem:s25], [sflag:$0x1] =	stream.indirect_vreg.gather [hbm4b:s1+s3], $0x80, v3, vm0, $0xb8;
	[tilespmem:$0x11400] =	vst v63  }
.Ltmp4:
0x96: {  	s6 =	simm.s32 @!p1 $0x2;
	(pc) =	sbr.rel @!p2 .LBB2_4-.Ltmp4, $4  }
0x97: {  	_ =	swait.ge @!p1 [sflag:s6], $0x8000  }
0x98: {  	[sflag:s6] =	ssyncset.done @!p1 $0x0  }
0x99: {  	s7 =	simm.s32 @!p1 $0x9400;
	[sflag:s6] =	ssyncadd.s32 @!p1 $0xFFFF8000;
	s6 =	simm.s32 @!p1 $0x0  }
0x9a: {  	[hbm4b:s4+s6] =	stream.linear.scatter @!p1 [tilespmem:s7], [sflag:$0x4], $0x8000, $0x38;
	[tilespmem:$0x11400] =	vst v63  }
0x9b: {  	s6 =	smov.u32 s0;
	s7 =	simm.s32 @!p0 $0x4  }
0x9c: {  	s6 =	simm.s32 @p1 $0x1;
	_ =	swait.ge @!p0 [sflag:s7], $0x8000  }
0x9d: {  	[sflag:s7] =	ssyncset.done @!p0 $0x0;
	s6 =	sshll.u32 s6, $0x7  }
0x9e: {  	[sflag:s7] =	ssyncadd.s32 @!p0 $0xFFFF8000;
	s6 =	sand.u32 $0x3FFFFF80, s6  }
0x9f: {  	v3 =	vld [tilespmem:s6+$0x0];
	_ =	sdelay $0x4  }
0xa0: {  	v4 =	vshll.u32 v3, $0x1  }
0xa1: {  	v3 =	vand.u32 $0x7, v3;
	v4 =	vand.u32 $0xFFFFFFF0, v4  }
0xa2: {  	v3 =	vor.u32 v3, v4  }
0xa3: {  	v4 =	vperm.xlane v3, v0;
	_ =	sdelay $0x1  }
0xa4: {  	v3 =	vperm.xlane v3, v2;
	v4 =	vadd.s32 v1, v4;
	_ =	sdelay $0x1  }
0xa5: {  	v3 =	vadd.s32 v1, v3;
	_ =	sdelay $0x1  }
0xa6: {  	s7 =	simm.s32 $0x9400  }
0xa7: {  	[tilespmem:s7], [sflag:$0x2] =	stream.indirect_vreg.gather [hbm4b:s1+s3], $0x80, v4, vm0, $0xb8;
	[tilespmem:$0x11400] =	vst v63  }
0xa8: {  	s7 =	simm.s32 $0x9C00  }
0xa9: {  	[tilespmem:s7], [sflag:$0x2] =	stream.indirect_vreg.gather [hbm4b:s1+s3], $0x80, v3, vm0, $0xb8;
	[tilespmem:$0x11400] =	vst v63  }
0xaa: {  	v3 =	vld [tilespmem:s6+$0x10];
	_ =	sdelay $0x4  }
0xab: {  	v57 =	vshll.u32 v3, $0x1  }
0xac: {  	v3 =	vand.u32 $0x7, v3;
	v4 =	vand.u32 $0xFFFFFFF0, v57  }
0xad: {  	v3 =	vor.u32 v3, v4  }
0xae: {  	v4 =	vperm.xlane v3, v0;
	_ =	sdelay $0x1  }
0xaf: {  	v3 =	vperm.xlane v3, v2;
	v4 =	vadd.s32 v1, v4;
	_ =	sdelay $0x1  }
0xb0: {  	v3 =	vadd.s32 v1, v3;
	_ =	sdelay $0x1  }
0xb1: {  	s7 =	simm.s32 $0xA400  }
0xb2: {  	[tilespmem:s7], [sflag:$0x2] =	stream.indirect_vreg.gather [hbm4b:s1+s3], $0x80, v4, vm0, $0xb8;
	[tilespmem:$0x11400] =	vst v63  }
0xb3: {  	s7 =	simm.s32 $0xAC00  }
0xb4: {  	[tilespmem:s7], [sflag:$0x2] =	stream.indirect_vreg.gather [hbm4b:s1+s3], $0x80, v3, vm0, $0xb8;
	[tilespmem:$0x11400] =	vst v63  }
0xb5: {  	v3 =	vld [tilespmem:s6+$0x20];
	_ =	sdelay $0x4  }
0xb6: {  	v58 =	vshll.u32 v3, $0x1  }
0xb7: {  	v3 =	vand.u32 $0x7, v3;
	v4 =	vand.u32 $0xFFFFFFF0, v58  }
0xb8: {  	v3 =	vor.u32 v3, v4  }
0xb9: {  	v4 =	vperm.xlane v3, v0;
	_ =	sdelay $0x1  }
0xba: {  	v3 =	vperm.xlane v3, v2;
	v4 =	vadd.s32 v1, v4;
	_ =	sdelay $0x1  }
0xbb: {  	v3 =	vadd.s32 v1, v3;
	_ =	sdelay $0x1  }
0xbc: {  	s7 =	simm.s32 $0xB400  }
0xbd: {  	[tilespmem:s7], [sflag:$0x2] =	stream.indirect_vreg.gather [hbm4b:s1+s3], $0x80, v4, vm0, $0xb8;
	[tilespmem:$0x11400] =	vst v63  }
0xbe: {  	s7 =	simm.s32 $0xBC00  }
0xbf: {  	[tilespmem:s7], [sflag:$0x2] =	stream.indirect_vreg.gather [hbm4b:s1+s3], $0x80, v3, vm0, $0xb8;
	[tilespmem:$0x11400] =	vst v63  }
0xc0: {  	v3 =	vld [tilespmem:s6+$0x30];
	_ =	sdelay $0x4  }
0xc1: {  	v59 =	vshll.u32 v3, $0x1  }
0xc2: {  	v3 =	vand.u32 $0x7, v3;
	v4 =	vand.u32 $0xFFFFFFF0, v59  }
0xc3: {  	v3 =	vor.u32 v3, v4  }
0xc4: {  	v4 =	vperm.xlane v3, v0;
	_ =	sdelay $0x1  }
0xc5: {  	v3 =	vperm.xlane v3, v2;
	v4 =	vadd.s32 v1, v4;
	_ =	sdelay $0x1  }
0xc6: {  	v3 =	vadd.s32 v1, v3;
	_ =	sdelay $0x1  }
0xc7: {  	s7 =	simm.s32 $0xC400  }
0xc8: {  	[tilespmem:s7], [sflag:$0x2] =	stream.indirect_vreg.gather [hbm4b:s1+s3], $0x80, v4, vm0, $0xb8;
	[tilespmem:$0x11400] =	vst v63  }
0xc9: {  	s7 =	simm.s32 $0xCC00  }
0xca: {  	[tilespmem:s7], [sflag:$0x2] =	stream.indirect_vreg.gather [hbm4b:s1+s3], $0x80, v3, vm0, $0xb8;
	[tilespmem:$0x11400] =	vst v63  }
0xcb: {  	v3 =	vld [tilespmem:s6+$0x40];
	_ =	sdelay $0x4  }
0xcc: {  	v60 =	vshll.u32 v3, $0x1  }
0xcd: {  	v3 =	vand.u32 $0x7, v3;
	v4 =	vand.u32 $0xFFFFFFF0, v60  }
0xce: {  	v3 =	vor.u32 v3, v4  }
0xcf: {  	v4 =	vperm.xlane v3, v0;
	_ =	sdelay $0x1  }
0xd0: {  	v3 =	vperm.xlane v3, v2;
	v4 =	vadd.s32 v1, v4;
	_ =	sdelay $0x1  }
0xd1: {  	v3 =	vadd.s32 v1, v3;
	_ =	sdelay $0x1  }
0xd2: {  	s7 =	simm.s32 $0xD400  }
0xd3: {  	[tilespmem:s7], [sflag:$0x2] =	stream.indirect_vreg.gather [hbm4b:s1+s3], $0x80, v4, vm0, $0xb8;
	[tilespmem:$0x11400] =	vst v63  }
0xd4: {  	s7 =	simm.s32 $0xDC00  }
0xd5: {  	[tilespmem:s7], [sflag:$0x2] =	stream.indirect_vreg.gather [hbm4b:s1+s3], $0x80, v3, vm0, $0xb8;
	[tilespmem:$0x11400] =	vst v63  }
0xd6: {  	v3 =	vld [tilespmem:s6+$0x50];
	_ =	sdelay $0x4  }
0xd7: {  	v61 =	vshll.u32 v3, $0x1  }
0xd8: {  	v3 =	vand.u32 $0x7, v3;
	v4 =	vand.u32 $0xFFFFFFF0, v61  }
0xd9: {  	v3 =	vor.u32 v3, v4  }
0xda: {  	v4 =	vperm.xlane v3, v0;
	_ =	sdelay $0x1  }
0xdb: {  	v3 =	vperm.xlane v3, v2;
	v4 =	vadd.s32 v1, v4;
	_ =	sdelay $0x1  }
0xdc: {  	v3 =	vadd.s32 v1, v3;
	_ =	sdelay $0x2  }
0xdd: {  	[tilespmem:s8], [sflag:$0x2] =	stream.indirect_vreg.gather [hbm4b:s1+s3], $0x80, v4, vm0, $0xb8;
	[tilespmem:$0x11400] =	vst v63  }
0xde: {  	_ = 	snop  }
0xdf: {  	[tilespmem:s9], [sflag:$0x2] =	stream.indirect_vreg.gather [hbm4b:s1+s3], $0x80, v3, vm0, $0xb8;
	[tilespmem:$0x11400] =	vst v63  }
0xe0: {  	v3 =	vld [tilespmem:s6+$0x60];
	_ =	sdelay $0x4  }
0xe1: {  	v62 =	vshll.u32 v3, $0x1  }
0xe2: {  	v3 =	vand.u32 $0x7, v3;
	v4 =	vand.u32 $0xFFFFFFF0, v62  }
0xe3: {  	v3 =	vor.u32 v3, v4  }
0xe4: {  	v4 =	vperm.xlane v3, v0;
	_ =	sdelay $0x1  }
0xe5: {  	v3 =	vperm.xlane v3, v2;
	v4 =	vadd.s32 v1, v4;
	_ =	sdelay $0x1  }
0xe6: {  	v3 =	vadd.s32 v1, v3;
	_ =	sdelay $0x2  }
0xe7: {  	[tilespmem:s28], [sflag:$0x2] =	stream.indirect_vreg.gather [hbm4b:s1+s3], $0x80, v4, vm0, $0xb8;
	[tilespmem:$0x11400] =	vst v63  }
0xe8: {  	_ = 	snop  }
0xe9: {  	[tilespmem:s29], [sflag:$0x2] =	stream.indirect_vreg.gather [hbm4b:s1+s3], $0x80, v3, vm0, $0xb8;
	[tilespmem:$0x11400] =	vst v63  }
0xea: {  	v3 =	vld [tilespmem:s6+$0x70];
	_ =	sdelay $0x4  }
0xeb: {  	v63 =	vshll.u32 v3, $0x1  }
0xec: {  	v3 =	vand.u32 $0x7, v3;
	v4 =	vand.u32 $0xFFFFFFF0, v63  }
0xed: {  	v3 =	vor.u32 v3, v4  }
0xee: {  	v4 =	vperm.xlane v3, v0;
	_ =	sdelay $0x1  }
0xef: {  	v3 =	vperm.xlane v3, v2;
	v4 =	vadd.s32 v1, v4;
	_ =	sdelay $0x1  }
0xf0: {  	v3 =	vadd.s32 v1, v3  }
.Ltmp5:
0xf1: {  	_ = 	snop;
	(pc) =	sbr.rel .LBB2_4-.Ltmp5, $4  }
0xf2: {  	_ = 	snop  }
0xf3: {  	[tilespmem:s30], [sflag:$0x2] =	stream.indirect_vreg.gather [hbm4b:s1+s3], $0x80, v4, vm0, $0xb8;
	[tilespmem:$0x11400] =	vst v63  }
0xf4: {  	_ = 	snop  }
0xf5: {  	[tilespmem:s31], [sflag:$0x2] =	stream.indirect_vreg.gather [hbm4b:s1+s3], $0x80, v3, vm0, $0xb8;
	[tilespmem:$0x11400] =	vst v63  }
.LBB2_6:
0xf6: {  	_ =	sfence.sel $0x180000  }
0xf7: {  	[bflag:$0x0] =	sbarrier.arrive $0xFFFF  }
0xf8: {  	_ =	strace $0x90000047  }
0xf9: {  	s0 =	stileid.u32;
	[bflag:$0x2] =	sbarrier.arrive $0xFFFF  }
0xfa: {  	p0 =	sne.s32 s0, $0x0;
	s0 =	rddreg [dreg:$0x3]  }
0xfb: {  	s0 =	sadd.s32 @!p0 $0x100000, s0  }
0xfc: {  	[sflag:s0] =	ssyncadd.tile.s32 @!p0 $0x1;
	_ =	shalt  }
.Lfunc_end2:
_tile_overlayer_lowered:
.L_overlay_start_2:
0xfd: {  	(tag) =	ssettag $0x2  }
0xfe: {  	s0 =	rddreg [dreg:$0x0];
	s2 =	stileid.u32  }
0xff: {  	s1 =	rddreg [dreg:$0x1];
	p0 =	sne.s32 s2, $0x0  }
0x100: {  	s3 =	rddreg [dreg:$0x2];
	[bflag:$0x3] =	sbarrier.arrive $0xFFFF;
	s2 =	simm.s32 @!p0 $0x1C05  }
0x101: {  	[timem:s3], [sflag:s2] =	dma.local @!p0 [hbm:s0], s1  }
0x102: {  	s0 =	simm.s32 @!p0 $0x5  }
0x103: {  	_ =	swait.ge @!p0 [sflag:s0], s1  }
0x104: {  	s1 =	ssub.s32 @!p0 $0x0, s1;
	[sflag:s0] =	ssyncset.done @!p0 $0x0  }
0x105: {  	[sflag:s0] =	ssyncadd.s32 @!p0 s1  }
0x106: {  	[bflag:$0x3] =	sbarrier.arrive $0xFFFF  }
0x107: {  	_ =	shalt  }

// kernel: kernel.9.cloned.1.call-start
scs
__scs_entry_jumppad:
0x0: {  	(pc) =	sbr.rel $0x88, $3  }
0x1: {  	(tag) =	ssettag $0x0;
	lr =	simm.s32 $0x1  }
0x2: {  	[smem:$0x3F93] =	sst lr;
	_ =	strace $0xD0000000  }
0x3: {  	_ = 	snop  }
0x4: {  	_ = 	snop  }
0x5: {  	_ = 	snop  }
0x6: {  	_ = 	snop  }
0x7: {  	_ = 	snop  }
__scs_overlays_trampoline_lowered:
0x8: {  	[smem:$0x3FA2] =	sst s0  }
0x9: {  	[smem:$0x3FA3] =	sst s1  }
0xa: {  	[smem:$0x3FA4] =	sst s2  }
0xb: {  	[smem:$0x3FA5] =	sst s3  }
0xc: {  	[smem:$0x3FA6] =	sst s4  }
0xd: {  	[smem:$0x3FA7] =	sst s5  }
0xe: {  	[smem:$0x3FA8] =	sst s6  }
0xf: {  	[smem:$0x3FA9] =	sst s7  }
0x10: {  	[smem:$0x3FAA] =	sst s8  }
0x11: {  	[smem:$0x3FAB] =	sst s9;
	s0 =	simm.s32 @!p0 $0x0  }
0x12: {  	s1 =	sld [smem:$0x3F91];
	s0 =	simm.s32 @p0 $0x1  }
0x13: {  	[smem:$0x3FAC] =	sst s0;
	s0 =	simm.s32 @!p1 $0x0  }
0x14: {  	s2 =	sld [smem:$0x3F90];
	s0 =	simm.s32 @p1 $0x1  }
0x15: {  	[smem:$0x3FAD] =	sst s0;
	s0 =	simm.s32 @!p2 $0x0  }
0x16: {  	s3 =	sld [smem:$0x3FDB];
	s0 =	simm.s32 @p2 $0x1  }
0x17: {  	s4 =	simm.s32 $0x1BF5;
	[smem:$0x3FAF] =	sst s0  }
0x18: {  	s0 =	sld [smem:$0x3F92];
	_ =	swait.ge [sflag:s4], $0x0  }
0x19: {  	s7 =	sld [smem:$0x3F93]  }
0x1a: {  	s8 =	sadd.s32 $0xFFFFE003, lr  }
0x1b: {  	s9 =	sadd.s32 $0xFFFFFEF7, lr;
	s5 =	simm.s32 $0xFFFFFFFF;
	p2 =	slt.u32 s8, $0xFFFFF086  }
0x1c: {  	p1 =	slt.u32 s9, $0xF7A;
	s5 =	simm.s32 @!p2 $0x0  }
0x1d: {  	s5 =	simm.s32 @p1 $0x1;
	p0 =	seq.s32 s7, s2  }
0x1e: {  	s7 =	smul.u32 @!p0 $0xF7A, s2;
	p2 =	seq.s32 @!p0 s5, $0x0  }
0x1f: {  	s9 =	smul.u32 $0xF7A, s1;
	s8 =	simm.s32 @!p0 $0x1BF5;
	p2 =	por !p2, p0  }
0x20: {  	[sflag:s8] =	ssyncset.s32 @!p0 $0xFFFFF086;
	s6 =	sadd.s32 @!p0 s3, s7;
	s7 =	simm.s32 @!p0 $0x108  }
0x21: {  	s3 =	sadd.s32 s3, s9;
	s6 =	sadd.s32 @!p0 $0x88, s6;
	s7 =	simm.s32 @p2 $0x1082  }
0x22: {  	[simem:s7], [sflag:s8] =	dma.local @!p0 [hbm:s6], $0xF7A  }
0x23: {  	s9 =	sor.u32 $0xD0000000, s2;
	s6 =	simm.s32 $0x108;
	_ =	swait.ge @!p0 [sflag:s8], $0x0  }
0x24: {  	s3 =	sadd.s32 $0x88, s3;
	s6 =	simm.s32 @!p1 $0x1082;
	[sflag:s4] =	ssyncset.s32 $0xFFFFF086  }
0x25: {  	[simem:s6], [sflag:s4] =	dma.local [hbm:s3], $0xF7A  }
0x26: {  	[smem:$0x3F93] =	sst s1;
	(tag) =	ssettag s2;
	_ =	strace s9  }
0x27: {  	s1 =	sld [smem:$0x3FA3]  }
0x28: {  	s2 =	sld [smem:$0x3FA4]  }
0x29: {  	s4 =	sld [smem:$0x3FA6]  }
0x2a: {  	p0 =	seq.s32 s5, $0x0;
	s5 =	sld [smem:$0x3FA7]  }
0x2b: {  	s6 =	sld [smem:$0x3FA8]  }
0x2c: {  	s7 =	sld [smem:$0x3FA9]  }
0x2d: {  	s3 =	simm.s32 $0x108;
	s8 =	sld [smem:$0x3FAA]  }
0x2e: {  	s3 =	simm.s32 @!p0 $0x1082;
	s9 =	sld [smem:$0x3FAB]  }
0x2f: {  	lr =	sadd.s32 s0, s3;
	s0 =	sld [smem:$0x3FA2]  }
0x30: {  	s3 =	sld [smem:$0x3FA5]  }
0x31: {  	[smem:$0x3FAE] =	sst s10  }
0x32: {  	s10 =	sld [smem:$0x3FAC];
	_ =	sdelay $0x3  }
0x33: {  	p0 =	seq.s32 s10, $0x1;
	s10 =	sld [smem:$0x3FAE];
	_ =	sdelay $0x3  }
0x34: {  	[smem:$0x3FAE] =	sst s10  }
0x35: {  	s10 =	sld [smem:$0x3FAD];
	_ =	sdelay $0x3  }
0x36: {  	p1 =	seq.s32 s10, $0x1;
	s10 =	sld [smem:$0x3FAE];
	_ =	sdelay $0x3  }
0x37: {  	[smem:$0x3FAE] =	sst s10  }
0x38: {  	s10 =	sld [smem:$0x3FAF]  }
0x39: {  	_ = 	snop;
	(pc) =	sbr.ind lr, $3  }
0x3a: {  	_ = 	snop  }
0x3b: {  	_ = 	snop  }
0x3c: {  	p2 =	seq.s32 s10, $0x1;
	s10 =	sld [smem:$0x3FAE]  }
0x3d: {  	_ =	shalt  }
0x3e: {  	_ =	shalt  }
0x3f: {  	_ =	shalt  }
0x40: {  	_ =	shalt  }
0x41: {  	_ =	shalt  }
0x42: {  	_ =	shalt  }
0x43: {  	_ =	shalt  }
0x44: {  	_ =	shalt  }
0x45: {  	_ =	shalt  }
0x46: {  	_ =	shalt  }
0x47: {  	_ =	shalt  }
0x48: {  	_ =	shalt  }
0x49: {  	_ =	shalt  }
0x4a: {  	_ =	shalt  }
0x4b: {  	_ =	shalt  }
0x4c: {  	_ =	shalt  }
0x4d: {  	_ =	shalt  }
0x4e: {  	_ =	shalt  }
0x4f: {  	_ =	shalt  }
0x50: {  	_ =	shalt  }
0x51: {  	_ =	shalt  }
0x52: {  	_ =	shalt  }
0x53: {  	_ =	shalt  }
0x54: {  	_ =	shalt  }
0x55: {  	_ =	shalt  }
0x56: {  	_ =	shalt  }
0x57: {  	_ =	shalt  }
0x58: {  	_ =	shalt  }
0x59: {  	_ =	shalt  }
0x5a: {  	_ =	shalt  }
0x5b: {  	_ =	shalt  }
0x5c: {  	_ =	shalt  }
0x5d: {  	_ =	shalt  }
0x5e: {  	_ =	shalt  }
0x5f: {  	_ =	shalt  }
0x60: {  	_ =	shalt  }
0x61: {  	_ =	shalt  }
0x62: {  	_ =	shalt  }
0x63: {  	_ =	shalt  }
0x64: {  	_ =	shalt  }
0x65: {  	_ =	shalt  }
0x66: {  	_ =	shalt  }
0x67: {  	_ =	shalt  }
0x68: {  	_ =	shalt  }
0x69: {  	_ =	shalt  }
0x6a: {  	_ =	shalt  }
0x6b: {  	_ =	shalt  }
0x6c: {  	_ =	shalt  }
0x6d: {  	_ =	shalt  }
0x6e: {  	_ =	shalt  }
0x6f: {  	_ =	shalt  }
0x70: {  	_ =	shalt  }
0x71: {  	_ =	shalt  }
0x72: {  	_ =	shalt  }
0x73: {  	_ =	shalt  }
0x74: {  	_ =	shalt  }
0x75: {  	_ =	shalt  }
0x76: {  	_ =	shalt  }
0x77: {  	_ =	shalt  }
0x78: {  	_ =	shalt  }
0x79: {  	_ =	shalt  }
0x7a: {  	_ =	shalt  }
0x7b: {  	_ =	shalt  }
0x7c: {  	_ =	shalt  }
0x7d: {  	_ =	shalt  }
0x7e: {  	_ =	shalt  }
0x7f: {  	_ =	shalt  }
0x80: {  	_ =	shalt  }
0x81: {  	_ =	shalt  }
0x82: {  	_ =	shalt  }
0x83: {  	_ =	shalt  }
0x84: {  	_ =	shalt  }
0x85: {  	_ =	shalt  }
0x86: {  	_ =	shalt  }
0x87: {  	_ =	shalt  }
.Lfunc_end0:
.L_simem_size_0:
called_computation.2_lowered:
.L_overlay_start_0:
0x88: {  	s2 =	sld [smem:$0x3FD9]  }
0x89: {  	s3 =	sld [smem:$0x3FFE];
	_ =	sdelay $0x1  }
0x8a: {  	s1 =	srdreg.scid  }
0x8b: {  	s0 =	sand.u32 $0x1, s1  }
0x8c: {  	s17 =	sshll.u32 s0, $0xA;
	s2 =	sadd.s32 s3, s2  }
0x8d: {  	s2 =	sadd.s32 s2, s17  }
0x8e: {  	[smem:$0x3FBA] =	sst s2  }
0x8f: {  	_ = 	snop  }
0x90: {  	s2 =	sld [smem:$0x3FD0];
	(tm) =	ssettm $0x1  }
0x91: {  	s18 =	sld [smem:$0x3FFB];
	_ =	sdelay $0x3  }
0x92: {  	_ =	strace s18  }
0x93: {  	s3 =	sld [smem:$0x3FFC];
	_ =	sdelay $0x3  }
0x94: {  	_ =	strace s3  }
0x95: {  	s3 =	sld [smem:$0x3FFD];
	_ =	sdelay $0x3  }
0x96: {  	_ =	strace s3  }
0x97: {  	_ =	strace $0x8FFFFFFF  }
0x98: {  	s19 =	sld [smem:$0x3FDB];
	_ =	sdelay $0x1  }
0x99: {  	s4 =	simm.s32 $_scs_section_size  }
0x9a: {  	s5 =	simm.s32 $_size__tile_overlayer_lowered;
	s6 =	simm.s32 $_tile_overlayer_lowered  }
0x9b: {  	s22 =	simm.s32 $0x1BFF;
	s21 =	sshll.u32 s6, $0x1;
	s3 =	sadd.s32 s4, s19  }
0x9c: {  	s7 =	simm.s32 $0x0;
	s20 =	sshll.u32 s5, $0x1;
	s5 =	sadd.s32 s21, s3  }
0x9d: {  	[timem:s7], [sflag:s22] =	dma.local [hbm:s5], s20  }
0x9e: {  	_ =	swait.ge [sflag:s22], s20  }
0x9f: {  	s4 =	ssub.s32 $0x0, s20;
	[sflag:s22] =	ssyncset.done $0x0  }
0xa0: {  	[sflag:s22] =	ssyncadd.s32 s4;
	_ =	sdelay $0x1  }
0xa1: {  	s23 =	simm.s32 $0x1B8B  }
0xa2: {  	_ =	swait.ge [sflag:s23], $0x1  }
0xa3: {  	[sflag:s23] =	ssyncset.done $0x0  }
0xa4: {  	s25 =	simm.s32 $0x1B8E;
	s24 =	sld [smem:$0x3FFE];
	[sflag:s23] =	ssyncadd.s32 $0xFFFFFFFF  }
0xa5: {  	s26 =	simm.s32 $execute0_lowered;
	[smem:$0x3FD2] =	sst s25  }
0xa6: {  	s5 =	sshll.u32 s26, $0x1;
	_ =	strace $0x8000004C;
	[dreg:$0x1] =	wrdreg $0xFFFFFFFF  }
0xa7: {  	s28 =	simm.s32 $_size_execute0_lowered;
	s3 =	sadd.s32 s3, s5;
	[dreg:$0x0] =	wrdreg $0x0  }
0xa8: {  	s5 =	sshll.u32 s28, $0x1;
	[dreg:$0x2] =	wrdreg s3  }
0xa9: {  	[dreg:$0x3] =	wrdreg s5  }
0xaa: {  	[dreg:$0x4] =	wrdreg $0xC0  }
0xab: {  	_ =	task [dreg:s7], $0x5FFFF  }
0xac: {  	[dreg:$0x1] =	wrdreg $0xFFFFFFFF  }
0xad: {  	[dreg:$0x0] =	wrdreg $0x60  }
0xae: {  	[dreg:$0x2] =	wrdreg s24  }
0xaf: {  	[dreg:$0x3] =	wrdreg s2  }
0xb0: {  	[dreg:$0x4] =	wrdreg $0x0  }
0xb1: {  	[dreg:$0x5] =	wrdreg $0x9  }
0xb2: {  	_ =	task.clear_ibuf [dreg:s7], $0x6FFFF;
	_ =	strace $0x9000004C  }
0xb3: {  	s29 =	simm.s32 $0x9;
	_ =	strace $0x8000004E  }
0xb4: {  	_ =	swait.ge [sflag:s29], $0x1  }
0xb5: {  	[sflag:s29] =	ssyncadd.s32 $0xFFFFFFFF  }
0xb6: {  	_ =	strace $0x9000004E  }
0xb7: {  	_ =	sfence  }
0xb8: {  	s30 =	sld [smem:$0x0];
	_ =	sdelay $0x2  }
0xb9: {  	s31 =	sshll.u32 s1, $0xD;
	s1 =	sshrl.u32 s1, $0x2  }
0xba: {  	s3 =	sand.u32 $0x4000, s31;
	s1 =	sadd.s32 s1, s30  }
0xbb: {  	s0 =	sor.u32 s3, s0;
	s1 =	sshll.u32 s1, $0x11  }
0xbc: {  	s0 =	sor.u32 s1, s0  }
0xbd: {  	s0 =	sadd.s32 $0x8F2B, s0  }
0xbe: {  	[sflag:s0] =	ssyncadd.remote.s32 $0x1  }
0xbf: {  	_ =	sfence.sel $0xFFFF  }
0xc0: {  	[dreg:$0x0] =	wrdreg $0xFFFFFFFF;
	(pc) =	sbr.abs _section_cstart, $3  }
0xc1: {  	[dreg:$0x1] =	wrdreg $0xFFFFFFFF  }
0xc2: {  	_ =	task.clear_ibuf [dreg:s7], $0x2FFFF;
	_ =	strace $0x9FFFFFFF  }
0xc3: {  	(tm) =	ssettm $0x7FFFFFFF  }
tec
execute0_lowered:
.L_overlay_start_1:
0x0: {  	(tag) =	ssettag $0x1  }
0x1: {  	s0 =	rddreg [dreg:$0x0]  }
0x2: {  	s7 =	rddreg [dreg:$0x1]  }
0x3: {  	s1 =	rddreg [dreg:$0x2]  }
0x4: {  	s2 =	srdreg.scid;
	s3 =	simm.s32 $0x0;
	s16 =	simm.s32 $0x13DC0  }
0x5: {  	s17 =	simm.s32 $0x5;
	s18 =	simm.s32 $0x18DC0;
	s19 =	simm.s32 $0x6  }
0x6: {  	s20 =	simm.s32 $0x1;
	s21 =	simm.s32 $0x50;
	s22 =	simm.s32 $0x13D20  }
0x7: {  	s23 =	simm.s32 $0x3;
	s24 =	simm.s32 $0x4;
	s28 =	simm.s32 $0x1EDC0  }
0x8: {  	s29 =	simm.s32 $0x7;
	s30 =	simm.s32 $0x0;
	s6 =	sand.u32 $0x1, s2  }
0x9: {  	s2 =	stileid.u32;
	[smem:$0x7FF] =	sst s3;
	s4 =	sadd.s32 $0x6A00, s0  }
0xa: {  	s10 =	sadd.s32 $0x1A00, s0;
	s5 =	smul.u32 $0x138800, s6;
	s9 =	sshll.u32 s2, $0xB  }
0xb: {  	_ =	strace $0x8000004D;
	s8 =	ssub.s32 $0x2, s6;
	s15 =	smul.u32 $0x1388, s6  }
0xc: {  	s12 =	smul.u32 $0x4E2, s2;
	s25 =	sshrl.u32 s8, $0x1;
	s5 =	sadd.s32 s9, s5  }
0xd: {  	s8 =	ssub.s32 s8, s25;
	s13 =	sshrl.u32 s5, $0x3;
	s5 =	smul.u32 $0x2710, s2  }
0xe: {  	v8 =	vlaneseq.u32;
	s26 =	smul.u32 $0x4E200, s2;
	s25 =	simm.s32 $0x1E5C0;
	s8 =	smax.u32 s8, $0x1  }
.Ltmp0:
0xf: {  	v9 =	vadd.s32 $0x1, v8;
	s0 =	sadd.s32 s13, s0;
	s11 =	sshrl.u32 s5, $0x3;
	(pc) =	sbr.rel .LBB2_1-.Ltmp0, $4  }
0x10: {  	v10 =	vadd.s32 $0x2, v8;
	[tilespmem:$0x1FFC0] =	vst v9;
	[dreg:$0x5] =	wrdreg s8;
	s13 =	sadd.s32 s13, s7;
	s6 =	sadd.s32 s10, s11  }
0x11: {  	v11 =	vadd.s32 $0x3, v8;
	[tilespmem:$0x1FFD0] =	vst v10;
	s10 =	sadd.s32 s12, s10;
	s11 =	sadd.s32 s26, s4;
	s14 =	sadd.s32 $0xA, s6  }
0x12: {  	v12 =	vadd.s32 $0x4, v8;
	[tilespmem:$0x1FFE0] =	vst v11;
	s12 =	sadd.s32 $0x4E8A00, s0;
	s31 =	sadd.s32 $0x1E, s10;
	[dreg:$0x4] =	wrdreg s14  }
0x13: {  	[tilespmem:$0x1FFF0] =	vst v12;
	v1 =	vmov s15;
	s26 =	simm.s32 $0x8;
	s14 =	sadd.s32 s9, s1;
	[dreg:$0x6] =	wrdreg s31  }
.LBB2_11:
0x14: {  	s30 =	sadd.s32 $0x1, s30;
	s0 =	rddreg [dreg:$0x5]  }
0x15: {  	p0 =	sne.s32 s30, s0  }
.Ltmp1:
0x16: {  	_ = 	snop;
	(pc) =	sbr.rel @!p0 .LBB2_12-.Ltmp1, $1  }
0x17: {  	_ =	sdelay $0x3  }
.LBB2_1:
0x18: {  	v0 =	vimm.f32 $0.0e+00  }
0x19: {  	[tilespmem:$0x1DDC0] =	vst v0  }
0x1a: {  	[tilespmem:$0x1DDD0] =	vst v0  }
0x1b: {  	[tilespmem:$0x1DDE0] =	vst v0  }
0x1c: {  	[tilespmem:$0x1DDF0] =	vst v0  }
0x1d: {  	[tilespmem:$0x1DE00] =	vst v0  }
0x1e: {  	[tilespmem:$0x1DE10] =	vst v0  }
0x1f: {  	[tilespmem:$0x1DE20] =	vst v0  }
0x20: {  	[tilespmem:$0x1DE30] =	vst v0  }
0x21: {  	[tilespmem:$0x1DE40] =	vst v0  }
0x22: {  	[tilespmem:$0x1DE50] =	vst v0  }
0x23: {  	[tilespmem:$0x1DE60] =	vst v0  }
0x24: {  	[tilespmem:$0x1DE70] =	vst v0  }
0x25: {  	[tilespmem:$0x1DE80] =	vst v0  }
0x26: {  	[tilespmem:$0x1DE90] =	vst v0  }
0x27: {  	[tilespmem:$0x1DEA0] =	vst v0  }
0x28: {  	[tilespmem:$0x1DEB0] =	vst v0  }
0x29: {  	[tilespmem:$0x1DEC0] =	vst v0  }
0x2a: {  	[tilespmem:$0x1DED0] =	vst v0  }
0x2b: {  	[tilespmem:$0x1DEE0] =	vst v0  }
0x2c: {  	[tilespmem:$0x1DEF0] =	vst v0  }
0x2d: {  	[tilespmem:$0x1DF00] =	vst v0  }
0x2e: {  	[tilespmem:$0x1DF10] =	vst v0  }
0x2f: {  	[tilespmem:$0x1DF20] =	vst v0  }
0x30: {  	[tilespmem:$0x1DF30] =	vst v0  }
0x31: {  	[tilespmem:$0x1DF40] =	vst v0  }
0x32: {  	[tilespmem:$0x1DF50] =	vst v0  }
0x33: {  	[tilespmem:$0x1DF60] =	vst v0  }
0x34: {  	[tilespmem:$0x1DF70] =	vst v0  }
0x35: {  	[tilespmem:$0x1DF80] =	vst v0  }
0x36: {  	[tilespmem:$0x1DF90] =	vst v0  }
0x37: {  	[tilespmem:$0x1DFA0] =	vst v0  }
0x38: {  	[tilespmem:$0x1DFB0] =	vst v0  }
0x39: {  	[tilespmem:$0x1DFC0] =	vst v0  }
0x3a: {  	[tilespmem:$0x1DFD0] =	vst v0  }
0x3b: {  	[tilespmem:$0x1DFE0] =	vst v0  }
0x3c: {  	[tilespmem:$0x1DFF0] =	vst v0  }
0x3d: {  	[tilespmem:$0x1E000] =	vst v0  }
0x3e: {  	[tilespmem:$0x1E010] =	vst v0  }
0x3f: {  	[tilespmem:$0x1E020] =	vst v0  }
0x40: {  	[tilespmem:$0x1E030] =	vst v0  }
0x41: {  	[tilespmem:$0x1E040] =	vst v0  }
0x42: {  	[tilespmem:$0x1E050] =	vst v0  }
0x43: {  	[tilespmem:$0x1E060] =	vst v0  }
0x44: {  	[tilespmem:$0x1E070] =	vst v0  }
0x45: {  	[tilespmem:$0x1E080] =	vst v0  }
0x46: {  	[tilespmem:$0x1E090] =	vst v0  }
0x47: {  	[tilespmem:$0x1E0A0] =	vst v0  }
0x48: {  	[tilespmem:$0x1E0B0] =	vst v0  }
0x49: {  	[tilespmem:$0x1E0C0] =	vst v0  }
0x4a: {  	[tilespmem:$0x1E0D0] =	vst v0  }
0x4b: {  	[tilespmem:$0x1E0E0] =	vst v0  }
0x4c: {  	[tilespmem:$0x1E0F0] =	vst v0  }
0x4d: {  	[tilespmem:$0x1E100] =	vst v0  }
0x4e: {  	[tilespmem:$0x1E110] =	vst v0  }
0x4f: {  	[tilespmem:$0x1E120] =	vst v0  }
0x50: {  	[tilespmem:$0x1E130] =	vst v0  }
0x51: {  	[tilespmem:$0x1E140] =	vst v0  }
0x52: {  	[tilespmem:$0x1E150] =	vst v0  }
0x53: {  	[tilespmem:$0x1E160] =	vst v0  }
0x54: {  	[tilespmem:$0x1E170] =	vst v0  }
0x55: {  	[tilespmem:$0x1E180] =	vst v0  }
0x56: {  	[tilespmem:$0x1E190] =	vst v0  }
0x57: {  	[tilespmem:$0x1E1A0] =	vst v0  }
0x58: {  	[tilespmem:$0x1E1B0] =	vst v0  }
0x59: {  	[tilespmem:$0x1E1C0] =	vst v0  }
0x5a: {  	[tilespmem:$0x1E1D0] =	vst v0  }
0x5b: {  	[tilespmem:$0x1E1E0] =	vst v0  }
0x5c: {  	[tilespmem:$0x1E1F0] =	vst v0  }
0x5d: {  	[tilespmem:$0x1E200] =	vst v0  }
0x5e: {  	[tilespmem:$0x1E210] =	vst v0  }
0x5f: {  	[tilespmem:$0x1E220] =	vst v0  }
0x60: {  	[tilespmem:$0x1E230] =	vst v0  }
0x61: {  	[tilespmem:$0x1E240] =	vst v0  }
0x62: {  	[tilespmem:$0x1E250] =	vst v0  }
0x63: {  	[tilespmem:$0x1E260] =	vst v0  }
0x64: {  	[tilespmem:$0x1E270] =	vst v0  }
0x65: {  	[tilespmem:$0x1E280] =	vst v0  }
0x66: {  	[tilespmem:$0x1E290] =	vst v0  }
0x67: {  	[tilespmem:$0x1E2A0] =	vst v0  }
0x68: {  	[tilespmem:$0x1E2B0] =	vst v0  }
0x69: {  	[tilespmem:$0x1E2C0] =	vst v0  }
0x6a: {  	[tilespmem:$0x1E2D0] =	vst v0  }
0x6b: {  	[tilespmem:$0x1E2E0] =	vst v0  }
0x6c: {  	[tilespmem:$0x1E2F0] =	vst v0  }
0x6d: {  	[tilespmem:$0x1E300] =	vst v0  }
0x6e: {  	[tilespmem:$0x1E310] =	vst v0  }
0x6f: {  	[tilespmem:$0x1E320] =	vst v0  }
0x70: {  	[tilespmem:$0x1E330] =	vst v0  }
0x71: {  	[tilespmem:$0x1E340] =	vst v0  }
0x72: {  	[tilespmem:$0x1E350] =	vst v0  }
0x73: {  	[tilespmem:$0x1E360] =	vst v0  }
0x74: {  	[tilespmem:$0x1E370] =	vst v0  }
0x75: {  	[tilespmem:$0x1E380] =	vst v0  }
0x76: {  	[tilespmem:$0x1E390] =	vst v0  }
0x77: {  	[tilespmem:$0x1E3A0] =	vst v0  }
0x78: {  	[tilespmem:$0x1E3B0] =	vst v0  }
0x79: {  	[tilespmem:$0x1E3C0] =	vst v0  }
0x7a: {  	[tilespmem:$0x1E3D0] =	vst v0  }
0x7b: {  	[tilespmem:$0x1E3E0] =	vst v0  }
0x7c: {  	[tilespmem:$0x1E3F0] =	vst v0  }
0x7d: {  	[tilespmem:$0x1E400] =	vst v0  }
0x7e: {  	[tilespmem:$0x1E410] =	vst v0  }
0x7f: {  	[tilespmem:$0x1E420] =	vst v0  }
0x80: {  	[tilespmem:$0x1E430] =	vst v0  }
0x81: {  	[tilespmem:$0x1E440] =	vst v0  }
0x82: {  	[tilespmem:$0x1E450] =	vst v0  }
0x83: {  	[tilespmem:$0x1E460] =	vst v0  }
0x84: {  	[tilespmem:$0x1E470] =	vst v0  }
0x85: {  	[tilespmem:$0x1E480] =	vst v0  }
0x86: {  	[tilespmem:$0x1E490] =	vst v0  }
0x87: {  	[tilespmem:$0x1E4A0] =	vst v0  }
0x88: {  	[tilespmem:$0x1E4B0] =	vst v0  }
0x89: {  	[tilespmem:$0x1E4C0] =	vst v0  }
0x8a: {  	[tilespmem:$0x1E4D0] =	vst v0  }
0x8b: {  	[tilespmem:$0x1E4E0] =	vst v0  }
0x8c: {  	[tilespmem:$0x1E4F0] =	vst v0  }
0x8d: {  	[tilespmem:$0x1E500] =	vst v0  }
0x8e: {  	[tilespmem:$0x1E510] =	vst v0  }
0x8f: {  	[tilespmem:$0x1E520] =	vst v0  }
0x90: {  	[tilespmem:$0x1E530] =	vst v0  }
0x91: {  	[tilespmem:$0x1E540] =	vst v0  }
0x92: {  	[tilespmem:$0x1E550] =	vst v0  }
0x93: {  	[tilespmem:$0x1E560] =	vst v0  }
0x94: {  	[tilespmem:$0x1E570] =	vst v0  }
0x95: {  	[tilespmem:$0x1E580] =	vst v0  }
0x96: {  	s0 =	sadd.s32 $0x0, s2;
	[tilespmem:$0x1E590] =	vst v0  }
0x97: {  	[tilespmem:$0x1E5A0] =	vst v0;
	p0 =	sgt.u32 s0, $0x270  }
0x98: {  	[tilespmem:$0x1E5B0] =	vst v0;
	s0 =	simm.s32 @!p0 $0x1DDC0;
	s15 =	simm.s32 @!p0 $0x7  }
0x99: {  	[spmem:s14] =	stream.linear.scatter @!p0 [tilespmem:s0], [sflag:$0x7], $0x800, $0x38;
	[tilespmem:$0x1F5C0] =	vst v63  }
0x9a: {  	s7 =	simm.s32 $0x10;
	_ =	swait.ge @!p0 [sflag:s15], $0x800  }
0x9b: {  	s9 =	simm.s32 $0x20;
	s0 =	sadd.s32 $0x8000, s14;
	[sflag:s15] =	ssyncset.done @!p0 $0x0  }
.LBB2_2:
0x9c: {  	s31 =	sadd.s32 s7, s2;
	s7 =	smov.u32 s9;
	s9 =	sadd.s32 $0x10, s9  }
0x9d: {  	[sflag:s15] =	ssyncadd.s32 @!p0 $0xFFFFF800;
	p1 =	sne.s32 s9, $0x280  }
.Ltmp2:
0x9e: {  	p0 =	sgt.u32 s31, $0x270;
	(pc) =	sbr.rel @p1 .LBB2_2-.Ltmp2, $4  }
0x9f: {  	s31 =	simm.s32 @!p0 $0x1DDC0;
	s15 =	simm.s32 @!p0 $0x7  }
0xa0: {  	[spmem:s0] =	stream.linear.scatter @!p0 [tilespmem:s31], [sflag:$0x7], $0x800, $0x38;
	[tilespmem:$0x1F5C0] =	vst v63  }
0xa1: {  	_ =	swait.ge @!p0 [sflag:s15], $0x800  }
0xa2: {  	s0 =	sadd.s32 $0x8000, s0;
	[sflag:s15] =	ssyncset.done @!p0 $0x0  }
0xa3: {  	s7 =	sadd.s32 s7, s2  }
0xa4: {  	p1 =	sgt.u32 s7, $0x270  }
0xa5: {  	[sflag:s15] =	ssyncadd.s32 @!p0 $0xFFFFF800;
	s7 =	simm.s32 @!p1 $0x1DDC0;
	s9 =	simm.s32 @!p1 $0x7  }
0xa6: {  	[spmem:s0] =	stream.linear.scatter @!p1 [tilespmem:s7], [sflag:$0x7], $0x800, $0x38;
	[tilespmem:$0x1F5C0] =	vst v63  }
0xa7: {  	_ =	swait.ge @!p1 [sflag:s9], $0x800  }
0xa8: {  	[sflag:s9] =	ssyncset.done @!p1 $0x0  }
0xa9: {  	s10 =	simm.s32 $0x13C80;
	[sflag:s9] =	ssyncadd.s32 @!p1 $0xFFFFF800  }
.Ltmp3:
0xaa: {  	s0 =	simm.s32 $0x0;
	[bflag:$0x0] =	sbarrier.arrive $0xFFFF;
	(pc) =	sbr.rel .LBB2_4-.Ltmp3, $4  }
0xab: {  	[tilespmem:s10], [sflag:$0x5] =	stream.linear.gather [hbm4b:s6+s0], $0x50, $0x38;
	[tilespmem:$0x1F5C0] =	vst v63  }
0xac: {  	s8 =	simm.s32 $0x13CD0;
	s15 =	rddreg [dreg:$0x4]  }
0xad: {  	[tilespmem:s8], [sflag:$0x6] =	stream.linear.gather [hbm4b:s15+s0], $0x50, $0x38;
	[tilespmem:$0x1F5C0] =	vst v63  }
0xae: {  	s9 =	smov.u32 s11;
	s31 =	rddreg [dreg:$0x6];
	s15 =	simm.s32 $0x0  }
.LBB2_6:
0xaf: {  	s0 =	sadd.s32 $0x2, s0  }
0xb0: {  	p0 =	sne.s32 s0, $0x7E  }
.Ltmp4:
0xb1: {  	_ = 	snop;
	(pc) =	sbr.rel @!p0 .LBB2_7-.Ltmp4, $4  }
0xb2: {  	_ =	swait.ge [sflag:s20], $0x5000  }
0xb3: {  	s15 =	sadd.s32 $0x1, s15;
	[sflag:s20] =	ssyncset.done $0x0  }
0xb4: {  	s31 =	sadd.s32 $0x14, s31;
	s9 =	sadd.s32 $0x1400, s9;
	[sflag:s20] =	ssyncadd.s32 $0xFFFFB000  }
0xb5: {  	[spmem:s1] =	stream.indirect.scatter.add.f32 [tilespmem:s16], [sflag:$0x3], $0x100, s22, s21, $0xb8;
	[tilespmem:$0x1F5C0] =	vst v63  }
.LBB2_4:
0xb6: {  	p0 =	seq.s32 s0, $0x0  }
0xb7: {  	s7 =	simm.s32 @!p0 $0x3  }
0xb8: {  	_ =	swait.ge @!p0 [sflag:s7], $0x5000  }
0xb9: {  	[sflag:s7] =	ssyncset.done @!p0 $0x0  }
0xba: {  	[sflag:s7] =	ssyncadd.s32 @!p0 $0xFFFFB000  }
0xbb: {  	[tilespmem:s16], [sflag:$0x1] =	stream.linear.gather [hbm4b:s9+s3], $0x5000, $0x38;
	[tilespmem:$0x1F5C0] =	vst v63  }
0xbc: {  	_ =	swait.ge [sflag:s17], $0x50  }
0xbd: {  	[sflag:s17] =	ssyncset.done $0x0  }
0xbe: {  	[sflag:s17] =	ssyncadd.s32 $0xFFFFFFB0  }
0xbf: {  	v0 =	vld [tilespmem:$0x13C80]  }
0xc0: {  	v2 =	vld [tilespmem:$0x13C90]  }
0xc1: {  	v4 =	vld [tilespmem:$0x13CA0]  }
0xc2: {  	v5 =	vld [tilespmem:$0x13CB0]  }
0xc3: {  	v3 =	vadd.s32 s0, v8;
	v6 =	vadd.s32 s0, v10  }
0xc4: {  	v62 =	vadd.s32 s0, v11;
	v63 =	vadd.s32 s0, v12;
	v3 =	vand.u32 $0x3F, v3  }
0xc5: {  	v6 =	vand.u32 $0x3F, v6;
	v3 =	vadd.s32 $0x1388, v3;
	v0 =	vsub.s32 v0, v1  }
0xc6: {  	v7 =	vld [tilespmem:$0x13CC0];
	v2 =	vsub.s32 v2, v1;
	v4 =	vsub.s32 v4, v1;
	vm0 =	vlt.u32 v0, $0x1388  }
0xc7: {  	v61 =	vsub.s32 v5, v1;
	v0 =	vsel vm0, v0, v3;
	v3 =	vadd.s32 s0, v9  }
0xc8: {  	v5 =	vand.u32 $0x3F, v63;
	vm12 =	vlt.u32 v2, $0x1388;
	v3 =	vand.u32 $0x3F, v3  }
0xc9: {  	vm13 =	vlt.u32 v4, $0x1388;
	vm14 =	vlt.u32 v61, $0x1388;
	v3 =	vadd.s32 $0x1388, v3  }
0xca: {  	[tilespmem:$0x13D20] =	vst v0;
	v0 =	vand.u32 $0x3F, v62;
	v2 =	vsel vm12, v2, v3;
	v3 =	vadd.s32 $0x1388, v6  }
0xcb: {  	v0 =	vadd.s32 $0x1388, v0;
	v3 =	vsel vm13, v4, v3;
	[tilespmem:$0x13D30] =	vst v2;
	v2 =	vsub.s32 v7, v1  }
0xcc: {  	v0 =	vsel vm14, v61, v0;
	[tilespmem:$0x13D40] =	vst v3;
	vm15 =	vlt.u32 v2, $0x1388;
	v3 =	vadd.s32 $0x1388, v5  }
0xcd: {  	p1 =	seq.s32 s0, $0x7C;
	[tilespmem:$0x13D50] =	vst v0;
	v0 =	vsel vm15, v2, v3  }
0xce: {  	s8 =	simm.s32 @!p1 $0x0;
	s10 =	simm.s32 @!p1 $0x13C80;
	s7 =	sadd.s32 @!p1 $0xFFFFFFF6, s31;
	[tilespmem:$0x13D60] =	vst v0  }
0xcf: {  	[tilespmem:s10], [sflag:$0x5] =	stream.linear.gather @!p1 [hbm4b:s7+s8], $0x50, $0x38;
	[tilespmem:$0x1F5C0] =	vst v63  }
0xd0: {  	s7 =	sadd.s32 @!p1 $0xFFFFFFFF, s0  }
0xd1: {  	p2 =	sgt.u32 @!p1 s7, $0x7C  }
0xd2: {  	p1 =	por p1, !p2  }
0xd3: {  	s7 =	simm.s32 @p1 $0x2  }
0xd4: {  	_ =	swait.ge @p1 [sflag:s7], $0x5000  }
0xd5: {  	s8 =	simm.s32 @p1 $0x13D70;
	[sflag:s7] =	ssyncset.done @p1 $0x0  }
0xd6: {  	s10 =	simm.s32 @p1 $0x18DC0;
	[sflag:s7] =	ssyncadd.s32 @p1 $0xFFFFB000;
	s7 =	simm.s32 @p1 $0x50  }
0xd7: {  	[spmem:s1] =	stream.indirect.scatter.add.f32 @p1 [tilespmem:s10], [sflag:$0x4], $0x100, s8, s7, $0xb8;
	[tilespmem:$0x1F5C0] =	vst v63  }
0xd8: {  	s7 =	sadd.s32 @p1 $0x1, s0  }
0xd9: {  	p2 =	sgt.u32 @p1 s7, $0x7C  }
0xda: {  	p2 =	por !p1, !p2  }
.Ltmp5:
0xdb: {  	_ = 	snop;
	(pc) =	sbr.rel @!p2 .LBB2_6-.Ltmp5, $1  }
0xdc: {  	_ =	sdelay $0x3  }
0xdd: {  	s7 =	simm.s32 @!p1 $0x1  }
0xde: {  	s8 =	smul.u32 $0x50, s7  }
0xdf: {  	s10 =	simm.s32 @!p0 $0x4  }
0xe0: {  	_ =	swait.ge @!p0 [sflag:s10], $0x5000;
	s8 =	sadd.s32 s5, s8  }
0xe1: {  	[sflag:s10] =	ssyncset.done @!p0 $0x0;
	s8 =	sshll.u32 s8, $0x5  }
0xe2: {  	[sflag:s10] =	ssyncadd.s32 @!p0 $0xFFFFB000;
	s8 =	sadd.s32 s4, s8  }
0xe3: {  	[tilespmem:s18], [sflag:$0x2] =	stream.linear.gather [hbm4b:s8+s3], $0x5000, $0x38;
	[tilespmem:$0x1F5C0] =	vst v63  }
0xe4: {  	_ =	swait.ge [sflag:s19], $0x50  }
0xe5: {  	[sflag:s19] =	ssyncset.done $0x0  }
0xe6: {  	[sflag:s19] =	ssyncadd.s32 $0xFFFFFFB0  }
0xe7: {  	v0 =	vld [tilespmem:$0x13CD0]  }
0xe8: {  	v2 =	vld [tilespmem:$0x13CE0]  }
0xe9: {  	v4 =	vld [tilespmem:$0x13CF0]  }
0xea: {  	v5 =	vld [tilespmem:$0x13D00]  }
0xeb: {  	v3 =	vadd.s32 s7, v8;
	v6 =	vadd.s32 s7, v10  }
0xec: {  	v62 =	vadd.s32 s7, v11;
	v63 =	vadd.s32 s7, v12;
	v3 =	vand.u32 $0x3F, v3  }
0xed: {  	v6 =	vand.u32 $0x3F, v6;
	v3 =	vadd.s32 $0x1388, v3;
	v0 =	vsub.s32 v0, v1  }
0xee: {  	v7 =	vld [tilespmem:$0x13D10];
	v2 =	vsub.s32 v2, v1;
	v4 =	vsub.s32 v4, v1;
	vm0 =	vlt.u32 v0, $0x1388  }
0xef: {  	v61 =	vsub.s32 v5, v1;
	v0 =	vsel vm0, v0, v3;
	v3 =	vadd.s32 s7, v9  }
0xf0: {  	v5 =	vand.u32 $0x3F, v63;
	vm12 =	vlt.u32 v2, $0x1388;
	v3 =	vand.u32 $0x3F, v3  }
0xf1: {  	vm13 =	vlt.u32 v4, $0x1388;
	vm14 =	vlt.u32 v61, $0x1388;
	v3 =	vadd.s32 $0x1388, v3  }
0xf2: {  	[tilespmem:$0x13D70] =	vst v0;
	v0 =	vand.u32 $0x3F, v62;
	v2 =	vsel vm12, v2, v3;
	v3 =	vadd.s32 $0x1388, v6  }
.Ltmp6:
0xf3: {  	v0 =	vadd.s32 $0x1388, v0;
	v3 =	vsel vm13, v4, v3;
	[tilespmem:$0x13D80] =	vst v2;
	v2 =	vsub.s32 v7, v1;
	(pc) =	sbr.rel .LBB2_6-.Ltmp6, $4  }
0xf4: {  	v0 =	vsel vm14, v61, v0;
	[tilespmem:$0x13D90] =	vst v3;
	vm15 =	vlt.u32 v2, $0x1388;
	v3 =	vadd.s32 $0x1388, v5  }
0xf5: {  	p0 =	sgt.u32 s15, $0x3C;
	[tilespmem:$0x13DA0] =	vst v0;
	v0 =	vsel vm15, v2, v3  }
0xf6: {  	s8 =	simm.s32 @!p0 $0x13CD0;
	s7 =	simm.s32 @!p0 $0x0;
	[tilespmem:$0x13DB0] =	vst v0  }
0xf7: {  	[tilespmem:s8], [sflag:$0x6] =	stream.linear.gather @!p0 [hbm4b:s31+s7], $0x50, $0x38;
	[tilespmem:$0x1F5C0] =	vst v63  }
.LBB2_7:
0xf8: {  	_ =	swait.ge [sflag:s23], $0x5000  }
0xf9: {  	[sflag:s23] =	ssyncset.done $0x0  }
0xfa: {  	[sflag:s23] =	ssyncadd.s32 $0xFFFFB000  }
.Ltmp7:
0xfb: {  	_ =	swait.ge [sflag:s24], $0x5000;
	(pc) =	sbr.rel .LBB2_8-.Ltmp7, $4  }
0xfc: {  	[sflag:s24] =	ssyncset.done $0x0  }
0xfd: {  	[sflag:s24] =	ssyncadd.s32 $0xFFFFB000  }
0xfe: {  	[bflag:$0x0] =	sbarrier.arrive $0xFFFF  }
0xff: {  	s31 =	simm.s32 $0x0;
	s0 =	stileid.u32;
	s9 =	smov.u32 s14  }
.LBB2_10:
0x100: {  	s31 =	sadd.s32 $0x1000, s31  }
0x101: {  	p0 =	sne.s32 s31, $0x28000  }
.Ltmp8:
0x102: {  	_ = 	snop;
	(pc) =	sbr.rel @!p0 .LBB2_11-.Ltmp8, $2  }
0x103: {  	_ =	sdelay $0x2  }
0x104: {  	s9 =	sadd.s32 $0x8000, s9;
	s0 =	sadd.s32 $0x10, s0  }
.LBB2_8:
0x105: {  	p0 =	sgt.u32 s0, $0x270  }
.Ltmp9:
0x106: {  	_ = 	snop;
	(pc) =	sbr.rel @p0 .LBB2_10-.Ltmp9, $1  }
0x107: {  	_ =	sdelay $0x3  }
0x108: {  	[tilespmem:s25], [sflag:$0x8] =	stream.linear.gather [spmem:s9], $0x800, $0x38;
	[tilespmem:$0x1F5C0] =	vst v63  }
0x109: {  	_ =	swait.ge [sflag:s26], $0x800  }
0x10a: {  	[sflag:s26] =	ssyncset.done $0x0  }
0x10b: {  	s7 =	sadd.s32 s31, s13;
	[sflag:s26] =	ssyncadd.s32 $0xFFFFF800  }
0x10c: {  	[tilespmem:s28], [sflag:$0x8] =	stream.linear.gather [hbm4b:s7+s3], $0x800, $0x38;
	[tilespmem:$0x1F5C0] =	vst v63  }
0x10d: {  	_ =	swait.ge [sflag:s26], $0x800  }
0x10e: {  	[sflag:s26] =	ssyncset.done $0x0  }
0x10f: {  	[sflag:s26] =	ssyncadd.s32 $0xFFFFF800  }
0x110: {  	v4 =	vld [tilespmem:$0x1E5C0]  }
0x111: {  	v0 =	vld [tilespmem:$0x1EDC0]  }
0x112: {  	v5 =	vld [tilespmem:$0x1E5D0]  }
0x113: {  	v2 =	vld [tilespmem:$0x1EDD0]  }
0x114: {  	v7 =	vld [tilespmem:$0x1E5E0]  }
0x115: {  	v3 =	vld [tilespmem:$0x1EDE0]  }
0x116: {  	v9 =	vld [tilespmem:$0x1E5F0]  }
0x117: {  	v6 =	vld [tilespmem:$0x1EDF0]  }
0x118: {  	v11 =	vld [tilespmem:$0x1E600]  }
0x119: {  	v8 =	vld [tilespmem:$0x1EE00]  }
0x11a: {  	v13 =	vld [tilespmem:$0x1E610]  }
0x11b: {  	v10 =	vld [tilespmem:$0x1EE10]  }
0x11c: {  	v15 =	vld [tilespmem:$0x1E620]  }
0x11d: {  	v12 =	vld [tilespmem:$0x1EE20]  }
0x11e: {  	v17 =	vld [tilespmem:$0x1E630]  }
0x11f: {  	v14 =	vld [tilespmem:$0x1EE30]  }
0x120: {  	v19 =	vld [tilespmem:$0x1E640]  }
0x121: {  	v16 =	vld [tilespmem:$0x1EE40]  }
0x122: {  	v21 =	vld [tilespmem:$0x1E650]  }
0x123: {  	v18 =	vld [tilespmem:$0x1EE50]  }
0x124: {  	v23 =	vld [tilespmem:$0x1E660]  }
0x125: {  	v20 =	vld [tilespmem:$0x1EE60]  }
0x126: {  	v25 =	vld [tilespmem:$0x1E670]  }
0x127: {  	v22 =	vld [tilespmem:$0x1EE70]  }
0x128: {  	v27 =	vld [tilespmem:$0x1E680]  }
0x129: {  	v24 =	vld [tilespmem:$0x1EE80]  }
0x12a: {  	v29 =	vld [tilespmem:$0x1E690]  }
0x12b: {  	v26 =	vld [tilespmem:$0x1EE90]  }
0x12c: {  	v59 =	vld [tilespmem:$0x1E6A0]  }
0x12d: {  	v28 =	vld [tilespmem:$0x1EEA0]  }
0x12e: {  	v57 =	vld [tilespmem:$0x1E6B0]  }
0x12f: {  	v30 =	vld [tilespmem:$0x1EEB0]  }
0x130: {  	v51 =	vld [tilespmem:$0x1E6C0]  }
0x131: {  	v31 =	vld [tilespmem:$0x1EEC0]  }
0x132: {  	v48 =	vld [tilespmem:$0x1E6D0]  }
0x133: {  	v32 =	vld [tilespmem:$0x1EED0]  }
0x134: {  	v39 =	vld [tilespmem:$0x1E6E0]  }
0x135: {  	v33 =	vld [tilespmem:$0x1EEE0]  }
0x136: {  	v40 =	vld [tilespmem:$0x1E6F0]  }
0x137: {  	v34 =	vld [tilespmem:$0x1EEF0]  }
0x138: {  	v37 =	vld [tilespmem:$0x1E700]  }
0x139: {  	v35 =	vld [tilespmem:$0x1EF00]  }
0x13a: {  	v41 =	vld [tilespmem:$0x1E710]  }
0x13b: {  	v36 =	vld [tilespmem:$0x1EF10]  }
0x13c: {  	v43 =	vld [tilespmem:$0x1E720]  }
0x13d: {  	v38 =	vld [tilespmem:$0x1EF20]  }
0x13e: {  	v44 =	vld [tilespmem:$0x1E730]  }
0x13f: {  	v42 =	vld [tilespmem:$0x1EF30]  }
0x140: {  	v47 =	vld [tilespmem:$0x1E740]  }
0x141: {  	v45 =	vld [tilespmem:$0x1EF40]  }
0x142: {  	v50 =	vld [tilespmem:$0x1E750]  }
0x143: {  	v46 =	vld [tilespmem:$0x1EF50]  }
0x144: {  	v53 =	vld [tilespmem:$0x1E760]  }
0x145: {  	v49 =	vld [tilespmem:$0x1EF60]  }
0x146: {  	v55 =	vld [tilespmem:$0x1E770]  }
0x147: {  	v52 =	vld [tilespmem:$0x1EF70]  }
0x148: {  	v58 =	vld [tilespmem:$0x1E780]  }
0x149: {  	v54 =	vld [tilespmem:$0x1EF80]  }
0x14a: {  	v60 =	vld [tilespmem:$0x1E790]  }
0x14b: {  	v56 =	vld [tilespmem:$0x1EF90]  }
0x14c: {  	v62 =	vld [tilespmem:$0x1E7B0];
	_ =	sdelay $0x4  }
0x14d: {  	[tilespmem:$0x1FA80] =	vst v62;
	v62 =	vld [tilespmem:$0x1EFB0];
	_ =	sdelay $0x4  }
0x14e: {  	[tilespmem:$0x1FA90] =	vst v62;
	v62 =	vld [tilespmem:$0x1E7C0];
	_ =	sdelay $0x4  }
0x14f: {  	[tilespmem:$0x1FAA0] =	vst v62;
	v62 =	vld [tilespmem:$0x1EFC0];
	_ =	sdelay $0x4  }
0x150: {  	[tilespmem:$0x1FAB0] =	vst v62;
	v62 =	vld [tilespmem:$0x1E7D0];
	_ =	sdelay $0x4  }
0x151: {  	[tilespmem:$0x1FAC0] =	vst v62;
	v62 =	vld [tilespmem:$0x1EFD0];
	_ =	sdelay $0x4  }
0x152: {  	[tilespmem:$0x1FAD0] =	vst v62;
	v62 =	vld [tilespmem:$0x1E7E0];
	_ =	sdelay $0x4  }
0x153: {  	[tilespmem:$0x1FAE0] =	vst v62;
	v62 =	vld [tilespmem:$0x1EFE0];
	_ =	sdelay $0x4  }
0x154: {  	[tilespmem:$0x1FAF0] =	vst v62;
	v62 =	vld [tilespmem:$0x1E7F0];
	_ =	sdelay $0x4  }
0x155: {  	[tilespmem:$0x1FB00] =	vst v62;
	v62 =	vld [tilespmem:$0x1EFF0];
	_ =	sdelay $0x4  }
0x156: {  	[tilespmem:$0x1FB10] =	vst v62;
	v62 =	vld [tilespmem:$0x1E800];
	_ =	sdelay $0x4  }
0x157: {  	[tilespmem:$0x1FB20] =	vst v62;
	v62 =	vld [tilespmem:$0x1F000];
	_ =	sdelay $0x4  }
0x158: {  	[tilespmem:$0x1FB30] =	vst v62;
	v62 =	vld [tilespmem:$0x1E810];
	_ =	sdelay $0x4  }
0x159: {  	[tilespmem:$0x1FB40] =	vst v62;
	v62 =	vld [tilespmem:$0x1F010];
	_ =	sdelay $0x4  }
0x15a: {  	[tilespmem:$0x1FB50] =	vst v62;
	v62 =	vld [tilespmem:$0x1E820];
	_ =	sdelay $0x4  }
0x15b: {  	[tilespmem:$0x1FB60] =	vst v62;
	v62 =	vld [tilespmem:$0x1F020];
	_ =	sdelay $0x4  }
0x15c: {  	[tilespmem:$0x1FB70] =	vst v62;
	v62 =	vld [tilespmem:$0x1E830];
	_ =	sdelay $0x4  }
0x15d: {  	[tilespmem:$0x1FB80] =	vst v62;
	v62 =	vld [tilespmem:$0x1F030];
	_ =	sdelay $0x4  }
0x15e: {  	[tilespmem:$0x1FB90] =	vst v62;
	v62 =	vld [tilespmem:$0x1E840];
	_ =	sdelay $0x4  }
0x15f: {  	[tilespmem:$0x1FBA0] =	vst v62;
	v62 =	vld [tilespmem:$0x1F040];
	_ =	sdelay $0x4  }
0x160: {  	[tilespmem:$0x1FBB0] =	vst v62;
	v62 =	vld [tilespmem:$0x1E850];
	_ =	sdelay $0x4  }
0x161: {  	[tilespmem:$0x1FBC0] =	vst v62;
	v62 =	vld [tilespmem:$0x1F050];
	_ =	sdelay $0x4  }
0x162: {  	[tilespmem:$0x1FBD0] =	vst v62;
	v62 =	vld [tilespmem:$0x1E860];
	_ =	sdelay $0x4  }
0x163: {  	[tilespmem:$0x1FBE0] =	vst v62;
	v62 =	vld [tilespmem:$0x1F060];
	_ =	sdelay $0x4  }
0x164: {  	[tilespmem:$0x1FBF0] =	vst v62;
	v62 =	vld [tilespmem:$0x1E870];
	_ =	sdelay $0x4  }
0x165: {  	[tilespmem:$0x1FC00] =	vst v62;
	v62 =	vld [tilespmem:$0x1F070];
	_ =	sdelay $0x4  }
0x166: {  	[tilespmem:$0x1FC10] =	vst v62;
	v62 =	vld [tilespmem:$0x1E880];
	_ =	sdelay $0x4  }
0x167: {  	[tilespmem:$0x1FC20] =	vst v62;
	v62 =	vld [tilespmem:$0x1F080];
	_ =	sdelay $0x4  }
0x168: {  	[tilespmem:$0x1FC30] =	vst v62;
	v62 =	vld [tilespmem:$0x1E890];
	_ =	sdelay $0x4  }
0x169: {  	[tilespmem:$0x1FC40] =	vst v62;
	v62 =	vld [tilespmem:$0x1F090];
	_ =	sdelay $0x4  }
0x16a: {  	[tilespmem:$0x1FC50] =	vst v62;
	v62 =	vld [tilespmem:$0x1E8A0];
	_ =	sdelay $0x4  }
0x16b: {  	[tilespmem:$0x1FC60] =	vst v62;
	v62 =	vld [tilespmem:$0x1F0A0];
	_ =	sdelay $0x1  }
0x16c: {  	v0 =	vadd.f32 v0, v4  }
0x16d: {  	v63 =	vld [tilespmem:$0x1E7A0]  }
0x16e: {  	v61 =	vld [tilespmem:$0x1EFA0];
	v2 =	vadd.f32 v2, v5;
	[tilespmem:$0x1E5C0] =	vst v0  }
0x16f: {  	v0 =	vadd.f32 v3, v7;
	[tilespmem:$0x1FC70] =	vst v62;
	v62 =	vld [tilespmem:$0x1E8B0]  }
0x170: {  	[tilespmem:$0x1E5D0] =	vst v2;
	v2 =	vadd.f32 v6, v9  }
0x171: {  	v4 =	vld [tilespmem:$0x1EAD0];
	v6 =	vadd.f32 v56, v60;
	[tilespmem:$0x1E5E0] =	vst v0  }
0x172: {  	v5 =	vld [tilespmem:$0x1F2D0];
	[tilespmem:$0x1E5F0] =	vst v2  }
0x173: {  	v3 =	vld [tilespmem:$0x1F1F0];
	v7 =	vadd.f32 v61, v63;
	[tilespmem:$0x1E790] =	vst v6  }
0x174: {  	v0 =	vadd.f32 v8, v11;
	[tilespmem:$0x1FC80] =	vst v62;
	v62 =	vld [tilespmem:$0x1F0B0]  }
0x175: {  	v2 =	vadd.f32 v10, v13;
	v11 =	vld [tilespmem:$0x1F2A0];
	[tilespmem:$0x1E7A0] =	vst v7  }
0x176: {  	v8 =	vld [tilespmem:$0x1EAB0];
	[tilespmem:$0x1E600] =	vst v0  }
0x177: {  	v6 =	vld [tilespmem:$0x1FA80];
	[tilespmem:$0x1E610] =	vst v2  }
0x178: {  	v0 =	vadd.f32 v12, v15;
	v9 =	vld [tilespmem:$0x1FA90];
	[tilespmem:$0x1FF00] =	vst v3  }
0x179: {  	v2 =	vadd.f32 v14, v17;
	[tilespmem:$0x1FC90] =	vst v62;
	v62 =	vld [tilespmem:$0x1E8C0]  }
0x17a: {  	v3 =	vld [tilespmem:$0x1EA00];
	[tilespmem:$0x1E620] =	vst v0;
	v0 =	vadd.f32 v16, v19  }
0x17b: {  	[tilespmem:$0x1E630] =	vst v2;
	v2 =	vadd.f32 v18, v21;
	v19 =	vld [tilespmem:$0x1F290]  }
0x17c: {  	[tilespmem:$0x1E640] =	vst v0;
	v0 =	vadd.f32 v20, v23;
	v20 =	vld [tilespmem:$0x1EAA0]  }
0x17d: {  	[tilespmem:$0x1E650] =	vst v2;
	v9 =	vadd.f32 v9, v6;
	v6 =	vld [tilespmem:$0x1EAE0]  }
0x17e: {  	[tilespmem:$0x1FCA0] =	vst v62;
	v62 =	vld [tilespmem:$0x1F0C0]  }
0x17f: {  	v2 =	vadd.f32 v22, v25;
	v7 =	vld [tilespmem:$0x1FAA0];
	[tilespmem:$0x1FF10] =	vst v3  }
0x180: {  	v3 =	vld [tilespmem:$0x1F200];
	[tilespmem:$0x1E660] =	vst v0;
	v0 =	vadd.f32 v24, v27  }
0x181: {  	[tilespmem:$0x1E670] =	vst v2;
	v27 =	vld [tilespmem:$0x1F350]  }
0x182: {  	v2 =	vadd.f32 v26, v29;
	[tilespmem:$0x1E680] =	vst v0;
	v0 =	vadd.f32 v28, v59;
	v59 =	vld [tilespmem:$0x1F250]  }
0x183: {  	[tilespmem:$0x1FCB0] =	vst v62;
	v62 =	vld [tilespmem:$0x1E8D0]  }
0x184: {  	v29 =	vadd.f32 v52, v55;
	[tilespmem:$0x1E690] =	vst v2;
	v2 =	vadd.f32 v30, v57;
	v57 =	vld [tilespmem:$0x1EA60]  }
0x185: {  	v28 =	vld [tilespmem:$0x1EA90]  }
0x186: {  	[tilespmem:$0x1E770] =	vst v29;
	v29 =	vld [tilespmem:$0x1EB60]  }
0x187: {  	[tilespmem:$0x1FF20] =	vst v3;
	v3 =	vld [tilespmem:$0x1EA10]  }
0x188: {  	[tilespmem:$0x1FCC0] =	vst v62;
	v62 =	vld [tilespmem:$0x1F0D0]  }
0x189: {  	[tilespmem:$0x1E7B0] =	vst v9;
	v11 =	vadd.f32 v11, v20;
	v20 =	vld [tilespmem:$0x1F450]  }
0x18a: {  	[tilespmem:$0x1E6A0] =	vst v0;
	v0 =	vadd.f32 v31, v51;
	v51 =	vld [tilespmem:$0x1F260]  }
0x18b: {  	[tilespmem:$0x1E6B0] =	vst v2;
	v2 =	vadd.f32 v32, v48;
	v48 =	vld [tilespmem:$0x1EA70]  }
0x18c: {  	v30 =	vadd.f32 v54, v58;
	[tilespmem:$0x1FF30] =	vst v3;
	v3 =	vld [tilespmem:$0x1F210]  }
0x18d: {  	[tilespmem:$0x1FCD0] =	vst v62;
	v62 =	vld [tilespmem:$0x1E8E0]  }
0x18e: {  	v31 =	vld [tilespmem:$0x1F280];
	[tilespmem:$0x1E780] =	vst v30  }
0x18f: {  	v10 =	vld [tilespmem:$0x1FAB0];
	[tilespmem:$0x1EAA0] =	vst v11  }
0x190: {  	v30 =	vld [tilespmem:$0x1F360];
	[tilespmem:$0x1E6C0] =	vst v0  }
0x191: {  	[tilespmem:$0x1FF40] =	vst v3;
	v3 =	vld [tilespmem:$0x1EA20]  }
0x192: {  	v0 =	vadd.f32 v33, v39;
	[tilespmem:$0x1FCE0] =	vst v62;
	v62 =	vld [tilespmem:$0x1F0E0]  }
0x193: {  	v11 =	vld [tilespmem:$0x1ECA0];
	[tilespmem:$0x1E6D0] =	vst v2;
	v2 =	vadd.f32 v34, v40  }
0x194: {  	v39 =	vld [tilespmem:$0x1F270];
	[tilespmem:$0x1E6E0] =	vst v0  }
0x195: {  	v40 =	vld [tilespmem:$0x1EA80];
	[tilespmem:$0x1E6F0] =	vst v2  }
0x196: {  	v0 =	vadd.f32 v35, v37;
	[tilespmem:$0x1FF50] =	vst v3;
	v3 =	vld [tilespmem:$0x1F220]  }
0x197: {  	v2 =	vadd.f32 v36, v41;
	[tilespmem:$0x1FCF0] =	vst v62;
	v62 =	vld [tilespmem:$0x1E8F0]  }
0x198: {  	v10 =	vadd.f32 v10, v7;
	v7 =	vld [tilespmem:$0x1F2E0];
	[tilespmem:$0x1E700] =	vst v0;
	v0 =	vadd.f32 v38, v43  }
0x199: {  	v9 =	vld [tilespmem:$0x1FAC0];
	[tilespmem:$0x1E710] =	vst v2  }
0x19a: {  	v48 =	vadd.f32 v39, v48;
	v39 =	vld [tilespmem:$0x1EC40];
	[tilespmem:$0x1E720] =	vst v0  }
0x19b: {  	[tilespmem:$0x1FF60] =	vst v3;
	v3 =	vld [tilespmem:$0x1EA30]  }
0x19c: {  	v0 =	vadd.f32 v45, v47;
	[tilespmem:$0x1FD00] =	vst v62;
	v62 =	vld [tilespmem:$0x1F0F0]  }
0x19d: {  	[tilespmem:$0x1EA70] =	vst v48;
	v48 =	vld [tilespmem:$0x1ECF0]  }
0x19e: {  	[tilespmem:$0x1E740] =	vst v0;
	v0 =	vld [tilespmem:$0x1F2B0]  }
0x19f: {  	[tilespmem:$0x1E7C0] =	vst v10;
	v12 =	vld [tilespmem:$0x1FAD0]  }
0x1a0: {  	v2 =	vadd.f32 v42, v44;
	[tilespmem:$0x1FF70] =	vst v3;
	v3 =	vld [tilespmem:$0x1F230]  }
0x1a1: {  	[tilespmem:$0x1FD10] =	vst v62;
	v62 =	vld [tilespmem:$0x1E900]  }
0x1a2: {  	[tilespmem:$0x1E730] =	vst v2;
	v2 =	vadd.f32 v46, v50;
	v10 =	vld [tilespmem:$0x1FAE0]  }
0x1a3: {  	v13 =	vld [tilespmem:$0x1FAF0]  }
0x1a4: {  	[tilespmem:$0x1E750] =	vst v2;
	v2 =	vld [tilespmem:$0x1EAC0]  }
0x1a5: {  	[tilespmem:$0x1FF80] =	vst v3;
	v3 =	vld [tilespmem:$0x1EA40]  }
0x1a6: {  	[tilespmem:$0x1FD20] =	vst v62;
	v62 =	vld [tilespmem:$0x1F100]  }
0x1a7: {  	v12 =	vadd.f32 v12, v9;
	v9 =	vld [tilespmem:$0x1EAF0]  }
0x1a8: {  	v13 =	vadd.f32 v13, v10;
	v10 =	vld [tilespmem:$0x1F2F0]  }
0x1a9: {  	[tilespmem:$0x1E7D0] =	vst v12;
	v12 =	vld [tilespmem:$0x1FB00]  }
0x1aa: {  	v0 =	vadd.f32 v0, v8;
	[tilespmem:$0x1FF90] =	vst v3;
	v3 =	vld [tilespmem:$0x1F240]  }
0x1ab: {  	[tilespmem:$0x1FD30] =	vst v62;
	v62 =	vld [tilespmem:$0x1E910]  }
0x1ac: {  	[tilespmem:$0x1EAB0] =	vst v0;
	v0 =	vadd.f32 v5, v4;
	v14 =	vld [tilespmem:$0x1FB10]  }
0x1ad: {  	v8 =	vld [tilespmem:$0x1EC60]  }
0x1ae: {  	[tilespmem:$0x1EAD0] =	vst v0;
	v0 =	vadd.f32 v10, v9;
	v9 =	vld [tilespmem:$0x1EC90]  }
0x1af: {  	[tilespmem:$0x1FFA0] =	vst v3;
	v3 =	vld [tilespmem:$0x1EA50]  }
0x1b0: {  	[tilespmem:$0x1FD40] =	vst v62;
	v62 =	vld [tilespmem:$0x1F110]  }
0x1b1: {  	v10 =	vld [tilespmem:$0x1F490];
	v14 =	vadd.f32 v14, v12  }
0x1b2: {  	[tilespmem:$0x1E7E0] =	vst v13;
	v13 =	vld [tilespmem:$0x1FB20]  }
0x1b3: {  	[tilespmem:$0x1E7F0] =	vst v14;
	v15 =	vld [tilespmem:$0x1FB30]  }
0x1b4: {  	v14 =	vld [tilespmem:$0x1FB40];
	[tilespmem:$0x1FFB0] =	vst v3;
	v3 =	vadd.f32 v49, v53  }
0x1b5: {  	[tilespmem:$0x1FD50] =	vst v62;
	v62 =	vld [tilespmem:$0x1E920]  }
0x1b6: {  	[tilespmem:$0x1E760] =	vst v3;
	v3 =	vld [tilespmem:$0x1F2C0]  }
0x1b7: {  	v32 =	vld [tilespmem:$0x1FB50]  }
0x1b8: {  	v12 =	vld [tilespmem:$0x1EB00]  }
0x1b9: {  	v15 =	vadd.f32 v15, v13;
	v13 =	vld [tilespmem:$0x1F300]  }
0x1ba: {  	[tilespmem:$0x1FD60] =	vst v62;
	v62 =	vld [tilespmem:$0x1F120]  }
0x1bb: {  	v2 =	vadd.f32 v3, v2;
	v3 =	vld [tilespmem:$0x1F460]  }
0x1bc: {  	v16 =	vadd.f32 v32, v14;
	v14 =	vld [tilespmem:$0x1EB10]  }
0x1bd: {  	[tilespmem:$0x1E800] =	vst v15;
	v15 =	vld [tilespmem:$0x1FB60]  }
0x1be: {  	v32 =	vld [tilespmem:$0x1EB70]  }
0x1bf: {  	[tilespmem:$0x1FD70] =	vst v62;
	v62 =	vld [tilespmem:$0x1E930]  }
0x1c0: {  	[tilespmem:$0x1EAC0] =	vst v2;
	v2 =	vadd.f32 v7, v6;
	v6 =	vld [tilespmem:$0x1EC80]  }
0x1c1: {  	v7 =	vld [tilespmem:$0x1F480]  }
0x1c2: {  	v33 =	vld [tilespmem:$0x1FB70]  }
0x1c3: {  	[tilespmem:$0x1E810] =	vst v16;
	v16 =	vld [tilespmem:$0x1EB20]  }
0x1c4: {  	[tilespmem:$0x1FD80] =	vst v62;
	v62 =	vld [tilespmem:$0x1F130]  }
0x1c5: {  	[tilespmem:$0x1EAE0] =	vst v2;
	v2 =	vadd.f32 v13, v12;
	v12 =	vld [tilespmem:$0x1F4A0]  }
0x1c6: {  	v13 =	vld [tilespmem:$0x1ECB0]  }
0x1c7: {  	v17 =	vadd.f32 v33, v15;
	v15 =	vld [tilespmem:$0x1F310]  }
0x1c8: {  	v34 =	vld [tilespmem:$0x1FB80]  }
0x1c9: {  	[tilespmem:$0x1FD90] =	vst v62;
	v62 =	vld [tilespmem:$0x1E940]  }
0x1ca: {  	v33 =	vld [tilespmem:$0x1F370]  }
0x1cb: {  	[tilespmem:$0x1E820] =	vst v17;
	v17 =	vld [tilespmem:$0x1F320]  }
0x1cc: {  	v35 =	vld [tilespmem:$0x1FB90]  }
0x1cd: {  	[tilespmem:$0x1EAF0] =	vst v0;
	v0 =	vadd.f32 v15, v14;
	v14 =	vld [tilespmem:$0x1F4B0]  }
0x1ce: {  	[tilespmem:$0x1FDA0] =	vst v62;
	v62 =	vld [tilespmem:$0x1F140]  }
0x1cf: {  	v38 =	vld [tilespmem:$0x1FBC0]  }
0x1d0: {  	v41 =	vld [tilespmem:$0x1FBD0]  }
0x1d1: {  	v42 =	vld [tilespmem:$0x1FBE0]  }
0x1d2: {  	v43 =	vld [tilespmem:$0x1FBF0]  }
0x1d3: {  	[tilespmem:$0x1FDB0] =	vst v62;
	v62 =	vld [tilespmem:$0x1E950]  }
0x1d4: {  	v15 =	vld [tilespmem:$0x1ECC0]  }
0x1d5: {  	v36 =	vld [tilespmem:$0x1FBA0]  }
0x1d6: {  	v18 =	vadd.f32 v35, v34;
	v34 =	vld [tilespmem:$0x1EB80]  }
0x1d7: {  	v37 =	vld [tilespmem:$0x1FBB0];
	v22 =	vadd.f32 v41, v38  }
0x1d8: {  	v23 =	vadd.f32 v43, v42;
	[tilespmem:$0x1FDC0] =	vst v62;
	v62 =	vld [tilespmem:$0x1F150]  }
0x1d9: {  	[tilespmem:$0x1E850] =	vst v22;
	v22 =	vld [tilespmem:$0x1EB40]  }
0x1da: {  	[tilespmem:$0x1E860] =	vst v23;
	v23 =	vld [tilespmem:$0x1F340]  }
0x1db: {  	[tilespmem:$0x1EB00] =	vst v2;
	v35 =	vld [tilespmem:$0x1F380]  }
0x1dc: {  	[tilespmem:$0x1E830] =	vst v18;
	v18 =	vld [tilespmem:$0x1EB30];
	v21 =	vadd.f32 v37, v36  }
0x1dd: {  	v2 =	vadd.f32 v17, v16;
	[tilespmem:$0x1FDD0] =	vst v62;
	v62 =	vld [tilespmem:$0x1E960]  }
0x1de: {  	[tilespmem:$0x1E840] =	vst v21;
	v21 =	vld [tilespmem:$0x1F330]  }
0x1df: {  	[tilespmem:$0x1EB20] =	vst v2;
	v44 =	vld [tilespmem:$0x1FC00];
	v2 =	vadd.f32 v23, v22  }
0x1e0: {  	v45 =	vld [tilespmem:$0x1FC10]  }
0x1e1: {  	[tilespmem:$0x1EB40] =	vst v2;
	v2 =	vadd.f32 v30, v29;
	v46 =	vld [tilespmem:$0x1FC20]  }
0x1e2: {  	[tilespmem:$0x1FDE0] =	vst v62;
	v62 =	vld [tilespmem:$0x1F160]  }
0x1e3: {  	[tilespmem:$0x1EB60] =	vst v2;
	v2 =	vadd.f32 v35, v34;
	v35 =	vld [tilespmem:$0x1F4C0]  }
0x1e4: {  	v47 =	vld [tilespmem:$0x1FC30]  }
0x1e5: {  	v49 =	vld [tilespmem:$0x1FC40]  }
0x1e6: {  	v50 =	vld [tilespmem:$0x1FC50]  }
0x1e7: {  	[tilespmem:$0x1FDF0] =	vst v62;
	v62 =	vld [tilespmem:$0x1E970]  }
0x1e8: {  	v52 =	vld [tilespmem:$0x1FC60]  }
0x1e9: {  	v53 =	vld [tilespmem:$0x1FC70]  }
0x1ea: {  	v54 =	vld [tilespmem:$0x1FC80]  }
0x1eb: {  	v55 =	vld [tilespmem:$0x1FC90]  }
0x1ec: {  	[tilespmem:$0x1FE00] =	vst v62;
	v62 =	vld [tilespmem:$0x1F170]  }
0x1ed: {  	v56 =	vld [tilespmem:$0x1FCA0]  }
0x1ee: {  	v58 =	vld [tilespmem:$0x1FCB0]  }
0x1ef: {  	v60 =	vld [tilespmem:$0x1FCC0]  }
0x1f0: {  	v24 =	vadd.f32 v45, v44;
	v61 =	vld [tilespmem:$0x1FCD0]  }
0x1f1: {  	v25 =	vadd.f32 v47, v46;
	[tilespmem:$0x1FE10] =	vst v62;
	v62 =	vld [tilespmem:$0x1E980]  }
0x1f2: {  	[tilespmem:$0x1E870] =	vst v24;
	v26 =	vadd.f32 v50, v49;
	v63 =	vld [tilespmem:$0x1FCE0]  }
0x1f3: {  	[tilespmem:$0x1E880] =	vst v25;
	v25 =	vadd.f32 v53, v52;
	v36 =	vld [tilespmem:$0x1FCF0]  }
0x1f4: {  	[tilespmem:$0x1E890] =	vst v26;
	v37 =	vld [tilespmem:$0x1FD00]  }
0x1f5: {  	[tilespmem:$0x1E8A0] =	vst v25;
	v26 =	vadd.f32 v55, v54;
	v38 =	vld [tilespmem:$0x1FD10]  }
0x1f6: {  	v25 =	vadd.f32 v58, v56;
	[tilespmem:$0x1FE20] =	vst v62;
	v62 =	vld [tilespmem:$0x1F180]  }
0x1f7: {  	v24 =	vld [tilespmem:$0x1EB50];
	[tilespmem:$0x1E8B0] =	vst v26  }
0x1f8: {  	[tilespmem:$0x1E8C0] =	vst v25;
	v26 =	vadd.f32 v61, v60;
	v25 =	vadd.f32 v36, v63;
	v36 =	vld [tilespmem:$0x1EB90]  }
0x1f9: {  	v41 =	vld [tilespmem:$0x1FD20]  }
0x1fa: {  	[tilespmem:$0x1E8D0] =	vst v26;
	v26 =	vadd.f32 v38, v37;
	v37 =	vld [tilespmem:$0x1F390]  }
0x1fb: {  	[tilespmem:$0x1FE30] =	vst v62;
	v62 =	vld [tilespmem:$0x1E990]  }
0x1fc: {  	v42 =	vld [tilespmem:$0x1FD30]  }
0x1fd: {  	[tilespmem:$0x1EB10] =	vst v0;
	v0 =	vadd.f32 v21, v18;
	v38 =	vld [tilespmem:$0x1EBA0]  }
0x1fe: {  	v43 =	vld [tilespmem:$0x1FD40]  }
0x1ff: {  	[tilespmem:$0x1EB30] =	vst v0;
	v44 =	vld [tilespmem:$0x1FD50]  }
0x200: {  	[tilespmem:$0x1FE40] =	vst v62;
	v62 =	vld [tilespmem:$0x1F190]  }
0x201: {  	v0 =	vadd.f32 v27, v24;
	[tilespmem:$0x1E8E0] =	vst v25;
	v25 =	vadd.f32 v42, v41;
	v41 =	vld [tilespmem:$0x1F3A0]  }
0x202: {  	v42 =	vld [tilespmem:$0x1EBB0]  }
0x203: {  	[tilespmem:$0x1EB50] =	vst v0;
	v45 =	vld [tilespmem:$0x1FD60]  }
0x204: {  	[tilespmem:$0x1E8F0] =	vst v26;
	v26 =	vadd.f32 v44, v43;
	v43 =	vld [tilespmem:$0x1F3B0]  }
0x205: {  	v0 =	vadd.f32 v33, v32;
	[tilespmem:$0x1FE50] =	vst v62;
	v62 =	vld [tilespmem:$0x1E9A0]  }
0x206: {  	[tilespmem:$0x1EB80] =	vst v2;
	v46 =	vld [tilespmem:$0x1FD70]  }
0x207: {  	[tilespmem:$0x1EB70] =	vst v0;
	v0 =	vadd.f32 v37, v36;
	v2 =	vadd.f32 v41, v38;
	v41 =	vld [tilespmem:$0x1F4D0]  }
0x208: {  	v44 =	vld [tilespmem:$0x1EBC0]  }
0x209: {  	[tilespmem:$0x1EB90] =	vst v0;
	v0 =	vadd.f32 v43, v42;
	v43 =	vld [tilespmem:$0x1ECE0]  }
0x20a: {  	[tilespmem:$0x1FE60] =	vst v62;
	v62 =	vld [tilespmem:$0x1F1A0]  }
0x20b: {  	[tilespmem:$0x1E900] =	vst v25;
	v25 =	vadd.f32 v46, v45;
	v45 =	vld [tilespmem:$0x1F3C0]  }
0x20c: {  	v47 =	vld [tilespmem:$0x1FD80]  }
0x20d: {  	v46 =	vld [tilespmem:$0x1EBD0]  }
0x20e: {  	v49 =	vld [tilespmem:$0x1FD90]  }
0x20f: {  	[tilespmem:$0x1FE70] =	vst v62;
	v62 =	vld [tilespmem:$0x1E9B0]  }
0x210: {  	[tilespmem:$0x1EBA0] =	vst v2;
	v2 =	vadd.f32 v45, v44;
	v45 =	vld [tilespmem:$0x1F4E0]  }
0x211: {  	v50 =	vld [tilespmem:$0x1FDA0]  }
0x212: {  	v52 =	vld [tilespmem:$0x1FDB0]  }
0x213: {  	v53 =	vld [tilespmem:$0x1FDC0]  }
0x214: {  	[tilespmem:$0x1FE80] =	vst v62;
	v62 =	vld [tilespmem:$0x1F1B0]  }
0x215: {  	v54 =	vld [tilespmem:$0x1FDD0]  }
0x216: {  	v55 =	vld [tilespmem:$0x1FDE0]  }
0x217: {  	v56 =	vld [tilespmem:$0x1FDF0]  }
0x218: {  	v58 =	vld [tilespmem:$0x1FE00]  }
0x219: {  	[tilespmem:$0x1FE90] =	vst v62;
	v62 =	vld [tilespmem:$0x1E9C0]  }
0x21a: {  	v60 =	vld [tilespmem:$0x1FE10]  }
0x21b: {  	v61 =	vld [tilespmem:$0x1FE20]  }
0x21c: {  	[tilespmem:$0x1E910] =	vst v26;
	v63 =	vld [tilespmem:$0x1FE30]  }
0x21d: {  	[tilespmem:$0x1E920] =	vst v25;
	v26 =	vadd.f32 v49, v47;
	v49 =	vld [tilespmem:$0x1FE40]  }
0x21e: {  	v25 =	vadd.f32 v52, v50;
	[tilespmem:$0x1FEA0] =	vst v62;
	v62 =	vld [tilespmem:$0x1F1C0]  }
0x21f: {  	[tilespmem:$0x1E930] =	vst v26;
	v26 =	vadd.f32 v54, v53;
	v50 =	vld [tilespmem:$0x1FE50]  }
0x220: {  	[tilespmem:$0x1E940] =	vst v25;
	v25 =	vadd.f32 v56, v55;
	v52 =	vld [tilespmem:$0x1FE60]  }
0x221: {  	[tilespmem:$0x1E950] =	vst v26;
	v53 =	vld [tilespmem:$0x1FE70]  }
0x222: {  	v47 =	vld [tilespmem:$0x1F3D0];
	[tilespmem:$0x1E960] =	vst v25;
	v26 =	vadd.f32 v60, v58  }
0x223: {  	[tilespmem:$0x1FEB0] =	vst v62;
	v62 =	vld [tilespmem:$0x1E9D0]  }
0x224: {  	[tilespmem:$0x1E970] =	vst v26;
	v25 =	vadd.f32 v63, v61;
	v26 =	vadd.f32 v50, v49;
	v49 =	vld [tilespmem:$0x1EBE0]  }
0x225: {  	v50 =	vld [tilespmem:$0x1F3E0]  }
0x226: {  	[tilespmem:$0x1E980] =	vst v25;
	v25 =	vadd.f32 v53, v52;
	v52 =	vld [tilespmem:$0x1EBF0]  }
0x227: {  	v53 =	vld [tilespmem:$0x1F3F0]  }
0x228: {  	[tilespmem:$0x1FEC0] =	vst v62;
	v62 =	vld [tilespmem:$0x1F1D0]  }
0x229: {  	v54 =	vld [tilespmem:$0x1FE80]  }
0x22a: {  	[tilespmem:$0x1EBB0] =	vst v0;
	v0 =	vadd.f32 v47, v46;
	v55 =	vld [tilespmem:$0x1FE90]  }
0x22b: {  	[tilespmem:$0x1EBC0] =	vst v2;
	v2 =	vadd.f32 v50, v49;
	v50 =	vld [tilespmem:$0x1F4F0]  }
0x22c: {  	[tilespmem:$0x1EBD0] =	vst v0;
	v0 =	vadd.f32 v53, v52;
	v53 =	vld [tilespmem:$0x1ED00]  }
0x22d: {  	[tilespmem:$0x1FED0] =	vst v62;
	v62 =	vld [tilespmem:$0x1E9E0]  }
0x22e: {  	v56 =	vld [tilespmem:$0x1FEA0]  }
0x22f: {  	[tilespmem:$0x1E990] =	vst v26;
	v26 =	vadd.f32 v55, v54;
	v54 =	vld [tilespmem:$0x1EC00]  }
0x230: {  	v58 =	vld [tilespmem:$0x1FEB0]  }
0x231: {  	v55 =	vld [tilespmem:$0x1F400]  }
0x232: {  	[tilespmem:$0x1FEE0] =	vst v62;
	v62 =	vld [tilespmem:$0x1F1E0]  }
0x233: {  	v60 =	vld [tilespmem:$0x1FEC0]  }
0x234: {  	v61 =	vld [tilespmem:$0x1FED0]  }
0x235: {  	[tilespmem:$0x1E9A0] =	vst v25;
	v25 =	vadd.f32 v58, v56;
	v58 =	vld [tilespmem:$0x1FF00]  }
0x236: {  	v63 =	vld [tilespmem:$0x1FEE0]  }
0x237: {  	[tilespmem:$0x1FEF0] =	vst v62;
	v62 =	vld [tilespmem:$0x1E9F0]  }
0x238: {  	v56 =	vld [tilespmem:$0x1FEF0]  }
0x239: {  	[tilespmem:$0x1E9B0] =	vst v26;
	v26 =	vadd.f32 v61, v60;
	v60 =	vld [tilespmem:$0x1FF10]  }
0x23a: {  	v61 =	vld [tilespmem:$0x1FF20]  }
0x23b: {  	[tilespmem:$0x1EBE0] =	vst v2;
	v2 =	vadd.f32 v55, v54;
	v54 =	vld [tilespmem:$0x1F500]  }
0x23c: {  	[tilespmem:$0x1E9D0] =	vst v26;
	v26 =	vadd.f32 v58, v62;
	v62 =	vld [tilespmem:$0x1FF30]  }
0x23d: {  	[tilespmem:$0x1E9C0] =	vst v25;
	v25 =	vadd.f32 v56, v63;
	v63 =	vld [tilespmem:$0x1FF40]  }
0x23e: {  	v55 =	vld [tilespmem:$0x1ED10]  }
0x23f: {  	[tilespmem:$0x1E9E0] =	vst v25;
	v25 =	vadd.f32 v61, v60;
	v60 =	vld [tilespmem:$0x1FF50]  }
0x240: {  	v61 =	vld [tilespmem:$0x1FF60]  }
0x241: {  	v58 =	vld [tilespmem:$0x1F410]  }
0x242: {  	v56 =	vld [tilespmem:$0x1EC10];
	[tilespmem:$0x1E9F0] =	vst v26;
	v26 =	vadd.f32 v63, v62  }
0x243: {  	v62 =	vld [tilespmem:$0x1FFB0]  }
0x244: {  	[tilespmem:$0x1EA10] =	vst v26;
	v26 =	vld [tilespmem:$0x1FF70]  }
0x245: {  	[tilespmem:$0x1EA00] =	vst v25;
	v25 =	vadd.f32 v61, v60;
	v60 =	vld [tilespmem:$0x1FF80]  }
0x246: {  	v61 =	vld [tilespmem:$0x1FFA0]  }
0x247: {  	[tilespmem:$0x1EA20] =	vst v25;
	v25 =	vld [tilespmem:$0x1FF90]  }
0x248: {  	v19 =	vadd.f32 v19, v28;
	v63 =	vadd.f32 v51, v57;
	v51 =	vld [tilespmem:$0x1F430]  }
0x249: {  	v57 =	vadd.f32 v31, v40;
	v31 =	vld [tilespmem:$0x1F440]  }
0x24a: {  	[tilespmem:$0x1EA90] =	vst v19;
	v40 =	vld [tilespmem:$0x1ECD0]  }
0x24b: {  	[tilespmem:$0x1EBF0] =	vst v0;
	v26 =	vadd.f32 v60, v26;
	v60 =	vld [tilespmem:$0x1EC20]  }
0x24c: {  	[tilespmem:$0x1EC00] =	vst v2;
	v25 =	vadd.f32 v61, v25;
	v61 =	vld [tilespmem:$0x1F420]  }
0x24d: {  	[tilespmem:$0x1EA30] =	vst v26;
	v26 =	vadd.f32 v59, v62;
	v59 =	vld [tilespmem:$0x1EC30]  }
0x24e: {  	v0 =	vadd.f32 v58, v56;
	v56 =	vld [tilespmem:$0x1F510];
	[tilespmem:$0x1EA60] =	vst v63  }
0x24f: {  	[tilespmem:$0x1EA50] =	vst v26;
	v26 =	vld [tilespmem:$0x1EC50]  }
0x250: {  	[tilespmem:$0x1EA80] =	vst v57;
	v63 =	vld [tilespmem:$0x1F470]  }
0x251: {  	[tilespmem:$0x1EC10] =	vst v0;
	v62 =	vld [tilespmem:$0x1EC70];
	v2 =	vadd.f32 v61, v60  }
0x252: {  	v58 =	vld [tilespmem:$0x1F520];
	[tilespmem:$0x1EA40] =	vst v25;
	v0 =	vadd.f32 v51, v59  }
0x253: {  	v57 =	vld [tilespmem:$0x1ED20];
	[tilespmem:$0x1EC20] =	vst v2;
	v2 =	vadd.f32 v31, v39  }
0x254: {  	v59 =	vld [tilespmem:$0x1ED30];
	[tilespmem:$0x1EC30] =	vst v0;
	v0 =	vadd.f32 v20, v26  }
0x255: {  	v60 =	vld [tilespmem:$0x1ED40];
	[tilespmem:$0x1EC40] =	vst v2;
	v2 =	vadd.f32 v3, v8  }
0x256: {  	v61 =	vld [tilespmem:$0x1F540];
	[tilespmem:$0x1EC50] =	vst v0;
	v0 =	vadd.f32 v63, v62  }
0x257: {  	v3 =	vld [tilespmem:$0x1F530];
	[tilespmem:$0x1EC60] =	vst v2;
	v2 =	vadd.f32 v7, v6  }
0x258: {  	v8 =	vld [tilespmem:$0x1ED60];
	[tilespmem:$0x1EC70] =	vst v0;
	v0 =	vadd.f32 v10, v9  }
0x259: {  	v62 =	vld [tilespmem:$0x1F5A0];
	[tilespmem:$0x1EC80] =	vst v2;
	v2 =	vadd.f32 v12, v11  }
0x25a: {  	v63 =	vld [tilespmem:$0x1EDB0];
	[tilespmem:$0x1EC90] =	vst v0;
	v0 =	vadd.f32 v14, v13  }
0x25b: {  	v6 =	vld [tilespmem:$0x1ED50];
	[tilespmem:$0x1ECA0] =	vst v2;
	v2 =	vadd.f32 v35, v15  }
0x25c: {  	v7 =	vld [tilespmem:$0x1F550];
	[tilespmem:$0x1ECB0] =	vst v0;
	v0 =	vadd.f32 v41, v40  }
0x25d: {  	v9 =	vld [tilespmem:$0x1F560];
	[tilespmem:$0x1ECC0] =	vst v2;
	v2 =	vadd.f32 v45, v43  }
0x25e: {  	v10 =	vld [tilespmem:$0x1ED70];
	[tilespmem:$0x1ECD0] =	vst v0;
	v0 =	vadd.f32 v50, v48  }
0x25f: {  	v11 =	vld [tilespmem:$0x1F570];
	[tilespmem:$0x1ECE0] =	vst v2;
	v2 =	vadd.f32 v54, v53  }
0x260: {  	v12 =	vld [tilespmem:$0x1ED80];
	[tilespmem:$0x1ECF0] =	vst v0;
	v0 =	vadd.f32 v56, v55  }
0x261: {  	v13 =	vld [tilespmem:$0x1F580];
	[tilespmem:$0x1ED00] =	vst v2;
	v2 =	vadd.f32 v58, v57  }
0x262: {  	v14 =	vld [tilespmem:$0x1ED90];
	[tilespmem:$0x1ED10] =	vst v0;
	v0 =	vadd.f32 v3, v59  }
0x263: {  	v15 =	vld [tilespmem:$0x1F590];
	[tilespmem:$0x1ED20] =	vst v2;
	v2 =	vadd.f32 v61, v60  }
0x264: {  	v3 =	vld [tilespmem:$0x1EDA0];
	[tilespmem:$0x1ED30] =	vst v0;
	v0 =	vadd.f32 v7, v6  }
0x265: {  	v6 =	vld [tilespmem:$0x1F5B0];
	[tilespmem:$0x1ED40] =	vst v2;
	v2 =	vadd.f32 v9, v8  }
0x266: {  	[tilespmem:$0x1ED50] =	vst v0;
	v0 =	vadd.f32 v11, v10  }
0x267: {  	[tilespmem:$0x1ED60] =	vst v2;
	v2 =	vadd.f32 v13, v12  }
0x268: {  	[tilespmem:$0x1ED70] =	vst v0;
	v0 =	vadd.f32 v15, v14  }
0x269: {  	[tilespmem:$0x1ED80] =	vst v2;
	v2 =	vadd.f32 v62, v3  }
0x26a: {  	[tilespmem:$0x1ED90] =	vst v0;
	v0 =	vadd.f32 v6, v63  }
0x26b: {  	v9 =	vld [tilespmem:$0x1FFC0];
	[tilespmem:$0x1EDA0] =	vst v2  }
.Ltmp10:
0x26c: {  	s15 =	sadd.s32 s31, s12;
	v11 =	vld [tilespmem:$0x1FFE0];
	[tilespmem:$0x1EDB0] =	vst v0;
	(pc) =	sbr.rel .LBB2_10-.Ltmp10, $4  }
0x26d: {  	v10 =	vld [tilespmem:$0x1FFD0];
	[hbm4b:s15+s3] =	stream.linear.scatter [tilespmem:s25], [sflag:$0x7], $0x800, $0x38  }
0x26e: {  	v12 =	vld [tilespmem:$0x1FFF0];
	_ =	swait.ge [sflag:s29], $0x800  }
0x26f: {  	[sflag:s29] =	ssyncset.done $0x0  }
0x270: {  	v8 =	vlaneseq.u32;
	[sflag:s29] =	ssyncadd.s32 $0xFFFFF800  }
.LBB2_12:
0x271: {  	_ =	sfence.sel $0x180000  }
0x272: {  	[bflag:$0x0] =	sbarrier.arrive $0xFFFF  }
0x273: {  	_ =	strace $0x9000004D  }
0x274: {  	[bflag:$0x2] =	sbarrier.arrive $0xFFFF  }
0x275: {  	p0 =	sne.s32 s2, $0x0;
	s0 =	rddreg [dreg:$0x3]  }
0x276: {  	s0 =	sadd.s32 @!p0 $0x100000, s0  }
0x277: {  	[sflag:s0] =	ssyncadd.tile.s32 @!p0 $0x1;
	_ =	shalt  }
.Lfunc_end2:
_tile_overlayer_lowered:
.L_overlay_start_2:
0x278: {  	(tag) =	ssettag $0x2  }
0x279: {  	s0 =	rddreg [dreg:$0x0];
	s2 =	stileid.u32  }
0x27a: {  	s1 =	rddreg [dreg:$0x1];
	p0 =	sne.s32 s2, $0x0  }
0x27b: {  	s3 =	rddreg [dreg:$0x2];
	[bflag:$0x3] =	sbarrier.arrive $0xFFFF;
	s2 =	simm.s32 @!p0 $0x1C07  }
0x27c: {  	[timem:s3], [sflag:s2] =	dma.local @!p0 [hbm:s0], s1  }
0x27d: {  	s0 =	simm.s32 @!p0 $0x7  }
0x27e: {  	_ =	swait.ge @!p0 [sflag:s0], s1  }
0x27f: {  	s1 =	ssub.s32 @!p0 $0x0, s1;
	[sflag:s0] =	ssyncset.done @!p0 $0x0  }
0x280: {  	[sflag:s0] =	ssyncadd.s32 @!p0 s1  }
0x281: {  	[bflag:$0x3] =	sbarrier.arrive $0xFFFF  }
0x282: {  	_ =	shalt  }

// kernel: sparse-core-data-format-call.cloned.1.call-start
scs
called_computation_lowered:
.L_overlay_start_0:
0x0: {  	s1 =	sld [smem:$0x3FD9]  }
0x1: {  	s2 =	sld [smem:$0x3FFE];
	_ =	sdelay $0x1  }
0x2: {  	s3 =	srdreg.scid  }
0x3: {  	s0 =	sand.u32 $0x1, s3  }
0x4: {  	s17 =	sshll.u32 s0, $0xA;
	s1 =	sadd.s32 s2, s1  }
0x5: {  	s1 =	sadd.s32 s1, s17  }
0x6: {  	[smem:$0x3FBA] =	sst s1  }
0x7: {  	_ = 	snop  }
0x8: {  	(tm) =	ssettm $0x1  }
0x9: {  	s18 =	sld [smem:$0x3FFB];
	_ =	sdelay $0x3  }
0xa: {  	_ =	strace s18  }
0xb: {  	s1 =	sld [smem:$0x3FFC];
	_ =	sdelay $0x3  }
0xc: {  	_ =	strace s1  }
0xd: {  	s1 =	sld [smem:$0x3FFD];
	_ =	sdelay $0x3  }
0xe: {  	_ =	strace s1  }
0xf: {  	_ =	strace $0x8FFFFFFF  }
0x10: {  	s19 =	sld [smem:$0x3FDB];
	_ =	sdelay $0x1  }
0x11: {  	s20 =	simm.s32 $_scs_section_size  }
0x12: {  	s4 =	simm.s32 $_size__tile_overlayer_lowered;
	s5 =	simm.s32 $_tile_overlayer_lowered  }
0x13: {  	s23 =	simm.s32 $0x1BFF;
	s22 =	sshll.u32 s5, $0x1;
	s1 =	sadd.s32 s20, s19  }
0x14: {  	s6 =	simm.s32 $0x0;
	s21 =	sshll.u32 s4, $0x1;
	s4 =	sadd.s32 s22, s1  }
0x15: {  	[timem:s6], [sflag:s23] =	dma.local [hbm:s4], s21  }
0x16: {  	_ =	swait.ge [sflag:s23], s21  }
0x17: {  	s2 =	ssub.s32 $0x0, s21;
	[sflag:s23] =	ssyncset.done $0x0  }
0x18: {  	[sflag:s23] =	ssyncadd.s32 s2;
	_ =	sdelay $0x1  }
0x19: {  	s24 =	simm.s32 $0x1B8B  }
0x1a: {  	_ =	swait.ge [sflag:s24], $0x1  }
0x1b: {  	[sflag:s24] =	ssyncset.done $0x0  }
0x1c: {  	s26 =	simm.s32 $0x1B8E;
	s25 =	sld [smem:$0x3FFE];
	[sflag:s24] =	ssyncadd.s32 $0xFFFFFFFF  }
0x1d: {  	s27 =	simm.s32 $execute0_lowered;
	[smem:$0x3FD2] =	sst s26  }
0x1e: {  	s4 =	sshll.u32 s27, $0x1;
	_ =	strace $0x80000049;
	[dreg:$0x1] =	wrdreg $0xFFFFFFFF  }
0x1f: {  	s28 =	simm.s32 $_size_execute0_lowered;
	s1 =	sadd.s32 s1, s4;
	[dreg:$0x0] =	wrdreg $0x0  }
0x20: {  	s4 =	sshll.u32 s28, $0x1;
	[dreg:$0x2] =	wrdreg s1  }
0x21: {  	[dreg:$0x3] =	wrdreg s4  }
0x22: {  	[dreg:$0x4] =	wrdreg $0xC0  }
0x23: {  	_ =	task [dreg:s6], $0x5FFFF  }
0x24: {  	[dreg:$0x1] =	wrdreg $0xFFFFFFFF  }
0x25: {  	[dreg:$0x0] =	wrdreg $0x60  }
0x26: {  	[dreg:$0x2] =	wrdreg s25  }
0x27: {  	[dreg:$0x3] =	wrdreg $0x9  }
0x28: {  	_ =	task.clear_ibuf [dreg:s6], $0x4FFFF;
	_ =	strace $0x90000049  }
0x29: {  	s29 =	simm.s32 $0x9;
	_ =	strace $0x8000004B  }
0x2a: {  	_ =	swait.ge [sflag:s29], $0x1  }
0x2b: {  	[sflag:s29] =	ssyncadd.s32 $0xFFFFFFFF  }
0x2c: {  	_ =	strace $0x9000004B  }
0x2d: {  	_ =	sfence  }
0x2e: {  	s30 =	sld [smem:$0x0];
	_ =	sdelay $0x2  }
0x2f: {  	s31 =	sshll.u32 s3, $0xD;
	s3 =	sshrl.u32 s3, $0x2  }
0x30: {  	s2 =	sand.u32 $0x4000, s31;
	s1 =	sadd.s32 s3, s30  }
0x31: {  	s0 =	sor.u32 s2, s0;
	s1 =	sshll.u32 s1, $0x11  }
0x32: {  	s0 =	sor.u32 s1, s0  }
0x33: {  	s0 =	sadd.s32 $0x8F2B, s0  }
0x34: {  	[sflag:s0] =	ssyncadd.remote.s32 $0x1  }
0x35: {  	_ =	sfence.sel $0xFFFF  }
0x36: {  	[dreg:$0x0] =	wrdreg $0xFFFFFFFF;
	(pc) =	sbr.abs _section_cstart, $3  }
0x37: {  	[dreg:$0x1] =	wrdreg $0xFFFFFFFF  }
0x38: {  	_ =	task.clear_ibuf [dreg:s6], $0x2FFFF;
	_ =	strace $0x9FFFFFFF  }
0x39: {  	(tm) =	ssettm $0x7FFFFFFF  }
tec
execute0_lowered:
.L_overlay_start_1:
0x0: {  	(tag) =	ssettag $0x1  }
0x1: {  	s0 =	srdreg.scid  }
0x2: {  	s1 =	sshll.u32 s0, $0x4  }
0x3: {  	s4 =	rddreg [dreg:$0x0];
	s0 =	stileid.u32;
	s1 =	sand.u32 $0x10, s1  }
0x4: {  	s7 =	simm.s32 $0x1;
	s8 =	simm.s32 $0x2;
	s2 =	sor.u32 s0, s1  }
0x5: {  	s9 =	simm.s32 $0x0;
	s12 =	simm.s32 $0x0;
	s2 =	sshll.u32 s2, $0x3  }
0x6: {  	s11 =	simm.s32 $0x0;
	s3 =	sadd.s32 $0x4E8A00, s4;
	s6 =	ssub.s32 $0x4E20, s2  }
.Ltmp0:
0x7: {  	s4 =	sadd.s32 $0x6A00, s4;
	s5 =	sand.u32 $0xF8, s6;
	(pc) =	sbr.rel .LBB1_1-.Ltmp0, $4  }
0x8: {  	s1 =	rddreg [dreg:$0x1];
	_ =	strace $0x8000004A;
	p0 =	sne.s32 s5, $0x0  }
0x9: {  	s6 =	sshrl.u32 s6, $0x8;
	s5 =	simm.s32 $0x1;
	s7 =	simm.s32 @!p0 $0x0  }
0xa: {  	s10 =	smov.u32 s2;
	[sflag:s5] =	ssyncpa.u1 $0x0;
	s6 =	sadd.s32 s7, s6  }
0xb: {  	[sflag:s8] =	ssyncpa.u1 $0x0;
	s8 =	simm.s32 $0x0;
	s7 =	sadd.s32 $0x1, s6  }
.LBB1_9:
0xc: {  	s14 =	sadd.s32 $0x100, s10  }
0xd: {  	p1 =	sgt.s32 s14, $0x4E1F  }
0xe: {  	s14 =	smov.u32 @p1 s2;
	p1 =	sne.s32 s11, s7  }
.Ltmp1:
0xf: {  	p0 =	slt.u32 s11, $0x2;
	(pc) =	sbr.rel @!p1 .LBB1_10-.Ltmp1, $4  }
0x10: {  	s13 =	simm.s32 @!p0 $0x2  }
0x11: {  	s15 =	sadd.s32 $0x1, s11;
	_ =	swait.ge @!p0 [sflag:s13], $0x4000  }
0x12: {  	s12 =	smov.u32 s10;
	s9 =	sadd.s32 $0x4000, s9;
	[sflag:s13] =	ssyncset.done @!p0 $0x0  }
0x13: {  	s11 =	smov.u32 s15;
	s10 =	smov.u32 s14;
	[sflag:s13] =	ssyncadd.s32 @!p0 $0xFFFFC000  }
.LBB1_1:
0x14: {  	p0 =	sge.u32 s11, s6  }
0x15: {  	s13 =	sxor.u32 @!p0 $0xFFFFFFFF, s11  }
0x16: {  	s31 =	sadd.s32 $0xFFFFFFFF, s11;
	s14 =	sshll.u32 @!p0 s10, $0x8;
	s13 =	sshll.u32 @!p0 s13, $0xE  }
0x17: {  	s15 =	simm.s32 @!p0 $0x0;
	s14 =	sadd.s32 @!p0 s3, s14;
	s13 =	sand.u32 @!p0 $0x4000, s13  }
0x18: {  	[tilespmem:s13], [sflag:$0x1] =	stream.linear.gather @!p0 [hbm4b:s14+s15], $0x4000, $0x38;
	[tilespmem:$0x10000] =	vst v63  }
0x19: {  	p0 =	sge.u32 s31, s6  }
.Ltmp2:
0x1a: {  	_ = 	snop;
	(pc) =	sbr.rel @p0 .LBB1_9-.Ltmp2, $1  }
0x1b: {  	_ =	sdelay $0x3  }
0x1c: {  	s13 =	sshll.u32 s9, $0x2;
	_ =	swait.ge [sflag:s5], $0x4000;
	s14 =	sshll.u32 s11, $0xE  }
0x1d: {  	s16 =	simm.s32 $0x0;
	s17 =	simm.s32 $0x0;
	s15 =	sand.u32 $0x10000, s13  }
0x1e: {  	[sflag:s5] =	ssyncset.done $0x0;
	s31 =	sand.u32 $0x4000, s14;
	s14 =	sshrl.u32 s15, $0x2  }
0x1f: {  	[sflag:s5] =	ssyncadd.s32 $0xFFFFC000;
	s13 =	sor.u32 $0x8000, s31;
	s15 =	sor.u32 $0x8000, s14  }
.LBB1_3:
0x20: {  	s18 =	sshra.s32 s16, $0x2  }
0x21: {  	v0 =	vmov s18;
	_ =	sdelay $0x3  }
0x22: {  	p1 =	por $0x1, $0x1;
	s18 =	simm.s32 $0x0  }
.LBB1_4:
0x23: {  	_ = 	snop  }
0x24: {  	s19 =	sshll.u32 s18, $0xA  }
0x25: {  	s19 =	sand.u32 $0x3FFFFC00, s19  }
0x26: {  	s19 =	sadd.s32 s19, s14  }
0x27: {  	v5 =	vld.idx.msk [tilespmem:v0+s19+$0x70 ss:$0x1], $0xffff  }
0x28: {  	v6 =	vld.idx.msk [tilespmem:v0+s19+$0x10 ss:$0x1], $0xffff  }
0x29: {  	v7 =	vld.idx.msk [tilespmem:v0+s19+$0x20 ss:$0x1], $0xffff  }
0x2a: {  	s31 =	sshll.u32 s18, $0x7;
	v1 =	vld.idx.msk [tilespmem:v0+s19+$0x30 ss:$0x1], $0xffff  }
0x2b: {  	s18 =	sand.u32 $0x3FFFFF80, s31;
	v2 =	vld.idx.msk [tilespmem:v0+s19+$0x40 ss:$0x1], $0xffff  }
0x2c: {  	s18 =	sadd.s32 s18, s15;
	v3 =	vld.idx.msk [tilespmem:v0+s19+$0x50 ss:$0x1], $0xffff  }
0x2d: {  	v4 =	vld.idx.msk [tilespmem:v0+s19+$0x60 ss:$0x1], $0xffff;
	[tilespmem:v0+s18+$0x70 ss:$0x1] =	vst.idx.msk $0xffff, v5  }
0x2e: {  	v5 =	vld.idx.msk [tilespmem:v0+s19+$0x0 ss:$0x1], $0xffff;
	[tilespmem:v0+s18+$0x10 ss:$0x1] =	vst.idx.msk $0xffff, v6;
	s19 =	sadd.s32 $0x80, s19  }
0x2f: {  	p0 =	por p1, p1;
	s20 =	simm.s32 $0x6;
	[tilespmem:v0+s18+$0x20 ss:$0x1] =	vst.idx.msk $0xffff, v7;
	v6 =	vld.idx.msk [tilespmem:v0+s19+$0x70 ss:$0x1], $0xffff  }
.LBB1_5:
0x30: {  	p1 =	sne.s32 s20, $0x1;
	v7 =	vld.idx.msk [tilespmem:v0+s19+$0x10 ss:$0x1], $0xffff;
	[tilespmem:v0+s18+$0x30 ss:$0x1] =	vst.idx.msk $0xffff, v1  }
0x31: {  	v8 =	vld.idx.msk [tilespmem:v0+s19+$0x20 ss:$0x1], $0xffff;
	[tilespmem:v0+s18+$0x40 ss:$0x1] =	vst.idx.msk $0xffff, v2  }
0x32: {  	v1 =	vld.idx.msk [tilespmem:v0+s19+$0x30 ss:$0x1], $0xffff;
	[tilespmem:v0+s18+$0x50 ss:$0x1] =	vst.idx.msk $0xffff, v3  }
.Ltmp3:
0x33: {  	v2 =	vld.idx.msk [tilespmem:v0+s19+$0x40 ss:$0x1], $0xffff;
	[tilespmem:v0+s18+$0x60 ss:$0x1] =	vst.idx.msk $0xffff, v4;
	(pc) =	sbr.rel @p1 .LBB1_5-.Ltmp3, $4  }
0x34: {  	v3 =	vld.idx.msk [tilespmem:v0+s19+$0x50 ss:$0x1], $0xffff;
	[tilespmem:v0+s18+$0x0 ss:$0x1] =	vst.idx.msk $0xffff, v5;
	s18 =	sadd.s32 $0x100, s18  }
0x35: {  	v4 =	vld.idx.msk [tilespmem:v0+s19+$0x60 ss:$0x1], $0xffff;
	[tilespmem:v0+s18+$0x70 ss:$0x1] =	vst.idx.msk $0xffff, v6  }
0x36: {  	v5 =	vld.idx.msk [tilespmem:v0+s19+$0x0 ss:$0x1], $0xffff;
	[tilespmem:v0+s18+$0x10 ss:$0x1] =	vst.idx.msk $0xffff, v7;
	s19 =	sadd.s32 $0x80, s19  }
0x37: {  	s20 =	sadd.s32 $0xFFFFFFFF, s20;
	v6 =	vld.idx.msk [tilespmem:v0+s19+$0x70 ss:$0x1], $0xffff;
	[tilespmem:v0+s18+$0x20 ss:$0x1] =	vst.idx.msk $0xffff, v8  }
0x38: {  	_ =	sdelay $0x3  }
0x39: {  	[tilespmem:v0+s18+$0x30 ss:$0x1] =	vst.idx.msk $0xffff, v1  }
0x3a: {  	v1 =	vld.idx.msk [tilespmem:v0+s19+$0x10 ss:$0x1], $0xffff;
	[tilespmem:v0+s18+$0x40 ss:$0x1] =	vst.idx.msk $0xffff, v2  }
0x3b: {  	v2 =	vld.idx.msk [tilespmem:v0+s19+$0x20 ss:$0x1], $0xffff;
	[tilespmem:v0+s18+$0x50 ss:$0x1] =	vst.idx.msk $0xffff, v3  }
0x3c: {  	v61 =	vld.idx.msk [tilespmem:v0+s19+$0x40 ss:$0x1], $0xffff;
	[tilespmem:v0+s18+$0x60 ss:$0x1] =	vst.idx.msk $0xffff, v4  }
0x3d: {  	s31 =	sadd.s32 $0x100, s18;
	v62 =	vld.idx.msk [tilespmem:v0+s19+$0x50 ss:$0x1], $0xffff;
	[tilespmem:v0+s18+$0x0 ss:$0x1] =	vst.idx.msk $0xffff, v5  }
0x3e: {  	v63 =	vld.idx.msk [tilespmem:v0+s19+$0x60 ss:$0x1], $0xffff;
	[tilespmem:v0+s31+$0x70 ss:$0x1] =	vst.idx.msk $0xffff, v6  }
0x3f: {  	v3 =	vld.idx.msk [tilespmem:v0+s19+$0x30 ss:$0x1], $0xffff;
	[tilespmem:v0+s31+$0x10 ss:$0x1] =	vst.idx.msk $0xffff, v1  }
0x40: {  	v1 =	vld.idx.msk [tilespmem:v0+s19+$0x0 ss:$0x1], $0xffff;
	[tilespmem:v0+s31+$0x20 ss:$0x1] =	vst.idx.msk $0xffff, v2  }
.Ltmp4:
0x41: {  	[tilespmem:v0+s31+$0x40 ss:$0x1] =	vst.idx.msk $0xffff, v61;
	(pc) =	sbr.rel @p0 .LBB1_4-.Ltmp4, $4  }
0x42: {  	[tilespmem:v0+s31+$0x50 ss:$0x1] =	vst.idx.msk $0xffff, v62  }
0x43: {  	[tilespmem:v0+s31+$0x60 ss:$0x1] =	vst.idx.msk $0xffff, v63  }
0x44: {  	[tilespmem:v0+s31+$0x30 ss:$0x1] =	vst.idx.msk $0xffff, v3  }
0x45: {  	p1 =	por $0x0, $0x0;
	s18 =	simm.s32 $0x1;
	[tilespmem:v0+s31+$0x0 ss:$0x1] =	vst.idx.msk $0xffff, v1  }
0x46: {  	s17 =	sadd.s32 $0x1, s17  }
0x47: {  	p0 =	sne.s32 s17, $0x8  }
.Ltmp5:
0x48: {  	_ = 	snop;
	(pc) =	sbr.rel @p0 .LBB1_3-.Ltmp5, $2  }
0x49: {  	_ =	sdelay $0x2  }
0x4a: {  	s16 =	sadd.s32 $0x2000, s16  }
.Ltmp6:
0x4b: {  	(pc) =	sbr.rel .LBB1_9-.Ltmp6, $4  }
0x4c: {  	_ = 	snop  }
0x4d: {  	s12 =	sshll.u32 s12, $0x8  }
0x4e: {  	s12 =	sadd.s32 s4, s12  }
0x4f: {  	[hbm4b:s12+s8] =	stream.linear.scatter [tilespmem:s13], [sflag:$0x2], $0x4000, $0x38;
	[tilespmem:$0x10000] =	vst v63  }
.LBB1_10:
0x50: {  	_ =	sfence.sel $0x180000  }
0x51: {  	s2 =	simm.s32 $0x1;
	[bflag:$0x0] =	sbarrier.arrive $0xFFFF  }
0x52: {  	s31 =	simm.s32 $0x2;
	[sflag:s2] =	ssyncpa.u1 $0x1  }
0x53: {  	[sflag:s31] =	ssyncpa.u1 $0x1  }
0x54: {  	p0 =	sne.s32 s0, $0x0;
	_ =	strace $0x9000004A  }
0x55: {  	s0 =	sadd.s32 @!p0 $0x100000, s1;
	[bflag:$0x2] =	sbarrier.arrive $0xFFFF  }
0x56: {  	[sflag:s0] =	ssyncadd.tile.s32 @!p0 $0x1;
	_ =	shalt  }
.Lfunc_end1:
_tile_overlayer_lowered:
.L_overlay_start_2:
0x57: {  	(tag) =	ssettag $0x2  }
0x58: {  	s0 =	rddreg [dreg:$0x0];
	s2 =	stileid.u32  }
0x59: {  	s1 =	rddreg [dreg:$0x1];
	p0 =	sne.s32 s2, $0x0  }
0x5a: {  	s3 =	rddreg [dreg:$0x2];
	[bflag:$0x3] =	sbarrier.arrive $0xFFFF;
	s2 =	simm.s32 @!p0 $0x1C01  }
0x5b: {  	[timem:s3], [sflag:s2] =	dma.local @!p0 [hbm:s0], s1  }
0x5c: {  	s0 =	simm.s32 @!p0 $0x1  }
0x5d: {  	_ =	swait.ge @!p0 [sflag:s0], s1  }
0x5e: {  	s1 =	ssub.s32 @!p0 $0x0, s1;
	[sflag:s0] =	ssyncset.done @!p0 $0x0  }
0x5f: {  	[sflag:s0] =	ssyncadd.s32 @!p0 s1  }
0x60: {  	[bflag:$0x3] =	sbarrier.arrive $0xFFFF  }
0x61: {  	_ =	shalt  }

</sc_bundles>
